<compile_context>
chip_gen: v7x
topology: tpu7x:2x2x1
jax: 0.10.2.dev20260603
libtpu: 0.0.44.dev20260713+nightly
codegen_flags: <defaults>
</compile_context>

<pallas_src>
import functools

import jax
import jax.numpy as jnp
from jax import lax
from jax.experimental import pallas as pl
from jax.experimental.pallas import tpu as pltpu
from jax.experimental.pallas import tpu_sc as plsc

N_NODES = 10000
N_EDGES = 320000
NC = 2
NS = 16
NW = NC * NS
CHUNK = 40
E_PER_W = N_EDGES // NW
NCH = E_PER_W // CHUNK
NPAD = 10240
ROWS_PER_TILE = NPAD // NS
ZR = 16

_MESH = plsc.VectorSubcoreMesh(
    core_axis_name="c", subcore_axis_name="s", num_cores=NC, num_subcores=NS
)


def _zero_fill(ref, n_rows, n_cols):
    z = jnp.zeros((16,), jnp.float32)

    def body(r, _):
        for j in range(n_cols // 16):
            ref[r, pl.ds(j * 16, 16)] = z
        return 0

    lax.fori_loop(0, n_rows, body, 0)


def _make_agg(d_feats):
    out_type = jax.ShapeDtypeStruct((NC, NPAD, d_feats), jnp.float32)
    scratch = [
        pltpu.VMEM((E_PER_W,), jnp.int32),
        pltpu.VMEM((E_PER_W,), jnp.int32),
        pltpu.VMEM((CHUNK, d_feats), jnp.float32),
        pltpu.VMEM((CHUNK, d_feats), jnp.float32),
        pltpu.VMEM((CHUNK, d_feats), jnp.float32),
        pltpu.VMEM((CHUNK, d_feats), jnp.float32),
        pltpu.VMEM((CHUNK, d_feats), jnp.float32),
        pltpu.VMEM((ZR, d_feats), jnp.float32),
        pltpu.VMEM_SHARED((NPAD, d_feats), jnp.float32),
        pltpu.SemaphoreType.DMA,
        pltpu.SemaphoreType.DMA,
    ]

    def body(p_hbm, src_hbm, dst_hbm, acc_out, src_v, dst_v, rows_0, rows_1,
             rows_2, rows_3, rows_4, zacc, acc_sh, gsem, ssem):
        c = lax.axis_index("c")
        s = lax.axis_index("s")
        wid = c * NS + s
        row0 = s * ROWS_PER_TILE

        pltpu.sync_copy(src_hbm.at[pl.ds(wid * E_PER_W, E_PER_W)], src_v)
        pltpu.sync_copy(dst_hbm.at[pl.ds(wid * E_PER_W, E_PER_W)], dst_v)

        _zero_fill(zacc, ZR, d_feats)

        def zfire(k, _):
            pltpu.async_copy(zacc, acc_sh.at[pl.ds(row0 + k * ZR, ZR)], gsem)
            return 0

        def zdrain(k, _):
            pltpu.make_async_copy(zacc, acc_sh.at[pl.ds(row0, ZR)],
                                  gsem).wait()
            return 0

        lax.fori_loop(0, ROWS_PER_TILE // ZR, zfire, 0)
        lax.fori_loop(0, ROWS_PER_TILE // ZR, zdrain, 0)

        plsc.subcore_barrier()

        def idx(v, j):
            return v.at[pl.ds(j * CHUNK, CHUNK)]

        bufs = (rows_0, rows_1, rows_2, rows_3, rows_4)

        def do_chunk(j, cur, ahead3):
            @pl.when(j >= 2)
            def _():
                pltpu.make_async_copy(ahead3, acc_sh.at[idx(dst_v, j)],
                                      ssem).wait()

            @pl.when(j + 3 < NCH)
            def _():
                pltpu.async_copy(p_hbm.at[idx(src_v, j + 3)], ahead3, gsem)

            pltpu.make_async_copy(p_hbm.at[idx(src_v, j)], cur, gsem).wait()
            pltpu.async_copy(cur, acc_sh.at[idx(dst_v, j)], ssem, add=True,
                             priority=1)

        pltpu.async_copy(p_hbm.at[idx(src_v, 0)], rows_0, gsem)
        pltpu.async_copy(p_hbm.at[idx(src_v, 1)], rows_1, gsem)
        pltpu.async_copy(p_hbm.at[idx(src_v, 2)], rows_2, gsem)

        def quint_body(t, _):
            do_chunk(5 * t, rows_0, rows_3)
            do_chunk(5 * t + 1, rows_1, rows_4)
            do_chunk(5 * t + 2, rows_2, rows_0)
            do_chunk(5 * t + 3, rows_3, rows_1)
            do_chunk(5 * t + 4, rows_4, rows_2)
            return 0

        lax.fori_loop(0, NCH // 5, quint_body, 0)
        pltpu.make_async_copy(rows_0, acc_sh.at[idx(dst_v, 0)], ssem).wait()
        pltpu.make_async_copy(rows_0, acc_sh.at[idx(dst_v, 0)], ssem).wait()

        plsc.subcore_barrier()

        pltpu.sync_copy(acc_sh.at[pl.ds(row0, ROWS_PER_TILE)],
                        acc_out.at[c, pl.ds(row0, ROWS_PER_TILE)])

    return pl.kernel(body, out_type=out_type, mesh=_MESH,
                     scratch_types=tuple(scratch))


def _deg_kernel():
    out_type = jax.ShapeDtypeStruct((NC, NPAD, 128), jnp.float32)
    scratch = [
        pltpu.VMEM((E_PER_W,), jnp.int32),
        pltpu.VMEM((CHUNK, 128), jnp.float32),
        pltpu.VMEM((ZR, 128), jnp.float32),
        pltpu.VMEM_SHARED((NPAD, 128), jnp.float32),
        pltpu.SemaphoreType.DMA,
    ]

    def body(dst_hbm, deg_out, dst_v, ones_v, zdeg, deg_sh, dsem):
        c = lax.axis_index("c")
        s = lax.axis_index("s")
        wid = c * NS + s
        row0 = s * ROWS_PER_TILE

        pltpu.sync_copy(dst_hbm.at[pl.ds(wid * E_PER_W, E_PER_W)], dst_v)
        _zero_fill(zdeg, ZR, 128)

        one = jnp.ones((16,), jnp.float32)

        def ones_body(r, _):
            for j in range(8):
                ones_v[r, pl.ds(j * 16, 16)] = one
            return 0

        lax.fori_loop(0, CHUNK, ones_body, 0)

        def zfire(k, _):
            pltpu.async_copy(zdeg, deg_sh.at[pl.ds(row0 + k * ZR, ZR)], dsem)
            return 0

        def zdrain(k, _):
            pltpu.make_async_copy(zdeg, deg_sh.at[pl.ds(row0, ZR)],
                                  dsem).wait()
            return 0

        lax.fori_loop(0, ROWS_PER_TILE // ZR, zfire, 0)
        lax.fori_loop(0, ROWS_PER_TILE // ZR, zdrain, 0)

        plsc.subcore_barrier()

        def edge_body(j, _):
            @pl.when(j >= 4)
            def _():
                pltpu.make_async_copy(
                    ones_v, deg_sh.at[dst_v.at[pl.ds(0, CHUNK)]],
                    dsem).wait()

            pltpu.async_copy(ones_v,
                             deg_sh.at[dst_v.at[pl.ds(j * CHUNK, CHUNK)]],
                             dsem, add=True)
            return 0

        lax.fori_loop(0, NCH, edge_body, 0)
        for _ in range(4):
            pltpu.make_async_copy(ones_v,
                                  deg_sh.at[dst_v.at[pl.ds(0, CHUNK)]],
                                  dsem).wait()

        plsc.subcore_barrier()

        pltpu.sync_copy(deg_sh.at[pl.ds(row0, ROWS_PER_TILE)],
                        deg_out.at[c, pl.ds(row0, ROWS_PER_TILE)])

    return pl.kernel(body, out_type=out_type, mesh=_MESH,
                     scratch_types=tuple(scratch))


def _proj_kernel(h_ref, wn_ref, ws_ref, b_ref, p_ref, s_ref):
    hb = h_ref[...]
    p_ref[...] = jnp.dot(hb, wn_ref[...], preferred_element_type=jnp.float32)
    s_ref[...] = (jnp.dot(hb, ws_ref[...], preferred_element_type=jnp.float32)
                  + b_ref[...])


def _proj(h, wn_t, ws_t, b2d, d_out, block_rows=400):
    grid = (N_NODES // block_rows,)
    d_in = h.shape[1]
    return pl.pallas_call(
        _proj_kernel,
        grid=grid,
        in_specs=[
            pl.BlockSpec((block_rows, d_in), lambda i: (i, 0)),
            pl.BlockSpec((d_in, d_out), lambda i: (0, 0)),
            pl.BlockSpec((d_in, d_out), lambda i: (0, 0)),
            pl.BlockSpec((1, d_out), lambda i: (0, 0)),
        ],
        out_specs=[
            pl.BlockSpec((block_rows, d_out), lambda i: (i, 0)),
            pl.BlockSpec((block_rows, d_out), lambda i: (i, 0)),
        ],
        out_shape=[
            jax.ShapeDtypeStruct((N_NODES, d_out), jnp.float32),
            jax.ShapeDtypeStruct((N_NODES, d_out), jnp.float32),
        ],
    )(h, wn_t, ws_t, b2d)


def _fused_kernel(s_ref, a0_ref, a1_ref, d0_ref, d1_ref, wn_ref, ws_ref,
                  b_ref, p_ref, s2_ref):
    deg = d0_ref[:, 0:1] + d1_ref[:, 0:1]
    inv = 1.0 / jnp.maximum(deg, 1.0)
    h = jnp.maximum(s_ref[...] + (a0_ref[...] + a1_ref[...]) * inv, 0.0)
    p_ref[...] = jnp.dot(h, wn_ref[...], preferred_element_type=jnp.float32)
    s2_ref[...] = (jnp.dot(h, ws_ref[...], preferred_element_type=jnp.float32)
                   + b_ref[...])


def _fused(s, acc, deg, wn_t, ws_t, b2d, d_out, block_rows=400):
    grid = (N_NODES // block_rows,)
    d_in = s.shape[1]
    return pl.pallas_call(
        _fused_kernel,
        grid=grid,
        in_specs=[
            pl.BlockSpec((block_rows, d_in), lambda i: (i, 0)),
            pl.BlockSpec((block_rows, d_in), lambda i: (i, 0)),
            pl.BlockSpec((block_rows, d_in), lambda i: (i, 0)),
            pl.BlockSpec((block_rows, 16), lambda i: (i, 0)),
            pl.BlockSpec((block_rows, 16), lambda i: (i, 0)),
            pl.BlockSpec((d_in, d_out), lambda i: (0, 0)),
            pl.BlockSpec((d_in, d_out), lambda i: (0, 0)),
            pl.BlockSpec((1, d_out), lambda i: (0, 0)),
        ],
        out_specs=[
            pl.BlockSpec((block_rows, d_out), lambda i: (i, 0)),
            pl.BlockSpec((block_rows, d_out), lambda i: (i, 0)),
        ],
        out_shape=[
            jax.ShapeDtypeStruct((N_NODES, d_out), jnp.float32),
            jax.ShapeDtypeStruct((N_NODES, d_out), jnp.float32),
        ],
    )(s, acc[0], acc[1], deg[0], deg[1], wn_t, ws_t, b2d)


def _combine_kernel(relu, s_ref, a0_ref, a1_ref, d0_ref, d1_ref, o_ref):
    deg = d0_ref[:, 0:1] + d1_ref[:, 0:1]
    inv = 1.0 / jnp.maximum(deg, 1.0)
    r = s_ref[...] + (a0_ref[...] + a1_ref[...]) * inv
    o_ref[...] = jnp.maximum(r, 0.0) if relu else r


def _combine(s, acc, deg, relu, block_rows=400):
    d_out = s.shape[1]
    grid = (N_NODES // block_rows,)
    return pl.pallas_call(
        functools.partial(_combine_kernel, relu),
        grid=grid,
        in_specs=[
            pl.BlockSpec((block_rows, d_out), lambda i: (i, 0)),
            pl.BlockSpec((block_rows, d_out), lambda i: (i, 0)),
            pl.BlockSpec((block_rows, d_out), lambda i: (i, 0)),
            pl.BlockSpec((block_rows, 16), lambda i: (i, 0)),
            pl.BlockSpec((block_rows, 16), lambda i: (i, 0)),
        ],
        out_specs=pl.BlockSpec((block_rows, d_out), lambda i: (i, 0)),
        out_shape=jax.ShapeDtypeStruct((N_NODES, d_out), jnp.float32),
    )(s, acc[0], acc[1], deg[0], deg[1])


def kernel(x, edge_index, W_self1, W_neigh1, b1, W_self2, W_neigh2, b2,
           W_self3, W_neigh3, b3, W_self4, W_neigh4, b4):
    src = edge_index[0].astype(jnp.int32)
    dst = edge_index[1].astype(jnp.int32)

    agg128 = _make_agg(128)
    deg = _deg_kernel()(dst)[:, :N_NODES, :16]

    wn4 = jnp.pad(W_neigh4, ((0, 88), (0, 0)))
    ws4 = jnp.pad(W_self4, ((0, 88), (0, 0)))
    b4p = jnp.pad(b4, (0, 88))

    p, s = _proj(x, W_neigh1.T, W_self1.T, b1.reshape(1, -1), 128)
    acc = agg128(p, src, dst)[:, :N_NODES]
    for wn, ws, b in ((W_neigh2, W_self2, b2), (W_neigh3, W_self3, b3),
                      (wn4, ws4, b4p)):
        p, s = _fused(s, acc, deg, wn.T, ws.T, b.reshape(1, -1), 128)
        acc = agg128(p, src, dst)[:, :N_NODES]
    out = _combine(s, acc, deg, relu=False)
    return out[:, :40]

# --- scband reference (transcript-rebuilt; emitter-appended) ---
"""Pipeline reference for scband-graph-sage-46042049413864 (READ-ONLY COPY).

The authoritative reference and input builder live on the scoring server;
editing this copy changes nothing except your own understanding.
"""

import jax, jax.numpy as jnp
import numpy as np

N_NODES = 10000
N_EDGES = 320000
IN_FEATS = 128
H_FEATS = 128
NUM_CLASSES = 40


def _init_linear(key, out_f, in_f):
    k1, k2 = jax.random.split(key)
    bound = 1.0 / np.sqrt(in_f)
    W = jax.random.uniform(k1, (out_f, in_f), minval=-bound, maxval=bound, dtype=jnp.float32)
    b = jax.random.uniform(k2, (out_f,), minval=-bound, maxval=bound, dtype=jnp.float32)
    return W, b


def setup_inputs(seed: int = 0) -> dict:
    key = jax.random.key(seed)
    ks = jax.random.split(key, 10)
    x = jax.random.normal(ks[0], (N_NODES, IN_FEATS), dtype=jnp.float32)
    edge_index = jax.random.randint(ks[1], (2, N_EDGES), 0, N_NODES, dtype=jnp.int64)
    dims = [(H_FEATS, IN_FEATS), (H_FEATS, H_FEATS), (H_FEATS, H_FEATS), (NUM_CLASSES, H_FEATS)]
    params = {}
    for i, (of, inf) in enumerate(dims):
        Wn, _ = _init_linear(ks[2 + 2 * i], of, inf)
        Ws, b = _init_linear(ks[3 + 2 * i], of, inf)
        params[f"W_self{i+1}"] = Ws
        params[f"W_neigh{i+1}"] = Wn
        params[f"b{i+1}"] = b
    return {"x": x, "edge_index": edge_index, **params}


def _sage_conv(x, src, dst, W_self, W_neigh, b):
    # DGL SAGEConv aggregator_type='mean':
    # h_neigh = mean over in-neighbors of source features; out = fc_self(x) + fc_neigh(h_neigh)
    msg = jnp.take(x, src, axis=0)
    summed = jax.ops.segment_sum(msg, dst, num_segments=N_NODES)
    deg = jax.ops.segment_sum(jnp.ones((src.shape[0],), dtype=x.dtype), dst, num_segments=N_NODES)
    mean_neigh = summed / jnp.maximum(deg, 1.0)[:, None]
    return x @ W_self.T + mean_neigh @ W_neigh.T + b


def reference(x, edge_index, W_self1, W_neigh1, b1, W_self2, W_neigh2, b2, W_self3, W_neigh3, b3, W_self4, W_neigh4, b4):
    src = edge_index[0]
    dst = edge_index[1]
    # eval mode: dropout is identity
    h = jax.nn.relu(_sage_conv(x, src, dst, W_self1, W_neigh1, b1))
    h = jax.nn.relu(_sage_conv(h, src, dst, W_self2, W_neigh2, b2))
    h = jax.nn.relu(_sage_conv(h, src, dst, W_self3, W_neigh3, b3))
    return _sage_conv(h, src, dst, W_self4, W_neigh4, b4)

if __name__ == "__main__":
    import jax
    _d = setup_inputs()
    print(jax.jit(kernel)(*tuple(_d.values())))

</pallas_src>

<mosaic_0001>
#map = affine_map<(d0, d1) -> (0, 0)>
#map1 = affine_map<(d0, d1) -> (0)>
#map2 = affine_map<(d0, d1) -> (0, 0, 0)>
module attributes {stable_mosaic.version = 14 : i64} {
  func.func @body(%arg0: i32, %arg1: i32, %arg2: memref<10000x128xf32, #tpu.memory_space<hbm>>, %arg3: memref<320000xi32, #tpu.memory_space<hbm>>, %arg4: memref<320000xi32, #tpu.memory_space<hbm>>, %arg5: memref<2x10240x128xf32, #tpu.memory_space<hbm>>, %arg6: memref<10000xi32, #tpu.memory_space<vmem>>, %arg7: memref<10000xi32, #tpu.memory_space<vmem>>, %arg8: memref<40x128xf32, #tpu.memory_space<vmem>>, %arg9: memref<40x128xf32, #tpu.memory_space<vmem>>, %arg10: memref<40x128xf32, #tpu.memory_space<vmem>>, %arg11: memref<40x128xf32, #tpu.memory_space<vmem>>, %arg12: memref<40x128xf32, #tpu.memory_space<vmem>>, %arg13: memref<16x128xf32, #tpu.memory_space<vmem>>, %arg14: memref<10240x128xf32, #tpu.memory_space<vmem_shared>>, %arg15: memref<!tpu.dma_semaphore, #tpu.memory_space<semaphore_mem>>, %arg16: memref<!tpu.dma_semaphore, #tpu.memory_space<semaphore_mem>>) attributes {dimension_semantics = [#tpu.dimension_semantics<core_parallel>, #tpu.dimension_semantics<subcore_parallel>], iteration_bounds = array<i64: 2, 16>, scalar_prefetch = 0 : i64, scratch_operands = 11 : i64, tpu.core_type = #tpu.core_type<sc_vector_subcore>, window_params = [{transform_indices = #map}, {transform_indices = #map1}, {transform_indices = #map1}, {transform_indices = #map2}]} {
    %mul3A = arith.constant 16 : i32
    %mul3A_0 = arith.muli %arg0, %mul3A : i32
    %add3A = arith.addi %mul3A_0, %arg1 : i32
    %mul3A_1 = arith.constant 640 : i32
    %mul3A_2 = arith.muli %arg1, %mul3A_1 : i32
    %mul3A_3 = arith.constant 10000 : i32
    %mul3A_4 = arith.muli %add3A, %mul3A_3 : i32
    "tpu.region"() ({
      %run_scoped3A = tpu.sem_alloc : memref<!tpu.dma_semaphore, #tpu.memory_space<semaphore_mem>>
      %dma_start3A_59 = tpu.memref_slice %arg3[%mul3A_4] : memref<320000xi32, #tpu.memory_space<hbm>> -> memref<10000xi32, #tpu.memory_space<hbm>>
      %dma_start3A_60 = tpu.memref_slice %arg3[%mul3A_4] : memref<320000xi32, #tpu.memory_space<hbm>> -> memref<10000xi32, #tpu.memory_space<hbm>>
      tpu.enqueue_dma source(%dma_start3A_60 : memref<10000xi32, #tpu.memory_space<hbm>>) target(%arg6 : memref<10000xi32, #tpu.memory_space<vmem>>) target_semaphore(%run_scoped3A : memref<!tpu.dma_semaphore, #tpu.memory_space<semaphore_mem>>)
      %dma_wait3A_61 = tpu.memref_slice %arg3[%mul3A_4] : memref<320000xi32, #tpu.memory_space<hbm>> -> memref<10000xi32, #tpu.memory_space<hbm>>
      %dma_wait3A_62 = tpu.memref_slice %arg3[%mul3A_4] : memref<320000xi32, #tpu.memory_space<hbm>> -> memref<10000xi32, #tpu.memory_space<hbm>>
      tpu.wait_dma2 semaphore(%run_scoped3A : memref<!tpu.dma_semaphore, #tpu.memory_space<semaphore_mem>>) src(%dma_wait3A_62 : memref<10000xi32, #tpu.memory_space<hbm>>) dst(%arg6 : memref<10000xi32, #tpu.memory_space<vmem>>)
      tpu.yield
    }) : () -> ()
    %mul3A_5 = arith.constant 10000 : i32
    %mul3A_6 = arith.muli %add3A, %mul3A_5 : i32
    "tpu.region"() ({
      %run_scoped3A = tpu.sem_alloc : memref<!tpu.dma_semaphore, #tpu.memory_space<semaphore_mem>>
      %dma_start3A_59 = tpu.memref_slice %arg4[%mul3A_6] : memref<320000xi32, #tpu.memory_space<hbm>> -> memref<10000xi32, #tpu.memory_space<hbm>>
      %dma_start3A_60 = tpu.memref_slice %arg4[%mul3A_6] : memref<320000xi32, #tpu.memory_space<hbm>> -> memref<10000xi32, #tpu.memory_space<hbm>>
      tpu.enqueue_dma source(%dma_start3A_60 : memref<10000xi32, #tpu.memory_space<hbm>>) target(%arg7 : memref<10000xi32, #tpu.memory_space<vmem>>) target_semaphore(%run_scoped3A : memref<!tpu.dma_semaphore, #tpu.memory_space<semaphore_mem>>)
      %dma_wait3A_61 = tpu.memref_slice %arg4[%mul3A_6] : memref<320000xi32, #tpu.memory_space<hbm>> -> memref<10000xi32, #tpu.memory_space<hbm>>
      %dma_wait3A_62 = tpu.memref_slice %arg4[%mul3A_6] : memref<320000xi32, #tpu.memory_space<hbm>> -> memref<10000xi32, #tpu.memory_space<hbm>>
      tpu.wait_dma2 semaphore(%run_scoped3A : memref<!tpu.dma_semaphore, #tpu.memory_space<semaphore_mem>>) src(%dma_wait3A_62 : memref<10000xi32, #tpu.memory_space<hbm>>) dst(%arg7 : memref<10000xi32, #tpu.memory_space<vmem>>)
      tpu.yield
    }) : () -> ()
    %broadcast_in_dim3A = arith.constant 0.000000e+00 : f32
    %broadcast_in_dim3A_7 = vector.broadcast %broadcast_in_dim3A : f32 to vector<16xf32>
    %scan3A = arith.constant 0 : i32
    %scan3A_8 = arith.constant 0 : i32
    %scan3A_9 = arith.constant 16 : i32
    %scan3A_10 = arith.addi %scan3A_8, %scan3A_9 : i32
    %scan3A_11 = arith.constant 1 : i32
    %scan3A_12 = scf.for %scan3A_59 = %scan3A_8 to %scan3A_10 step %scan3A_11 iter_args(%scan3A_60 = %scan3A) -> (i32)  : i32 {
      %swap3A = arith.index_cast %scan3A_59 : i32 to index
      %swap3A_61 = arith.constant 0 : index
      %swap3A_62 = tpu.vector_load %arg13[%swap3A, %swap3A_61] {strides = array<i32>} : memref<16x128xf32, #tpu.memory_space<vmem>>, vector<1x16xf32>,
      %swap3A_63 = vector.shape_cast %swap3A_62 : vector<1x16xf32> to vector<16xf32>
      %swap3A_64 = vector.shape_cast %broadcast_in_dim3A_7 : vector<16xf32> to vector<1x16xf32>
      tpu.vector_store %arg13[%swap3A, %swap3A_61], %swap3A_64 {strides = array<i32>} : memref<16x128xf32, #tpu.memory_space<vmem>>, vector<1x16xf32>,
      %swap3A_65 = arith.index_cast %scan3A_59 : i32 to index
      %swap3A_66 = arith.constant 16 : index
      %swap3A_67 = tpu.vector_load %arg13[%swap3A_65, %swap3A_66] {strides = array<i32>} : memref<16x128xf32, #tpu.memory_space<vmem>>, vector<1x16xf32>,
      %swap3A_68 = vector.shape_cast %swap3A_67 : vector<1x16xf32> to vector<16xf32>
      %swap3A_69 = vector.shape_cast %broadcast_in_dim3A_7 : vector<16xf32> to vector<1x16xf32>
      tpu.vector_store %arg13[%swap3A_65, %swap3A_66], %swap3A_69 {strides = array<i32>} : memref<16x128xf32, #tpu.memory_space<vmem>>, vector<1x16xf32>,
      %swap3A_70 = arith.index_cast %scan3A_59 : i32 to index
      %swap3A_71 = arith.constant 32 : index
      %swap3A_72 = tpu.vector_load %arg13[%swap3A_70, %swap3A_71] {strides = array<i32>} : memref<16x128xf32, #tpu.memory_space<vmem>>, vector<1x16xf32>,
      %swap3A_73 = vector.shape_cast %swap3A_72 : vector<1x16xf32> to vector<16xf32>
      %swap3A_74 = vector.shape_cast %broadcast_in_dim3A_7 : vector<16xf32> to vector<1x16xf32>
      tpu.vector_store %arg13[%swap3A_70, %swap3A_71], %swap3A_74 {strides = array<i32>} : memref<16x128xf32, #tpu.memory_space<vmem>>, vector<1x16xf32>,
      %swap3A_75 = arith.index_cast %scan3A_59 : i32 to index
      %swap3A_76 = arith.constant 48 : index
      %swap3A_77 = tpu.vector_load %arg13[%swap3A_75, %swap3A_76] {strides = array<i32>} : memref<16x128xf32, #tpu.memory_space<vmem>>, vector<1x16xf32>,
      %swap3A_78 = vector.shape_cast %swap3A_77 : vector<1x16xf32> to vector<16xf32>
      %swap3A_79 = vector.shape_cast %broadcast_in_dim3A_7 : vector<16xf32> to vector<1x16xf32>
      tpu.vector_store %arg13[%swap3A_75, %swap3A_76], %swap3A_79 {strides = array<i32>} : memref<16x128xf32, #tpu.memory_space<vmem>>, vector<1x16xf32>,
      %swap3A_80 = arith.index_cast %scan3A_59 : i32 to index
      %swap3A_81 = arith.constant 64 : index
      %swap3A_82 = tpu.vector_load %arg13[%swap3A_80, %swap3A_81] {strides = array<i32>} : memref<16x128xf32, #tpu.memory_space<vmem>>, vector<1x16xf32>,
      %swap3A_83 = vector.shape_cast %swap3A_82 : vector<1x16xf32> to vector<16xf32>
      %swap3A_84 = vector.shape_cast %broadcast_in_dim3A_7 : vector<16xf32> to vector<1x16xf32>
      tpu.vector_store %arg13[%swap3A_80, %swap3A_81], %swap3A_84 {strides = array<i32>} : memref<16x128xf32, #tpu.memory_space<vmem>>, vector<1x16xf32>,
      %swap3A_85 = arith.index_cast %scan3A_59 : i32 to index
      %swap3A_86 = arith.constant 80 : index
      %swap3A_87 = tpu.vector_load %arg13[%swap3A_85, %swap3A_86] {strides = array<i32>} : memref<16x128xf32, #tpu.memory_space<vmem>>, vector<1x16xf32>,
      %swap3A_88 = vector.shape_cast %swap3A_87 : vector<1x16xf32> to vector<16xf32>
      %swap3A_89 = vector.shape_cast %broadcast_in_dim3A_7 : vector<16xf32> to vector<1x16xf32>
      tpu.vector_store %arg13[%swap3A_85, %swap3A_86], %swap3A_89 {strides = array<i32>} : memref<16x128xf32, #tpu.memory_space<vmem>>, vector<1x16xf32>,
      %swap3A_90 = arith.index_cast %scan3A_59 : i32 to index
      %swap3A_91 = arith.constant 96 : index
      %swap3A_92 = tpu.vector_load %arg13[%swap3A_90, %swap3A_91] {strides = array<i32>} : memref<16x128xf32, #tpu.memory_space<vmem>>, vector<1x16xf32>,
      %swap3A_93 = vector.shape_cast %swap3A_92 : vector<1x16xf32> to vector<16xf32>
      %swap3A_94 = vector.shape_cast %broadcast_in_dim3A_7 : vector<16xf32> to vector<1x16xf32>
      tpu.vector_store %arg13[%swap3A_90, %swap3A_91], %swap3A_94 {strides = array<i32>} : memref<16x128xf32, #tpu.memory_space<vmem>>, vector<1x16xf32>,
      %swap3A_95 = arith.index_cast %scan3A_59 : i32 to index
      %swap3A_96 = arith.constant 112 : index
      %swap3A_97 = tpu.vector_load %arg13[%swap3A_95, %swap3A_96] {strides = array<i32>} : memref<16x128xf32, #tpu.memory_space<vmem>>, vector<1x16xf32>,
      %swap3A_98 = vector.shape_cast %swap3A_97 : vector<1x16xf32> to vector<16xf32>
      %swap3A_99 = vector.shape_cast %broadcast_in_dim3A_7 : vector<16xf32> to vector<1x16xf32>
      tpu.vector_store %arg13[%swap3A_95, %swap3A_96], %swap3A_99 {strides = array<i32>} : memref<16x128xf32, #tpu.memory_space<vmem>>, vector<1x16xf32>,
      %scan3A_100 = arith.constant 0 : i32
      scf.yield %scan3A_100 : i32
    }
    %scan3A_13 = arith.constant 16 : i32
    %scan3A_14 = arith.constant 0 : i32
    %scan3A_15 = arith.constant 0 : i32
    %scan3A_16 = arith.constant 40 : i32
    %scan3A_17 = arith.addi %scan3A_15, %scan3A_16 : i32
    %scan3A_18 = arith.constant 1 : i32
    %scan3A_19 = scf.for %scan3A_59 = %scan3A_15 to %scan3A_17 step %scan3A_18 iter_args(%scan3A_60 = %scan3A_14) -> (i32)  : i32 {
      %mul3A_61 = arith.constant 16 : i32
      %mul3A_62 = arith.muli %scan3A_59, %mul3A_61 : i32
      %add3A_63 = arith.addi %mul3A_2, %mul3A_62 : i32
      %dma_start3A_64 = arith.constant 0 : i32
      %dma_start3A_65 = tpu.memref_slice %arg14[%add3A_63, %dma_start3A_64] : memref<10240x128xf32, #tpu.memory_space<vmem_shared>> -> memref<16x128xf32, #tpu.memory_space<vmem_shared>>
      %dma_start3A_66 = arith.constant 0 : i32
      %dma_start3A_67 = tpu.memref_slice %arg14[%add3A_63, %dma_start3A_66] : memref<10240x128xf32, #tpu.memory_space<vmem_shared>> -> memref<16x128xf32, #tpu.memory_space<vmem_shared>>
      tpu.enqueue_dma source(%arg13 : memref<16x128xf32, #tpu.memory_space<vmem>>) target(%dma_start3A_67 : memref<16x128xf32, #tpu.memory_space<vmem_shared>>) target_semaphore(%arg15 : memref<!tpu.dma_semaphore, #tpu.memory_space<semaphore_mem>>)
      %scan3A_68 = arith.constant 0 : i32
      scf.yield %scan3A_68 : i32
    }
    %scan3A_20 = arith.constant 40 : i32
    %scan3A_21 = arith.constant 0 : i32
    %scan3A_22 = arith.constant 0 : i32
    %scan3A_23 = arith.constant 40 : i32
    %scan3A_24 = arith.addi %scan3A_22, %scan3A_23 : i32
    %scan3A_25 = arith.constant 1 : i32
    %scan3A_26 = scf.for %scan3A_59 = %scan3A_22 to %scan3A_24 step %scan3A_25 iter_args(%scan3A_60 = %scan3A_21) -> (i32)  : i32 {
      %dma_wait3A_61 = arith.constant 0 : i32
      %dma_wait3A_62 = tpu.memref_slice %arg14[%mul3A_2, %dma_wait3A_61] : memref<10240x128xf32, #tpu.memory_space<vmem_shared>> -> memref<16x128xf32, #tpu.memory_space<vmem_shared>>
      %dma_wait3A_63 = arith.constant 0 : i32
      %dma_wait3A_64 = tpu.memref_slice %arg14[%mul3A_2, %dma_wait3A_63] : memref<10240x128xf32, #tpu.memory_space<vmem_shared>> -> memref<16x128xf32, #tpu.memory_space<vmem_shared>>
      tpu.wait_dma2 semaphore(%arg15 : memref<!tpu.dma_semaphore, #tpu.memory_space<semaphore_mem>>) src(%arg13 : memref<16x128xf32, #tpu.memory_space<vmem>>) dst(%dma_wait3A_64 : memref<16x128xf32, #tpu.memory_space<vmem_shared>>)
      %scan3A_65 = arith.constant 0 : i32
      scf.yield %scan3A_65 : i32
    }
    %scan3A_27 = arith.constant 40 : i32
    %barrier3A = arith.constant 0 : index
    tpu.barrier barrier_id(%barrier3A)
    %dma_start3A = arith.constant 0 : i32
    %dma_start3A_28 = tpu.memref_slice %arg6[%dma_start3A] : memref<10000xi32, #tpu.memory_space<vmem>> -> memref<40xi32, #tpu.memory_space<vmem>>
    %dma_start3A_29 = arith.constant 0 : i32
    %dma_start3A_30 = arith.constant 0 : i32
    %dma_start3A_31 = tpu.memref_slice %arg2[%dma_start3A_29, %dma_start3A_30] : memref<10000x128xf32, #tpu.memory_space<hbm>> -> memref<10000x128xf32, #tpu.memory_space<hbm>>
    tpu.enqueue_indirect_dma source(%dma_start3A_31 : memref<10000x128xf32, #tpu.memory_space<hbm>>) target(%arg8 : memref<40x128xf32, #tpu.memory_space<vmem>>) offsets(%dma_start3A_28 : memref<40xi32, #tpu.memory_space<vmem>>) semaphore(%arg15 : memref<!tpu.dma_semaphore, #tpu.memory_space<semaphore_mem>>)
    %dma_start3A_32 = arith.constant 40 : i32
    %dma_start3A_33 = tpu.memref_slice %arg6[%dma_start3A_32] : memref<10000xi32, #tpu.memory_space<vmem>> -> memref<40xi32, #tpu.memory_space<vmem>>
    %dma_start3A_34 = arith.constant 0 : i32
    %dma_start3A_35 = arith.constant 0 : i32
    %dma_start3A_36 = tpu.memref_slice %arg2[%dma_start3A_34, %dma_start3A_35] : memref<10000x128xf32, #tpu.memory_space<hbm>> -> memref<10000x128xf32, #tpu.memory_space<hbm>>
    tpu.enqueue_indirect_dma source(%dma_start3A_36 : memref<10000x128xf32, #tpu.memory_space<hbm>>) target(%arg9 : memref<40x128xf32, #tpu.memory_space<vmem>>) offsets(%dma_start3A_33 : memref<40xi32, #tpu.memory_space<vmem>>) semaphore(%arg15 : memref<!tpu.dma_semaphore, #tpu.memory_space<semaphore_mem>>)
    %dma_start3A_37 = arith.constant 80 : i32
    %dma_start3A_38 = tpu.memref_slice %arg6[%dma_start3A_37] : memref<10000xi32, #tpu.memory_space<vmem>> -> memref<40xi32, #tpu.memory_space<vmem>>
    %dma_start3A_39 = arith.constant 0 : i32
    %dma_start3A_40 = arith.constant 0 : i32
    %dma_start3A_41 = tpu.memref_slice %arg2[%dma_start3A_39, %dma_start3A_40] : memref<10000x128xf32, #tpu.memory_space<hbm>> -> memref<10000x128xf32, #tpu.memory_space<hbm>>
    tpu.enqueue_indirect_dma source(%dma_start3A_41 : memref<10000x128xf32, #tpu.memory_space<hbm>>) target(%arg10 : memref<40x128xf32, #tpu.memory_space<vmem>>) offsets(%dma_start3A_38 : memref<40xi32, #tpu.memory_space<vmem>>) semaphore(%arg15 : memref<!tpu.dma_semaphore, #tpu.memory_space<semaphore_mem>>)
    %scan3A_42 = arith.constant 0 : i32
    %scan3A_43 = arith.constant 0 : i32
    %scan3A_44 = arith.constant 50 : i32
    %scan3A_45 = arith.addi %scan3A_43, %scan3A_44 : i32
    %scan3A_46 = arith.constant 1 : i32
    %scan3A_47 = scf.for %scan3A_59 = %scan3A_43 to %scan3A_45 step %scan3A_46 iter_args(%scan3A_60 = %scan3A_42) -> (i32)  : i32 {
      %mul3A_61 = arith.constant 5 : i32
      %mul3A_62 = arith.muli %mul3A_61, %scan3A_59 : i32
      %ge3A = arith.constant 2 : i32
      %ge3A_63 = arith.cmpi sge, %mul3A_62, %ge3A : i32
      %convert_element_type3A = arith.extui %ge3A_63 : i1 to i32
      %cond3A = arith.constant 0 : i32
      %cond3A_64 = arith.cmpi ne, %convert_element_type3A, %cond3A : i32
      scf.if %cond3A_64 {
        %mul3A_196 = arith.constant 40 : i32
        %mul3A_197 = arith.muli %mul3A_62, %mul3A_196 : i32
        %dma_wait3A_198 = tpu.memref_slice %arg7[%mul3A_197] : memref<10000xi32, #tpu.memory_space<vmem>> -> memref<40xi32, #tpu.memory_space<vmem>>
        %dma_wait3A_199 = arith.constant 0 : i32
        %dma_wait3A_200 = arith.constant 0 : i32
        %dma_wait3A_201 = tpu.memref_slice %arg14[%dma_wait3A_199, %dma_wait3A_200] : memref<10240x128xf32, #tpu.memory_space<vmem_shared>> -> memref<10240x128xf32, #tpu.memory_space<vmem_shared>>
        tpu.wait_indirect_dma semaphore(%arg16 : memref<!tpu.dma_semaphore, #tpu.memory_space<semaphore_mem>>) src(%arg11 : memref<40x128xf32, #tpu.memory_space<vmem>>) dst(%dma_wait3A_201 : memref<10240x128xf32, #tpu.memory_space<vmem_shared>>)
      } else {
      }
      %add3A_65 = arith.constant 3 : i32
      %add3A_66 = arith.addi %mul3A_62, %add3A_65 : i32
      %lt3A = arith.constant 250 : i32
      %lt3A_67 = arith.cmpi slt, %add3A_66, %lt3A : i32
      %convert_element_type3A_68 = arith.extui %lt3A_67 : i1 to i32
      %cond3A_69 = arith.constant 0 : i32
      %cond3A_70 = arith.cmpi ne, %convert_element_type3A_68, %cond3A_69 : i32
      scf.if %cond3A_70 {
        %add3A_196 = arith.constant 3 : i32
        %add3A_197 = arith.addi %mul3A_62, %add3A_196 : i32
        %mul3A_198 = arith.constant 40 : i32
        %mul3A_199 = arith.muli %add3A_197, %mul3A_198 : i32
        %dma_start3A_200 = tpu.memref_slice %arg6[%mul3A_199] : memref<10000xi32, #tpu.memory_space<vmem>> -> memref<40xi32, #tpu.memory_space<vmem>>
        %dma_start3A_201 = arith.constant 0 : i32
        %dma_start3A_202 = arith.constant 0 : i32
        %dma_start3A_203 = tpu.memref_slice %arg2[%dma_start3A_201, %dma_start3A_202] : memref<10000x128xf32, #tpu.memory_space<hbm>> -> memref<10000x128xf32, #tpu.memory_space<hbm>>
        tpu.enqueue_indirect_dma source(%dma_start3A_203 : memref<10000x128xf32, #tpu.memory_space<hbm>>) target(%arg11 : memref<40x128xf32, #tpu.memory_space<vmem>>) offsets(%dma_start3A_200 : memref<40xi32, #tpu.memory_space<vmem>>) semaphore(%arg15 : memref<!tpu.dma_semaphore, #tpu.memory_space<semaphore_mem>>)
      } else {
      }
      %mul3A_71 = arith.constant 40 : i32
      %mul3A_72 = arith.muli %mul3A_62, %mul3A_71 : i32
      %dma_wait3A_73 = tpu.memref_slice %arg6[%mul3A_72] : memref<10000xi32, #tpu.memory_space<vmem>> -> memref<40xi32, #tpu.memory_space<vmem>>
      %dma_wait3A_74 = arith.constant 0 : i32
      %dma_wait3A_75 = arith.constant 0 : i32
      %dma_wait3A_76 = tpu.memref_slice %arg2[%dma_wait3A_74, %dma_wait3A_75] : memref<10000x128xf32, #tpu.memory_space<hbm>> -> memref<10000x128xf32, #tpu.memory_space<hbm>>
      tpu.wait_indirect_dma semaphore(%arg15 : memref<!tpu.dma_semaphore, #tpu.memory_space<semaphore_mem>>) src(%dma_wait3A_76 : memref<10000x128xf32, #tpu.memory_space<hbm>>) dst(%arg8 : memref<40x128xf32, #tpu.memory_space<vmem>>)
      %mul3A_77 = arith.constant 40 : i32
      %mul3A_78 = arith.muli %mul3A_62, %mul3A_77 : i32
      %dma_start3A_79 = tpu.memref_slice %arg7[%mul3A_78] : memref<10000xi32, #tpu.memory_space<vmem>> -> memref<40xi32, #tpu.memory_space<vmem>>
      %dma_start3A_80 = arith.constant 0 : i32
      %dma_start3A_81 = arith.constant 0 : i32
      %dma_start3A_82 = tpu.memref_slice %arg14[%dma_start3A_80, %dma_start3A_81] : memref<10240x128xf32, #tpu.memory_space<vmem_shared>> -> memref<10240x128xf32, #tpu.memory_space<vmem_shared>>
      tpu.enqueue_indirect_dma source(%arg8 : memref<40x128xf32, #tpu.memory_space<vmem>>) target(%dma_start3A_82 : memref<10240x128xf32, #tpu.memory_space<vmem_shared>>) offsets(%dma_start3A_79 : memref<40xi32, #tpu.memory_space<vmem>>) semaphore(%arg16 : memref<!tpu.dma_semaphore, #tpu.memory_space<semaphore_mem>>) {add = true}
      %mul3A_83 = arith.constant 5 : i32
      %mul3A_84 = arith.muli %mul3A_83, %scan3A_59 : i32
      %add3A_85 = arith.constant 1 : i32
      %add3A_86 = arith.addi %mul3A_84, %add3A_85 : i32
      %ge3A_87 = arith.constant 2 : i32
      %ge3A_88 = arith.cmpi sge, %add3A_86, %ge3A_87 : i32
      %convert_element_type3A_89 = arith.extui %ge3A_88 : i1 to i32
      %cond3A_90 = arith.constant 0 : i32
      %cond3A_91 = arith.cmpi ne, %convert_element_type3A_89, %cond3A_90 : i32
      scf.if %cond3A_91 {
        %mul3A_196 = arith.constant 40 : i32
        %mul3A_197 = arith.muli %add3A_86, %mul3A_196 : i32
        %dma_wait3A_198 = tpu.memref_slice %arg7[%mul3A_197] : memref<10000xi32, #tpu.memory_space<vmem>> -> memref<40xi32, #tpu.memory_space<vmem>>
        %dma_wait3A_199 = arith.constant 0 : i32
        %dma_wait3A_200 = arith.constant 0 : i32
        %dma_wait3A_201 = tpu.memref_slice %arg14[%dma_wait3A_199, %dma_wait3A_200] : memref<10240x128xf32, #tpu.memory_space<vmem_shared>> -> memref<10240x128xf32, #tpu.memory_space<vmem_shared>>
        tpu.wait_indirect_dma semaphore(%arg16 : memref<!tpu.dma_semaphore, #tpu.memory_space<semaphore_mem>>) src(%arg12 : memref<40x128xf32, #tpu.memory_space<vmem>>) dst(%dma_wait3A_201 : memref<10240x128xf32, #tpu.memory_space<vmem_shared>>)
      } else {
      }
      %add3A_92 = arith.constant 3 : i32
      %add3A_93 = arith.addi %add3A_86, %add3A_92 : i32
      %lt3A_94 = arith.constant 250 : i32
      %lt3A_95 = arith.cmpi slt, %add3A_93, %lt3A_94 : i32
      %convert_element_type3A_96 = arith.extui %lt3A_95 : i1 to i32
      %cond3A_97 = arith.constant 0 : i32
      %cond3A_98 = arith.cmpi ne, %convert_element_type3A_96, %cond3A_97 : i32
      scf.if %cond3A_98 {
        %add3A_196 = arith.constant 3 : i32
        %add3A_197 = arith.addi %add3A_86, %add3A_196 : i32
        %mul3A_198 = arith.constant 40 : i32
        %mul3A_199 = arith.muli %add3A_197, %mul3A_198 : i32
        %dma_start3A_200 = tpu.memref_slice %arg6[%mul3A_199] : memref<10000xi32, #tpu.memory_space<vmem>> -> memref<40xi32, #tpu.memory_space<vmem>>
        %dma_start3A_201 = arith.constant 0 : i32
        %dma_start3A_202 = arith.constant 0 : i32
        %dma_start3A_203 = tpu.memref_slice %arg2[%dma_start3A_201, %dma_start3A_202] : memref<10000x128xf32, #tpu.memory_space<hbm>> -> memref<10000x128xf32, #tpu.memory_space<hbm>>
        tpu.enqueue_indirect_dma source(%dma_start3A_203 : memref<10000x128xf32, #tpu.memory_space<hbm>>) target(%arg12 : memref<40x128xf32, #tpu.memory_space<vmem>>) offsets(%dma_start3A_200 : memref<40xi32, #tpu.memory_space<vmem>>) semaphore(%arg15 : memref<!tpu.dma_semaphore, #tpu.memory_space<semaphore_mem>>)
      } else {
      }
      %mul3A_99 = arith.constant 40 : i32
      %mul3A_100 = arith.muli %add3A_86, %mul3A_99 : i32
      %dma_wait3A_101 = tpu.memref_slice %arg6[%mul3A_100] : memref<10000xi32, #tpu.memory_space<vmem>> -> memref<40xi32, #tpu.memory_space<vmem>>
      %dma_wait3A_102 = arith.constant 0 : i32
      %dma_wait3A_103 = arith.constant 0 : i32
      %dma_wait3A_104 = tpu.memref_slice %arg2[%dma_wait3A_102, %dma_wait3A_103] : memref<10000x128xf32, #tpu.memory_space<hbm>> -> memref<10000x128xf32, #tpu.memory_space<hbm>>
      tpu.wait_indirect_dma semaphore(%arg15 : memref<!tpu.dma_semaphore, #tpu.memory_space<semaphore_mem>>) src(%dma_wait3A_104 : memref<10000x128xf32, #tpu.memory_space<hbm>>) dst(%arg9 : memref<40x128xf32, #tpu.memory_space<vmem>>)
      %mul3A_105 = arith.constant 40 : i32
      %mul3A_106 = arith.muli %add3A_86, %mul3A_105 : i32
      %dma_start3A_107 = tpu.memref_slice %arg7[%mul3A_106] : memref<10000xi32, #tpu.memory_space<vmem>> -> memref<40xi32, #tpu.memory_space<vmem>>
      %dma_start3A_108 = arith.constant 0 : i32
      %dma_start3A_109 = arith.constant 0 : i32
      %dma_start3A_110 = tpu.memref_slice %arg14[%dma_start3A_108, %dma_start3A_109] : memref<10240x128xf32, #tpu.memory_space<vmem_shared>> -> memref<10240x128xf32, #tpu.memory_space<vmem_shared>>
      tpu.enqueue_indirect_dma source(%arg9 : memref<40x128xf32, #tpu.memory_space<vmem>>) target(%dma_start3A_110 : memref<10240x128xf32, #tpu.memory_space<vmem_shared>>) offsets(%dma_start3A_107 : memref<40xi32, #tpu.memory_space<vmem>>) semaphore(%arg16 : memref<!tpu.dma_semaphore, #tpu.memory_space<semaphore_mem>>) {add = true}
      %mul3A_111 = arith.constant 5 : i32
      %mul3A_112 = arith.muli %mul3A_111, %scan3A_59 : i32
      %add3A_113 = arith.constant 2 : i32
      %add3A_114 = arith.addi %mul3A_112, %add3A_113 : i32
      %ge3A_115 = arith.constant 2 : i32
      %ge3A_116 = arith.cmpi sge, %add3A_114, %ge3A_115 : i32
      %convert_element_type3A_117 = arith.extui %ge3A_116 : i1 to i32
      %cond3A_118 = arith.constant 0 : i32
      %cond3A_119 = arith.cmpi ne, %convert_element_type3A_117, %cond3A_118 : i32
      scf.if %cond3A_119 {
        %mul3A_196 = arith.constant 40 : i32
        %mul3A_197 = arith.muli %add3A_114, %mul3A_196 : i32
        %dma_wait3A_198 = tpu.memref_slice %arg7[%mul3A_197] : memref<10000xi32, #tpu.memory_space<vmem>> -> memref<40xi32, #tpu.memory_space<vmem>>
        %dma_wait3A_199 = arith.constant 0 : i32
        %dma_wait3A_200 = arith.constant 0 : i32
        %dma_wait3A_201 = tpu.memref_slice %arg14[%dma_wait3A_199, %dma_wait3A_200] : memref<10240x128xf32, #tpu.memory_space<vmem_shared>> -> memref<10240x128xf32, #tpu.memory_space<vmem_shared>>
        tpu.wait_indirect_dma semaphore(%arg16 : memref<!tpu.dma_semaphore, #tpu.memory_space<semaphore_mem>>) src(%arg8 : memref<40x128xf32, #tpu.memory_space<vmem>>) dst(%dma_wait3A_201 : memref<10240x128xf32, #tpu.memory_space<vmem_shared>>)
      } else {
      }
      %add3A_120 = arith.constant 3 : i32
      %add3A_121 = arith.addi %add3A_114, %add3A_120 : i32
      %lt3A_122 = arith.constant 250 : i32
      %lt3A_123 = arith.cmpi slt, %add3A_121, %lt3A_122 : i32
      %convert_element_type3A_124 = arith.extui %lt3A_123 : i1 to i32
      %cond3A_125 = arith.constant 0 : i32
      %cond3A_126 = arith.cmpi ne, %convert_element_type3A_124, %cond3A_125 : i32
      scf.if %cond3A_126 {
        %add3A_196 = arith.constant 3 : i32
        %add3A_197 = arith.addi %add3A_114, %add3A_196 : i32
        %mul3A_198 = arith.constant 40 : i32
        %mul3A_199 = arith.muli %add3A_197, %mul3A_198 : i32
        %dma_start3A_200 = tpu.memref_slice %arg6[%mul3A_199] : memref<10000xi32, #tpu.memory_space<vmem>> -> memref<40xi32, #tpu.memory_space<vmem>>
        %dma_start3A_201 = arith.constant 0 : i32
        %dma_start3A_202 = arith.constant 0 : i32
        %dma_start3A_203 = tpu.memref_slice %arg2[%dma_start3A_201, %dma_start3A_202] : memref<10000x128xf32, #tpu.memory_space<hbm>> -> memref<10000x128xf32, #tpu.memory_space<hbm>>
        tpu.enqueue_indirect_dma source(%dma_start3A_203 : memref<10000x128xf32, #tpu.memory_space<hbm>>) target(%arg8 : memref<40x128xf32, #tpu.memory_space<vmem>>) offsets(%dma_start3A_200 : memref<40xi32, #tpu.memory_space<vmem>>) semaphore(%arg15 : memref<!tpu.dma_semaphore, #tpu.memory_space<semaphore_mem>>)
      } else {
      }
      %mul3A_127 = arith.constant 40 : i32
      %mul3A_128 = arith.muli %add3A_114, %mul3A_127 : i32
      %dma_wait3A_129 = tpu.memref_slice %arg6[%mul3A_128] : memref<10000xi32, #tpu.memory_space<vmem>> -> memref<40xi32, #tpu.memory_space<vmem>>
      %dma_wait3A_130 = arith.constant 0 : i32
      %dma_wait3A_131 = arith.constant 0 : i32
      %dma_wait3A_132 = tpu.memref_slice %arg2[%dma_wait3A_130, %dma_wait3A_131] : memref<10000x128xf32, #tpu.memory_space<hbm>> -> memref<10000x128xf32, #tpu.memory_space<hbm>>
      tpu.wait_indirect_dma semaphore(%arg15 : memref<!tpu.dma_semaphore, #tpu.memory_space<semaphore_mem>>) src(%dma_wait3A_132 : memref<10000x128xf32, #tpu.memory_space<hbm>>) dst(%arg10 : memref<40x128xf32, #tpu.memory_space<vmem>>)
      %mul3A_133 = arith.constant 40 : i32
      %mul3A_134 = arith.muli %add3A_114, %mul3A_133 : i32
      %dma_start3A_135 = tpu.memref_slice %arg7[%mul3A_134] : memref<10000xi32, #tpu.memory_space<vmem>> -> memref<40xi32, #tpu.memory_space<vmem>>
      %dma_start3A_136 = arith.constant 0 : i32
      %dma_start3A_137 = arith.constant 0 : i32
      %dma_start3A_138 = tpu.memref_slice %arg14[%dma_start3A_136, %dma_start3A_137] : memref<10240x128xf32, #tpu.memory_space<vmem_shared>> -> memref<10240x128xf32, #tpu.memory_space<vmem_shared>>
      tpu.enqueue_indirect_dma source(%arg10 : memref<40x128xf32, #tpu.memory_space<vmem>>) target(%dma_start3A_138 : memref<10240x128xf32, #tpu.memory_space<vmem_shared>>) offsets(%dma_start3A_135 : memref<40xi32, #tpu.memory_space<vmem>>) semaphore(%arg16 : memref<!tpu.dma_semaphore, #tpu.memory_space<semaphore_mem>>) {add = true}
      %mul3A_139 = arith.constant 5 : i32
      %mul3A_140 = arith.muli %mul3A_139, %scan3A_59 : i32
      %add3A_141 = arith.constant 3 : i32
      %add3A_142 = arith.addi %mul3A_140, %add3A_141 : i32
      %ge3A_143 = arith.constant 2 : i32
      %ge3A_144 = arith.cmpi sge, %add3A_142, %ge3A_143 : i32
      %convert_element_type3A_145 = arith.extui %ge3A_144 : i1 to i32
      %cond3A_146 = arith.constant 0 : i32
      %cond3A_147 = arith.cmpi ne, %convert_element_type3A_145, %cond3A_146 : i32
      scf.if %cond3A_147 {
        %mul3A_196 = arith.constant 40 : i32
        %mul3A_197 = arith.muli %add3A_142, %mul3A_196 : i32
        %dma_wait3A_198 = tpu.memref_slice %arg7[%mul3A_197] : memref<10000xi32, #tpu.memory_space<vmem>> -> memref<40xi32, #tpu.memory_space<vmem>>
        %dma_wait3A_199 = arith.constant 0 : i32
        %dma_wait3A_200 = arith.constant 0 : i32
        %dma_wait3A_201 = tpu.memref_slice %arg14[%dma_wait3A_199, %dma_wait3A_200] : memref<10240x128xf32, #tpu.memory_space<vmem_shared>> -> memref<10240x128xf32, #tpu.memory_space<vmem_shared>>
        tpu.wait_indirect_dma semaphore(%arg16 : memref<!tpu.dma_semaphore, #tpu.memory_space<semaphore_mem>>) src(%arg9 : memref<40x128xf32, #tpu.memory_space<vmem>>) dst(%dma_wait3A_201 : memref<10240x128xf32, #tpu.memory_space<vmem_shared>>)
      } else {
      }
      %add3A_148 = arith.constant 3 : i32
      %add3A_149 = arith.addi %add3A_142, %add3A_148 : i32
      %lt3A_150 = arith.constant 250 : i32
      %lt3A_151 = arith.cmpi slt, %add3A_149, %lt3A_150 : i32
      %convert_element_type3A_152 = arith.extui %lt3A_151 : i1 to i32
      %cond3A_153 = arith.constant 0 : i32
      %cond3A_154 = arith.cmpi ne, %convert_element_type3A_152, %cond3A_153 : i32
      scf.if %cond3A_154 {
        %add3A_196 = arith.constant 3 : i32
        %add3A_197 = arith.addi %add3A_142, %add3A_196 : i32
        %mul3A_198 = arith.constant 40 : i32
        %mul3A_199 = arith.muli %add3A_197, %mul3A_198 : i32
        %dma_start3A_200 = tpu.memref_slice %arg6[%mul3A_199] : memref<10000xi32, #tpu.memory_space<vmem>> -> memref<40xi32, #tpu.memory_space<vmem>>
        %dma_start3A_201 = arith.constant 0 : i32
        %dma_start3A_202 = arith.constant 0 : i32
        %dma_start3A_203 = tpu.memref_slice %arg2[%dma_start3A_201, %dma_start3A_202] : memref<10000x128xf32, #tpu.memory_space<hbm>> -> memref<10000x128xf32, #tpu.memory_space<hbm>>
        tpu.enqueue_indirect_dma source(%dma_start3A_203 : memref<10000x128xf32, #tpu.memory_space<hbm>>) target(%arg9 : memref<40x128xf32, #tpu.memory_space<vmem>>) offsets(%dma_start3A_200 : memref<40xi32, #tpu.memory_space<vmem>>) semaphore(%arg15 : memref<!tpu.dma_semaphore, #tpu.memory_space<semaphore_mem>>)
      } else {
      }
      %mul3A_155 = arith.constant 40 : i32
      %mul3A_156 = arith.muli %add3A_142, %mul3A_155 : i32
      %dma_wait3A_157 = tpu.memref_slice %arg6[%mul3A_156] : memref<10000xi32, #tpu.memory_space<vmem>> -> memref<40xi32, #tpu.memory_space<vmem>>
      %dma_wait3A_158 = arith.constant 0 : i32
      %dma_wait3A_159 = arith.constant 0 : i32
      %dma_wait3A_160 = tpu.memref_slice %arg2[%dma_wait3A_158, %dma_wait3A_159] : memref<10000x128xf32, #tpu.memory_space<hbm>> -> memref<10000x128xf32, #tpu.memory_space<hbm>>
      tpu.wait_indirect_dma semaphore(%arg15 : memref<!tpu.dma_semaphore, #tpu.memory_space<semaphore_mem>>) src(%dma_wait3A_160 : memref<10000x128xf32, #tpu.memory_space<hbm>>) dst(%arg11 : memref<40x128xf32, #tpu.memory_space<vmem>>)
      %mul3A_161 = arith.constant 40 : i32
      %mul3A_162 = arith.muli %add3A_142, %mul3A_161 : i32
      %dma_start3A_163 = tpu.memref_slice %arg7[%mul3A_162] : memref<10000xi32, #tpu.memory_space<vmem>> -> memref<40xi32, #tpu.memory_space<vmem>>
      %dma_start3A_164 = arith.constant 0 : i32
      %dma_start3A_165 = arith.constant 0 : i32
      %dma_start3A_166 = tpu.memref_slice %arg14[%dma_start3A_164, %dma_start3A_165] : memref<10240x128xf32, #tpu.memory_space<vmem_shared>> -> memref<10240x128xf32, #tpu.memory_space<vmem_shared>>
      tpu.enqueue_indirect_dma source(%arg11 : memref<40x128xf32, #tpu.memory_space<vmem>>) target(%dma_start3A_166 : memref<10240x128xf32, #tpu.memory_space<vmem_shared>>) offsets(%dma_start3A_163 : memref<40xi32, #tpu.memory_space<vmem>>) semaphore(%arg16 : memref<!tpu.dma_semaphore, #tpu.memory_space<semaphore_mem>>) {add = true}
      %mul3A_167 = arith.constant 5 : i32
      %mul3A_168 = arith.muli %mul3A_167, %scan3A_59 : i32
      %add3A_169 = arith.constant 4 : i32
      %add3A_170 = arith.addi %mul3A_168, %add3A_169 : i32
      %ge3A_171 = arith.constant 2 : i32
      %ge3A_172 = arith.cmpi sge, %add3A_170, %ge3A_171 : i32
      %convert_element_type3A_173 = arith.extui %ge3A_172 : i1 to i32
      %cond3A_174 = arith.constant 0 : i32
      %cond3A_175 = arith.cmpi ne, %convert_element_type3A_173, %cond3A_174 : i32
      scf.if %cond3A_175 {
        %mul3A_196 = arith.constant 40 : i32
        %mul3A_197 = arith.muli %add3A_170, %mul3A_196 : i32
        %dma_wait3A_198 = tpu.memref_slice %arg7[%mul3A_197] : memref<10000xi32, #tpu.memory_space<vmem>> -> memref<40xi32, #tpu.memory_space<vmem>>
        %dma_wait3A_199 = arith.constant 0 : i32
        %dma_wait3A_200 = arith.constant 0 : i32
        %dma_wait3A_201 = tpu.memref_slice %arg14[%dma_wait3A_199, %dma_wait3A_200] : memref<10240x128xf32, #tpu.memory_space<vmem_shared>> -> memref<10240x128xf32, #tpu.memory_space<vmem_shared>>
        tpu.wait_indirect_dma semaphore(%arg16 : memref<!tpu.dma_semaphore, #tpu.memory_space<semaphore_mem>>) src(%arg10 : memref<40x128xf32, #tpu.memory_space<vmem>>) dst(%dma_wait3A_201 : memref<10240x128xf32, #tpu.memory_space<vmem_shared>>)
      } else {
      }
      %add3A_176 = arith.constant 3 : i32
      %add3A_177 = arith.addi %add3A_170, %add3A_176 : i32
      %lt3A_178 = arith.constant 250 : i32
      %lt3A_179 = arith.cmpi slt, %add3A_177, %lt3A_178 : i32
      %convert_element_type3A_180 = arith.extui %lt3A_179 : i1 to i32
      %cond3A_181 = arith.constant 0 : i32
      %cond3A_182 = arith.cmpi ne, %convert_element_type3A_180, %cond3A_181 : i32
      scf.if %cond3A_182 {
        %add3A_196 = arith.constant 3 : i32
        %add3A_197 = arith.addi %add3A_170, %add3A_196 : i32
        %mul3A_198 = arith.constant 40 : i32
        %mul3A_199 = arith.muli %add3A_197, %mul3A_198 : i32
        %dma_start3A_200 = tpu.memref_slice %arg6[%mul3A_199] : memref<10000xi32, #tpu.memory_space<vmem>> -> memref<40xi32, #tpu.memory_space<vmem>>
        %dma_start3A_201 = arith.constant 0 : i32
        %dma_start3A_202 = arith.constant 0 : i32
        %dma_start3A_203 = tpu.memref_slice %arg2[%dma_start3A_201, %dma_start3A_202] : memref<10000x128xf32, #tpu.memory_space<hbm>> -> memref<10000x128xf32, #tpu.memory_space<hbm>>
        tpu.enqueue_indirect_dma source(%dma_start3A_203 : memref<10000x128xf32, #tpu.memory_space<hbm>>) target(%arg10 : memref<40x128xf32, #tpu.memory_space<vmem>>) offsets(%dma_start3A_200 : memref<40xi32, #tpu.memory_space<vmem>>) semaphore(%arg15 : memref<!tpu.dma_semaphore, #tpu.memory_space<semaphore_mem>>)
      } else {
      }
      %mul3A_183 = arith.constant 40 : i32
      %mul3A_184 = arith.muli %add3A_170, %mul3A_183 : i32
      %dma_wait3A_185 = tpu.memref_slice %arg6[%mul3A_184] : memref<10000xi32, #tpu.memory_space<vmem>> -> memref<40xi32, #tpu.memory_space<vmem>>
      %dma_wait3A_186 = arith.constant 0 : i32
      %dma_wait3A_187 = arith.constant 0 : i32
      %dma_wait3A_188 = tpu.memref_slice %arg2[%dma_wait3A_186, %dma_wait3A_187] : memref<10000x128xf32, #tpu.memory_space<hbm>> -> memref<10000x128xf32, #tpu.memory_space<hbm>>
      tpu.wait_indirect_dma semaphore(%arg15 : memref<!tpu.dma_semaphore, #tpu.memory_space<semaphore_mem>>) src(%dma_wait3A_188 : memref<10000x128xf32, #tpu.memory_space<hbm>>) dst(%arg12 : memref<40x128xf32, #tpu.memory_space<vmem>>)
      %mul3A_189 = arith.constant 40 : i32
      %mul3A_190 = arith.muli %add3A_170, %mul3A_189 : i32
      %dma_start3A_191 = tpu.memref_slice %arg7[%mul3A_190] : memref<10000xi32, #tpu.memory_space<vmem>> -> memref<40xi32, #tpu.memory_space<vmem>>
      %dma_start3A_192 = arith.constant 0 : i32
      %dma_start3A_193 = arith.constant 0 : i32
      %dma_start3A_194 = tpu.memref_slice %arg14[%dma_start3A_192, %dma_start3A_193] : memref<10240x128xf32, #tpu.memory_space<vmem_shared>> -> memref<10240x128xf32, #tpu.memory_space<vmem_shared>>
      tpu.enqueue_indirect_dma source(%arg12 : memref<40x128xf32, #tpu.memory_space<vmem>>) target(%dma_start3A_194 : memref<10240x128xf32, #tpu.memory_space<vmem_shared>>) offsets(%dma_start3A_191 : memref<40xi32, #tpu.memory_space<vmem>>) semaphore(%arg16 : memref<!tpu.dma_semaphore, #tpu.memory_space<semaphore_mem>>) {add = true}
      %scan3A_195 = arith.constant 0 : i32
      scf.yield %scan3A_195 : i32
    }
    %scan3A_48 = arith.constant 50 : i32
    %dma_wait3A = arith.constant 0 : i32
    %dma_wait3A_49 = tpu.memref_slice %arg7[%dma_wait3A] : memref<10000xi32, #tpu.memory_space<vmem>> -> memref<40xi32, #tpu.memory_space<vmem>>
    %dma_wait3A_50 = arith.constant 0 : i32
    %dma_wait3A_51 = arith.constant 0 : i32
    %dma_wait3A_52 = tpu.memref_slice %arg14[%dma_wait3A_50, %dma_wait3A_51] : memref<10240x128xf32, #tpu.memory_space<vmem_shared>> -> memref<10240x128xf32, #tpu.memory_space<vmem_shared>>
    tpu.wait_indirect_dma semaphore(%arg16 : memref<!tpu.dma_semaphore, #tpu.memory_space<semaphore_mem>>) src(%arg8 : memref<40x128xf32, #tpu.memory_space<vmem>>) dst(%dma_wait3A_52 : memref<10240x128xf32, #tpu.memory_space<vmem_shared>>)
    %dma_wait3A_53 = arith.constant 0 : i32
    %dma_wait3A_54 = tpu.memref_slice %arg7[%dma_wait3A_53] : memref<10000xi32, #tpu.memory_space<vmem>> -> memref<40xi32, #tpu.memory_space<vmem>>
    %dma_wait3A_55 = arith.constant 0 : i32
    %dma_wait3A_56 = arith.constant 0 : i32
    %dma_wait3A_57 = tpu.memref_slice %arg14[%dma_wait3A_55, %dma_wait3A_56] : memref<10240x128xf32, #tpu.memory_space<vmem_shared>> -> memref<10240x128xf32, #tpu.memory_space<vmem_shared>>
    tpu.wait_indirect_dma semaphore(%arg16 : memref<!tpu.dma_semaphore, #tpu.memory_space<semaphore_mem>>) src(%arg8 : memref<40x128xf32, #tpu.memory_space<vmem>>) dst(%dma_wait3A_57 : memref<10240x128xf32, #tpu.memory_space<vmem_shared>>)
    %barrier3A_58 = arith.constant 0 : index
    tpu.barrier barrier_id(%barrier3A_58)
    "tpu.region"() ({
      %run_scoped3A = tpu.sem_alloc : memref<!tpu.dma_semaphore, #tpu.memory_space<semaphore_mem>>
      %dma_start3A_59 = arith.constant 0 : i32
      %dma_start3A_60 = tpu.memref_slice %arg5[%arg0, %mul3A_2, %dma_start3A_59] : memref<2x10240x128xf32, #tpu.memory_space<hbm>> -> memref<1x640x128xf32, #tpu.memory_space<hbm>>
      %dma_start3A_61 = tpu.memref_squeeze %dma_start3A_60 : memref<1x640x128xf32, #tpu.memory_space<hbm>> -> memref<640x128xf32, #tpu.memory_space<hbm>>
      %dma_start3A_62 = arith.constant 0 : i32
      %dma_start3A_63 = tpu.memref_slice %arg14[%mul3A_2, %dma_start3A_62] : memref<10240x128xf32, #tpu.memory_space<vmem_shared>> -> memref<640x128xf32, #tpu.memory_space<vmem_shared>>
      tpu.enqueue_dma source(%dma_start3A_63 : memref<640x128xf32, #tpu.memory_space<vmem_shared>>) target(%dma_start3A_61 : memref<640x128xf32, #tpu.memory_space<hbm>>) target_semaphore(%run_scoped3A : memref<!tpu.dma_semaphore, #tpu.memory_space<semaphore_mem>>)
      %dma_wait3A_64 = arith.constant 0 : i32
      %dma_wait3A_65 = tpu.memref_slice %arg5[%arg0, %mul3A_2, %dma_wait3A_64] : memref<2x10240x128xf32, #tpu.memory_space<hbm>> -> memref<1x640x128xf32, #tpu.memory_space<hbm>>
      %dma_wait3A_66 = tpu.memref_squeeze %dma_wait3A_65 : memref<1x640x128xf32, #tpu.memory_space<hbm>> -> memref<640x128xf32, #tpu.memory_space<hbm>>
      %dma_wait3A_67 = arith.constant 0 : i32
      %dma_wait3A_68 = tpu.memref_slice %arg14[%mul3A_2, %dma_wait3A_67] : memref<10240x128xf32, #tpu.memory_space<vmem_shared>> -> memref<640x128xf32, #tpu.memory_space<vmem_shared>>
      tpu.wait_dma2 semaphore(%run_scoped3A : memref<!tpu.dma_semaphore, #tpu.memory_space<semaphore_mem>>) src(%dma_wait3A_68 : memref<640x128xf32, #tpu.memory_space<vmem_shared>>) dst(%dma_wait3A_66 : memref<640x128xf32, #tpu.memory_space<hbm>>)
      tpu.yield
    }) : () -> ()
    return
  }
}

#map = affine_map<(d0, d1) -> (0, 0)>
#map1 = affine_map<(d0, d1) -> (0)>
#map2 = affine_map<(d0, d1) -> (0, 0, 0)>
module attributes {stable_mosaic.version = 14 : i64} {
  func.func @body(%arg0: i32, %arg1: i32, %arg2: memref<10000x128xf32, #tpu.memory_space<hbm>>, %arg3: memref<320000xi32, #tpu.memory_space<hbm>>, %arg4: memref<320000xi32, #tpu.memory_space<hbm>>, %arg5: memref<2x10240x128xf32, #tpu.memory_space<hbm>>, %arg6: memref<10000xi32, #tpu.memory_space<vmem>>, %arg7: memref<10000xi32, #tpu.memory_space<vmem>>, %arg8: memref<40x128xf32, #tpu.memory_space<vmem>>, %arg9: memref<40x128xf32, #tpu.memory_space<vmem>>, %arg10: memref<40x128xf32, #tpu.memory_space<vmem>>, %arg11: memref<40x128xf32, #tpu.memory_space<vmem>>, %arg12: memref<40x128xf32, #tpu.memory_space<vmem>>, %arg13: memref<16x128xf32, #tpu.memory_space<vmem>>, %arg14: memref<10240x128xf32, #tpu.memory_space<vmem_shared>>, %arg15: memref<!tpu.dma_semaphore, #tpu.memory_space<semaphore_mem>>, %arg16: memref<!tpu.dma_semaphore, #tpu.memory_space<semaphore_mem>>) attributes {dimension_semantics = [#tpu.dimension_semantics<core_parallel>, #tpu.dimension_semantics<subcore_parallel>], iteration_bounds = array<i64: 2, 16>, scalar_prefetch = 0 : i64, scratch_operands = 11 : i64, tpu.core_type = #tpu.core_type<sc_vector_subcore>, window_params = [{transform_indices = #map}, {transform_indices = #map1}, {transform_indices = #map1}, {transform_indices = #map2}]} {
    %mul3A = arith.constant 16 : i32
    %mul3A_0 = arith.muli %arg0, %mul3A : i32
    %add3A = arith.addi %mul3A_0, %arg1 : i32
    %mul3A_1 = arith.constant 640 : i32
    %mul3A_2 = arith.muli %arg1, %mul3A_1 : i32
    %mul3A_3 = arith.constant 10000 : i32
    %mul3A_4 = arith.muli %add3A, %mul3A_3 : i32
    "tpu.region"() ({
      %run_scoped3A = tpu.sem_alloc : memref<!tpu.dma_semaphore, #tpu.memory_space<semaphore_mem>>
      %dma_start3A_59 = tpu.memref_slice %arg3[%mul3A_4] : memref<320000xi32, #tpu.memory_space<hbm>> -> memref<10000xi32, #tpu.memory_space<hbm>>
      %dma_start3A_60 = tpu.memref_slice %arg3[%mul3A_4] : memref<320000xi32, #tpu.memory_space<hbm>> -> memref<10000xi32, #tpu.memory_space<hbm>>
      tpu.enqueue_dma source(%dma_start3A_60 : memref<10000xi32, #tpu.memory_space<hbm>>) target(%arg6 : memref<10000xi32, #tpu.memory_space<vmem>>) target_semaphore(%run_scoped3A : memref<!tpu.dma_semaphore, #tpu.memory_space<semaphore_mem>>)
      %dma_wait3A_61 = tpu.memref_slice %arg3[%mul3A_4] : memref<320000xi32, #tpu.memory_space<hbm>> -> memref<10000xi32, #tpu.memory_space<hbm>>
      %dma_wait3A_62 = tpu.memref_slice %arg3[%mul3A_4] : memref<320000xi32, #tpu.memory_space<hbm>> -> memref<10000xi32, #tpu.memory_space<hbm>>
      tpu.wait_dma2 semaphore(%run_scoped3A : memref<!tpu.dma_semaphore, #tpu.memory_space<semaphore_mem>>) src(%dma_wait3A_62 : memref<10000xi32, #tpu.memory_space<hbm>>) dst(%arg6 : memref<10000xi32, #tpu.memory_space<vmem>>)
      tpu.yield
    }) : () -> ()
    %mul3A_5 = arith.constant 10000 : i32
    %mul3A_6 = arith.muli %add3A, %mul3A_5 : i32
    "tpu.region"() ({
      %run_scoped3A = tpu.sem_alloc : memref<!tpu.dma_semaphore, #tpu.memory_space<semaphore_mem>>
      %dma_start3A_59 = tpu.memref_slice %arg4[%mul3A_6] : memref<320000xi32, #tpu.memory_space<hbm>> -> memref<10000xi32, #tpu.memory_space<hbm>>
      %dma_start3A_60 = tpu.memref_slice %arg4[%mul3A_6] : memref<320000xi32, #tpu.memory_space<hbm>> -> memref<10000xi32, #tpu.memory_space<hbm>>
      tpu.enqueue_dma source(%dma_start3A_60 : memref<10000xi32, #tpu.memory_space<hbm>>) target(%arg7 : memref<10000xi32, #tpu.memory_space<vmem>>) target_semaphore(%run_scoped3A : memref<!tpu.dma_semaphore, #tpu.memory_space<semaphore_mem>>)
      %dma_wait3A_61 = tpu.memref_slice %arg4[%mul3A_6] : memref<320000xi32, #tpu.memory_space<hbm>> -> memref<10000xi32, #tpu.memory_space<hbm>>
      %dma_wait3A_62 = tpu.memref_slice %arg4[%mul3A_6] : memref<320000xi32, #tpu.memory_space<hbm>> -> memref<10000xi32, #tpu.memory_space<hbm>>
      tpu.wait_dma2 semaphore(%run_scoped3A : memref<!tpu.dma_semaphore, #tpu.memory_space<semaphore_mem>>) src(%dma_wait3A_62 : memref<10000xi32, #tpu.memory_space<hbm>>) dst(%arg7 : memref<10000xi32, #tpu.memory_space<vmem>>)
      tpu.yield
    }) : () -> ()
    %broadcast_in_dim3A = arith.constant 0.000000e+00 : f32
    %broadcast_in_dim3A_7 = vector.broadcast %broadcast_in_dim3A : f32 to vector<16xf32>
    %scan3A = arith.constant 0 : i32
    %scan3A_8 = arith.constant 0 : i32
    %scan3A_9 = arith.constant 16 : i32
    %scan3A_10 = arith.addi %scan3A_8, %scan3A_9 : i32
    %scan3A_11 = arith.constant 1 : i32
    %scan3A_12 = scf.for %scan3A_59 = %scan3A_8 to %scan3A_10 step %scan3A_11 iter_args(%scan3A_60 = %scan3A) -> (i32)  : i32 {
      %swap3A = arith.index_cast %scan3A_59 : i32 to index
      %swap3A_61 = arith.constant 0 : index
      %swap3A_62 = tpu.vector_load %arg13[%swap3A, %swap3A_61] {strides = array<i32>} : memref<16x128xf32, #tpu.memory_space<vmem>>, vector<1x16xf32>,
      %swap3A_63 = vector.shape_cast %swap3A_62 : vector<1x16xf32> to vector<16xf32>
      %swap3A_64 = vector.shape_cast %broadcast_in_dim3A_7 : vector<16xf32> to vector<1x16xf32>
      tpu.vector_store %arg13[%swap3A, %swap3A_61], %swap3A_64 {strides = array<i32>} : memref<16x128xf32, #tpu.memory_space<vmem>>, vector<1x16xf32>,
      %swap3A_65 = arith.index_cast %scan3A_59 : i32 to index
      %swap3A_66 = arith.constant 16 : index
      %swap3A_67 = tpu.vector_load %arg13[%swap3A_65, %swap3A_66] {strides = array<i32>} : memref<16x128xf32, #tpu.memory_space<vmem>>, vector<1x16xf32>,
      %swap3A_68 = vector.shape_cast %swap3A_67 : vector<1x16xf32> to vector<16xf32>
      %swap3A_69 = vector.shape_cast %broadcast_in_dim3A_7 : vector<16xf32> to vector<1x16xf32>
      tpu.vector_store %arg13[%swap3A_65, %swap3A_66], %swap3A_69 {strides = array<i32>} : memref<16x128xf32, #tpu.memory_space<vmem>>, vector<1x16xf32>,
      %swap3A_70 = arith.index_cast %scan3A_59 : i32 to index
      %swap3A_71 = arith.constant 32 : index
      %swap3A_72 = tpu.vector_load %arg13[%swap3A_70, %swap3A_71] {strides = array<i32>} : memref<16x128xf32, #tpu.memory_space<vmem>>, vector<1x16xf32>,
      %swap3A_73 = vector.shape_cast %swap3A_72 : vector<1x16xf32> to vector<16xf32>
      %swap3A_74 = vector.shape_cast %broadcast_in_dim3A_7 : vector<16xf32> to vector<1x16xf32>
      tpu.vector_store %arg13[%swap3A_70, %swap3A_71], %swap3A_74 {strides = array<i32>} : memref<16x128xf32, #tpu.memory_space<vmem>>, vector<1x16xf32>,
      %swap3A_75 = arith.index_cast %scan3A_59 : i32 to index
      %swap3A_76 = arith.constant 48 : index
      %swap3A_77 = tpu.vector_load %arg13[%swap3A_75, %swap3A_76] {strides = array<i32>} : memref<16x128xf32, #tpu.memory_space<vmem>>, vector<1x16xf32>,
      %swap3A_78 = vector.shape_cast %swap3A_77 : vector<1x16xf32> to vector<16xf32>
      %swap3A_79 = vector.shape_cast %broadcast_in_dim3A_7 : vector<16xf32> to vector<1x16xf32>
      tpu.vector_store %arg13[%swap3A_75, %swap3A_76], %swap3A_79 {strides = array<i32>} : memref<16x128xf32, #tpu.memory_space<vmem>>, vector<1x16xf32>,
      %swap3A_80 = arith.index_cast %scan3A_59 : i32 to index
      %swap3A_81 = arith.constant 64 : index
      %swap3A_82 = tpu.vector_load %arg13[%swap3A_80, %swap3A_81] {strides = array<i32>} : memref<16x128xf32, #tpu.memory_space<vmem>>, vector<1x16xf32>,
      %swap3A_83 = vector.shape_cast %swap3A_82 : vector<1x16xf32> to vector<16xf32>
      %swap3A_84 = vector.shape_cast %broadcast_in_dim3A_7 : vector<16xf32> to vector<1x16xf32>
      tpu.vector_store %arg13[%swap3A_80, %swap3A_81], %swap3A_84 {strides = array<i32>} : memref<16x128xf32, #tpu.memory_space<vmem>>, vector<1x16xf32>,
      %swap3A_85 = arith.index_cast %scan3A_59 : i32 to index
      %swap3A_86 = arith.constant 80 : index
      %swap3A_87 = tpu.vector_load %arg13[%swap3A_85, %swap3A_86] {strides = array<i32>} : memref<16x128xf32, #tpu.memory_space<vmem>>, vector<1x16xf32>,
      %swap3A_88 = vector.shape_cast %swap3A_87 : vector<1x16xf32> to vector<16xf32>
      %swap3A_89 = vector.shape_cast %broadcast_in_dim3A_7 : vector<16xf32> to vector<1x16xf32>
      tpu.vector_store %arg13[%swap3A_85, %swap3A_86], %swap3A_89 {strides = array<i32>} : memref<16x128xf32, #tpu.memory_space<vmem>>, vector<1x16xf32>,
      %swap3A_90 = arith.index_cast %scan3A_59 : i32 to index
      %swap3A_91 = arith.constant 96 : index
      %swap3A_92 = tpu.vector_load %arg13[%swap3A_90, %swap3A_91] {strides = array<i32>} : memref<16x128xf32, #tpu.memory_space<vmem>>, vector<1x16xf32>,
      %swap3A_93 = vector.shape_cast %swap3A_92 : vector<1x16xf32> to vector<16xf32>
      %swap3A_94 = vector.shape_cast %broadcast_in_dim3A_7 : vector<16xf32> to vector<1x16xf32>
      tpu.vector_store %arg13[%swap3A_90, %swap3A_91], %swap3A_94 {strides = array<i32>} : memref<16x128xf32, #tpu.memory_space<vmem>>, vector<1x16xf32>,
      %swap3A_95 = arith.index_cast %scan3A_59 : i32 to index
      %swap3A_96 = arith.constant 112 : index
      %swap3A_97 = tpu.vector_load %arg13[%swap3A_95, %swap3A_96] {strides = array<i32>} : memref<16x128xf32, #tpu.memory_space<vmem>>, vector<1x16xf32>,
      %swap3A_98 = vector.shape_cast %swap3A_97 : vector<1x16xf32> to vector<16xf32>
      %swap3A_99 = vector.shape_cast %broadcast_in_dim3A_7 : vector<16xf32> to vector<1x16xf32>
      tpu.vector_store %arg13[%swap3A_95, %swap3A_96], %swap3A_99 {strides = array<i32>} : memref<16x128xf32, #tpu.memory_space<vmem>>, vector<1x16xf32>,
      %scan3A_100 = arith.constant 0 : i32
      scf.yield %scan3A_100 : i32
    }
    %scan3A_13 = arith.constant 16 : i32
    %scan3A_14 = arith.constant 0 : i32
    %scan3A_15 = arith.constant 0 : i32
    %scan3A_16 = arith.constant 40 : i32
    %scan3A_17 = arith.addi %scan3A_15, %scan3A_16 : i32
    %scan3A_18 = arith.constant 1 : i32
    %scan3A_19 = scf.for %scan3A_59 = %scan3A_15 to %scan3A_17 step %scan3A_18 iter_args(%scan3A_60 = %scan3A_14) -> (i32)  : i32 {
      %mul3A_61 = arith.constant 16 : i32
      %mul3A_62 = arith.muli %scan3A_59, %mul3A_61 : i32
      %add3A_63 = arith.addi %mul3A_2, %mul3A_62 : i32
      %dma_start3A_64 = arith.constant 0 : i32
      %dma_start3A_65 = tpu.memref_slice %arg14[%add3A_63, %dma_start3A_64] : memref<10240x128xf32, #tpu.memory_space<vmem_shared>> -> memref<16x128xf32, #tpu.memory_space<vmem_shared>>
      %dma_start3A_66 = arith.constant 0 : i32
      %dma_start3A_67 = tpu.memref_slice %arg14[%add3A_63, %dma_start3A_66] : memref<10240x128xf32, #tpu.memory_space<vmem_shared>> -> memref<16x128xf32, #tpu.memory_space<vmem_shared>>
      tpu.enqueue_dma source(%arg13 : memref<16x128xf32, #tpu.memory_space<vmem>>) target(%dma_start3A_67 : memref<16x128xf32, #tpu.memory_space<vmem_shared>>) target_semaphore(%arg15 : memref<!tpu.dma_semaphore, #tpu.memory_space<semaphore_mem>>)
      %scan3A_68 = arith.constant 0 : i32
      scf.yield %scan3A_68 : i32
    }
    %scan3A_20 = arith.constant 40 : i32
    %scan3A_21 = arith.constant 0 : i32
    %scan3A_22 = arith.constant 0 : i32
    %scan3A_23 = arith.constant 40 : i32
    %scan3A_24 = arith.addi %scan3A_22, %scan3A_23 : i32
    %scan3A_25 = arith.constant 1 : i32
    %scan3A_26 = scf.for %scan3A_59 = %scan3A_22 to %scan3A_24 step %scan3A_25 iter_args(%scan3A_60 = %scan3A_21) -> (i32)  : i32 {
      %dma_wait3A_61 = arith.constant 0 : i32
      %dma_wait3A_62 = tpu.memref_slice %arg14[%mul3A_2, %dma_wait3A_61] : memref<10240x128xf32, #tpu.memory_space<vmem_shared>> -> memref<16x128xf32, #tpu.memory_space<vmem_shared>>
      %dma_wait3A_63 = arith.constant 0 : i32
      %dma_wait3A_64 = tpu.memref_slice %arg14[%mul3A_2, %dma_wait3A_63] : memref<10240x128xf32, #tpu.memory_space<vmem_shared>> -> memref<16x128xf32, #tpu.memory_space<vmem_shared>>
      tpu.wait_dma2 semaphore(%arg15 : memref<!tpu.dma_semaphore, #tpu.memory_space<semaphore_mem>>) src(%arg13 : memref<16x128xf32, #tpu.memory_space<vmem>>) dst(%dma_wait3A_64 : memref<16x128xf32, #tpu.memory_space<vmem_shared>>)
      %scan3A_65 = arith.constant 0 : i32
      scf.yield %scan3A_65 : i32
    }
    %scan3A_27 = arith.constant 40 : i32
    %barrier3A = arith.constant 0 : index
    tpu.barrier barrier_id(%barrier3A)
    %dma_start3A = arith.constant 0 : i32
    %dma_start3A_28 = tpu.memref_slice %arg6[%dma_start3A] : memref<10000xi32, #tpu.memory_space<vmem>> -> memref<40xi32, #tpu.memory_space<vmem>>
    %dma_start3A_29 = arith.constant 0 : i32
    %dma_start3A_30 = arith.constant 0 : i32
    %dma_start3A_31 = tpu.memref_slice %arg2[%dma_start3A_29, %dma_start3A_30] : memref<10000x128xf32, #tpu.memory_space<hbm>> -> memref<10000x128xf32, #tpu.memory_space<hbm>>
    tpu.enqueue_indirect_dma source(%dma_start3A_31 : memref<10000x128xf32, #tpu.memory_space<hbm>>) target(%arg8 : memref<40x128xf32, #tpu.memory_space<vmem>>) offsets(%dma_start3A_28 : memref<40xi32, #tpu.memory_space<vmem>>) semaphore(%arg15 : memref<!tpu.dma_semaphore, #tpu.memory_space<semaphore_mem>>)
    %dma_start3A_32 = arith.constant 40 : i32
    %dma_start3A_33 = tpu.memref_slice %arg6[%dma_start3A_32] : memref<10000xi32, #tpu.memory_space<vmem>> -> memref<40xi32, #tpu.memory_space<vmem>>
    %dma_start3A_34 = arith.constant 0 : i32
    %dma_start3A_35 = arith.constant 0 : i32
    %dma_start3A_36 = tpu.memref_slice %arg2[%dma_start3A_34, %dma_start3A_35] : memref<10000x128xf32, #tpu.memory_space<hbm>> -> memref<10000x128xf32, #tpu.memory_space<hbm>>
    tpu.enqueue_indirect_dma source(%dma_start3A_36 : memref<10000x128xf32, #tpu.memory_space<hbm>>) target(%arg9 : memref<40x128xf32, #tpu.memory_space<vmem>>) offsets(%dma_start3A_33 : memref<40xi32, #tpu.memory_space<vmem>>) semaphore(%arg15 : memref<!tpu.dma_semaphore, #tpu.memory_space<semaphore_mem>>)
    %dma_start3A_37 = arith.constant 80 : i32
    %dma_start3A_38 = tpu.memref_slice %arg6[%dma_start3A_37] : memref<10000xi32, #tpu.memory_space<vmem>> -> memref<40xi32, #tpu.memory_space<vmem>>
    %dma_start3A_39 = arith.constant 0 : i32
    %dma_start3A_40 = arith.constant 0 : i32
    %dma_start3A_41 = tpu.memref_slice %arg2[%dma_start3A_39, %dma_start3A_40] : memref<10000x128xf32, #tpu.memory_space<hbm>> -> memref<10000x128xf32, #tpu.memory_space<hbm>>
    tpu.enqueue_indirect_dma source(%dma_start3A_41 : memref<10000x128xf32, #tpu.memory_space<hbm>>) target(%arg10 : memref<40x128xf32, #tpu.memory_space<vmem>>) offsets(%dma_start3A_38 : memref<40xi32, #tpu.memory_space<vmem>>) semaphore(%arg15 : memref<!tpu.dma_semaphore, #tpu.memory_space<semaphore_mem>>)
    %scan3A_42 = arith.constant 0 : i32
    %scan3A_43 = arith.constant 0 : i32
    %scan3A_44 = arith.constant 50 : i32
    %scan3A_45 = arith.addi %scan3A_43, %scan3A_44 : i32
    %scan3A_46 = arith.constant 1 : i32
    %scan3A_47 = scf.for %scan3A_59 = %scan3A_43 to %scan3A_45 step %scan3A_46 iter_args(%scan3A_60 = %scan3A_42) -> (i32)  : i32 {
      %mul3A_61 = arith.constant 5 : i32
      %mul3A_62 = arith.muli %mul3A_61, %scan3A_59 : i32
      %ge3A = arith.constant 2 : i32
      %ge3A_63 = arith.cmpi sge, %mul3A_62, %ge3A : i32
      %convert_element_type3A = arith.extui %ge3A_63 : i1 to i32
      %cond3A = arith.constant 0 : i32
      %cond3A_64 = arith.cmpi ne, %convert_element_type3A, %cond3A : i32
      scf.if %cond3A_64 {
        %mul3A_196 = arith.constant 40 : i32
        %mul3A_197 = arith.muli %mul3A_62, %mul3A_196 : i32
        %dma_wait3A_198 = tpu.memref_slice %arg7[%mul3A_197] : memref<10000xi32, #tpu.memory_space<vmem>> -> memref<40xi32, #tpu.memory_space<vmem>>
        %dma_wait3A_199 = arith.constant 0 : i32
        %dma_wait3A_200 = arith.constant 0 : i32
        %dma_wait3A_201 = tpu.memref_slice %arg14[%dma_wait3A_199, %dma_wait3A_200] : memref<10240x128xf32, #tpu.memory_space<vmem_shared>> -> memref<10240x128xf32, #tpu.memory_space<vmem_shared>>
        tpu.wait_indirect_dma semaphore(%arg16 : memref<!tpu.dma_semaphore, #tpu.memory_space<semaphore_mem>>) src(%arg11 : memref<40x128xf32, #tpu.memory_space<vmem>>) dst(%dma_wait3A_201 : memref<10240x128xf32, #tpu.memory_space<vmem_shared>>)
      } else {
      }
      %add3A_65 = arith.constant 3 : i32
      %add3A_66 = arith.addi %mul3A_62, %add3A_65 : i32
      %lt3A = arith.constant 250 : i32
      %lt3A_67 = arith.cmpi slt, %add3A_66, %lt3A : i32
      %convert_element_type3A_68 = arith.extui %lt3A_67 : i1 to i32
      %cond3A_69 = arith.constant 0 : i32
      %cond3A_70 = arith.cmpi ne, %convert_element_type3A_68, %cond3A_69 : i32
      scf.if %cond3A_70 {
        %add3A_196 = arith.constant 3 : i32
        %add3A_197 = arith.addi %mul3A_62, %add3A_196 : i32
        %mul3A_198 = arith.constant 40 : i32
        %mul3A_199 = arith.muli %add3A_197, %mul3A_198 : i32
        %dma_start3A_200 = tpu.memref_slice %arg6[%mul3A_199] : memref<10000xi32, #tpu.memory_space<vmem>> -> memref<40xi32, #tpu.memory_space<vmem>>
        %dma_start3A_201 = arith.constant 0 : i32
        %dma_start3A_202 = arith.constant 0 : i32
        %dma_start3A_203 = tpu.memref_slice %arg2[%dma_start3A_201, %dma_start3A_202] : memref<10000x128xf32, #tpu.memory_space<hbm>> -> memref<10000x128xf32, #tpu.memory_space<hbm>>
        tpu.enqueue_indirect_dma source(%dma_start3A_203 : memref<10000x128xf32, #tpu.memory_space<hbm>>) target(%arg11 : memref<40x128xf32, #tpu.memory_space<vmem>>) offsets(%dma_start3A_200 : memref<40xi32, #tpu.memory_space<vmem>>) semaphore(%arg15 : memref<!tpu.dma_semaphore, #tpu.memory_space<semaphore_mem>>)
      } else {
      }
      %mul3A_71 = arith.constant 40 : i32
      %mul3A_72 = arith.muli %mul3A_62, %mul3A_71 : i32
      %dma_wait3A_73 = tpu.memref_slice %arg6[%mul3A_72] : memref<10000xi32, #tpu.memory_space<vmem>> -> memref<40xi32, #tpu.memory_space<vmem>>
      %dma_wait3A_74 = arith.constant 0 : i32
      %dma_wait3A_75 = arith.constant 0 : i32
      %dma_wait3A_76 = tpu.memref_slice %arg2[%dma_wait3A_74, %dma_wait3A_75] : memref<10000x128xf32, #tpu.memory_space<hbm>> -> memref<10000x128xf32, #tpu.memory_space<hbm>>
      tpu.wait_indirect_dma semaphore(%arg15 : memref<!tpu.dma_semaphore, #tpu.memory_space<semaphore_mem>>) src(%dma_wait3A_76 : memref<10000x128xf32, #tpu.memory_space<hbm>>) dst(%arg8 : memref<40x128xf32, #tpu.memory_space<vmem>>)
      %mul3A_77 = arith.constant 40 : i32
      %mul3A_78 = arith.muli %mul3A_62, %mul3A_77 : i32
      %dma_start3A_79 = tpu.memref_slice %arg7[%mul3A_78] : memref<10000xi32, #tpu.memory_space<vmem>> -> memref<40xi32, #tpu.memory_space<vmem>>
      %dma_start3A_80 = arith.constant 0 : i32
      %dma_start3A_81 = arith.constant 0 : i32
      %dma_start3A_82 = tpu.memref_slice %arg14[%dma_start3A_80, %dma_start3A_81] : memref<10240x128xf32, #tpu.memory_space<vmem_shared>> -> memref<10240x128xf32, #tpu.memory_space<vmem_shared>>
      tpu.enqueue_indirect_dma source(%arg8 : memref<40x128xf32, #tpu.memory_space<vmem>>) target(%dma_start3A_82 : memref<10240x128xf32, #tpu.memory_space<vmem_shared>>) offsets(%dma_start3A_79 : memref<40xi32, #tpu.memory_space<vmem>>) semaphore(%arg16 : memref<!tpu.dma_semaphore, #tpu.memory_space<semaphore_mem>>) {add = true}
      %mul3A_83 = arith.constant 5 : i32
      %mul3A_84 = arith.muli %mul3A_83, %scan3A_59 : i32
      %add3A_85 = arith.constant 1 : i32
      %add3A_86 = arith.addi %mul3A_84, %add3A_85 : i32
      %ge3A_87 = arith.constant 2 : i32
      %ge3A_88 = arith.cmpi sge, %add3A_86, %ge3A_87 : i32
      %convert_element_type3A_89 = arith.extui %ge3A_88 : i1 to i32
      %cond3A_90 = arith.constant 0 : i32
      %cond3A_91 = arith.cmpi ne, %convert_element_type3A_89, %cond3A_90 : i32
      scf.if %cond3A_91 {
        %mul3A_196 = arith.constant 40 : i32
        %mul3A_197 = arith.muli %add3A_86, %mul3A_196 : i32
        %dma_wait3A_198 = tpu.memref_slice %arg7[%mul3A_197] : memref<10000xi32, #tpu.memory_space<vmem>> -> memref<40xi32, #tpu.memory_space<vmem>>
        %dma_wait3A_199 = arith.constant 0 : i32
        %dma_wait3A_200 = arith.constant 0 : i32
        %dma_wait3A_201 = tpu.memref_slice %arg14[%dma_wait3A_199, %dma_wait3A_200] : memref<10240x128xf32, #tpu.memory_space<vmem_shared>> -> memref<10240x128xf32, #tpu.memory_space<vmem_shared>>
        tpu.wait_indirect_dma semaphore(%arg16 : memref<!tpu.dma_semaphore, #tpu.memory_space<semaphore_mem>>) src(%arg12 : memref<40x128xf32, #tpu.memory_space<vmem>>) dst(%dma_wait3A_201 : memref<10240x128xf32, #tpu.memory_space<vmem_shared>>)
      } else {
      }
      %add3A_92 = arith.constant 3 : i32
      %add3A_93 = arith.addi %add3A_86, %add3A_92 : i32
      %lt3A_94 = arith.constant 250 : i32
      %lt3A_95 = arith.cmpi slt, %add3A_93, %lt3A_94 : i32
      %convert_element_type3A_96 = arith.extui %lt3A_95 : i1 to i32
      %cond3A_97 = arith.constant 0 : i32
      %cond3A_98 = arith.cmpi ne, %convert_element_type3A_96, %cond3A_97 : i32
      scf.if %cond3A_98 {
        %add3A_196 = arith.constant 3 : i32
        %add3A_197 = arith.addi %add3A_86, %add3A_196 : i32
        %mul3A_198 = arith.constant 40 : i32
        %mul3A_199 = arith.muli %add3A_197, %mul3A_198 : i32
        %dma_start3A_200 = tpu.memref_slice %arg6[%mul3A_199] : memref<10000xi32, #tpu.memory_space<vmem>> -> memref<40xi32, #tpu.memory_space<vmem>>
        %dma_start3A_201 = arith.constant 0 : i32
        %dma_start3A_202 = arith.constant 0 : i32
        %dma_start3A_203 = tpu.memref_slice %arg2[%dma_start3A_201, %dma_start3A_202] : memref<10000x128xf32, #tpu.memory_space<hbm>> -> memref<10000x128xf32, #tpu.memory_space<hbm>>
        tpu.enqueue_indirect_dma source(%dma_start3A_203 : memref<10000x128xf32, #tpu.memory_space<hbm>>) target(%arg12 : memref<40x128xf32, #tpu.memory_space<vmem>>) offsets(%dma_start3A_200 : memref<40xi32, #tpu.memory_space<vmem>>) semaphore(%arg15 : memref<!tpu.dma_semaphore, #tpu.memory_space<semaphore_mem>>)
      } else {
      }
      %mul3A_99 = arith.constant 40 : i32
      %mul3A_100 = arith.muli %add3A_86, %mul3A_99 : i32
      %dma_wait3A_101 = tpu.memref_slice %arg6[%mul3A_100] : memref<10000xi32, #tpu.memory_space<vmem>> -> memref<40xi32, #tpu.memory_space<vmem>>
      %dma_wait3A_102 = arith.constant 0 : i32
      %dma_wait3A_103 = arith.constant 0 : i32
      %dma_wait3A_104 = tpu.memref_slice %arg2[%dma_wait3A_102, %dma_wait3A_103] : memref<10000x128xf32, #tpu.memory_space<hbm>> -> memref<10000x128xf32, #tpu.memory_space<hbm>>
      tpu.wait_indirect_dma semaphore(%arg15 : memref<!tpu.dma_semaphore, #tpu.memory_space<semaphore_mem>>) src(%dma_wait3A_104 : memref<10000x128xf32, #tpu.memory_space<hbm>>) dst(%arg9 : memref<40x128xf32, #tpu.memory_space<vmem>>)
      %mul3A_105 = arith.constant 40 : i32
      %mul3A_106 = arith.muli %add3A_86, %mul3A_105 : i32
      %dma_start3A_107 = tpu.memref_slice %arg7[%mul3A_106] : memref<10000xi32, #tpu.memory_space<vmem>> -> memref<40xi32, #tpu.memory_space<vmem>>
      %dma_start3A_108 = arith.constant 0 : i32
      %dma_start3A_109 = arith.constant 0 : i32
      %dma_start3A_110 = tpu.memref_slice %arg14[%dma_start3A_108, %dma_start3A_109] : memref<10240x128xf32, #tpu.memory_space<vmem_shared>> -> memref<10240x128xf32, #tpu.memory_space<vmem_shared>>
      tpu.enqueue_indirect_dma source(%arg9 : memref<40x128xf32, #tpu.memory_space<vmem>>) target(%dma_start3A_110 : memref<10240x128xf32, #tpu.memory_space<vmem_shared>>) offsets(%dma_start3A_107 : memref<40xi32, #tpu.memory_space<vmem>>) semaphore(%arg16 : memref<!tpu.dma_semaphore, #tpu.memory_space<semaphore_mem>>) {add = true}
      %mul3A_111 = arith.constant 5 : i32
      %mul3A_112 = arith.muli %mul3A_111, %scan3A_59 : i32
      %add3A_113 = arith.constant 2 : i32
      %add3A_114 = arith.addi %mul3A_112, %add3A_113 : i32
      %ge3A_115 = arith.constant 2 : i32
      %ge3A_116 = arith.cmpi sge, %add3A_114, %ge3A_115 : i32
      %convert_element_type3A_117 = arith.extui %ge3A_116 : i1 to i32
      %cond3A_118 = arith.constant 0 : i32
      %cond3A_119 = arith.cmpi ne, %convert_element_type3A_117, %cond3A_118 : i32
      scf.if %cond3A_119 {
        %mul3A_196 = arith.constant 40 : i32
        %mul3A_197 = arith.muli %add3A_114, %mul3A_196 : i32
        %dma_wait3A_198 = tpu.memref_slice %arg7[%mul3A_197] : memref<10000xi32, #tpu.memory_space<vmem>> -> memref<40xi32, #tpu.memory_space<vmem>>
        %dma_wait3A_199 = arith.constant 0 : i32
        %dma_wait3A_200 = arith.constant 0 : i32
        %dma_wait3A_201 = tpu.memref_slice %arg14[%dma_wait3A_199, %dma_wait3A_200] : memref<10240x128xf32, #tpu.memory_space<vmem_shared>> -> memref<10240x128xf32, #tpu.memory_space<vmem_shared>>
        tpu.wait_indirect_dma semaphore(%arg16 : memref<!tpu.dma_semaphore, #tpu.memory_space<semaphore_mem>>) src(%arg8 : memref<40x128xf32, #tpu.memory_space<vmem>>) dst(%dma_wait3A_201 : memref<10240x128xf32, #tpu.memory_space<vmem_shared>>)
      } else {
      }
      %add3A_120 = arith.constant 3 : i32
      %add3A_121 = arith.addi %add3A_114, %add3A_120 : i32
      %lt3A_122 = arith.constant 250 : i32
      %lt3A_123 = arith.cmpi slt, %add3A_121, %lt3A_122 : i32
      %convert_element_type3A_124 = arith.extui %lt3A_123 : i1 to i32
      %cond3A_125 = arith.constant 0 : i32
      %cond3A_126 = arith.cmpi ne, %convert_element_type3A_124, %cond3A_125 : i32
      scf.if %cond3A_126 {
        %add3A_196 = arith.constant 3 : i32
        %add3A_197 = arith.addi %add3A_114, %add3A_196 : i32
        %mul3A_198 = arith.constant 40 : i32
        %mul3A_199 = arith.muli %add3A_197, %mul3A_198 : i32
        %dma_start3A_200 = tpu.memref_slice %arg6[%mul3A_199] : memref<10000xi32, #tpu.memory_space<vmem>> -> memref<40xi32, #tpu.memory_space<vmem>>
        %dma_start3A_201 = arith.constant 0 : i32
        %dma_start3A_202 = arith.constant 0 : i32
        %dma_start3A_203 = tpu.memref_slice %arg2[%dma_start3A_201, %dma_start3A_202] : memref<10000x128xf32, #tpu.memory_space<hbm>> -> memref<10000x128xf32, #tpu.memory_space<hbm>>
        tpu.enqueue_indirect_dma source(%dma_start3A_203 : memref<10000x128xf32, #tpu.memory_space<hbm>>) target(%arg8 : memref<40x128xf32, #tpu.memory_space<vmem>>) offsets(%dma_start3A_200 : memref<40xi32, #tpu.memory_space<vmem>>) semaphore(%arg15 : memref<!tpu.dma_semaphore, #tpu.memory_space<semaphore_mem>>)
      } else {
      }
      %mul3A_127 = arith.constant 40 : i32
      %mul3A_128 = arith.muli %add3A_114, %mul3A_127 : i32
      %dma_wait3A_129 = tpu.memref_slice %arg6[%mul3A_128] : memref<10000xi32, #tpu.memory_space<vmem>> -> memref<40xi32, #tpu.memory_space<vmem>>
      %dma_wait3A_130 = arith.constant 0 : i32
      %dma_wait3A_131 = arith.constant 0 : i32
      %dma_wait3A_132 = tpu.memref_slice %arg2[%dma_wait3A_130, %dma_wait3A_131] : memref<10000x128xf32, #tpu.memory_space<hbm>> -> memref<10000x128xf32, #tpu.memory_space<hbm>>
      tpu.wait_indirect_dma semaphore(%arg15 : memref<!tpu.dma_semaphore, #tpu.memory_space<semaphore_mem>>) src(%dma_wait3A_132 : memref<10000x128xf32, #tpu.memory_space<hbm>>) dst(%arg10 : memref<40x128xf32, #tpu.memory_space<vmem>>)
      %mul3A_133 = arith.constant 40 : i32
      %mul3A_134 = arith.muli %add3A_114, %mul3A_133 : i32
      %dma_start3A_135 = tpu.memref_slice %arg7[%mul3A_134] : memref<10000xi32, #tpu.memory_space<vmem>> -> memref<40xi32, #tpu.memory_space<vmem>>
      %dma_start3A_136 = arith.constant 0 : i32
      %dma_start3A_137 = arith.constant 0 : i32
      %dma_start3A_138 = tpu.memref_slice %arg14[%dma_start3A_136, %dma_start3A_137] : memref<10240x128xf32, #tpu.memory_space<vmem_shared>> -> memref<10240x128xf32, #tpu.memory_space<vmem_shared>>
      tpu.enqueue_indirect_dma source(%arg10 : memref<40x128xf32, #tpu.memory_space<vmem>>) target(%dma_start3A_138 : memref<10240x128xf32, #tpu.memory_space<vmem_shared>>) offsets(%dma_start3A_135 : memref<40xi32, #tpu.memory_space<vmem>>) semaphore(%arg16 : memref<!tpu.dma_semaphore, #tpu.memory_space<semaphore_mem>>) {add = true}
      %mul3A_139 = arith.constant 5 : i32
      %mul3A_140 = arith.muli %mul3A_139, %scan3A_59 : i32
      %add3A_141 = arith.constant 3 : i32
      %add3A_142 = arith.addi %mul3A_140, %add3A_141 : i32
      %ge3A_143 = arith.constant 2 : i32
      %ge3A_144 = arith.cmpi sge, %add3A_142, %ge3A_143 : i32
      %convert_element_type3A_145 = arith.extui %ge3A_144 : i1 to i32
      %cond3A_146 = arith.constant 0 : i32
      %cond3A_147 = arith.cmpi ne, %convert_element_type3A_145, %cond3A_146 : i32
      scf.if %cond3A_147 {
        %mul3A_196 = arith.constant 40 : i32
        %mul3A_197 = arith.muli %add3A_142, %mul3A_196 : i32
        %dma_wait3A_198 = tpu.memref_slice %arg7[%mul3A_197] : memref<10000xi32, #tpu.memory_space<vmem>> -> memref<40xi32, #tpu.memory_space<vmem>>
        %dma_wait3A_199 = arith.constant 0 : i32
        %dma_wait3A_200 = arith.constant 0 : i32
        %dma_wait3A_201 = tpu.memref_slice %arg14[%dma_wait3A_199, %dma_wait3A_200] : memref<10240x128xf32, #tpu.memory_space<vmem_shared>> -> memref<10240x128xf32, #tpu.memory_space<vmem_shared>>
        tpu.wait_indirect_dma semaphore(%arg16 : memref<!tpu.dma_semaphore, #tpu.memory_space<semaphore_mem>>) src(%arg9 : memref<40x128xf32, #tpu.memory_space<vmem>>) dst(%dma_wait3A_201 : memref<10240x128xf32, #tpu.memory_space<vmem_shared>>)
      } else {
      }
      %add3A_148 = arith.constant 3 : i32
      %add3A_149 = arith.addi %add3A_142, %add3A_148 : i32
      %lt3A_150 = arith.constant 250 : i32
      %lt3A_151 = arith.cmpi slt, %add3A_149, %lt3A_150 : i32
      %convert_element_type3A_152 = arith.extui %lt3A_151 : i1 to i32
      %cond3A_153 = arith.constant 0 : i32
      %cond3A_154 = arith.cmpi ne, %convert_element_type3A_152, %cond3A_153 : i32
      scf.if %cond3A_154 {
        %add3A_196 = arith.constant 3 : i32
        %add3A_197 = arith.addi %add3A_142, %add3A_196 : i32
        %mul3A_198 = arith.constant 40 : i32
        %mul3A_199 = arith.muli %add3A_197, %mul3A_198 : i32
        %dma_start3A_200 = tpu.memref_slice %arg6[%mul3A_199] : memref<10000xi32, #tpu.memory_space<vmem>> -> memref<40xi32, #tpu.memory_space<vmem>>
        %dma_start3A_201 = arith.constant 0 : i32
        %dma_start3A_202 = arith.constant 0 : i32
        %dma_start3A_203 = tpu.memref_slice %arg2[%dma_start3A_201, %dma_start3A_202] : memref<10000x128xf32, #tpu.memory_space<hbm>> -> memref<10000x128xf32, #tpu.memory_space<hbm>>
        tpu.enqueue_indirect_dma source(%dma_start3A_203 : memref<10000x128xf32, #tpu.memory_space<hbm>>) target(%arg9 : memref<40x128xf32, #tpu.memory_space<vmem>>) offsets(%dma_start3A_200 : memref<40xi32, #tpu.memory_space<vmem>>) semaphore(%arg15 : memref<!tpu.dma_semaphore, #tpu.memory_space<semaphore_mem>>)
      } else {
      }
      %mul3A_155 = arith.constant 40 : i32
      %mul3A_156 = arith.muli %add3A_142, %mul3A_155 : i32
      %dma_wait3A_157 = tpu.memref_slice %arg6[%mul3A_156] : memref<10000xi32, #tpu.memory_space<vmem>> -> memref<40xi32, #tpu.memory_space<vmem>>
      %dma_wait3A_158 = arith.constant 0 : i32
      %dma_wait3A_159 = arith.constant 0 : i32
      %dma_wait3A_160 = tpu.memref_slice %arg2[%dma_wait3A_158, %dma_wait3A_159] : memref<10000x128xf32, #tpu.memory_space<hbm>> -> memref<10000x128xf32, #tpu.memory_space<hbm>>
      tpu.wait_indirect_dma semaphore(%arg15 : memref<!tpu.dma_semaphore, #tpu.memory_space<semaphore_mem>>) src(%dma_wait3A_160 : memref<10000x128xf32, #tpu.memory_space<hbm>>) dst(%arg11 : memref<40x128xf32, #tpu.memory_space<vmem>>)
      %mul3A_161 = arith.constant 40 : i32
      %mul3A_162 = arith.muli %add3A_142, %mul3A_161 : i32
      %dma_start3A_163 = tpu.memref_slice %arg7[%mul3A_162] : memref<10000xi32, #tpu.memory_space<vmem>> -> memref<40xi32, #tpu.memory_space<vmem>>
      %dma_start3A_164 = arith.constant 0 : i32
      %dma_start3A_165 = arith.constant 0 : i32
      %dma_start3A_166 = tpu.memref_slice %arg14[%dma_start3A_164, %dma_start3A_165] : memref<10240x128xf32, #tpu.memory_space<vmem_shared>> -> memref<10240x128xf32, #tpu.memory_space<vmem_shared>>
      tpu.enqueue_indirect_dma source(%arg11 : memref<40x128xf32, #tpu.memory_space<vmem>>) target(%dma_start3A_166 : memref<10240x128xf32, #tpu.memory_space<vmem_shared>>) offsets(%dma_start3A_163 : memref<40xi32, #tpu.memory_space<vmem>>) semaphore(%arg16 : memref<!tpu.dma_semaphore, #tpu.memory_space<semaphore_mem>>) {add = true}
      %mul3A_167 = arith.constant 5 : i32
      %mul3A_168 = arith.muli %mul3A_167, %scan3A_59 : i32
      %add3A_169 = arith.constant 4 : i32
      %add3A_170 = arith.addi %mul3A_168, %add3A_169 : i32
      %ge3A_171 = arith.constant 2 : i32
      %ge3A_172 = arith.cmpi sge, %add3A_170, %ge3A_171 : i32
      %convert_element_type3A_173 = arith.extui %ge3A_172 : i1 to i32
      %cond3A_174 = arith.constant 0 : i32
      %cond3A_175 = arith.cmpi ne, %convert_element_type3A_173, %cond3A_174 : i32
      scf.if %cond3A_175 {
        %mul3A_196 = arith.constant 40 : i32
        %mul3A_197 = arith.muli %add3A_170, %mul3A_196 : i32
        %dma_wait3A_198 = tpu.memref_slice %arg7[%mul3A_197] : memref<10000xi32, #tpu.memory_space<vmem>> -> memref<40xi32, #tpu.memory_space<vmem>>
        %dma_wait3A_199 = arith.constant 0 : i32
        %dma_wait3A_200 = arith.constant 0 : i32
        %dma_wait3A_201 = tpu.memref_slice %arg14[%dma_wait3A_199, %dma_wait3A_200] : memref<10240x128xf32, #tpu.memory_space<vmem_shared>> -> memref<10240x128xf32, #tpu.memory_space<vmem_shared>>
        tpu.wait_indirect_dma semaphore(%arg16 : memref<!tpu.dma_semaphore, #tpu.memory_space<semaphore_mem>>) src(%arg10 : memref<40x128xf32, #tpu.memory_space<vmem>>) dst(%dma_wait3A_201 : memref<10240x128xf32, #tpu.memory_space<vmem_shared>>)
      } else {
      }
      %add3A_176 = arith.constant 3 : i32
      %add3A_177 = arith.addi %add3A_170, %add3A_176 : i32
      %lt3A_178 = arith.constant 250 : i32
      %lt3A_179 = arith.cmpi slt, %add3A_177, %lt3A_178 : i32
      %convert_element_type3A_180 = arith.extui %lt3A_179 : i1 to i32
      %cond3A_181 = arith.constant 0 : i32
      %cond3A_182 = arith.cmpi ne, %convert_element_type3A_180, %cond3A_181 : i32
      scf.if %cond3A_182 {
        %add3A_196 = arith.constant 3 : i32
        %add3A_197 = arith.addi %add3A_170, %add3A_196 : i32
        %mul3A_198 = arith.constant 40 : i32
        %mul3A_199 = arith.muli %add3A_197, %mul3A_198 : i32
        %dma_start3A_200 = tpu.memref_slice %arg6[%mul3A_199] : memref<10000xi32, #tpu.memory_space<vmem>> -> memref<40xi32, #tpu.memory_space<vmem>>
        %dma_start3A_201 = arith.constant 0 : i32
        %dma_start3A_202 = arith.constant 0 : i32
        %dma_start3A_203 = tpu.memref_slice %arg2[%dma_start3A_201, %dma_start3A_202] : memref<10000x128xf32, #tpu.memory_space<hbm>> -> memref<10000x128xf32, #tpu.memory_space<hbm>>
        tpu.enqueue_indirect_dma source(%dma_start3A_203 : memref<10000x128xf32, #tpu.memory_space<hbm>>) target(%arg10 : memref<40x128xf32, #tpu.memory_space<vmem>>) offsets(%dma_start3A_200 : memref<40xi32, #tpu.memory_space<vmem>>) semaphore(%arg15 : memref<!tpu.dma_semaphore, #tpu.memory_space<semaphore_mem>>)
      } else {
      }
      %mul3A_183 = arith.constant 40 : i32
      %mul3A_184 = arith.muli %add3A_170, %mul3A_183 : i32
      %dma_wait3A_185 = tpu.memref_slice %arg6[%mul3A_184] : memref<10000xi32, #tpu.memory_space<vmem>> -> memref<40xi32, #tpu.memory_space<vmem>>
      %dma_wait3A_186 = arith.constant 0 : i32
      %dma_wait3A_187 = arith.constant 0 : i32
      %dma_wait3A_188 = tpu.memref_slice %arg2[%dma_wait3A_186, %dma_wait3A_187] : memref<10000x128xf32, #tpu.memory_space<hbm>> -> memref<10000x128xf32, #tpu.memory_space<hbm>>
      tpu.wait_indirect_dma semaphore(%arg15 : memref<!tpu.dma_semaphore, #tpu.memory_space<semaphore_mem>>) src(%dma_wait3A_188 : memref<10000x128xf32, #tpu.memory_space<hbm>>) dst(%arg12 : memref<40x128xf32, #tpu.memory_space<vmem>>)
      %mul3A_189 = arith.constant 40 : i32
      %mul3A_190 = arith.muli %add3A_170, %mul3A_189 : i32
      %dma_start3A_191 = tpu.memref_slice %arg7[%mul3A_190] : memref<10000xi32, #tpu.memory_space<vmem>> -> memref<40xi32, #tpu.memory_space<vmem>>
      %dma_start3A_192 = arith.constant 0 : i32
      %dma_start3A_193 = arith.constant 0 : i32
      %dma_start3A_194 = tpu.memref_slice %arg14[%dma_start3A_192, %dma_start3A_193] : memref<10240x128xf32, #tpu.memory_space<vmem_shared>> -> memref<10240x128xf32, #tpu.memory_space<vmem_shared>>
      tpu.enqueue_indirect_dma source(%arg12 : memref<40x128xf32, #tpu.memory_space<vmem>>) target(%dma_start3A_194 : memref<10240x128xf32, #tpu.memory_space<vmem_shared>>) offsets(%dma_start3A_191 : memref<40xi32, #tpu.memory_space<vmem>>) semaphore(%arg16 : memref<!tpu.dma_semaphore, #tpu.memory_space<semaphore_mem>>) {add = true}
      %scan3A_195 = arith.constant 0 : i32
      scf.yield %scan3A_195 : i32
    }
    %scan3A_48 = arith.constant 50 : i32
    %dma_wait3A = arith.constant 0 : i32
    %dma_wait3A_49 = tpu.memref_slice %arg7[%dma_wait3A] : memref<10000xi32, #tpu.memory_space<vmem>> -> memref<40xi32, #tpu.memory_space<vmem>>
    %dma_wait3A_50 = arith.constant 0 : i32
    %dma_wait3A_51 = arith.constant 0 : i32
    %dma_wait3A_52 = tpu.memref_slice %arg14[%dma_wait3A_50, %dma_wait3A_51] : memref<10240x128xf32, #tpu.memory_space<vmem_shared>> -> memref<10240x128xf32, #tpu.memory_space<vmem_shared>>
    tpu.wait_indirect_dma semaphore(%arg16 : memref<!tpu.dma_semaphore, #tpu.memory_space<semaphore_mem>>) src(%arg8 : memref<40x128xf32, #tpu.memory_space<vmem>>) dst(%dma_wait3A_52 : memref<10240x128xf32, #tpu.memory_space<vmem_shared>>)
    %dma_wait3A_53 = arith.constant 0 : i32
    %dma_wait3A_54 = tpu.memref_slice %arg7[%dma_wait3A_53] : memref<10000xi32, #tpu.memory_space<vmem>> -> memref<40xi32, #tpu.memory_space<vmem>>
    %dma_wait3A_55 = arith.constant 0 : i32
    %dma_wait3A_56 = arith.constant 0 : i32
    %dma_wait3A_57 = tpu.memref_slice %arg14[%dma_wait3A_55, %dma_wait3A_56] : memref<10240x128xf32, #tpu.memory_space<vmem_shared>> -> memref<10240x128xf32, #tpu.memory_space<vmem_shared>>
    tpu.wait_indirect_dma semaphore(%arg16 : memref<!tpu.dma_semaphore, #tpu.memory_space<semaphore_mem>>) src(%arg8 : memref<40x128xf32, #tpu.memory_space<vmem>>) dst(%dma_wait3A_57 : memref<10240x128xf32, #tpu.memory_space<vmem_shared>>)
    %barrier3A_58 = arith.constant 0 : index
    tpu.barrier barrier_id(%barrier3A_58)
    "tpu.region"() ({
      %run_scoped3A = tpu.sem_alloc : memref<!tpu.dma_semaphore, #tpu.memory_space<semaphore_mem>>
      %dma_start3A_59 = arith.constant 0 : i32
      %dma_start3A_60 = tpu.memref_slice %arg5[%arg0, %mul3A_2, %dma_start3A_59] : memref<2x10240x128xf32, #tpu.memory_space<hbm>> -> memref<1x640x128xf32, #tpu.memory_space<hbm>>
      %dma_start3A_61 = tpu.memref_squeeze %dma_start3A_60 : memref<1x640x128xf32, #tpu.memory_space<hbm>> -> memref<640x128xf32, #tpu.memory_space<hbm>>
      %dma_start3A_62 = arith.constant 0 : i32
      %dma_start3A_63 = tpu.memref_slice %arg14[%mul3A_2, %dma_start3A_62] : memref<10240x128xf32, #tpu.memory_space<vmem_shared>> -> memref<640x128xf32, #tpu.memory_space<vmem_shared>>
      tpu.enqueue_dma source(%dma_start3A_63 : memref<640x128xf32, #tpu.memory_space<vmem_shared>>) target(%dma_start3A_61 : memref<640x128xf32, #tpu.memory_space<hbm>>) target_semaphore(%run_scoped3A : memref<!tpu.dma_semaphore, #tpu.memory_space<semaphore_mem>>)
      %dma_wait3A_64 = arith.constant 0 : i32
      %dma_wait3A_65 = tpu.memref_slice %arg5[%arg0, %mul3A_2, %dma_wait3A_64] : memref<2x10240x128xf32, #tpu.memory_space<hbm>> -> memref<1x640x128xf32, #tpu.memory_space<hbm>>
      %dma_wait3A_66 = tpu.memref_squeeze %dma_wait3A_65 : memref<1x640x128xf32, #tpu.memory_space<hbm>> -> memref<640x128xf32, #tpu.memory_space<hbm>>
      %dma_wait3A_67 = arith.constant 0 : i32
      %dma_wait3A_68 = tpu.memref_slice %arg14[%mul3A_2, %dma_wait3A_67] : memref<10240x128xf32, #tpu.memory_space<vmem_shared>> -> memref<640x128xf32, #tpu.memory_space<vmem_shared>>
      tpu.wait_dma2 semaphore(%run_scoped3A : memref<!tpu.dma_semaphore, #tpu.memory_space<semaphore_mem>>) src(%dma_wait3A_68 : memref<640x128xf32, #tpu.memory_space<vmem_shared>>) dst(%dma_wait3A_66 : memref<640x128xf32, #tpu.memory_space<hbm>>)
      tpu.yield
    }) : () -> ()
    return
  }
}

#map = affine_map<(d0, d1) -> (0)>
#map1 = affine_map<(d0, d1) -> (0, 0, 0)>
module attributes {stable_mosaic.version = 14 : i64} {
  func.func @body(%arg0: i32, %arg1: i32, %arg2: memref<320000xi32, #tpu.memory_space<hbm>>, %arg3: memref<2x10240x128xf32, #tpu.memory_space<hbm>>, %arg4: memref<10000xi32, #tpu.memory_space<vmem>>, %arg5: memref<40x128xf32, #tpu.memory_space<vmem>>, %arg6: memref<16x128xf32, #tpu.memory_space<vmem>>, %arg7: memref<10240x128xf32, #tpu.memory_space<vmem_shared>>, %arg8: memref<!tpu.dma_semaphore, #tpu.memory_space<semaphore_mem>>) attributes {dimension_semantics = [#tpu.dimension_semantics<core_parallel>, #tpu.dimension_semantics<subcore_parallel>], iteration_bounds = array<i64: 2, 16>, scalar_prefetch = 0 : i64, scratch_operands = 5 : i64, tpu.core_type = #tpu.core_type<sc_vector_subcore>, window_params = [{transform_indices = #map}, {transform_indices = #map1}]} {
    %mul3A = arith.constant 16 : i32
    %mul3A_0 = arith.muli %arg0, %mul3A : i32
    %add3A = arith.addi %mul3A_0, %arg1 : i32
    %mul3A_1 = arith.constant 640 : i32
    %mul3A_2 = arith.muli %arg1, %mul3A_1 : i32
    %mul3A_3 = arith.constant 10000 : i32
    %mul3A_4 = arith.muli %add3A, %mul3A_3 : i32
    "tpu.region"() ({
      %run_scoped3A = tpu.sem_alloc : memref<!tpu.dma_semaphore, #tpu.memory_space<semaphore_mem>>
      %dma_start3A = tpu.memref_slice %arg2[%mul3A_4] : memref<320000xi32, #tpu.memory_space<hbm>> -> memref<10000xi32, #tpu.memory_space<hbm>>
      %dma_start3A_62 = tpu.memref_slice %arg2[%mul3A_4] : memref<320000xi32, #tpu.memory_space<hbm>> -> memref<10000xi32, #tpu.memory_space<hbm>>
      tpu.enqueue_dma source(%dma_start3A_62 : memref<10000xi32, #tpu.memory_space<hbm>>) target(%arg4 : memref<10000xi32, #tpu.memory_space<vmem>>) target_semaphore(%run_scoped3A : memref<!tpu.dma_semaphore, #tpu.memory_space<semaphore_mem>>)
      %dma_wait3A_63 = tpu.memref_slice %arg2[%mul3A_4] : memref<320000xi32, #tpu.memory_space<hbm>> -> memref<10000xi32, #tpu.memory_space<hbm>>
      %dma_wait3A_64 = tpu.memref_slice %arg2[%mul3A_4] : memref<320000xi32, #tpu.memory_space<hbm>> -> memref<10000xi32, #tpu.memory_space<hbm>>
      tpu.wait_dma2 semaphore(%run_scoped3A : memref<!tpu.dma_semaphore, #tpu.memory_space<semaphore_mem>>) src(%dma_wait3A_64 : memref<10000xi32, #tpu.memory_space<hbm>>) dst(%arg4 : memref<10000xi32, #tpu.memory_space<vmem>>)
      tpu.yield
    }) : () -> ()
    %broadcast_in_dim3A = arith.constant 0.000000e+00 : f32
    %broadcast_in_dim3A_5 = vector.broadcast %broadcast_in_dim3A : f32 to vector<16xf32>
    %scan3A = arith.constant 0 : i32
    %scan3A_6 = arith.constant 0 : i32
    %scan3A_7 = arith.constant 16 : i32
    %scan3A_8 = arith.addi %scan3A_6, %scan3A_7 : i32
    %scan3A_9 = arith.constant 1 : i32
    %scan3A_10 = scf.for %scan3A_62 = %scan3A_6 to %scan3A_8 step %scan3A_9 iter_args(%scan3A_63 = %scan3A) -> (i32)  : i32 {
      %swap3A = arith.index_cast %scan3A_62 : i32 to index
      %swap3A_64 = arith.constant 0 : index
      %swap3A_65 = tpu.vector_load %arg6[%swap3A, %swap3A_64] {strides = array<i32>} : memref<16x128xf32, #tpu.memory_space<vmem>>, vector<1x16xf32>,
      %swap3A_66 = vector.shape_cast %swap3A_65 : vector<1x16xf32> to vector<16xf32>
      %swap3A_67 = vector.shape_cast %broadcast_in_dim3A_5 : vector<16xf32> to vector<1x16xf32>
      tpu.vector_store %arg6[%swap3A, %swap3A_64], %swap3A_67 {strides = array<i32>} : memref<16x128xf32, #tpu.memory_space<vmem>>, vector<1x16xf32>,
      %swap3A_68 = arith.index_cast %scan3A_62 : i32 to index
      %swap3A_69 = arith.constant 16 : index
      %swap3A_70 = tpu.vector_load %arg6[%swap3A_68, %swap3A_69] {strides = array<i32>} : memref<16x128xf32, #tpu.memory_space<vmem>>, vector<1x16xf32>,
      %swap3A_71 = vector.shape_cast %swap3A_70 : vector<1x16xf32> to vector<16xf32>
      %swap3A_72 = vector.shape_cast %broadcast_in_dim3A_5 : vector<16xf32> to vector<1x16xf32>
      tpu.vector_store %arg6[%swap3A_68, %swap3A_69], %swap3A_72 {strides = array<i32>} : memref<16x128xf32, #tpu.memory_space<vmem>>, vector<1x16xf32>,
      %swap3A_73 = arith.index_cast %scan3A_62 : i32 to index
      %swap3A_74 = arith.constant 32 : index
      %swap3A_75 = tpu.vector_load %arg6[%swap3A_73, %swap3A_74] {strides = array<i32>} : memref<16x128xf32, #tpu.memory_space<vmem>>, vector<1x16xf32>,
      %swap3A_76 = vector.shape_cast %swap3A_75 : vector<1x16xf32> to vector<16xf32>
      %swap3A_77 = vector.shape_cast %broadcast_in_dim3A_5 : vector<16xf32> to vector<1x16xf32>
      tpu.vector_store %arg6[%swap3A_73, %swap3A_74], %swap3A_77 {strides = array<i32>} : memref<16x128xf32, #tpu.memory_space<vmem>>, vector<1x16xf32>,
      %swap3A_78 = arith.index_cast %scan3A_62 : i32 to index
      %swap3A_79 = arith.constant 48 : index
      %swap3A_80 = tpu.vector_load %arg6[%swap3A_78, %swap3A_79] {strides = array<i32>} : memref<16x128xf32, #tpu.memory_space<vmem>>, vector<1x16xf32>,
      %swap3A_81 = vector.shape_cast %swap3A_80 : vector<1x16xf32> to vector<16xf32>
      %swap3A_82 = vector.shape_cast %broadcast_in_dim3A_5 : vector<16xf32> to vector<1x16xf32>
      tpu.vector_store %arg6[%swap3A_78, %swap3A_79], %swap3A_82 {strides = array<i32>} : memref<16x128xf32, #tpu.memory_space<vmem>>, vector<1x16xf32>,
      %swap3A_83 = arith.index_cast %scan3A_62 : i32 to index
      %swap3A_84 = arith.constant 64 : index
      %swap3A_85 = tpu.vector_load %arg6[%swap3A_83, %swap3A_84] {strides = array<i32>} : memref<16x128xf32, #tpu.memory_space<vmem>>, vector<1x16xf32>,
      %swap3A_86 = vector.shape_cast %swap3A_85 : vector<1x16xf32> to vector<16xf32>
      %swap3A_87 = vector.shape_cast %broadcast_in_dim3A_5 : vector<16xf32> to vector<1x16xf32>
      tpu.vector_store %arg6[%swap3A_83, %swap3A_84], %swap3A_87 {strides = array<i32>} : memref<16x128xf32, #tpu.memory_space<vmem>>, vector<1x16xf32>,
      %swap3A_88 = arith.index_cast %scan3A_62 : i32 to index
      %swap3A_89 = arith.constant 80 : index
      %swap3A_90 = tpu.vector_load %arg6[%swap3A_88, %swap3A_89] {strides = array<i32>} : memref<16x128xf32, #tpu.memory_space<vmem>>, vector<1x16xf32>,
      %swap3A_91 = vector.shape_cast %swap3A_90 : vector<1x16xf32> to vector<16xf32>
      %swap3A_92 = vector.shape_cast %broadcast_in_dim3A_5 : vector<16xf32> to vector<1x16xf32>
      tpu.vector_store %arg6[%swap3A_88, %swap3A_89], %swap3A_92 {strides = array<i32>} : memref<16x128xf32, #tpu.memory_space<vmem>>, vector<1x16xf32>,
      %swap3A_93 = arith.index_cast %scan3A_62 : i32 to index
      %swap3A_94 = arith.constant 96 : index
      %swap3A_95 = tpu.vector_load %arg6[%swap3A_93, %swap3A_94] {strides = array<i32>} : memref<16x128xf32, #tpu.memory_space<vmem>>, vector<1x16xf32>,
      %swap3A_96 = vector.shape_cast %swap3A_95 : vector<1x16xf32> to vector<16xf32>
      %swap3A_97 = vector.shape_cast %broadcast_in_dim3A_5 : vector<16xf32> to vector<1x16xf32>
      tpu.vector_store %arg6[%swap3A_93, %swap3A_94], %swap3A_97 {strides = array<i32>} : memref<16x128xf32, #tpu.memory_space<vmem>>, vector<1x16xf32>,
      %swap3A_98 = arith.index_cast %scan3A_62 : i32 to index
      %swap3A_99 = arith.constant 112 : index
      %swap3A_100 = tpu.vector_load %arg6[%swap3A_98, %swap3A_99] {strides = array<i32>} : memref<16x128xf32, #tpu.memory_space<vmem>>, vector<1x16xf32>,
      %swap3A_101 = vector.shape_cast %swap3A_100 : vector<1x16xf32> to vector<16xf32>
      %swap3A_102 = vector.shape_cast %broadcast_in_dim3A_5 : vector<16xf32> to vector<1x16xf32>
      tpu.vector_store %arg6[%swap3A_98, %swap3A_99], %swap3A_102 {strides = array<i32>} : memref<16x128xf32, #tpu.memory_space<vmem>>, vector<1x16xf32>,
      %scan3A_103 = arith.constant 0 : i32
      scf.yield %scan3A_103 : i32
    }
    %scan3A_11 = arith.constant 16 : i32
    %broadcast_in_dim3A_12 = arith.constant 1.000000e+00 : f32
    %broadcast_in_dim3A_13 = vector.broadcast %broadcast_in_dim3A_12 : f32 to vector<16xf32>
    %scan3A_14 = arith.constant 0 : i32
    %scan3A_15 = arith.constant 0 : i32
    %scan3A_16 = arith.constant 40 : i32
    %scan3A_17 = arith.addi %scan3A_15, %scan3A_16 : i32
    %scan3A_18 = arith.constant 1 : i32
    %scan3A_19 = scf.for %scan3A_62 = %scan3A_15 to %scan3A_17 step %scan3A_18 iter_args(%scan3A_63 = %scan3A_14) -> (i32)  : i32 {
      %swap3A = arith.index_cast %scan3A_62 : i32 to index
      %swap3A_64 = arith.constant 0 : index
      %swap3A_65 = tpu.vector_load %arg5[%swap3A, %swap3A_64] {strides = array<i32>} : memref<40x128xf32, #tpu.memory_space<vmem>>, vector<1x16xf32>,
      %swap3A_66 = vector.shape_cast %swap3A_65 : vector<1x16xf32> to vector<16xf32>
      %swap3A_67 = vector.shape_cast %broadcast_in_dim3A_13 : vector<16xf32> to vector<1x16xf32>
      tpu.vector_store %arg5[%swap3A, %swap3A_64], %swap3A_67 {strides = array<i32>} : memref<40x128xf32, #tpu.memory_space<vmem>>, vector<1x16xf32>,
      %swap3A_68 = arith.index_cast %scan3A_62 : i32 to index
      %swap3A_69 = arith.constant 16 : index
      %swap3A_70 = tpu.vector_load %arg5[%swap3A_68, %swap3A_69] {strides = array<i32>} : memref<40x128xf32, #tpu.memory_space<vmem>>, vector<1x16xf32>,
      %swap3A_71 = vector.shape_cast %swap3A_70 : vector<1x16xf32> to vector<16xf32>
      %swap3A_72 = vector.shape_cast %broadcast_in_dim3A_13 : vector<16xf32> to vector<1x16xf32>
      tpu.vector_store %arg5[%swap3A_68, %swap3A_69], %swap3A_72 {strides = array<i32>} : memref<40x128xf32, #tpu.memory_space<vmem>>, vector<1x16xf32>,
      %swap3A_73 = arith.index_cast %scan3A_62 : i32 to index
      %swap3A_74 = arith.constant 32 : index
      %swap3A_75 = tpu.vector_load %arg5[%swap3A_73, %swap3A_74] {strides = array<i32>} : memref<40x128xf32, #tpu.memory_space<vmem>>, vector<1x16xf32>,
      %swap3A_76 = vector.shape_cast %swap3A_75 : vector<1x16xf32> to vector<16xf32>
      %swap3A_77 = vector.shape_cast %broadcast_in_dim3A_13 : vector<16xf32> to vector<1x16xf32>
      tpu.vector_store %arg5[%swap3A_73, %swap3A_74], %swap3A_77 {strides = array<i32>} : memref<40x128xf32, #tpu.memory_space<vmem>>, vector<1x16xf32>,
      %swap3A_78 = arith.index_cast %scan3A_62 : i32 to index
      %swap3A_79 = arith.constant 48 : index
      %swap3A_80 = tpu.vector_load %arg5[%swap3A_78, %swap3A_79] {strides = array<i32>} : memref<40x128xf32, #tpu.memory_space<vmem>>, vector<1x16xf32>,
      %swap3A_81 = vector.shape_cast %swap3A_80 : vector<1x16xf32> to vector<16xf32>
      %swap3A_82 = vector.shape_cast %broadcast_in_dim3A_13 : vector<16xf32> to vector<1x16xf32>
      tpu.vector_store %arg5[%swap3A_78, %swap3A_79], %swap3A_82 {strides = array<i32>} : memref<40x128xf32, #tpu.memory_space<vmem>>, vector<1x16xf32>,
      %swap3A_83 = arith.index_cast %scan3A_62 : i32 to index
      %swap3A_84 = arith.constant 64 : index
      %swap3A_85 = tpu.vector_load %arg5[%swap3A_83, %swap3A_84] {strides = array<i32>} : memref<40x128xf32, #tpu.memory_space<vmem>>, vector<1x16xf32>,
      %swap3A_86 = vector.shape_cast %swap3A_85 : vector<1x16xf32> to vector<16xf32>
      %swap3A_87 = vector.shape_cast %broadcast_in_dim3A_13 : vector<16xf32> to vector<1x16xf32>
      tpu.vector_store %arg5[%swap3A_83, %swap3A_84], %swap3A_87 {strides = array<i32>} : memref<40x128xf32, #tpu.memory_space<vmem>>, vector<1x16xf32>,
      %swap3A_88 = arith.index_cast %scan3A_62 : i32 to index
      %swap3A_89 = arith.constant 80 : index
      %swap3A_90 = tpu.vector_load %arg5[%swap3A_88, %swap3A_89] {strides = array<i32>} : memref<40x128xf32, #tpu.memory_space<vmem>>, vector<1x16xf32>,
      %swap3A_91 = vector.shape_cast %swap3A_90 : vector<1x16xf32> to vector<16xf32>
      %swap3A_92 = vector.shape_cast %broadcast_in_dim3A_13 : vector<16xf32> to vector<1x16xf32>
      tpu.vector_store %arg5[%swap3A_88, %swap3A_89], %swap3A_92 {strides = array<i32>} : memref<40x128xf32, #tpu.memory_space<vmem>>, vector<1x16xf32>,
      %swap3A_93 = arith.index_cast %scan3A_62 : i32 to index
      %swap3A_94 = arith.constant 96 : index
      %swap3A_95 = tpu.vector_load %arg5[%swap3A_93, %swap3A_94] {strides = array<i32>} : memref<40x128xf32, #tpu.memory_space<vmem>>, vector<1x16xf32>,
      %swap3A_96 = vector.shape_cast %swap3A_95 : vector<1x16xf32> to vector<16xf32>
      %swap3A_97 = vector.shape_cast %broadcast_in_dim3A_13 : vector<16xf32> to vector<1x16xf32>
      tpu.vector_store %arg5[%swap3A_93, %swap3A_94], %swap3A_97 {strides = array<i32>} : memref<40x128xf32, #tpu.memory_space<vmem>>, vector<1x16xf32>,
      %swap3A_98 = arith.index_cast %scan3A_62 : i32 to index
      %swap3A_99 = arith.constant 112 : index
      %swap3A_100 = tpu.vector_load %arg5[%swap3A_98, %swap3A_99] {strides = array<i32>} : memref<40x128xf32, #tpu.memory_space<vmem>>, vector<1x16xf32>,
      %swap3A_101 = vector.shape_cast %swap3A_100 : vector<1x16xf32> to vector<16xf32>
      %swap3A_102 = vector.shape_cast %broadcast_in_dim3A_13 : vector<16xf32> to vector<1x16xf32>
      tpu.vector_store %arg5[%swap3A_98, %swap3A_99], %swap3A_102 {strides = array<i32>} : memref<40x128xf32, #tpu.memory_space<vmem>>, vector<1x16xf32>,
      %scan3A_103 = arith.constant 0 : i32
      scf.yield %scan3A_103 : i32
    }
    %scan3A_20 = arith.constant 40 : i32
    %scan3A_21 = arith.constant 0 : i32
    %scan3A_22 = arith.constant 0 : i32
    %scan3A_23 = arith.constant 40 : i32
    %scan3A_24 = arith.addi %scan3A_22, %scan3A_23 : i32
    %scan3A_25 = arith.constant 1 : i32
    %scan3A_26 = scf.for %scan3A_62 = %scan3A_22 to %scan3A_24 step %scan3A_25 iter_args(%scan3A_63 = %scan3A_21) -> (i32)  : i32 {
      %mul3A_64 = arith.constant 16 : i32
      %mul3A_65 = arith.muli %scan3A_62, %mul3A_64 : i32
      %add3A_66 = arith.addi %mul3A_2, %mul3A_65 : i32
      %dma_start3A = arith.constant 0 : i32
      %dma_start3A_67 = tpu.memref_slice %arg7[%add3A_66, %dma_start3A] : memref<10240x128xf32, #tpu.memory_space<vmem_shared>> -> memref<16x128xf32, #tpu.memory_space<vmem_shared>>
      %dma_start3A_68 = arith.constant 0 : i32
      %dma_start3A_69 = tpu.memref_slice %arg7[%add3A_66, %dma_start3A_68] : memref<10240x128xf32, #tpu.memory_space<vmem_shared>> -> memref<16x128xf32, #tpu.memory_space<vmem_shared>>
      tpu.enqueue_dma source(%arg6 : memref<16x128xf32, #tpu.memory_space<vmem>>) target(%dma_start3A_69 : memref<16x128xf32, #tpu.memory_space<vmem_shared>>) target_semaphore(%arg8 : memref<!tpu.dma_semaphore, #tpu.memory_space<semaphore_mem>>)
      %scan3A_70 = arith.constant 0 : i32
      scf.yield %scan3A_70 : i32
    }
    %scan3A_27 = arith.constant 40 : i32
    %scan3A_28 = arith.constant 0 : i32
    %scan3A_29 = arith.constant 0 : i32
    %scan3A_30 = arith.constant 40 : i32
    %scan3A_31 = arith.addi %scan3A_29, %scan3A_30 : i32
    %scan3A_32 = arith.constant 1 : i32
    %scan3A_33 = scf.for %scan3A_62 = %scan3A_29 to %scan3A_31 step %scan3A_32 iter_args(%scan3A_63 = %scan3A_28) -> (i32)  : i32 {
      %dma_wait3A_64 = arith.constant 0 : i32
      %dma_wait3A_65 = tpu.memref_slice %arg7[%mul3A_2, %dma_wait3A_64] : memref<10240x128xf32, #tpu.memory_space<vmem_shared>> -> memref<16x128xf32, #tpu.memory_space<vmem_shared>>
      %dma_wait3A_66 = arith.constant 0 : i32
      %dma_wait3A_67 = tpu.memref_slice %arg7[%mul3A_2, %dma_wait3A_66] : memref<10240x128xf32, #tpu.memory_space<vmem_shared>> -> memref<16x128xf32, #tpu.memory_space<vmem_shared>>
      tpu.wait_dma2 semaphore(%arg8 : memref<!tpu.dma_semaphore, #tpu.memory_space<semaphore_mem>>) src(%arg6 : memref<16x128xf32, #tpu.memory_space<vmem>>) dst(%dma_wait3A_67 : memref<16x128xf32, #tpu.memory_space<vmem_shared>>)
      %scan3A_68 = arith.constant 0 : i32
      scf.yield %scan3A_68 : i32
    }
    %scan3A_34 = arith.constant 40 : i32
    %barrier3A = arith.constant 0 : index
    tpu.barrier barrier_id(%barrier3A)
    %scan3A_35 = arith.constant 0 : i32
    %scan3A_36 = arith.constant 0 : i32
    %scan3A_37 = arith.constant 250 : i32
    %scan3A_38 = arith.addi %scan3A_36, %scan3A_37 : i32
    %scan3A_39 = arith.constant 1 : i32
    %scan3A_40 = scf.for %scan3A_62 = %scan3A_36 to %scan3A_38 step %scan3A_39 iter_args(%scan3A_63 = %scan3A_35) -> (i32)  : i32 {
      %ge3A = arith.constant 4 : i32
      %ge3A_64 = arith.cmpi sge, %scan3A_62, %ge3A : i32
      %convert_element_type3A = arith.extui %ge3A_64 : i1 to i32
      %cond3A = arith.constant 0 : i32
      %cond3A_65 = arith.cmpi ne, %convert_element_type3A, %cond3A : i32
      scf.if %cond3A_65 {
        %dma_wait3A_72 = arith.constant 0 : i32
        %dma_wait3A_73 = tpu.memref_slice %arg4[%dma_wait3A_72] : memref<10000xi32, #tpu.memory_space<vmem>> -> memref<40xi32, #tpu.memory_space<vmem>>
        %dma_wait3A_74 = arith.constant 0 : i32
        %dma_wait3A_75 = arith.constant 0 : i32
        %dma_wait3A_76 = tpu.memref_slice %arg7[%dma_wait3A_74, %dma_wait3A_75] : memref<10240x128xf32, #tpu.memory_space<vmem_shared>> -> memref<10240x128xf32, #tpu.memory_space<vmem_shared>>
        tpu.wait_indirect_dma semaphore(%arg8 : memref<!tpu.dma_semaphore, #tpu.memory_space<semaphore_mem>>) src(%arg5 : memref<40x128xf32, #tpu.memory_space<vmem>>) dst(%dma_wait3A_76 : memref<10240x128xf32, #tpu.memory_space<vmem_shared>>)
      } else {
      }
      %mul3A_66 = arith.constant 40 : i32
      %mul3A_67 = arith.muli %scan3A_62, %mul3A_66 : i32
      %dma_start3A = tpu.memref_slice %arg4[%mul3A_67] : memref<10000xi32, #tpu.memory_space<vmem>> -> memref<40xi32, #tpu.memory_space<vmem>>
      %dma_start3A_68 = arith.constant 0 : i32
      %dma_start3A_69 = arith.constant 0 : i32
      %dma_start3A_70 = tpu.memref_slice %arg7[%dma_start3A_68, %dma_start3A_69] : memref<10240x128xf32, #tpu.memory_space<vmem_shared>> -> memref<10240x128xf32, #tpu.memory_space<vmem_shared>>
      tpu.enqueue_indirect_dma source(%arg5 : memref<40x128xf32, #tpu.memory_space<vmem>>) target(%dma_start3A_70 : memref<10240x128xf32, #tpu.memory_space<vmem_shared>>) offsets(%dma_start3A : memref<40xi32, #tpu.memory_space<vmem>>) semaphore(%arg8 : memref<!tpu.dma_semaphore, #tpu.memory_space<semaphore_mem>>) {add = true}
      %scan3A_71 = arith.constant 0 : i32
      scf.yield %scan3A_71 : i32
    }
    %scan3A_41 = arith.constant 250 : i32
    %dma_wait3A = arith.constant 0 : i32
    %dma_wait3A_42 = tpu.memref_slice %arg4[%dma_wait3A] : memref<10000xi32, #tpu.memory_space<vmem>> -> memref<40xi32, #tpu.memory_space<vmem>>
    %dma_wait3A_43 = arith.constant 0 : i32
    %dma_wait3A_44 = arith.constant 0 : i32
    %dma_wait3A_45 = tpu.memref_slice %arg7[%dma_wait3A_43, %dma_wait3A_44] : memref<10240x128xf32, #tpu.memory_space<vmem_shared>> -> memref<10240x128xf32, #tpu.memory_space<vmem_shared>>
    tpu.wait_indirect_dma semaphore(%arg8 : memref<!tpu.dma_semaphore, #tpu.memory_space<semaphore_mem>>) src(%arg5 : memref<40x128xf32, #tpu.memory_space<vmem>>) dst(%dma_wait3A_45 : memref<10240x128xf32, #tpu.memory_space<vmem_shared>>)
    %dma_wait3A_46 = arith.constant 0 : i32
    %dma_wait3A_47 = tpu.memref_slice %arg4[%dma_wait3A_46] : memref<10000xi32, #tpu.memory_space<vmem>> -> memref<40xi32, #tpu.memory_space<vmem>>
    %dma_wait3A_48 = arith.constant 0 : i32
    %dma_wait3A_49 = arith.constant 0 : i32
    %dma_wait3A_50 = tpu.memref_slice %arg7[%dma_wait3A_48, %dma_wait3A_49] : memref<10240x128xf32, #tpu.memory_space<vmem_shared>> -> memref<10240x128xf32, #tpu.memory_space<vmem_shared>>
    tpu.wait_indirect_dma semaphore(%arg8 : memref<!tpu.dma_semaphore, #tpu.memory_space<semaphore_mem>>) src(%arg5 : memref<40x128xf32, #tpu.memory_space<vmem>>) dst(%dma_wait3A_50 : memref<10240x128xf32, #tpu.memory_space<vmem_shared>>)
    %dma_wait3A_51 = arith.constant 0 : i32
    %dma_wait3A_52 = tpu.memref_slice %arg4[%dma_wait3A_51] : memref<10000xi32, #tpu.memory_space<vmem>> -> memref<40xi32, #tpu.memory_space<vmem>>
    %dma_wait3A_53 = arith.constant 0 : i32
    %dma_wait3A_54 = arith.constant 0 : i32
    %dma_wait3A_55 = tpu.memref_slice %arg7[%dma_wait3A_53, %dma_wait3A_54] : memref<10240x128xf32, #tpu.memory_space<vmem_shared>> -> memref<10240x128xf32, #tpu.memory_space<vmem_shared>>
    tpu.wait_indirect_dma semaphore(%arg8 : memref<!tpu.dma_semaphore, #tpu.memory_space<semaphore_mem>>) src(%arg5 : memref<40x128xf32, #tpu.memory_space<vmem>>) dst(%dma_wait3A_55 : memref<10240x128xf32, #tpu.memory_space<vmem_shared>>)
    %dma_wait3A_56 = arith.constant 0 : i32
    %dma_wait3A_57 = tpu.memref_slice %arg4[%dma_wait3A_56] : memref<10000xi32, #tpu.memory_space<vmem>> -> memref<40xi32, #tpu.memory_space<vmem>>
    %dma_wait3A_58 = arith.constant 0 : i32
    %dma_wait3A_59 = arith.constant 0 : i32
    %dma_wait3A_60 = tpu.memref_slice %arg7[%dma_wait3A_58, %dma_wait3A_59] : memref<10240x128xf32, #tpu.memory_space<vmem_shared>> -> memref<10240x128xf32, #tpu.memory_space<vmem_shared>>
    tpu.wait_indirect_dma semaphore(%arg8 : memref<!tpu.dma_semaphore, #tpu.memory_space<semaphore_mem>>) src(%arg5 : memref<40x128xf32, #tpu.memory_space<vmem>>) dst(%dma_wait3A_60 : memref<10240x128xf32, #tpu.memory_space<vmem_shared>>)
    %barrier3A_61 = arith.constant 0 : index
    tpu.barrier barrier_id(%barrier3A_61)
    "tpu.region"() ({
      %run_scoped3A = tpu.sem_alloc : memref<!tpu.dma_semaphore, #tpu.memory_space<semaphore_mem>>
      %dma_start3A = arith.constant 0 : i32
      %dma_start3A_62 = tpu.memref_slice %arg3[%arg0, %mul3A_2, %dma_start3A] : memref<2x10240x128xf32, #tpu.memory_space<hbm>> -> memref<1x640x128xf32, #tpu.memory_space<hbm>>
      %dma_start3A_63 = tpu.memref_squeeze %dma_start3A_62 : memref<1x640x128xf32, #tpu.memory_space<hbm>> -> memref<640x128xf32, #tpu.memory_space<hbm>>
      %dma_start3A_64 = arith.constant 0 : i32
      %dma_start3A_65 = tpu.memref_slice %arg7[%mul3A_2, %dma_start3A_64] : memref<10240x128xf32, #tpu.memory_space<vmem_shared>> -> memref<640x128xf32, #tpu.memory_space<vmem_shared>>
      tpu.enqueue_dma source(%dma_start3A_65 : memref<640x128xf32, #tpu.memory_space<vmem_shared>>) target(%dma_start3A_63 : memref<640x128xf32, #tpu.memory_space<hbm>>) target_semaphore(%run_scoped3A : memref<!tpu.dma_semaphore, #tpu.memory_space<semaphore_mem>>)
      %dma_wait3A_66 = arith.constant 0 : i32
      %dma_wait3A_67 = tpu.memref_slice %arg3[%arg0, %mul3A_2, %dma_wait3A_66] : memref<2x10240x128xf32, #tpu.memory_space<hbm>> -> memref<1x640x128xf32, #tpu.memory_space<hbm>>
      %dma_wait3A_68 = tpu.memref_squeeze %dma_wait3A_67 : memref<1x640x128xf32, #tpu.memory_space<hbm>> -> memref<640x128xf32, #tpu.memory_space<hbm>>
      %dma_wait3A_69 = arith.constant 0 : i32
      %dma_wait3A_70 = tpu.memref_slice %arg7[%mul3A_2, %dma_wait3A_69] : memref<10240x128xf32, #tpu.memory_space<vmem_shared>> -> memref<640x128xf32, #tpu.memory_space<vmem_shared>>
      tpu.wait_dma2 semaphore(%run_scoped3A : memref<!tpu.dma_semaphore, #tpu.memory_space<semaphore_mem>>) src(%dma_wait3A_70 : memref<640x128xf32, #tpu.memory_space<vmem_shared>>) dst(%dma_wait3A_68 : memref<640x128xf32, #tpu.memory_space<hbm>>)
      tpu.yield
    }) : () -> ()
    return
  }
}

#map = affine_map<(d0, d1) -> (0, 0)>
#map1 = affine_map<(d0, d1) -> (0)>
#map2 = affine_map<(d0, d1) -> (0, 0, 0)>
module attributes {stable_mosaic.version = 14 : i64} {
  func.func @body(%arg0: i32, %arg1: i32, %arg2: memref<10000x128xf32, #tpu.memory_space<hbm>>, %arg3: memref<320000xi32, #tpu.memory_space<hbm>>, %arg4: memref<320000xi32, #tpu.memory_space<hbm>>, %arg5: memref<2x10240x128xf32, #tpu.memory_space<hbm>>, %arg6: memref<10000xi32, #tpu.memory_space<vmem>>, %arg7: memref<10000xi32, #tpu.memory_space<vmem>>, %arg8: memref<40x128xf32, #tpu.memory_space<vmem>>, %arg9: memref<40x128xf32, #tpu.memory_space<vmem>>, %arg10: memref<40x128xf32, #tpu.memory_space<vmem>>, %arg11: memref<40x128xf32, #tpu.memory_space<vmem>>, %arg12: memref<40x128xf32, #tpu.memory_space<vmem>>, %arg13: memref<16x128xf32, #tpu.memory_space<vmem>>, %arg14: memref<10240x128xf32, #tpu.memory_space<vmem_shared>>, %arg15: memref<!tpu.dma_semaphore, #tpu.memory_space<semaphore_mem>>, %arg16: memref<!tpu.dma_semaphore, #tpu.memory_space<semaphore_mem>>) attributes {dimension_semantics = [#tpu.dimension_semantics<core_parallel>, #tpu.dimension_semantics<subcore_parallel>], iteration_bounds = array<i64: 2, 16>, scalar_prefetch = 0 : i64, scratch_operands = 11 : i64, tpu.core_type = #tpu.core_type<sc_vector_subcore>, window_params = [{transform_indices = #map}, {transform_indices = #map1}, {transform_indices = #map1}, {transform_indices = #map2}]} {
    %mul3A = arith.constant 16 : i32
    %mul3A_0 = arith.muli %arg0, %mul3A : i32
    %add3A = arith.addi %mul3A_0, %arg1 : i32
    %mul3A_1 = arith.constant 640 : i32
    %mul3A_2 = arith.muli %arg1, %mul3A_1 : i32
    %mul3A_3 = arith.constant 10000 : i32
    %mul3A_4 = arith.muli %add3A, %mul3A_3 : i32
    "tpu.region"() ({
      %run_scoped3A = tpu.sem_alloc : memref<!tpu.dma_semaphore, #tpu.memory_space<semaphore_mem>>
      %dma_start3A_59 = tpu.memref_slice %arg3[%mul3A_4] : memref<320000xi32, #tpu.memory_space<hbm>> -> memref<10000xi32, #tpu.memory_space<hbm>>
      %dma_start3A_60 = tpu.memref_slice %arg3[%mul3A_4] : memref<320000xi32, #tpu.memory_space<hbm>> -> memref<10000xi32, #tpu.memory_space<hbm>>
      tpu.enqueue_dma source(%dma_start3A_60 : memref<10000xi32, #tpu.memory_space<hbm>>) target(%arg6 : memref<10000xi32, #tpu.memory_space<vmem>>) target_semaphore(%run_scoped3A : memref<!tpu.dma_semaphore, #tpu.memory_space<semaphore_mem>>)
      %dma_wait3A_61 = tpu.memref_slice %arg3[%mul3A_4] : memref<320000xi32, #tpu.memory_space<hbm>> -> memref<10000xi32, #tpu.memory_space<hbm>>
      %dma_wait3A_62 = tpu.memref_slice %arg3[%mul3A_4] : memref<320000xi32, #tpu.memory_space<hbm>> -> memref<10000xi32, #tpu.memory_space<hbm>>
      tpu.wait_dma2 semaphore(%run_scoped3A : memref<!tpu.dma_semaphore, #tpu.memory_space<semaphore_mem>>) src(%dma_wait3A_62 : memref<10000xi32, #tpu.memory_space<hbm>>) dst(%arg6 : memref<10000xi32, #tpu.memory_space<vmem>>)
      tpu.yield
    }) : () -> ()
    %mul3A_5 = arith.constant 10000 : i32
    %mul3A_6 = arith.muli %add3A, %mul3A_5 : i32
    "tpu.region"() ({
      %run_scoped3A = tpu.sem_alloc : memref<!tpu.dma_semaphore, #tpu.memory_space<semaphore_mem>>
      %dma_start3A_59 = tpu.memref_slice %arg4[%mul3A_6] : memref<320000xi32, #tpu.memory_space<hbm>> -> memref<10000xi32, #tpu.memory_space<hbm>>
      %dma_start3A_60 = tpu.memref_slice %arg4[%mul3A_6] : memref<320000xi32, #tpu.memory_space<hbm>> -> memref<10000xi32, #tpu.memory_space<hbm>>
      tpu.enqueue_dma source(%dma_start3A_60 : memref<10000xi32, #tpu.memory_space<hbm>>) target(%arg7 : memref<10000xi32, #tpu.memory_space<vmem>>) target_semaphore(%run_scoped3A : memref<!tpu.dma_semaphore, #tpu.memory_space<semaphore_mem>>)
      %dma_wait3A_61 = tpu.memref_slice %arg4[%mul3A_6] : memref<320000xi32, #tpu.memory_space<hbm>> -> memref<10000xi32, #tpu.memory_space<hbm>>
      %dma_wait3A_62 = tpu.memref_slice %arg4[%mul3A_6] : memref<320000xi32, #tpu.memory_space<hbm>> -> memref<10000xi32, #tpu.memory_space<hbm>>
      tpu.wait_dma2 semaphore(%run_scoped3A : memref<!tpu.dma_semaphore, #tpu.memory_space<semaphore_mem>>) src(%dma_wait3A_62 : memref<10000xi32, #tpu.memory_space<hbm>>) dst(%arg7 : memref<10000xi32, #tpu.memory_space<vmem>>)
      tpu.yield
    }) : () -> ()
    %broadcast_in_dim3A = arith.constant 0.000000e+00 : f32
    %broadcast_in_dim3A_7 = vector.broadcast %broadcast_in_dim3A : f32 to vector<16xf32>
    %scan3A = arith.constant 0 : i32
    %scan3A_8 = arith.constant 0 : i32
    %scan3A_9 = arith.constant 16 : i32
    %scan3A_10 = arith.addi %scan3A_8, %scan3A_9 : i32
    %scan3A_11 = arith.constant 1 : i32
    %scan3A_12 = scf.for %scan3A_59 = %scan3A_8 to %scan3A_10 step %scan3A_11 iter_args(%scan3A_60 = %scan3A) -> (i32)  : i32 {
      %swap3A = arith.index_cast %scan3A_59 : i32 to index
      %swap3A_61 = arith.constant 0 : index
      %swap3A_62 = tpu.vector_load %arg13[%swap3A, %swap3A_61] {strides = array<i32>} : memref<16x128xf32, #tpu.memory_space<vmem>>, vector<1x16xf32>,
      %swap3A_63 = vector.shape_cast %swap3A_62 : vector<1x16xf32> to vector<16xf32>
      %swap3A_64 = vector.shape_cast %broadcast_in_dim3A_7 : vector<16xf32> to vector<1x16xf32>
      tpu.vector_store %arg13[%swap3A, %swap3A_61], %swap3A_64 {strides = array<i32>} : memref<16x128xf32, #tpu.memory_space<vmem>>, vector<1x16xf32>,
      %swap3A_65 = arith.index_cast %scan3A_59 : i32 to index
      %swap3A_66 = arith.constant 16 : index
      %swap3A_67 = tpu.vector_load %arg13[%swap3A_65, %swap3A_66] {strides = array<i32>} : memref<16x128xf32, #tpu.memory_space<vmem>>, vector<1x16xf32>,
      %swap3A_68 = vector.shape_cast %swap3A_67 : vector<1x16xf32> to vector<16xf32>
      %swap3A_69 = vector.shape_cast %broadcast_in_dim3A_7 : vector<16xf32> to vector<1x16xf32>
      tpu.vector_store %arg13[%swap3A_65, %swap3A_66], %swap3A_69 {strides = array<i32>} : memref<16x128xf32, #tpu.memory_space<vmem>>, vector<1x16xf32>,
      %swap3A_70 = arith.index_cast %scan3A_59 : i32 to index
      %swap3A_71 = arith.constant 32 : index
      %swap3A_72 = tpu.vector_load %arg13[%swap3A_70, %swap3A_71] {strides = array<i32>} : memref<16x128xf32, #tpu.memory_space<vmem>>, vector<1x16xf32>,
      %swap3A_73 = vector.shape_cast %swap3A_72 : vector<1x16xf32> to vector<16xf32>
      %swap3A_74 = vector.shape_cast %broadcast_in_dim3A_7 : vector<16xf32> to vector<1x16xf32>
      tpu.vector_store %arg13[%swap3A_70, %swap3A_71], %swap3A_74 {strides = array<i32>} : memref<16x128xf32, #tpu.memory_space<vmem>>, vector<1x16xf32>,
      %swap3A_75 = arith.index_cast %scan3A_59 : i32 to index
      %swap3A_76 = arith.constant 48 : index
      %swap3A_77 = tpu.vector_load %arg13[%swap3A_75, %swap3A_76] {strides = array<i32>} : memref<16x128xf32, #tpu.memory_space<vmem>>, vector<1x16xf32>,
      %swap3A_78 = vector.shape_cast %swap3A_77 : vector<1x16xf32> to vector<16xf32>
      %swap3A_79 = vector.shape_cast %broadcast_in_dim3A_7 : vector<16xf32> to vector<1x16xf32>
      tpu.vector_store %arg13[%swap3A_75, %swap3A_76], %swap3A_79 {strides = array<i32>} : memref<16x128xf32, #tpu.memory_space<vmem>>, vector<1x16xf32>,
      %swap3A_80 = arith.index_cast %scan3A_59 : i32 to index
      %swap3A_81 = arith.constant 64 : index
      %swap3A_82 = tpu.vector_load %arg13[%swap3A_80, %swap3A_81] {strides = array<i32>} : memref<16x128xf32, #tpu.memory_space<vmem>>, vector<1x16xf32>,
      %swap3A_83 = vector.shape_cast %swap3A_82 : vector<1x16xf32> to vector<16xf32>
      %swap3A_84 = vector.shape_cast %broadcast_in_dim3A_7 : vector<16xf32> to vector<1x16xf32>
      tpu.vector_store %arg13[%swap3A_80, %swap3A_81], %swap3A_84 {strides = array<i32>} : memref<16x128xf32, #tpu.memory_space<vmem>>, vector<1x16xf32>,
      %swap3A_85 = arith.index_cast %scan3A_59 : i32 to index
      %swap3A_86 = arith.constant 80 : index
      %swap3A_87 = tpu.vector_load %arg13[%swap3A_85, %swap3A_86] {strides = array<i32>} : memref<16x128xf32, #tpu.memory_space<vmem>>, vector<1x16xf32>,
      %swap3A_88 = vector.shape_cast %swap3A_87 : vector<1x16xf32> to vector<16xf32>
      %swap3A_89 = vector.shape_cast %broadcast_in_dim3A_7 : vector<16xf32> to vector<1x16xf32>
      tpu.vector_store %arg13[%swap3A_85, %swap3A_86], %swap3A_89 {strides = array<i32>} : memref<16x128xf32, #tpu.memory_space<vmem>>, vector<1x16xf32>,
      %swap3A_90 = arith.index_cast %scan3A_59 : i32 to index
      %swap3A_91 = arith.constant 96 : index
      %swap3A_92 = tpu.vector_load %arg13[%swap3A_90, %swap3A_91] {strides = array<i32>} : memref<16x128xf32, #tpu.memory_space<vmem>>, vector<1x16xf32>,
      %swap3A_93 = vector.shape_cast %swap3A_92 : vector<1x16xf32> to vector<16xf32>
      %swap3A_94 = vector.shape_cast %broadcast_in_dim3A_7 : vector<16xf32> to vector<1x16xf32>
      tpu.vector_store %arg13[%swap3A_90, %swap3A_91], %swap3A_94 {strides = array<i32>} : memref<16x128xf32, #tpu.memory_space<vmem>>, vector<1x16xf32>,
      %swap3A_95 = arith.index_cast %scan3A_59 : i32 to index
      %swap3A_96 = arith.constant 112 : index
      %swap3A_97 = tpu.vector_load %arg13[%swap3A_95, %swap3A_96] {strides = array<i32>} : memref<16x128xf32, #tpu.memory_space<vmem>>, vector<1x16xf32>,
      %swap3A_98 = vector.shape_cast %swap3A_97 : vector<1x16xf32> to vector<16xf32>
      %swap3A_99 = vector.shape_cast %broadcast_in_dim3A_7 : vector<16xf32> to vector<1x16xf32>
      tpu.vector_store %arg13[%swap3A_95, %swap3A_96], %swap3A_99 {strides = array<i32>} : memref<16x128xf32, #tpu.memory_space<vmem>>, vector<1x16xf32>,
      %scan3A_100 = arith.constant 0 : i32
      scf.yield %scan3A_100 : i32
    }
    %scan3A_13 = arith.constant 16 : i32
    %scan3A_14 = arith.constant 0 : i32
    %scan3A_15 = arith.constant 0 : i32
    %scan3A_16 = arith.constant 40 : i32
    %scan3A_17 = arith.addi %scan3A_15, %scan3A_16 : i32
    %scan3A_18 = arith.constant 1 : i32
    %scan3A_19 = scf.for %scan3A_59 = %scan3A_15 to %scan3A_17 step %scan3A_18 iter_args(%scan3A_60 = %scan3A_14) -> (i32)  : i32 {
      %mul3A_61 = arith.constant 16 : i32
      %mul3A_62 = arith.muli %scan3A_59, %mul3A_61 : i32
      %add3A_63 = arith.addi %mul3A_2, %mul3A_62 : i32
      %dma_start3A_64 = arith.constant 0 : i32
      %dma_start3A_65 = tpu.memref_slice %arg14[%add3A_63, %dma_start3A_64] : memref<10240x128xf32, #tpu.memory_space<vmem_shared>> -> memref<16x128xf32, #tpu.memory_space<vmem_shared>>
      %dma_start3A_66 = arith.constant 0 : i32
      %dma_start3A_67 = tpu.memref_slice %arg14[%add3A_63, %dma_start3A_66] : memref<10240x128xf32, #tpu.memory_space<vmem_shared>> -> memref<16x128xf32, #tpu.memory_space<vmem_shared>>
      tpu.enqueue_dma source(%arg13 : memref<16x128xf32, #tpu.memory_space<vmem>>) target(%dma_start3A_67 : memref<16x128xf32, #tpu.memory_space<vmem_shared>>) target_semaphore(%arg15 : memref<!tpu.dma_semaphore, #tpu.memory_space<semaphore_mem>>)
      %scan3A_68 = arith.constant 0 : i32
      scf.yield %scan3A_68 : i32
    }
    %scan3A_20 = arith.constant 40 : i32
    %scan3A_21 = arith.constant 0 : i32
    %scan3A_22 = arith.constant 0 : i32
    %scan3A_23 = arith.constant 40 : i32
    %scan3A_24 = arith.addi %scan3A_22, %scan3A_23 : i32
    %scan3A_25 = arith.constant 1 : i32
    %scan3A_26 = scf.for %scan3A_59 = %scan3A_22 to %scan3A_24 step %scan3A_25 iter_args(%scan3A_60 = %scan3A_21) -> (i32)  : i32 {
      %dma_wait3A_61 = arith.constant 0 : i32
      %dma_wait3A_62 = tpu.memref_slice %arg14[%mul3A_2, %dma_wait3A_61] : memref<10240x128xf32, #tpu.memory_space<vmem_shared>> -> memref<16x128xf32, #tpu.memory_space<vmem_shared>>
      %dma_wait3A_63 = arith.constant 0 : i32
      %dma_wait3A_64 = tpu.memref_slice %arg14[%mul3A_2, %dma_wait3A_63] : memref<10240x128xf32, #tpu.memory_space<vmem_shared>> -> memref<16x128xf32, #tpu.memory_space<vmem_shared>>
      tpu.wait_dma2 semaphore(%arg15 : memref<!tpu.dma_semaphore, #tpu.memory_space<semaphore_mem>>) src(%arg13 : memref<16x128xf32, #tpu.memory_space<vmem>>) dst(%dma_wait3A_64 : memref<16x128xf32, #tpu.memory_space<vmem_shared>>)
      %scan3A_65 = arith.constant 0 : i32
      scf.yield %scan3A_65 : i32
    }
    %scan3A_27 = arith.constant 40 : i32
    %barrier3A = arith.constant 0 : index
    tpu.barrier barrier_id(%barrier3A)
    %dma_start3A = arith.constant 0 : i32
    %dma_start3A_28 = tpu.memref_slice %arg6[%dma_start3A] : memref<10000xi32, #tpu.memory_space<vmem>> -> memref<40xi32, #tpu.memory_space<vmem>>
    %dma_start3A_29 = arith.constant 0 : i32
    %dma_start3A_30 = arith.constant 0 : i32
    %dma_start3A_31 = tpu.memref_slice %arg2[%dma_start3A_29, %dma_start3A_30] : memref<10000x128xf32, #tpu.memory_space<hbm>> -> memref<10000x128xf32, #tpu.memory_space<hbm>>
    tpu.enqueue_indirect_dma source(%dma_start3A_31 : memref<10000x128xf32, #tpu.memory_space<hbm>>) target(%arg8 : memref<40x128xf32, #tpu.memory_space<vmem>>) offsets(%dma_start3A_28 : memref<40xi32, #tpu.memory_space<vmem>>) semaphore(%arg15 : memref<!tpu.dma_semaphore, #tpu.memory_space<semaphore_mem>>)
    %dma_start3A_32 = arith.constant 40 : i32
    %dma_start3A_33 = tpu.memref_slice %arg6[%dma_start3A_32] : memref<10000xi32, #tpu.memory_space<vmem>> -> memref<40xi32, #tpu.memory_space<vmem>>
    %dma_start3A_34 = arith.constant 0 : i32
    %dma_start3A_35 = arith.constant 0 : i32
    %dma_start3A_36 = tpu.memref_slice %arg2[%dma_start3A_34, %dma_start3A_35] : memref<10000x128xf32, #tpu.memory_space<hbm>> -> memref<10000x128xf32, #tpu.memory_space<hbm>>
    tpu.enqueue_indirect_dma source(%dma_start3A_36 : memref<10000x128xf32, #tpu.memory_space<hbm>>) target(%arg9 : memref<40x128xf32, #tpu.memory_space<vmem>>) offsets(%dma_start3A_33 : memref<40xi32, #tpu.memory_space<vmem>>) semaphore(%arg15 : memref<!tpu.dma_semaphore, #tpu.memory_space<semaphore_mem>>)
    %dma_start3A_37 = arith.constant 80 : i32
    %dma_start3A_38 = tpu.memref_slice %arg6[%dma_start3A_37] : memref<10000xi32, #tpu.memory_space<vmem>> -> memref<40xi32, #tpu.memory_space<vmem>>
    %dma_start3A_39 = arith.constant 0 : i32
    %dma_start3A_40 = arith.constant 0 : i32
    %dma_start3A_41 = tpu.memref_slice %arg2[%dma_start3A_39, %dma_start3A_40] : memref<10000x128xf32, #tpu.memory_space<hbm>> -> memref<10000x128xf32, #tpu.memory_space<hbm>>
    tpu.enqueue_indirect_dma source(%dma_start3A_41 : memref<10000x128xf32, #tpu.memory_space<hbm>>) target(%arg10 : memref<40x128xf32, #tpu.memory_space<vmem>>) offsets(%dma_start3A_38 : memref<40xi32, #tpu.memory_space<vmem>>) semaphore(%arg15 : memref<!tpu.dma_semaphore, #tpu.memory_space<semaphore_mem>>)
    %scan3A_42 = arith.constant 0 : i32
    %scan3A_43 = arith.constant 0 : i32
    %scan3A_44 = arith.constant 50 : i32
    %scan3A_45 = arith.addi %scan3A_43, %scan3A_44 : i32
    %scan3A_46 = arith.constant 1 : i32
    %scan3A_47 = scf.for %scan3A_59 = %scan3A_43 to %scan3A_45 step %scan3A_46 iter_args(%scan3A_60 = %scan3A_42) -> (i32)  : i32 {
      %mul3A_61 = arith.constant 5 : i32
      %mul3A_62 = arith.muli %mul3A_61, %scan3A_59 : i32
      %ge3A = arith.constant 2 : i32
      %ge3A_63 = arith.cmpi sge, %mul3A_62, %ge3A : i32
      %convert_element_type3A = arith.extui %ge3A_63 : i1 to i32
      %cond3A = arith.constant 0 : i32
      %cond3A_64 = arith.cmpi ne, %convert_element_type3A, %cond3A : i32
      scf.if %cond3A_64 {
        %mul3A_196 = arith.constant 40 : i32
        %mul3A_197 = arith.muli %mul3A_62, %mul3A_196 : i32
        %dma_wait3A_198 = tpu.memref_slice %arg7[%mul3A_197] : memref<10000xi32, #tpu.memory_space<vmem>> -> memref<40xi32, #tpu.memory_space<vmem>>
        %dma_wait3A_199 = arith.constant 0 : i32
        %dma_wait3A_200 = arith.constant 0 : i32
        %dma_wait3A_201 = tpu.memref_slice %arg14[%dma_wait3A_199, %dma_wait3A_200] : memref<10240x128xf32, #tpu.memory_space<vmem_shared>> -> memref<10240x128xf32, #tpu.memory_space<vmem_shared>>
        tpu.wait_indirect_dma semaphore(%arg16 : memref<!tpu.dma_semaphore, #tpu.memory_space<semaphore_mem>>) src(%arg11 : memref<40x128xf32, #tpu.memory_space<vmem>>) dst(%dma_wait3A_201 : memref<10240x128xf32, #tpu.memory_space<vmem_shared>>)
      } else {
      }
      %add3A_65 = arith.constant 3 : i32
      %add3A_66 = arith.addi %mul3A_62, %add3A_65 : i32
      %lt3A = arith.constant 250 : i32
      %lt3A_67 = arith.cmpi slt, %add3A_66, %lt3A : i32
      %convert_element_type3A_68 = arith.extui %lt3A_67 : i1 to i32
      %cond3A_69 = arith.constant 0 : i32
      %cond3A_70 = arith.cmpi ne, %convert_element_type3A_68, %cond3A_69 : i32
      scf.if %cond3A_70 {
        %add3A_196 = arith.constant 3 : i32
        %add3A_197 = arith.addi %mul3A_62, %add3A_196 : i32
        %mul3A_198 = arith.constant 40 : i32
        %mul3A_199 = arith.muli %add3A_197, %mul3A_198 : i32
        %dma_start3A_200 = tpu.memref_slice %arg6[%mul3A_199] : memref<10000xi32, #tpu.memory_space<vmem>> -> memref<40xi32, #tpu.memory_space<vmem>>
        %dma_start3A_201 = arith.constant 0 : i32
        %dma_start3A_202 = arith.constant 0 : i32
        %dma_start3A_203 = tpu.memref_slice %arg2[%dma_start3A_201, %dma_start3A_202] : memref<10000x128xf32, #tpu.memory_space<hbm>> -> memref<10000x128xf32, #tpu.memory_space<hbm>>
        tpu.enqueue_indirect_dma source(%dma_start3A_203 : memref<10000x128xf32, #tpu.memory_space<hbm>>) target(%arg11 : memref<40x128xf32, #tpu.memory_space<vmem>>) offsets(%dma_start3A_200 : memref<40xi32, #tpu.memory_space<vmem>>) semaphore(%arg15 : memref<!tpu.dma_semaphore, #tpu.memory_space<semaphore_mem>>)
      } else {
      }
      %mul3A_71 = arith.constant 40 : i32
      %mul3A_72 = arith.muli %mul3A_62, %mul3A_71 : i32
      %dma_wait3A_73 = tpu.memref_slice %arg6[%mul3A_72] : memref<10000xi32, #tpu.memory_space<vmem>> -> memref<40xi32, #tpu.memory_space<vmem>>
      %dma_wait3A_74 = arith.constant 0 : i32
      %dma_wait3A_75 = arith.constant 0 : i32
      %dma_wait3A_76 = tpu.memref_slice %arg2[%dma_wait3A_74, %dma_wait3A_75] : memref<10000x128xf32, #tpu.memory_space<hbm>> -> memref<10000x128xf32, #tpu.memory_space<hbm>>
      tpu.wait_indirect_dma semaphore(%arg15 : memref<!tpu.dma_semaphore, #tpu.memory_space<semaphore_mem>>) src(%dma_wait3A_76 : memref<10000x128xf32, #tpu.memory_space<hbm>>) dst(%arg8 : memref<40x128xf32, #tpu.memory_space<vmem>>)
      %mul3A_77 = arith.constant 40 : i32
      %mul3A_78 = arith.muli %mul3A_62, %mul3A_77 : i32
      %dma_start3A_79 = tpu.memref_slice %arg7[%mul3A_78] : memref<10000xi32, #tpu.memory_space<vmem>> -> memref<40xi32, #tpu.memory_space<vmem>>
      %dma_start3A_80 = arith.constant 0 : i32
      %dma_start3A_81 = arith.constant 0 : i32
      %dma_start3A_82 = tpu.memref_slice %arg14[%dma_start3A_80, %dma_start3A_81] : memref<10240x128xf32, #tpu.memory_space<vmem_shared>> -> memref<10240x128xf32, #tpu.memory_space<vmem_shared>>
      tpu.enqueue_indirect_dma source(%arg8 : memref<40x128xf32, #tpu.memory_space<vmem>>) target(%dma_start3A_82 : memref<10240x128xf32, #tpu.memory_space<vmem_shared>>) offsets(%dma_start3A_79 : memref<40xi32, #tpu.memory_space<vmem>>) semaphore(%arg16 : memref<!tpu.dma_semaphore, #tpu.memory_space<semaphore_mem>>) {add = true}
      %mul3A_83 = arith.constant 5 : i32
      %mul3A_84 = arith.muli %mul3A_83, %scan3A_59 : i32
      %add3A_85 = arith.constant 1 : i32
      %add3A_86 = arith.addi %mul3A_84, %add3A_85 : i32
      %ge3A_87 = arith.constant 2 : i32
      %ge3A_88 = arith.cmpi sge, %add3A_86, %ge3A_87 : i32
      %convert_element_type3A_89 = arith.extui %ge3A_88 : i1 to i32
      %cond3A_90 = arith.constant 0 : i32
      %cond3A_91 = arith.cmpi ne, %convert_element_type3A_89, %cond3A_90 : i32
      scf.if %cond3A_91 {
        %mul3A_196 = arith.constant 40 : i32
        %mul3A_197 = arith.muli %add3A_86, %mul3A_196 : i32
        %dma_wait3A_198 = tpu.memref_slice %arg7[%mul3A_197] : memref<10000xi32, #tpu.memory_space<vmem>> -> memref<40xi32, #tpu.memory_space<vmem>>
        %dma_wait3A_199 = arith.constant 0 : i32
        %dma_wait3A_200 = arith.constant 0 : i32
        %dma_wait3A_201 = tpu.memref_slice %arg14[%dma_wait3A_199, %dma_wait3A_200] : memref<10240x128xf32, #tpu.memory_space<vmem_shared>> -> memref<10240x128xf32, #tpu.memory_space<vmem_shared>>
        tpu.wait_indirect_dma semaphore(%arg16 : memref<!tpu.dma_semaphore, #tpu.memory_space<semaphore_mem>>) src(%arg12 : memref<40x128xf32, #tpu.memory_space<vmem>>) dst(%dma_wait3A_201 : memref<10240x128xf32, #tpu.memory_space<vmem_shared>>)
      } else {
      }
      %add3A_92 = arith.constant 3 : i32
      %add3A_93 = arith.addi %add3A_86, %add3A_92 : i32
      %lt3A_94 = arith.constant 250 : i32
      %lt3A_95 = arith.cmpi slt, %add3A_93, %lt3A_94 : i32
      %convert_element_type3A_96 = arith.extui %lt3A_95 : i1 to i32
      %cond3A_97 = arith.constant 0 : i32
      %cond3A_98 = arith.cmpi ne, %convert_element_type3A_96, %cond3A_97 : i32
      scf.if %cond3A_98 {
        %add3A_196 = arith.constant 3 : i32
        %add3A_197 = arith.addi %add3A_86, %add3A_196 : i32
        %mul3A_198 = arith.constant 40 : i32
        %mul3A_199 = arith.muli %add3A_197, %mul3A_198 : i32
        %dma_start3A_200 = tpu.memref_slice %arg6[%mul3A_199] : memref<10000xi32, #tpu.memory_space<vmem>> -> memref<40xi32, #tpu.memory_space<vmem>>
        %dma_start3A_201 = arith.constant 0 : i32
        %dma_start3A_202 = arith.constant 0 : i32
        %dma_start3A_203 = tpu.memref_slice %arg2[%dma_start3A_201, %dma_start3A_202] : memref<10000x128xf32, #tpu.memory_space<hbm>> -> memref<10000x128xf32, #tpu.memory_space<hbm>>
        tpu.enqueue_indirect_dma source(%dma_start3A_203 : memref<10000x128xf32, #tpu.memory_space<hbm>>) target(%arg12 : memref<40x128xf32, #tpu.memory_space<vmem>>) offsets(%dma_start3A_200 : memref<40xi32, #tpu.memory_space<vmem>>) semaphore(%arg15 : memref<!tpu.dma_semaphore, #tpu.memory_space<semaphore_mem>>)
      } else {
      }
      %mul3A_99 = arith.constant 40 : i32
      %mul3A_100 = arith.muli %add3A_86, %mul3A_99 : i32
      %dma_wait3A_101 = tpu.memref_slice %arg6[%mul3A_100] : memref<10000xi32, #tpu.memory_space<vmem>> -> memref<40xi32, #tpu.memory_space<vmem>>
      %dma_wait3A_102 = arith.constant 0 : i32
      %dma_wait3A_103 = arith.constant 0 : i32
      %dma_wait3A_104 = tpu.memref_slice %arg2[%dma_wait3A_102, %dma_wait3A_103] : memref<10000x128xf32, #tpu.memory_space<hbm>> -> memref<10000x128xf32, #tpu.memory_space<hbm>>
      tpu.wait_indirect_dma semaphore(%arg15 : memref<!tpu.dma_semaphore, #tpu.memory_space<semaphore_mem>>) src(%dma_wait3A_104 : memref<10000x128xf32, #tpu.memory_space<hbm>>) dst(%arg9 : memref<40x128xf32, #tpu.memory_space<vmem>>)
      %mul3A_105 = arith.constant 40 : i32
      %mul3A_106 = arith.muli %add3A_86, %mul3A_105 : i32
      %dma_start3A_107 = tpu.memref_slice %arg7[%mul3A_106] : memref<10000xi32, #tpu.memory_space<vmem>> -> memref<40xi32, #tpu.memory_space<vmem>>
      %dma_start3A_108 = arith.constant 0 : i32
      %dma_start3A_109 = arith.constant 0 : i32
      %dma_start3A_110 = tpu.memref_slice %arg14[%dma_start3A_108, %dma_start3A_109] : memref<10240x128xf32, #tpu.memory_space<vmem_shared>> -> memref<10240x128xf32, #tpu.memory_space<vmem_shared>>
      tpu.enqueue_indirect_dma source(%arg9 : memref<40x128xf32, #tpu.memory_space<vmem>>) target(%dma_start3A_110 : memref<10240x128xf32, #tpu.memory_space<vmem_shared>>) offsets(%dma_start3A_107 : memref<40xi32, #tpu.memory_space<vmem>>) semaphore(%arg16 : memref<!tpu.dma_semaphore, #tpu.memory_space<semaphore_mem>>) {add = true}
      %mul3A_111 = arith.constant 5 : i32
      %mul3A_112 = arith.muli %mul3A_111, %scan3A_59 : i32
      %add3A_113 = arith.constant 2 : i32
      %add3A_114 = arith.addi %mul3A_112, %add3A_113 : i32
      %ge3A_115 = arith.constant 2 : i32
      %ge3A_116 = arith.cmpi sge, %add3A_114, %ge3A_115 : i32
      %convert_element_type3A_117 = arith.extui %ge3A_116 : i1 to i32
      %cond3A_118 = arith.constant 0 : i32
      %cond3A_119 = arith.cmpi ne, %convert_element_type3A_117, %cond3A_118 : i32
      scf.if %cond3A_119 {
        %mul3A_196 = arith.constant 40 : i32
        %mul3A_197 = arith.muli %add3A_114, %mul3A_196 : i32
        %dma_wait3A_198 = tpu.memref_slice %arg7[%mul3A_197] : memref<10000xi32, #tpu.memory_space<vmem>> -> memref<40xi32, #tpu.memory_space<vmem>>
        %dma_wait3A_199 = arith.constant 0 : i32
        %dma_wait3A_200 = arith.constant 0 : i32
        %dma_wait3A_201 = tpu.memref_slice %arg14[%dma_wait3A_199, %dma_wait3A_200] : memref<10240x128xf32, #tpu.memory_space<vmem_shared>> -> memref<10240x128xf32, #tpu.memory_space<vmem_shared>>
        tpu.wait_indirect_dma semaphore(%arg16 : memref<!tpu.dma_semaphore, #tpu.memory_space<semaphore_mem>>) src(%arg8 : memref<40x128xf32, #tpu.memory_space<vmem>>) dst(%dma_wait3A_201 : memref<10240x128xf32, #tpu.memory_space<vmem_shared>>)
      } else {
      }
      %add3A_120 = arith.constant 3 : i32
      %add3A_121 = arith.addi %add3A_114, %add3A_120 : i32
      %lt3A_122 = arith.constant 250 : i32
      %lt3A_123 = arith.cmpi slt, %add3A_121, %lt3A_122 : i32
      %convert_element_type3A_124 = arith.extui %lt3A_123 : i1 to i32
      %cond3A_125 = arith.constant 0 : i32
      %cond3A_126 = arith.cmpi ne, %convert_element_type3A_124, %cond3A_125 : i32
      scf.if %cond3A_126 {
        %add3A_196 = arith.constant 3 : i32
        %add3A_197 = arith.addi %add3A_114, %add3A_196 : i32
        %mul3A_198 = arith.constant 40 : i32
        %mul3A_199 = arith.muli %add3A_197, %mul3A_198 : i32
        %dma_start3A_200 = tpu.memref_slice %arg6[%mul3A_199] : memref<10000xi32, #tpu.memory_space<vmem>> -> memref<40xi32, #tpu.memory_space<vmem>>
        %dma_start3A_201 = arith.constant 0 : i32
        %dma_start3A_202 = arith.constant 0 : i32
        %dma_start3A_203 = tpu.memref_slice %arg2[%dma_start3A_201, %dma_start3A_202] : memref<10000x128xf32, #tpu.memory_space<hbm>> -> memref<10000x128xf32, #tpu.memory_space<hbm>>
        tpu.enqueue_indirect_dma source(%dma_start3A_203 : memref<10000x128xf32, #tpu.memory_space<hbm>>) target(%arg8 : memref<40x128xf32, #tpu.memory_space<vmem>>) offsets(%dma_start3A_200 : memref<40xi32, #tpu.memory_space<vmem>>) semaphore(%arg15 : memref<!tpu.dma_semaphore, #tpu.memory_space<semaphore_mem>>)
      } else {
      }
      %mul3A_127 = arith.constant 40 : i32
      %mul3A_128 = arith.muli %add3A_114, %mul3A_127 : i32
      %dma_wait3A_129 = tpu.memref_slice %arg6[%mul3A_128] : memref<10000xi32, #tpu.memory_space<vmem>> -> memref<40xi32, #tpu.memory_space<vmem>>
      %dma_wait3A_130 = arith.constant 0 : i32
      %dma_wait3A_131 = arith.constant 0 : i32
      %dma_wait3A_132 = tpu.memref_slice %arg2[%dma_wait3A_130, %dma_wait3A_131] : memref<10000x128xf32, #tpu.memory_space<hbm>> -> memref<10000x128xf32, #tpu.memory_space<hbm>>
      tpu.wait_indirect_dma semaphore(%arg15 : memref<!tpu.dma_semaphore, #tpu.memory_space<semaphore_mem>>) src(%dma_wait3A_132 : memref<10000x128xf32, #tpu.memory_space<hbm>>) dst(%arg10 : memref<40x128xf32, #tpu.memory_space<vmem>>)
      %mul3A_133 = arith.constant 40 : i32
      %mul3A_134 = arith.muli %add3A_114, %mul3A_133 : i32
      %dma_start3A_135 = tpu.memref_slice %arg7[%mul3A_134] : memref<10000xi32, #tpu.memory_space<vmem>> -> memref<40xi32, #tpu.memory_space<vmem>>
      %dma_start3A_136 = arith.constant 0 : i32
      %dma_start3A_137 = arith.constant 0 : i32
      %dma_start3A_138 = tpu.memref_slice %arg14[%dma_start3A_136, %dma_start3A_137] : memref<10240x128xf32, #tpu.memory_space<vmem_shared>> -> memref<10240x128xf32, #tpu.memory_space<vmem_shared>>
      tpu.enqueue_indirect_dma source(%arg10 : memref<40x128xf32, #tpu.memory_space<vmem>>) target(%dma_start3A_138 : memref<10240x128xf32, #tpu.memory_space<vmem_shared>>) offsets(%dma_start3A_135 : memref<40xi32, #tpu.memory_space<vmem>>) semaphore(%arg16 : memref<!tpu.dma_semaphore, #tpu.memory_space<semaphore_mem>>) {add = true}
      %mul3A_139 = arith.constant 5 : i32
      %mul3A_140 = arith.muli %mul3A_139, %scan3A_59 : i32
      %add3A_141 = arith.constant 3 : i32
      %add3A_142 = arith.addi %mul3A_140, %add3A_141 : i32
      %ge3A_143 = arith.constant 2 : i32
      %ge3A_144 = arith.cmpi sge, %add3A_142, %ge3A_143 : i32
      %convert_element_type3A_145 = arith.extui %ge3A_144 : i1 to i32
      %cond3A_146 = arith.constant 0 : i32
      %cond3A_147 = arith.cmpi ne, %convert_element_type3A_145, %cond3A_146 : i32
      scf.if %cond3A_147 {
        %mul3A_196 = arith.constant 40 : i32
        %mul3A_197 = arith.muli %add3A_142, %mul3A_196 : i32
        %dma_wait3A_198 = tpu.memref_slice %arg7[%mul3A_197] : memref<10000xi32, #tpu.memory_space<vmem>> -> memref<40xi32, #tpu.memory_space<vmem>>
        %dma_wait3A_199 = arith.constant 0 : i32
        %dma_wait3A_200 = arith.constant 0 : i32
        %dma_wait3A_201 = tpu.memref_slice %arg14[%dma_wait3A_199, %dma_wait3A_200] : memref<10240x128xf32, #tpu.memory_space<vmem_shared>> -> memref<10240x128xf32, #tpu.memory_space<vmem_shared>>
        tpu.wait_indirect_dma semaphore(%arg16 : memref<!tpu.dma_semaphore, #tpu.memory_space<semaphore_mem>>) src(%arg9 : memref<40x128xf32, #tpu.memory_space<vmem>>) dst(%dma_wait3A_201 : memref<10240x128xf32, #tpu.memory_space<vmem_shared>>)
      } else {
      }
      %add3A_148 = arith.constant 3 : i32
      %add3A_149 = arith.addi %add3A_142, %add3A_148 : i32
      %lt3A_150 = arith.constant 250 : i32
      %lt3A_151 = arith.cmpi slt, %add3A_149, %lt3A_150 : i32
      %convert_element_type3A_152 = arith.extui %lt3A_151 : i1 to i32
      %cond3A_153 = arith.constant 0 : i32
      %cond3A_154 = arith.cmpi ne, %convert_element_type3A_152, %cond3A_153 : i32
      scf.if %cond3A_154 {
        %add3A_196 = arith.constant 3 : i32
        %add3A_197 = arith.addi %add3A_142, %add3A_196 : i32
        %mul3A_198 = arith.constant 40 : i32
        %mul3A_199 = arith.muli %add3A_197, %mul3A_198 : i32
        %dma_start3A_200 = tpu.memref_slice %arg6[%mul3A_199] : memref<10000xi32, #tpu.memory_space<vmem>> -> memref<40xi32, #tpu.memory_space<vmem>>
        %dma_start3A_201 = arith.constant 0 : i32
        %dma_start3A_202 = arith.constant 0 : i32
        %dma_start3A_203 = tpu.memref_slice %arg2[%dma_start3A_201, %dma_start3A_202] : memref<10000x128xf32, #tpu.memory_space<hbm>> -> memref<10000x128xf32, #tpu.memory_space<hbm>>
        tpu.enqueue_indirect_dma source(%dma_start3A_203 : memref<10000x128xf32, #tpu.memory_space<hbm>>) target(%arg9 : memref<40x128xf32, #tpu.memory_space<vmem>>) offsets(%dma_start3A_200 : memref<40xi32, #tpu.memory_space<vmem>>) semaphore(%arg15 : memref<!tpu.dma_semaphore, #tpu.memory_space<semaphore_mem>>)
      } else {
      }
      %mul3A_155 = arith.constant 40 : i32
      %mul3A_156 = arith.muli %add3A_142, %mul3A_155 : i32
      %dma_wait3A_157 = tpu.memref_slice %arg6[%mul3A_156] : memref<10000xi32, #tpu.memory_space<vmem>> -> memref<40xi32, #tpu.memory_space<vmem>>
      %dma_wait3A_158 = arith.constant 0 : i32
      %dma_wait3A_159 = arith.constant 0 : i32
      %dma_wait3A_160 = tpu.memref_slice %arg2[%dma_wait3A_158, %dma_wait3A_159] : memref<10000x128xf32, #tpu.memory_space<hbm>> -> memref<10000x128xf32, #tpu.memory_space<hbm>>
      tpu.wait_indirect_dma semaphore(%arg15 : memref<!tpu.dma_semaphore, #tpu.memory_space<semaphore_mem>>) src(%dma_wait3A_160 : memref<10000x128xf32, #tpu.memory_space<hbm>>) dst(%arg11 : memref<40x128xf32, #tpu.memory_space<vmem>>)
      %mul3A_161 = arith.constant 40 : i32
      %mul3A_162 = arith.muli %add3A_142, %mul3A_161 : i32
      %dma_start3A_163 = tpu.memref_slice %arg7[%mul3A_162] : memref<10000xi32, #tpu.memory_space<vmem>> -> memref<40xi32, #tpu.memory_space<vmem>>
      %dma_start3A_164 = arith.constant 0 : i32
      %dma_start3A_165 = arith.constant 0 : i32
      %dma_start3A_166 = tpu.memref_slice %arg14[%dma_start3A_164, %dma_start3A_165] : memref<10240x128xf32, #tpu.memory_space<vmem_shared>> -> memref<10240x128xf32, #tpu.memory_space<vmem_shared>>
      tpu.enqueue_indirect_dma source(%arg11 : memref<40x128xf32, #tpu.memory_space<vmem>>) target(%dma_start3A_166 : memref<10240x128xf32, #tpu.memory_space<vmem_shared>>) offsets(%dma_start3A_163 : memref<40xi32, #tpu.memory_space<vmem>>) semaphore(%arg16 : memref<!tpu.dma_semaphore, #tpu.memory_space<semaphore_mem>>) {add = true}
      %mul3A_167 = arith.constant 5 : i32
      %mul3A_168 = arith.muli %mul3A_167, %scan3A_59 : i32
      %add3A_169 = arith.constant 4 : i32
      %add3A_170 = arith.addi %mul3A_168, %add3A_169 : i32
      %ge3A_171 = arith.constant 2 : i32
      %ge3A_172 = arith.cmpi sge, %add3A_170, %ge3A_171 : i32
      %convert_element_type3A_173 = arith.extui %ge3A_172 : i1 to i32
      %cond3A_174 = arith.constant 0 : i32
      %cond3A_175 = arith.cmpi ne, %convert_element_type3A_173, %cond3A_174 : i32
      scf.if %cond3A_175 {
        %mul3A_196 = arith.constant 40 : i32
        %mul3A_197 = arith.muli %add3A_170, %mul3A_196 : i32
        %dma_wait3A_198 = tpu.memref_slice %arg7[%mul3A_197] : memref<10000xi32, #tpu.memory_space<vmem>> -> memref<40xi32, #tpu.memory_space<vmem>>
        %dma_wait3A_199 = arith.constant 0 : i32
        %dma_wait3A_200 = arith.constant 0 : i32
        %dma_wait3A_201 = tpu.memref_slice %arg14[%dma_wait3A_199, %dma_wait3A_200] : memref<10240x128xf32, #tpu.memory_space<vmem_shared>> -> memref<10240x128xf32, #tpu.memory_space<vmem_shared>>
        tpu.wait_indirect_dma semaphore(%arg16 : memref<!tpu.dma_semaphore, #tpu.memory_space<semaphore_mem>>) src(%arg10 : memref<40x128xf32, #tpu.memory_space<vmem>>) dst(%dma_wait3A_201 : memref<10240x128xf32, #tpu.memory_space<vmem_shared>>)
      } else {
      }
      %add3A_176 = arith.constant 3 : i32
      %add3A_177 = arith.addi %add3A_170, %add3A_176 : i32
      %lt3A_178 = arith.constant 250 : i32
      %lt3A_179 = arith.cmpi slt, %add3A_177, %lt3A_178 : i32
      %convert_element_type3A_180 = arith.extui %lt3A_179 : i1 to i32
      %cond3A_181 = arith.constant 0 : i32
      %cond3A_182 = arith.cmpi ne, %convert_element_type3A_180, %cond3A_181 : i32
      scf.if %cond3A_182 {
        %add3A_196 = arith.constant 3 : i32
        %add3A_197 = arith.addi %add3A_170, %add3A_196 : i32
        %mul3A_198 = arith.constant 40 : i32
        %mul3A_199 = arith.muli %add3A_197, %mul3A_198 : i32
        %dma_start3A_200 = tpu.memref_slice %arg6[%mul3A_199] : memref<10000xi32, #tpu.memory_space<vmem>> -> memref<40xi32, #tpu.memory_space<vmem>>
        %dma_start3A_201 = arith.constant 0 : i32
        %dma_start3A_202 = arith.constant 0 : i32
        %dma_start3A_203 = tpu.memref_slice %arg2[%dma_start3A_201, %dma_start3A_202] : memref<10000x128xf32, #tpu.memory_space<hbm>> -> memref<10000x128xf32, #tpu.memory_space<hbm>>
        tpu.enqueue_indirect_dma source(%dma_start3A_203 : memref<10000x128xf32, #tpu.memory_space<hbm>>) target(%arg10 : memref<40x128xf32, #tpu.memory_space<vmem>>) offsets(%dma_start3A_200 : memref<40xi32, #tpu.memory_space<vmem>>) semaphore(%arg15 : memref<!tpu.dma_semaphore, #tpu.memory_space<semaphore_mem>>)
      } else {
      }
      %mul3A_183 = arith.constant 40 : i32
      %mul3A_184 = arith.muli %add3A_170, %mul3A_183 : i32
      %dma_wait3A_185 = tpu.memref_slice %arg6[%mul3A_184] : memref<10000xi32, #tpu.memory_space<vmem>> -> memref<40xi32, #tpu.memory_space<vmem>>
      %dma_wait3A_186 = arith.constant 0 : i32
      %dma_wait3A_187 = arith.constant 0 : i32
      %dma_wait3A_188 = tpu.memref_slice %arg2[%dma_wait3A_186, %dma_wait3A_187] : memref<10000x128xf32, #tpu.memory_space<hbm>> -> memref<10000x128xf32, #tpu.memory_space<hbm>>
      tpu.wait_indirect_dma semaphore(%arg15 : memref<!tpu.dma_semaphore, #tpu.memory_space<semaphore_mem>>) src(%dma_wait3A_188 : memref<10000x128xf32, #tpu.memory_space<hbm>>) dst(%arg12 : memref<40x128xf32, #tpu.memory_space<vmem>>)
      %mul3A_189 = arith.constant 40 : i32
      %mul3A_190 = arith.muli %add3A_170, %mul3A_189 : i32
      %dma_start3A_191 = tpu.memref_slice %arg7[%mul3A_190] : memref<10000xi32, #tpu.memory_space<vmem>> -> memref<40xi32, #tpu.memory_space<vmem>>
      %dma_start3A_192 = arith.constant 0 : i32
      %dma_start3A_193 = arith.constant 0 : i32
      %dma_start3A_194 = tpu.memref_slice %arg14[%dma_start3A_192, %dma_start3A_193] : memref<10240x128xf32, #tpu.memory_space<vmem_shared>> -> memref<10240x128xf32, #tpu.memory_space<vmem_shared>>
      tpu.enqueue_indirect_dma source(%arg12 : memref<40x128xf32, #tpu.memory_space<vmem>>) target(%dma_start3A_194 : memref<10240x128xf32, #tpu.memory_space<vmem_shared>>) offsets(%dma_start3A_191 : memref<40xi32, #tpu.memory_space<vmem>>) semaphore(%arg16 : memref<!tpu.dma_semaphore, #tpu.memory_space<semaphore_mem>>) {add = true}
      %scan3A_195 = arith.constant 0 : i32
      scf.yield %scan3A_195 : i32
    }
    %scan3A_48 = arith.constant 50 : i32
    %dma_wait3A = arith.constant 0 : i32
    %dma_wait3A_49 = tpu.memref_slice %arg7[%dma_wait3A] : memref<10000xi32, #tpu.memory_space<vmem>> -> memref<40xi32, #tpu.memory_space<vmem>>
    %dma_wait3A_50 = arith.constant 0 : i32
    %dma_wait3A_51 = arith.constant 0 : i32
    %dma_wait3A_52 = tpu.memref_slice %arg14[%dma_wait3A_50, %dma_wait3A_51] : memref<10240x128xf32, #tpu.memory_space<vmem_shared>> -> memref<10240x128xf32, #tpu.memory_space<vmem_shared>>
    tpu.wait_indirect_dma semaphore(%arg16 : memref<!tpu.dma_semaphore, #tpu.memory_space<semaphore_mem>>) src(%arg8 : memref<40x128xf32, #tpu.memory_space<vmem>>) dst(%dma_wait3A_52 : memref<10240x128xf32, #tpu.memory_space<vmem_shared>>)
    %dma_wait3A_53 = arith.constant 0 : i32
    %dma_wait3A_54 = tpu.memref_slice %arg7[%dma_wait3A_53] : memref<10000xi32, #tpu.memory_space<vmem>> -> memref<40xi32, #tpu.memory_space<vmem>>
    %dma_wait3A_55 = arith.constant 0 : i32
    %dma_wait3A_56 = arith.constant 0 : i32
    %dma_wait3A_57 = tpu.memref_slice %arg14[%dma_wait3A_55, %dma_wait3A_56] : memref<10240x128xf32, #tpu.memory_space<vmem_shared>> -> memref<10240x128xf32, #tpu.memory_space<vmem_shared>>
    tpu.wait_indirect_dma semaphore(%arg16 : memref<!tpu.dma_semaphore, #tpu.memory_space<semaphore_mem>>) src(%arg8 : memref<40x128xf32, #tpu.memory_space<vmem>>) dst(%dma_wait3A_57 : memref<10240x128xf32, #tpu.memory_space<vmem_shared>>)
    %barrier3A_58 = arith.constant 0 : index
    tpu.barrier barrier_id(%barrier3A_58)
    "tpu.region"() ({
      %run_scoped3A = tpu.sem_alloc : memref<!tpu.dma_semaphore, #tpu.memory_space<semaphore_mem>>
      %dma_start3A_59 = arith.constant 0 : i32
      %dma_start3A_60 = tpu.memref_slice %arg5[%arg0, %mul3A_2, %dma_start3A_59] : memref<2x10240x128xf32, #tpu.memory_space<hbm>> -> memref<1x640x128xf32, #tpu.memory_space<hbm>>
      %dma_start3A_61 = tpu.memref_squeeze %dma_start3A_60 : memref<1x640x128xf32, #tpu.memory_space<hbm>> -> memref<640x128xf32, #tpu.memory_space<hbm>>
      %dma_start3A_62 = arith.constant 0 : i32
      %dma_start3A_63 = tpu.memref_slice %arg14[%mul3A_2, %dma_start3A_62] : memref<10240x128xf32, #tpu.memory_space<vmem_shared>> -> memref<640x128xf32, #tpu.memory_space<vmem_shared>>
      tpu.enqueue_dma source(%dma_start3A_63 : memref<640x128xf32, #tpu.memory_space<vmem_shared>>) target(%dma_start3A_61 : memref<640x128xf32, #tpu.memory_space<hbm>>) target_semaphore(%run_scoped3A : memref<!tpu.dma_semaphore, #tpu.memory_space<semaphore_mem>>)
      %dma_wait3A_64 = arith.constant 0 : i32
      %dma_wait3A_65 = tpu.memref_slice %arg5[%arg0, %mul3A_2, %dma_wait3A_64] : memref<2x10240x128xf32, #tpu.memory_space<hbm>> -> memref<1x640x128xf32, #tpu.memory_space<hbm>>
      %dma_wait3A_66 = tpu.memref_squeeze %dma_wait3A_65 : memref<1x640x128xf32, #tpu.memory_space<hbm>> -> memref<640x128xf32, #tpu.memory_space<hbm>>
      %dma_wait3A_67 = arith.constant 0 : i32
      %dma_wait3A_68 = tpu.memref_slice %arg14[%mul3A_2, %dma_wait3A_67] : memref<10240x128xf32, #tpu.memory_space<vmem_shared>> -> memref<640x128xf32, #tpu.memory_space<vmem_shared>>
      tpu.wait_dma2 semaphore(%run_scoped3A : memref<!tpu.dma_semaphore, #tpu.memory_space<semaphore_mem>>) src(%dma_wait3A_68 : memref<640x128xf32, #tpu.memory_space<vmem_shared>>) dst(%dma_wait3A_66 : memref<640x128xf32, #tpu.memory_space<hbm>>)
      tpu.yield
    }) : () -> ()
    return
  }
}

#map = affine_map<(d0, d1) -> (0, 0)>
#map1 = affine_map<(d0, d1) -> (0)>
#map2 = affine_map<(d0, d1) -> (0, 0, 0)>
module attributes {stable_mosaic.version = 14 : i64} {
  func.func @body(%arg0: i32, %arg1: i32, %arg2: memref<10000x128xf32, #tpu.memory_space<hbm>>, %arg3: memref<320000xi32, #tpu.memory_space<hbm>>, %arg4: memref<320000xi32, #tpu.memory_space<hbm>>, %arg5: memref<2x10240x128xf32, #tpu.memory_space<hbm>>, %arg6: memref<10000xi32, #tpu.memory_space<vmem>>, %arg7: memref<10000xi32, #tpu.memory_space<vmem>>, %arg8: memref<40x128xf32, #tpu.memory_space<vmem>>, %arg9: memref<40x128xf32, #tpu.memory_space<vmem>>, %arg10: memref<40x128xf32, #tpu.memory_space<vmem>>, %arg11: memref<40x128xf32, #tpu.memory_space<vmem>>, %arg12: memref<40x128xf32, #tpu.memory_space<vmem>>, %arg13: memref<16x128xf32, #tpu.memory_space<vmem>>, %arg14: memref<10240x128xf32, #tpu.memory_space<vmem_shared>>, %arg15: memref<!tpu.dma_semaphore, #tpu.memory_space<semaphore_mem>>, %arg16: memref<!tpu.dma_semaphore, #tpu.memory_space<semaphore_mem>>) attributes {dimension_semantics = [#tpu.dimension_semantics<core_parallel>, #tpu.dimension_semantics<subcore_parallel>], iteration_bounds = array<i64: 2, 16>, scalar_prefetch = 0 : i64, scratch_operands = 11 : i64, tpu.core_type = #tpu.core_type<sc_vector_subcore>, window_params = [{transform_indices = #map}, {transform_indices = #map1}, {transform_indices = #map1}, {transform_indices = #map2}]} {
    %mul3A = arith.constant 16 : i32
    %mul3A_0 = arith.muli %arg0, %mul3A : i32
    %add3A = arith.addi %mul3A_0, %arg1 : i32
    %mul3A_1 = arith.constant 640 : i32
    %mul3A_2 = arith.muli %arg1, %mul3A_1 : i32
    %mul3A_3 = arith.constant 10000 : i32
    %mul3A_4 = arith.muli %add3A, %mul3A_3 : i32
    "tpu.region"() ({
      %run_scoped3A = tpu.sem_alloc : memref<!tpu.dma_semaphore, #tpu.memory_space<semaphore_mem>>
      %dma_start3A_59 = tpu.memref_slice %arg3[%mul3A_4] : memref<320000xi32, #tpu.memory_space<hbm>> -> memref<10000xi32, #tpu.memory_space<hbm>>
      %dma_start3A_60 = tpu.memref_slice %arg3[%mul3A_4] : memref<320000xi32, #tpu.memory_space<hbm>> -> memref<10000xi32, #tpu.memory_space<hbm>>
      tpu.enqueue_dma source(%dma_start3A_60 : memref<10000xi32, #tpu.memory_space<hbm>>) target(%arg6 : memref<10000xi32, #tpu.memory_space<vmem>>) target_semaphore(%run_scoped3A : memref<!tpu.dma_semaphore, #tpu.memory_space<semaphore_mem>>)
      %dma_wait3A_61 = tpu.memref_slice %arg3[%mul3A_4] : memref<320000xi32, #tpu.memory_space<hbm>> -> memref<10000xi32, #tpu.memory_space<hbm>>
      %dma_wait3A_62 = tpu.memref_slice %arg3[%mul3A_4] : memref<320000xi32, #tpu.memory_space<hbm>> -> memref<10000xi32, #tpu.memory_space<hbm>>
      tpu.wait_dma2 semaphore(%run_scoped3A : memref<!tpu.dma_semaphore, #tpu.memory_space<semaphore_mem>>) src(%dma_wait3A_62 : memref<10000xi32, #tpu.memory_space<hbm>>) dst(%arg6 : memref<10000xi32, #tpu.memory_space<vmem>>)
      tpu.yield
    }) : () -> ()
    %mul3A_5 = arith.constant 10000 : i32
    %mul3A_6 = arith.muli %add3A, %mul3A_5 : i32
    "tpu.region"() ({
      %run_scoped3A = tpu.sem_alloc : memref<!tpu.dma_semaphore, #tpu.memory_space<semaphore_mem>>
      %dma_start3A_59 = tpu.memref_slice %arg4[%mul3A_6] : memref<320000xi32, #tpu.memory_space<hbm>> -> memref<10000xi32, #tpu.memory_space<hbm>>
      %dma_start3A_60 = tpu.memref_slice %arg4[%mul3A_6] : memref<320000xi32, #tpu.memory_space<hbm>> -> memref<10000xi32, #tpu.memory_space<hbm>>
      tpu.enqueue_dma source(%dma_start3A_60 : memref<10000xi32, #tpu.memory_space<hbm>>) target(%arg7 : memref<10000xi32, #tpu.memory_space<vmem>>) target_semaphore(%run_scoped3A : memref<!tpu.dma_semaphore, #tpu.memory_space<semaphore_mem>>)
      %dma_wait3A_61 = tpu.memref_slice %arg4[%mul3A_6] : memref<320000xi32, #tpu.memory_space<hbm>> -> memref<10000xi32, #tpu.memory_space<hbm>>
      %dma_wait3A_62 = tpu.memref_slice %arg4[%mul3A_6] : memref<320000xi32, #tpu.memory_space<hbm>> -> memref<10000xi32, #tpu.memory_space<hbm>>
      tpu.wait_dma2 semaphore(%run_scoped3A : memref<!tpu.dma_semaphore, #tpu.memory_space<semaphore_mem>>) src(%dma_wait3A_62 : memref<10000xi32, #tpu.memory_space<hbm>>) dst(%arg7 : memref<10000xi32, #tpu.memory_space<vmem>>)
      tpu.yield
    }) : () -> ()
    %broadcast_in_dim3A = arith.constant 0.000000e+00 : f32
    %broadcast_in_dim3A_7 = vector.broadcast %broadcast_in_dim3A : f32 to vector<16xf32>
    %scan3A = arith.constant 0 : i32
    %scan3A_8 = arith.constant 0 : i32
    %scan3A_9 = arith.constant 16 : i32
    %scan3A_10 = arith.addi %scan3A_8, %scan3A_9 : i32
    %scan3A_11 = arith.constant 1 : i32
    %scan3A_12 = scf.for %scan3A_59 = %scan3A_8 to %scan3A_10 step %scan3A_11 iter_args(%scan3A_60 = %scan3A) -> (i32)  : i32 {
      %swap3A = arith.index_cast %scan3A_59 : i32 to index
      %swap3A_61 = arith.constant 0 : index
      %swap3A_62 = tpu.vector_load %arg13[%swap3A, %swap3A_61] {strides = array<i32>} : memref<16x128xf32, #tpu.memory_space<vmem>>, vector<1x16xf32>,
      %swap3A_63 = vector.shape_cast %swap3A_62 : vector<1x16xf32> to vector<16xf32>
      %swap3A_64 = vector.shape_cast %broadcast_in_dim3A_7 : vector<16xf32> to vector<1x16xf32>
      tpu.vector_store %arg13[%swap3A, %swap3A_61], %swap3A_64 {strides = array<i32>} : memref<16x128xf32, #tpu.memory_space<vmem>>, vector<1x16xf32>,
      %swap3A_65 = arith.index_cast %scan3A_59 : i32 to index
      %swap3A_66 = arith.constant 16 : index
      %swap3A_67 = tpu.vector_load %arg13[%swap3A_65, %swap3A_66] {strides = array<i32>} : memref<16x128xf32, #tpu.memory_space<vmem>>, vector<1x16xf32>,
      %swap3A_68 = vector.shape_cast %swap3A_67 : vector<1x16xf32> to vector<16xf32>
      %swap3A_69 = vector.shape_cast %broadcast_in_dim3A_7 : vector<16xf32> to vector<1x16xf32>
      tpu.vector_store %arg13[%swap3A_65, %swap3A_66], %swap3A_69 {strides = array<i32>} : memref<16x128xf32, #tpu.memory_space<vmem>>, vector<1x16xf32>,
      %swap3A_70 = arith.index_cast %scan3A_59 : i32 to index
      %swap3A_71 = arith.constant 32 : index
      %swap3A_72 = tpu.vector_load %arg13[%swap3A_70, %swap3A_71] {strides = array<i32>} : memref<16x128xf32, #tpu.memory_space<vmem>>, vector<1x16xf32>,
      %swap3A_73 = vector.shape_cast %swap3A_72 : vector<1x16xf32> to vector<16xf32>
      %swap3A_74 = vector.shape_cast %broadcast_in_dim3A_7 : vector<16xf32> to vector<1x16xf32>
      tpu.vector_store %arg13[%swap3A_70, %swap3A_71], %swap3A_74 {strides = array<i32>} : memref<16x128xf32, #tpu.memory_space<vmem>>, vector<1x16xf32>,
      %swap3A_75 = arith.index_cast %scan3A_59 : i32 to index
      %swap3A_76 = arith.constant 48 : index
      %swap3A_77 = tpu.vector_load %arg13[%swap3A_75, %swap3A_76] {strides = array<i32>} : memref<16x128xf32, #tpu.memory_space<vmem>>, vector<1x16xf32>,
      %swap3A_78 = vector.shape_cast %swap3A_77 : vector<1x16xf32> to vector<16xf32>
      %swap3A_79 = vector.shape_cast %broadcast_in_dim3A_7 : vector<16xf32> to vector<1x16xf32>
      tpu.vector_store %arg13[%swap3A_75, %swap3A_76], %swap3A_79 {strides = array<i32>} : memref<16x128xf32, #tpu.memory_space<vmem>>, vector<1x16xf32>,
      %swap3A_80 = arith.index_cast %scan3A_59 : i32 to index
      %swap3A_81 = arith.constant 64 : index
      %swap3A_82 = tpu.vector_load %arg13[%swap3A_80, %swap3A_81] {strides = array<i32>} : memref<16x128xf32, #tpu.memory_space<vmem>>, vector<1x16xf32>,
      %swap3A_83 = vector.shape_cast %swap3A_82 : vector<1x16xf32> to vector<16xf32>
      %swap3A_84 = vector.shape_cast %broadcast_in_dim3A_7 : vector<16xf32> to vector<1x16xf32>
      tpu.vector_store %arg13[%swap3A_80, %swap3A_81], %swap3A_84 {strides = array<i32>} : memref<16x128xf32, #tpu.memory_space<vmem>>, vector<1x16xf32>,
      %swap3A_85 = arith.index_cast %scan3A_59 : i32 to index
      %swap3A_86 = arith.constant 80 : index
      %swap3A_87 = tpu.vector_load %arg13[%swap3A_85, %swap3A_86] {strides = array<i32>} : memref<16x128xf32, #tpu.memory_space<vmem>>, vector<1x16xf32>,
      %swap3A_88 = vector.shape_cast %swap3A_87 : vector<1x16xf32> to vector<16xf32>
      %swap3A_89 = vector.shape_cast %broadcast_in_dim3A_7 : vector<16xf32> to vector<1x16xf32>
      tpu.vector_store %arg13[%swap3A_85, %swap3A_86], %swap3A_89 {strides = array<i32>} : memref<16x128xf32, #tpu.memory_space<vmem>>, vector<1x16xf32>,
      %swap3A_90 = arith.index_cast %scan3A_59 : i32 to index
      %swap3A_91 = arith.constant 96 : index
      %swap3A_92 = tpu.vector_load %arg13[%swap3A_90, %swap3A_91] {strides = array<i32>} : memref<16x128xf32, #tpu.memory_space<vmem>>, vector<1x16xf32>,
      %swap3A_93 = vector.shape_cast %swap3A_92 : vector<1x16xf32> to vector<16xf32>
      %swap3A_94 = vector.shape_cast %broadcast_in_dim3A_7 : vector<16xf32> to vector<1x16xf32>
      tpu.vector_store %arg13[%swap3A_90, %swap3A_91], %swap3A_94 {strides = array<i32>} : memref<16x128xf32, #tpu.memory_space<vmem>>, vector<1x16xf32>,
      %swap3A_95 = arith.index_cast %scan3A_59 : i32 to index
      %swap3A_96 = arith.constant 112 : index
      %swap3A_97 = tpu.vector_load %arg13[%swap3A_95, %swap3A_96] {strides = array<i32>} : memref<16x128xf32, #tpu.memory_space<vmem>>, vector<1x16xf32>,
      %swap3A_98 = vector.shape_cast %swap3A_97 : vector<1x16xf32> to vector<16xf32>
      %swap3A_99 = vector.shape_cast %broadcast_in_dim3A_7 : vector<16xf32> to vector<1x16xf32>
      tpu.vector_store %arg13[%swap3A_95, %swap3A_96], %swap3A_99 {strides = array<i32>} : memref<16x128xf32, #tpu.memory_space<vmem>>, vector<1x16xf32>,
      %scan3A_100 = arith.constant 0 : i32
      scf.yield %scan3A_100 : i32
    }
    %scan3A_13 = arith.constant 16 : i32
    %scan3A_14 = arith.constant 0 : i32
    %scan3A_15 = arith.constant 0 : i32
    %scan3A_16 = arith.constant 40 : i32
    %scan3A_17 = arith.addi %scan3A_15, %scan3A_16 : i32
    %scan3A_18 = arith.constant 1 : i32
    %scan3A_19 = scf.for %scan3A_59 = %scan3A_15 to %scan3A_17 step %scan3A_18 iter_args(%scan3A_60 = %scan3A_14) -> (i32)  : i32 {
      %mul3A_61 = arith.constant 16 : i32
      %mul3A_62 = arith.muli %scan3A_59, %mul3A_61 : i32
      %add3A_63 = arith.addi %mul3A_2, %mul3A_62 : i32
      %dma_start3A_64 = arith.constant 0 : i32
      %dma_start3A_65 = tpu.memref_slice %arg14[%add3A_63, %dma_start3A_64] : memref<10240x128xf32, #tpu.memory_space<vmem_shared>> -> memref<16x128xf32, #tpu.memory_space<vmem_shared>>
      %dma_start3A_66 = arith.constant 0 : i32
      %dma_start3A_67 = tpu.memref_slice %arg14[%add3A_63, %dma_start3A_66] : memref<10240x128xf32, #tpu.memory_space<vmem_shared>> -> memref<16x128xf32, #tpu.memory_space<vmem_shared>>
      tpu.enqueue_dma source(%arg13 : memref<16x128xf32, #tpu.memory_space<vmem>>) target(%dma_start3A_67 : memref<16x128xf32, #tpu.memory_space<vmem_shared>>) target_semaphore(%arg15 : memref<!tpu.dma_semaphore, #tpu.memory_space<semaphore_mem>>)
      %scan3A_68 = arith.constant 0 : i32
      scf.yield %scan3A_68 : i32
    }
    %scan3A_20 = arith.constant 40 : i32
    %scan3A_21 = arith.constant 0 : i32
    %scan3A_22 = arith.constant 0 : i32
    %scan3A_23 = arith.constant 40 : i32
    %scan3A_24 = arith.addi %scan3A_22, %scan3A_23 : i32
    %scan3A_25 = arith.constant 1 : i32
    %scan3A_26 = scf.for %scan3A_59 = %scan3A_22 to %scan3A_24 step %scan3A_25 iter_args(%scan3A_60 = %scan3A_21) -> (i32)  : i32 {
      %dma_wait3A_61 = arith.constant 0 : i32
      %dma_wait3A_62 = tpu.memref_slice %arg14[%mul3A_2, %dma_wait3A_61] : memref<10240x128xf32, #tpu.memory_space<vmem_shared>> -> memref<16x128xf32, #tpu.memory_space<vmem_shared>>
      %dma_wait3A_63 = arith.constant 0 : i32
      %dma_wait3A_64 = tpu.memref_slice %arg14[%mul3A_2, %dma_wait3A_63] : memref<10240x128xf32, #tpu.memory_space<vmem_shared>> -> memref<16x128xf32, #tpu.memory_space<vmem_shared>>
      tpu.wait_dma2 semaphore(%arg15 : memref<!tpu.dma_semaphore, #tpu.memory_space<semaphore_mem>>) src(%arg13 : memref<16x128xf32, #tpu.memory_space<vmem>>) dst(%dma_wait3A_64 : memref<16x128xf32, #tpu.memory_space<vmem_shared>>)
      %scan3A_65 = arith.constant 0 : i32
      scf.yield %scan3A_65 : i32
    }
    %scan3A_27 = arith.constant 40 : i32
    %barrier3A = arith.constant 0 : index
    tpu.barrier barrier_id(%barrier3A)
    %dma_start3A = arith.constant 0 : i32
    %dma_start3A_28 = tpu.memref_slice %arg6[%dma_start3A] : memref<10000xi32, #tpu.memory_space<vmem>> -> memref<40xi32, #tpu.memory_space<vmem>>
    %dma_start3A_29 = arith.constant 0 : i32
    %dma_start3A_30 = arith.constant 0 : i32
    %dma_start3A_31 = tpu.memref_slice %arg2[%dma_start3A_29, %dma_start3A_30] : memref<10000x128xf32, #tpu.memory_space<hbm>> -> memref<10000x128xf32, #tpu.memory_space<hbm>>
    tpu.enqueue_indirect_dma source(%dma_start3A_31 : memref<10000x128xf32, #tpu.memory_space<hbm>>) target(%arg8 : memref<40x128xf32, #tpu.memory_space<vmem>>) offsets(%dma_start3A_28 : memref<40xi32, #tpu.memory_space<vmem>>) semaphore(%arg15 : memref<!tpu.dma_semaphore, #tpu.memory_space<semaphore_mem>>)
    %dma_start3A_32 = arith.constant 40 : i32
    %dma_start3A_33 = tpu.memref_slice %arg6[%dma_start3A_32] : memref<10000xi32, #tpu.memory_space<vmem>> -> memref<40xi32, #tpu.memory_space<vmem>>
    %dma_start3A_34 = arith.constant 0 : i32
    %dma_start3A_35 = arith.constant 0 : i32
    %dma_start3A_36 = tpu.memref_slice %arg2[%dma_start3A_34, %dma_start3A_35] : memref<10000x128xf32, #tpu.memory_space<hbm>> -> memref<10000x128xf32, #tpu.memory_space<hbm>>
    tpu.enqueue_indirect_dma source(%dma_start3A_36 : memref<10000x128xf32, #tpu.memory_space<hbm>>) target(%arg9 : memref<40x128xf32, #tpu.memory_space<vmem>>) offsets(%dma_start3A_33 : memref<40xi32, #tpu.memory_space<vmem>>) semaphore(%arg15 : memref<!tpu.dma_semaphore, #tpu.memory_space<semaphore_mem>>)
    %dma_start3A_37 = arith.constant 80 : i32
    %dma_start3A_38 = tpu.memref_slice %arg6[%dma_start3A_37] : memref<10000xi32, #tpu.memory_space<vmem>> -> memref<40xi32, #tpu.memory_space<vmem>>
    %dma_start3A_39 = arith.constant 0 : i32
    %dma_start3A_40 = arith.constant 0 : i32
    %dma_start3A_41 = tpu.memref_slice %arg2[%dma_start3A_39, %dma_start3A_40] : memref<10000x128xf32, #tpu.memory_space<hbm>> -> memref<10000x128xf32, #tpu.memory_space<hbm>>
    tpu.enqueue_indirect_dma source(%dma_start3A_41 : memref<10000x128xf32, #tpu.memory_space<hbm>>) target(%arg10 : memref<40x128xf32, #tpu.memory_space<vmem>>) offsets(%dma_start3A_38 : memref<40xi32, #tpu.memory_space<vmem>>) semaphore(%arg15 : memref<!tpu.dma_semaphore, #tpu.memory_space<semaphore_mem>>)
    %scan3A_42 = arith.constant 0 : i32
    %scan3A_43 = arith.constant 0 : i32
    %scan3A_44 = arith.constant 50 : i32
    %scan3A_45 = arith.addi %scan3A_43, %scan3A_44 : i32
    %scan3A_46 = arith.constant 1 : i32
    %scan3A_47 = scf.for %scan3A_59 = %scan3A_43 to %scan3A_45 step %scan3A_46 iter_args(%scan3A_60 = %scan3A_42) -> (i32)  : i32 {
      %mul3A_61 = arith.constant 5 : i32
      %mul3A_62 = arith.muli %mul3A_61, %scan3A_59 : i32
      %ge3A = arith.constant 2 : i32
      %ge3A_63 = arith.cmpi sge, %mul3A_62, %ge3A : i32
      %convert_element_type3A = arith.extui %ge3A_63 : i1 to i32
      %cond3A = arith.constant 0 : i32
      %cond3A_64 = arith.cmpi ne, %convert_element_type3A, %cond3A : i32
      scf.if %cond3A_64 {
        %mul3A_196 = arith.constant 40 : i32
        %mul3A_197 = arith.muli %mul3A_62, %mul3A_196 : i32
        %dma_wait3A_198 = tpu.memref_slice %arg7[%mul3A_197] : memref<10000xi32, #tpu.memory_space<vmem>> -> memref<40xi32, #tpu.memory_space<vmem>>
        %dma_wait3A_199 = arith.constant 0 : i32
        %dma_wait3A_200 = arith.constant 0 : i32
        %dma_wait3A_201 = tpu.memref_slice %arg14[%dma_wait3A_199, %dma_wait3A_200] : memref<10240x128xf32, #tpu.memory_space<vmem_shared>> -> memref<10240x128xf32, #tpu.memory_space<vmem_shared>>
        tpu.wait_indirect_dma semaphore(%arg16 : memref<!tpu.dma_semaphore, #tpu.memory_space<semaphore_mem>>) src(%arg11 : memref<40x128xf32, #tpu.memory_space<vmem>>) dst(%dma_wait3A_201 : memref<10240x128xf32, #tpu.memory_space<vmem_shared>>)
      } else {
      }
      %add3A_65 = arith.constant 3 : i32
      %add3A_66 = arith.addi %mul3A_62, %add3A_65 : i32
      %lt3A = arith.constant 250 : i32
      %lt3A_67 = arith.cmpi slt, %add3A_66, %lt3A : i32
      %convert_element_type3A_68 = arith.extui %lt3A_67 : i1 to i32
      %cond3A_69 = arith.constant 0 : i32
      %cond3A_70 = arith.cmpi ne, %convert_element_type3A_68, %cond3A_69 : i32
      scf.if %cond3A_70 {
        %add3A_196 = arith.constant 3 : i32
        %add3A_197 = arith.addi %mul3A_62, %add3A_196 : i32
        %mul3A_198 = arith.constant 40 : i32
        %mul3A_199 = arith.muli %add3A_197, %mul3A_198 : i32
        %dma_start3A_200 = tpu.memref_slice %arg6[%mul3A_199] : memref<10000xi32, #tpu.memory_space<vmem>> -> memref<40xi32, #tpu.memory_space<vmem>>
        %dma_start3A_201 = arith.constant 0 : i32
        %dma_start3A_202 = arith.constant 0 : i32
        %dma_start3A_203 = tpu.memref_slice %arg2[%dma_start3A_201, %dma_start3A_202] : memref<10000x128xf32, #tpu.memory_space<hbm>> -> memref<10000x128xf32, #tpu.memory_space<hbm>>
        tpu.enqueue_indirect_dma source(%dma_start3A_203 : memref<10000x128xf32, #tpu.memory_space<hbm>>) target(%arg11 : memref<40x128xf32, #tpu.memory_space<vmem>>) offsets(%dma_start3A_200 : memref<40xi32, #tpu.memory_space<vmem>>) semaphore(%arg15 : memref<!tpu.dma_semaphore, #tpu.memory_space<semaphore_mem>>)
      } else {
      }
      %mul3A_71 = arith.constant 40 : i32
      %mul3A_72 = arith.muli %mul3A_62, %mul3A_71 : i32
      %dma_wait3A_73 = tpu.memref_slice %arg6[%mul3A_72] : memref<10000xi32, #tpu.memory_space<vmem>> -> memref<40xi32, #tpu.memory_space<vmem>>
      %dma_wait3A_74 = arith.constant 0 : i32
      %dma_wait3A_75 = arith.constant 0 : i32
      %dma_wait3A_76 = tpu.memref_slice %arg2[%dma_wait3A_74, %dma_wait3A_75] : memref<10000x128xf32, #tpu.memory_space<hbm>> -> memref<10000x128xf32, #tpu.memory_space<hbm>>
      tpu.wait_indirect_dma semaphore(%arg15 : memref<!tpu.dma_semaphore, #tpu.memory_space<semaphore_mem>>) src(%dma_wait3A_76 : memref<10000x128xf32, #tpu.memory_space<hbm>>) dst(%arg8 : memref<40x128xf32, #tpu.memory_space<vmem>>)
      %mul3A_77 = arith.constant 40 : i32
      %mul3A_78 = arith.muli %mul3A_62, %mul3A_77 : i32
      %dma_start3A_79 = tpu.memref_slice %arg7[%mul3A_78] : memref<10000xi32, #tpu.memory_space<vmem>> -> memref<40xi32, #tpu.memory_space<vmem>>
      %dma_start3A_80 = arith.constant 0 : i32
      %dma_start3A_81 = arith.constant 0 : i32
      %dma_start3A_82 = tpu.memref_slice %arg14[%dma_start3A_80, %dma_start3A_81] : memref<10240x128xf32, #tpu.memory_space<vmem_shared>> -> memref<10240x128xf32, #tpu.memory_space<vmem_shared>>
      tpu.enqueue_indirect_dma source(%arg8 : memref<40x128xf32, #tpu.memory_space<vmem>>) target(%dma_start3A_82 : memref<10240x128xf32, #tpu.memory_space<vmem_shared>>) offsets(%dma_start3A_79 : memref<40xi32, #tpu.memory_space<vmem>>) semaphore(%arg16 : memref<!tpu.dma_semaphore, #tpu.memory_space<semaphore_mem>>) {add = true}
      %mul3A_83 = arith.constant 5 : i32
      %mul3A_84 = arith.muli %mul3A_83, %scan3A_59 : i32
      %add3A_85 = arith.constant 1 : i32
      %add3A_86 = arith.addi %mul3A_84, %add3A_85 : i32
      %ge3A_87 = arith.constant 2 : i32
      %ge3A_88 = arith.cmpi sge, %add3A_86, %ge3A_87 : i32
      %convert_element_type3A_89 = arith.extui %ge3A_88 : i1 to i32
      %cond3A_90 = arith.constant 0 : i32
      %cond3A_91 = arith.cmpi ne, %convert_element_type3A_89, %cond3A_90 : i32
      scf.if %cond3A_91 {
        %mul3A_196 = arith.constant 40 : i32
        %mul3A_197 = arith.muli %add3A_86, %mul3A_196 : i32
        %dma_wait3A_198 = tpu.memref_slice %arg7[%mul3A_197] : memref<10000xi32, #tpu.memory_space<vmem>> -> memref<40xi32, #tpu.memory_space<vmem>>
        %dma_wait3A_199 = arith.constant 0 : i32
        %dma_wait3A_200 = arith.constant 0 : i32
        %dma_wait3A_201 = tpu.memref_slice %arg14[%dma_wait3A_199, %dma_wait3A_200] : memref<10240x128xf32, #tpu.memory_space<vmem_shared>> -> memref<10240x128xf32, #tpu.memory_space<vmem_shared>>
        tpu.wait_indirect_dma semaphore(%arg16 : memref<!tpu.dma_semaphore, #tpu.memory_space<semaphore_mem>>) src(%arg12 : memref<40x128xf32, #tpu.memory_space<vmem>>) dst(%dma_wait3A_201 : memref<10240x128xf32, #tpu.memory_space<vmem_shared>>)
      } else {
      }
      %add3A_92 = arith.constant 3 : i32
      %add3A_93 = arith.addi %add3A_86, %add3A_92 : i32
      %lt3A_94 = arith.constant 250 : i32
      %lt3A_95 = arith.cmpi slt, %add3A_93, %lt3A_94 : i32
      %convert_element_type3A_96 = arith.extui %lt3A_95 : i1 to i32
      %cond3A_97 = arith.constant 0 : i32
      %cond3A_98 = arith.cmpi ne, %convert_element_type3A_96, %cond3A_97 : i32
      scf.if %cond3A_98 {
        %add3A_196 = arith.constant 3 : i32
        %add3A_197 = arith.addi %add3A_86, %add3A_196 : i32
        %mul3A_198 = arith.constant 40 : i32
        %mul3A_199 = arith.muli %add3A_197, %mul3A_198 : i32
        %dma_start3A_200 = tpu.memref_slice %arg6[%mul3A_199] : memref<10000xi32, #tpu.memory_space<vmem>> -> memref<40xi32, #tpu.memory_space<vmem>>
        %dma_start3A_201 = arith.constant 0 : i32
        %dma_start3A_202 = arith.constant 0 : i32
        %dma_start3A_203 = tpu.memref_slice %arg2[%dma_start3A_201, %dma_start3A_202] : memref<10000x128xf32, #tpu.memory_space<hbm>> -> memref<10000x128xf32, #tpu.memory_space<hbm>>
        tpu.enqueue_indirect_dma source(%dma_start3A_203 : memref<10000x128xf32, #tpu.memory_space<hbm>>) target(%arg12 : memref<40x128xf32, #tpu.memory_space<vmem>>) offsets(%dma_start3A_200 : memref<40xi32, #tpu.memory_space<vmem>>) semaphore(%arg15 : memref<!tpu.dma_semaphore, #tpu.memory_space<semaphore_mem>>)
      } else {
      }
      %mul3A_99 = arith.constant 40 : i32
      %mul3A_100 = arith.muli %add3A_86, %mul3A_99 : i32
      %dma_wait3A_101 = tpu.memref_slice %arg6[%mul3A_100] : memref<10000xi32, #tpu.memory_space<vmem>> -> memref<40xi32, #tpu.memory_space<vmem>>
      %dma_wait3A_102 = arith.constant 0 : i32
      %dma_wait3A_103 = arith.constant 0 : i32
      %dma_wait3A_104 = tpu.memref_slice %arg2[%dma_wait3A_102, %dma_wait3A_103] : memref<10000x128xf32, #tpu.memory_space<hbm>> -> memref<10000x128xf32, #tpu.memory_space<hbm>>
      tpu.wait_indirect_dma semaphore(%arg15 : memref<!tpu.dma_semaphore, #tpu.memory_space<semaphore_mem>>) src(%dma_wait3A_104 : memref<10000x128xf32, #tpu.memory_space<hbm>>) dst(%arg9 : memref<40x128xf32, #tpu.memory_space<vmem>>)
      %mul3A_105 = arith.constant 40 : i32
      %mul3A_106 = arith.muli %add3A_86, %mul3A_105 : i32
      %dma_start3A_107 = tpu.memref_slice %arg7[%mul3A_106] : memref<10000xi32, #tpu.memory_space<vmem>> -> memref<40xi32, #tpu.memory_space<vmem>>
      %dma_start3A_108 = arith.constant 0 : i32
      %dma_start3A_109 = arith.constant 0 : i32
      %dma_start3A_110 = tpu.memref_slice %arg14[%dma_start3A_108, %dma_start3A_109] : memref<10240x128xf32, #tpu.memory_space<vmem_shared>> -> memref<10240x128xf32, #tpu.memory_space<vmem_shared>>
      tpu.enqueue_indirect_dma source(%arg9 : memref<40x128xf32, #tpu.memory_space<vmem>>) target(%dma_start3A_110 : memref<10240x128xf32, #tpu.memory_space<vmem_shared>>) offsets(%dma_start3A_107 : memref<40xi32, #tpu.memory_space<vmem>>) semaphore(%arg16 : memref<!tpu.dma_semaphore, #tpu.memory_space<semaphore_mem>>) {add = true}
      %mul3A_111 = arith.constant 5 : i32
      %mul3A_112 = arith.muli %mul3A_111, %scan3A_59 : i32
      %add3A_113 = arith.constant 2 : i32
      %add3A_114 = arith.addi %mul3A_112, %add3A_113 : i32
      %ge3A_115 = arith.constant 2 : i32
      %ge3A_116 = arith.cmpi sge, %add3A_114, %ge3A_115 : i32
      %convert_element_type3A_117 = arith.extui %ge3A_116 : i1 to i32
      %cond3A_118 = arith.constant 0 : i32
      %cond3A_119 = arith.cmpi ne, %convert_element_type3A_117, %cond3A_118 : i32
      scf.if %cond3A_119 {
        %mul3A_196 = arith.constant 40 : i32
        %mul3A_197 = arith.muli %add3A_114, %mul3A_196 : i32
        %dma_wait3A_198 = tpu.memref_slice %arg7[%mul3A_197] : memref<10000xi32, #tpu.memory_space<vmem>> -> memref<40xi32, #tpu.memory_space<vmem>>
        %dma_wait3A_199 = arith.constant 0 : i32
        %dma_wait3A_200 = arith.constant 0 : i32
        %dma_wait3A_201 = tpu.memref_slice %arg14[%dma_wait3A_199, %dma_wait3A_200] : memref<10240x128xf32, #tpu.memory_space<vmem_shared>> -> memref<10240x128xf32, #tpu.memory_space<vmem_shared>>
        tpu.wait_indirect_dma semaphore(%arg16 : memref<!tpu.dma_semaphore, #tpu.memory_space<semaphore_mem>>) src(%arg8 : memref<40x128xf32, #tpu.memory_space<vmem>>) dst(%dma_wait3A_201 : memref<10240x128xf32, #tpu.memory_space<vmem_shared>>)
      } else {
      }
      %add3A_120 = arith.constant 3 : i32
      %add3A_121 = arith.addi %add3A_114, %add3A_120 : i32
      %lt3A_122 = arith.constant 250 : i32
      %lt3A_123 = arith.cmpi slt, %add3A_121, %lt3A_122 : i32
      %convert_element_type3A_124 = arith.extui %lt3A_123 : i1 to i32
      %cond3A_125 = arith.constant 0 : i32
      %cond3A_126 = arith.cmpi ne, %convert_element_type3A_124, %cond3A_125 : i32
      scf.if %cond3A_126 {
        %add3A_196 = arith.constant 3 : i32
        %add3A_197 = arith.addi %add3A_114, %add3A_196 : i32
        %mul3A_198 = arith.constant 40 : i32
        %mul3A_199 = arith.muli %add3A_197, %mul3A_198 : i32
        %dma_start3A_200 = tpu.memref_slice %arg6[%mul3A_199] : memref<10000xi32, #tpu.memory_space<vmem>> -> memref<40xi32, #tpu.memory_space<vmem>>
        %dma_start3A_201 = arith.constant 0 : i32
        %dma_start3A_202 = arith.constant 0 : i32
        %dma_start3A_203 = tpu.memref_slice %arg2[%dma_start3A_201, %dma_start3A_202] : memref<10000x128xf32, #tpu.memory_space<hbm>> -> memref<10000x128xf32, #tpu.memory_space<hbm>>
        tpu.enqueue_indirect_dma source(%dma_start3A_203 : memref<10000x128xf32, #tpu.memory_space<hbm>>) target(%arg8 : memref<40x128xf32, #tpu.memory_space<vmem>>) offsets(%dma_start3A_200 : memref<40xi32, #tpu.memory_space<vmem>>) semaphore(%arg15 : memref<!tpu.dma_semaphore, #tpu.memory_space<semaphore_mem>>)
      } else {
      }
      %mul3A_127 = arith.constant 40 : i32
      %mul3A_128 = arith.muli %add3A_114, %mul3A_127 : i32
      %dma_wait3A_129 = tpu.memref_slice %arg6[%mul3A_128] : memref<10000xi32, #tpu.memory_space<vmem>> -> memref<40xi32, #tpu.memory_space<vmem>>
      %dma_wait3A_130 = arith.constant 0 : i32
      %dma_wait3A_131 = arith.constant 0 : i32
      %dma_wait3A_132 = tpu.memref_slice %arg2[%dma_wait3A_130, %dma_wait3A_131] : memref<10000x128xf32, #tpu.memory_space<hbm>> -> memref<10000x128xf32, #tpu.memory_space<hbm>>
      tpu.wait_indirect_dma semaphore(%arg15 : memref<!tpu.dma_semaphore, #tpu.memory_space<semaphore_mem>>) src(%dma_wait3A_132 : memref<10000x128xf32, #tpu.memory_space<hbm>>) dst(%arg10 : memref<40x128xf32, #tpu.memory_space<vmem>>)
      %mul3A_133 = arith.constant 40 : i32
      %mul3A_134 = arith.muli %add3A_114, %mul3A_133 : i32
      %dma_start3A_135 = tpu.memref_slice %arg7[%mul3A_134] : memref<10000xi32, #tpu.memory_space<vmem>> -> memref<40xi32, #tpu.memory_space<vmem>>
      %dma_start3A_136 = arith.constant 0 : i32
      %dma_start3A_137 = arith.constant 0 : i32
      %dma_start3A_138 = tpu.memref_slice %arg14[%dma_start3A_136, %dma_start3A_137] : memref<10240x128xf32, #tpu.memory_space<vmem_shared>> -> memref<10240x128xf32, #tpu.memory_space<vmem_shared>>
      tpu.enqueue_indirect_dma source(%arg10 : memref<40x128xf32, #tpu.memory_space<vmem>>) target(%dma_start3A_138 : memref<10240x128xf32, #tpu.memory_space<vmem_shared>>) offsets(%dma_start3A_135 : memref<40xi32, #tpu.memory_space<vmem>>) semaphore(%arg16 : memref<!tpu.dma_semaphore, #tpu.memory_space<semaphore_mem>>) {add = true}
      %mul3A_139 = arith.constant 5 : i32
      %mul3A_140 = arith.muli %mul3A_139, %scan3A_59 : i32
      %add3A_141 = arith.constant 3 : i32
      %add3A_142 = arith.addi %mul3A_140, %add3A_141 : i32
      %ge3A_143 = arith.constant 2 : i32
      %ge3A_144 = arith.cmpi sge, %add3A_142, %ge3A_143 : i32
      %convert_element_type3A_145 = arith.extui %ge3A_144 : i1 to i32
      %cond3A_146 = arith.constant 0 : i32
      %cond3A_147 = arith.cmpi ne, %convert_element_type3A_145, %cond3A_146 : i32
      scf.if %cond3A_147 {
        %mul3A_196 = arith.constant 40 : i32
        %mul3A_197 = arith.muli %add3A_142, %mul3A_196 : i32
        %dma_wait3A_198 = tpu.memref_slice %arg7[%mul3A_197] : memref<10000xi32, #tpu.memory_space<vmem>> -> memref<40xi32, #tpu.memory_space<vmem>>
        %dma_wait3A_199 = arith.constant 0 : i32
        %dma_wait3A_200 = arith.constant 0 : i32
        %dma_wait3A_201 = tpu.memref_slice %arg14[%dma_wait3A_199, %dma_wait3A_200] : memref<10240x128xf32, #tpu.memory_space<vmem_shared>> -> memref<10240x128xf32, #tpu.memory_space<vmem_shared>>
        tpu.wait_indirect_dma semaphore(%arg16 : memref<!tpu.dma_semaphore, #tpu.memory_space<semaphore_mem>>) src(%arg9 : memref<40x128xf32, #tpu.memory_space<vmem>>) dst(%dma_wait3A_201 : memref<10240x128xf32, #tpu.memory_space<vmem_shared>>)
      } else {
      }
      %add3A_148 = arith.constant 3 : i32
      %add3A_149 = arith.addi %add3A_142, %add3A_148 : i32
      %lt3A_150 = arith.constant 250 : i32
      %lt3A_151 = arith.cmpi slt, %add3A_149, %lt3A_150 : i32
      %convert_element_type3A_152 = arith.extui %lt3A_151 : i1 to i32
      %cond3A_153 = arith.constant 0 : i32
      %cond3A_154 = arith.cmpi ne, %convert_element_type3A_152, %cond3A_153 : i32
      scf.if %cond3A_154 {
        %add3A_196 = arith.constant 3 : i32
        %add3A_197 = arith.addi %add3A_142, %add3A_196 : i32
        %mul3A_198 = arith.constant 40 : i32
        %mul3A_199 = arith.muli %add3A_197, %mul3A_198 : i32
        %dma_start3A_200 = tpu.memref_slice %arg6[%mul3A_199] : memref<10000xi32, #tpu.memory_space<vmem>> -> memref<40xi32, #tpu.memory_space<vmem>>
        %dma_start3A_201 = arith.constant 0 : i32
        %dma_start3A_202 = arith.constant 0 : i32
        %dma_start3A_203 = tpu.memref_slice %arg2[%dma_start3A_201, %dma_start3A_202] : memref<10000x128xf32, #tpu.memory_space<hbm>> -> memref<10000x128xf32, #tpu.memory_space<hbm>>
        tpu.enqueue_indirect_dma source(%dma_start3A_203 : memref<10000x128xf32, #tpu.memory_space<hbm>>) target(%arg9 : memref<40x128xf32, #tpu.memory_space<vmem>>) offsets(%dma_start3A_200 : memref<40xi32, #tpu.memory_space<vmem>>) semaphore(%arg15 : memref<!tpu.dma_semaphore, #tpu.memory_space<semaphore_mem>>)
      } else {
      }
      %mul3A_155 = arith.constant 40 : i32
      %mul3A_156 = arith.muli %add3A_142, %mul3A_155 : i32
      %dma_wait3A_157 = tpu.memref_slice %arg6[%mul3A_156] : memref<10000xi32, #tpu.memory_space<vmem>> -> memref<40xi32, #tpu.memory_space<vmem>>
      %dma_wait3A_158 = arith.constant 0 : i32
      %dma_wait3A_159 = arith.constant 0 : i32
      %dma_wait3A_160 = tpu.memref_slice %arg2[%dma_wait3A_158, %dma_wait3A_159] : memref<10000x128xf32, #tpu.memory_space<hbm>> -> memref<10000x128xf32, #tpu.memory_space<hbm>>
      tpu.wait_indirect_dma semaphore(%arg15 : memref<!tpu.dma_semaphore, #tpu.memory_space<semaphore_mem>>) src(%dma_wait3A_160 : memref<10000x128xf32, #tpu.memory_space<hbm>>) dst(%arg11 : memref<40x128xf32, #tpu.memory_space<vmem>>)
      %mul3A_161 = arith.constant 40 : i32
      %mul3A_162 = arith.muli %add3A_142, %mul3A_161 : i32
      %dma_start3A_163 = tpu.memref_slice %arg7[%mul3A_162] : memref<10000xi32, #tpu.memory_space<vmem>> -> memref<40xi32, #tpu.memory_space<vmem>>
      %dma_start3A_164 = arith.constant 0 : i32
      %dma_start3A_165 = arith.constant 0 : i32
      %dma_start3A_166 = tpu.memref_slice %arg14[%dma_start3A_164, %dma_start3A_165] : memref<10240x128xf32, #tpu.memory_space<vmem_shared>> -> memref<10240x128xf32, #tpu.memory_space<vmem_shared>>
      tpu.enqueue_indirect_dma source(%arg11 : memref<40x128xf32, #tpu.memory_space<vmem>>) target(%dma_start3A_166 : memref<10240x128xf32, #tpu.memory_space<vmem_shared>>) offsets(%dma_start3A_163 : memref<40xi32, #tpu.memory_space<vmem>>) semaphore(%arg16 : memref<!tpu.dma_semaphore, #tpu.memory_space<semaphore_mem>>) {add = true}
      %mul3A_167 = arith.constant 5 : i32
      %mul3A_168 = arith.muli %mul3A_167, %scan3A_59 : i32
      %add3A_169 = arith.constant 4 : i32
      %add3A_170 = arith.addi %mul3A_168, %add3A_169 : i32
      %ge3A_171 = arith.constant 2 : i32
      %ge3A_172 = arith.cmpi sge, %add3A_170, %ge3A_171 : i32
      %convert_element_type3A_173 = arith.extui %ge3A_172 : i1 to i32
      %cond3A_174 = arith.constant 0 : i32
      %cond3A_175 = arith.cmpi ne, %convert_element_type3A_173, %cond3A_174 : i32
      scf.if %cond3A_175 {
        %mul3A_196 = arith.constant 40 : i32
        %mul3A_197 = arith.muli %add3A_170, %mul3A_196 : i32
        %dma_wait3A_198 = tpu.memref_slice %arg7[%mul3A_197] : memref<10000xi32, #tpu.memory_space<vmem>> -> memref<40xi32, #tpu.memory_space<vmem>>
        %dma_wait3A_199 = arith.constant 0 : i32
        %dma_wait3A_200 = arith.constant 0 : i32
        %dma_wait3A_201 = tpu.memref_slice %arg14[%dma_wait3A_199, %dma_wait3A_200] : memref<10240x128xf32, #tpu.memory_space<vmem_shared>> -> memref<10240x128xf32, #tpu.memory_space<vmem_shared>>
        tpu.wait_indirect_dma semaphore(%arg16 : memref<!tpu.dma_semaphore, #tpu.memory_space<semaphore_mem>>) src(%arg10 : memref<40x128xf32, #tpu.memory_space<vmem>>) dst(%dma_wait3A_201 : memref<10240x128xf32, #tpu.memory_space<vmem_shared>>)
      } else {
      }
      %add3A_176 = arith.constant 3 : i32
      %add3A_177 = arith.addi %add3A_170, %add3A_176 : i32
      %lt3A_178 = arith.constant 250 : i32
      %lt3A_179 = arith.cmpi slt, %add3A_177, %lt3A_178 : i32
      %convert_element_type3A_180 = arith.extui %lt3A_179 : i1 to i32
      %cond3A_181 = arith.constant 0 : i32
      %cond3A_182 = arith.cmpi ne, %convert_element_type3A_180, %cond3A_181 : i32
      scf.if %cond3A_182 {
        %add3A_196 = arith.constant 3 : i32
        %add3A_197 = arith.addi %add3A_170, %add3A_196 : i32
        %mul3A_198 = arith.constant 40 : i32
        %mul3A_199 = arith.muli %add3A_197, %mul3A_198 : i32
        %dma_start3A_200 = tpu.memref_slice %arg6[%mul3A_199] : memref<10000xi32, #tpu.memory_space<vmem>> -> memref<40xi32, #tpu.memory_space<vmem>>
        %dma_start3A_201 = arith.constant 0 : i32
        %dma_start3A_202 = arith.constant 0 : i32
        %dma_start3A_203 = tpu.memref_slice %arg2[%dma_start3A_201, %dma_start3A_202] : memref<10000x128xf32, #tpu.memory_space<hbm>> -> memref<10000x128xf32, #tpu.memory_space<hbm>>
        tpu.enqueue_indirect_dma source(%dma_start3A_203 : memref<10000x128xf32, #tpu.memory_space<hbm>>) target(%arg10 : memref<40x128xf32, #tpu.memory_space<vmem>>) offsets(%dma_start3A_200 : memref<40xi32, #tpu.memory_space<vmem>>) semaphore(%arg15 : memref<!tpu.dma_semaphore, #tpu.memory_space<semaphore_mem>>)
      } else {
      }
      %mul3A_183 = arith.constant 40 : i32
      %mul3A_184 = arith.muli %add3A_170, %mul3A_183 : i32
      %dma_wait3A_185 = tpu.memref_slice %arg6[%mul3A_184] : memref<10000xi32, #tpu.memory_space<vmem>> -> memref<40xi32, #tpu.memory_space<vmem>>
      %dma_wait3A_186 = arith.constant 0 : i32
      %dma_wait3A_187 = arith.constant 0 : i32
      %dma_wait3A_188 = tpu.memref_slice %arg2[%dma_wait3A_186, %dma_wait3A_187] : memref<10000x128xf32, #tpu.memory_space<hbm>> -> memref<10000x128xf32, #tpu.memory_space<hbm>>
      tpu.wait_indirect_dma semaphore(%arg15 : memref<!tpu.dma_semaphore, #tpu.memory_space<semaphore_mem>>) src(%dma_wait3A_188 : memref<10000x128xf32, #tpu.memory_space<hbm>>) dst(%arg12 : memref<40x128xf32, #tpu.memory_space<vmem>>)
      %mul3A_189 = arith.constant 40 : i32
      %mul3A_190 = arith.muli %add3A_170, %mul3A_189 : i32
      %dma_start3A_191 = tpu.memref_slice %arg7[%mul3A_190] : memref<10000xi32, #tpu.memory_space<vmem>> -> memref<40xi32, #tpu.memory_space<vmem>>
      %dma_start3A_192 = arith.constant 0 : i32
      %dma_start3A_193 = arith.constant 0 : i32
      %dma_start3A_194 = tpu.memref_slice %arg14[%dma_start3A_192, %dma_start3A_193] : memref<10240x128xf32, #tpu.memory_space<vmem_shared>> -> memref<10240x128xf32, #tpu.memory_space<vmem_shared>>
      tpu.enqueue_indirect_dma source(%arg12 : memref<40x128xf32, #tpu.memory_space<vmem>>) target(%dma_start3A_194 : memref<10240x128xf32, #tpu.memory_space<vmem_shared>>) offsets(%dma_start3A_191 : memref<40xi32, #tpu.memory_space<vmem>>) semaphore(%arg16 : memref<!tpu.dma_semaphore, #tpu.memory_space<semaphore_mem>>) {add = true}
      %scan3A_195 = arith.constant 0 : i32
      scf.yield %scan3A_195 : i32
    }
    %scan3A_48 = arith.constant 50 : i32
    %dma_wait3A = arith.constant 0 : i32
    %dma_wait3A_49 = tpu.memref_slice %arg7[%dma_wait3A] : memref<10000xi32, #tpu.memory_space<vmem>> -> memref<40xi32, #tpu.memory_space<vmem>>
    %dma_wait3A_50 = arith.constant 0 : i32
    %dma_wait3A_51 = arith.constant 0 : i32
    %dma_wait3A_52 = tpu.memref_slice %arg14[%dma_wait3A_50, %dma_wait3A_51] : memref<10240x128xf32, #tpu.memory_space<vmem_shared>> -> memref<10240x128xf32, #tpu.memory_space<vmem_shared>>
    tpu.wait_indirect_dma semaphore(%arg16 : memref<!tpu.dma_semaphore, #tpu.memory_space<semaphore_mem>>) src(%arg8 : memref<40x128xf32, #tpu.memory_space<vmem>>) dst(%dma_wait3A_52 : memref<10240x128xf32, #tpu.memory_space<vmem_shared>>)
    %dma_wait3A_53 = arith.constant 0 : i32
    %dma_wait3A_54 = tpu.memref_slice %arg7[%dma_wait3A_53] : memref<10000xi32, #tpu.memory_space<vmem>> -> memref<40xi32, #tpu.memory_space<vmem>>
    %dma_wait3A_55 = arith.constant 0 : i32
    %dma_wait3A_56 = arith.constant 0 : i32
    %dma_wait3A_57 = tpu.memref_slice %arg14[%dma_wait3A_55, %dma_wait3A_56] : memref<10240x128xf32, #tpu.memory_space<vmem_shared>> -> memref<10240x128xf32, #tpu.memory_space<vmem_shared>>
    tpu.wait_indirect_dma semaphore(%arg16 : memref<!tpu.dma_semaphore, #tpu.memory_space<semaphore_mem>>) src(%arg8 : memref<40x128xf32, #tpu.memory_space<vmem>>) dst(%dma_wait3A_57 : memref<10240x128xf32, #tpu.memory_space<vmem_shared>>)
    %barrier3A_58 = arith.constant 0 : index
    tpu.barrier barrier_id(%barrier3A_58)
    "tpu.region"() ({
      %run_scoped3A = tpu.sem_alloc : memref<!tpu.dma_semaphore, #tpu.memory_space<semaphore_mem>>
      %dma_start3A_59 = arith.constant 0 : i32
      %dma_start3A_60 = tpu.memref_slice %arg5[%arg0, %mul3A_2, %dma_start3A_59] : memref<2x10240x128xf32, #tpu.memory_space<hbm>> -> memref<1x640x128xf32, #tpu.memory_space<hbm>>
      %dma_start3A_61 = tpu.memref_squeeze %dma_start3A_60 : memref<1x640x128xf32, #tpu.memory_space<hbm>> -> memref<640x128xf32, #tpu.memory_space<hbm>>
      %dma_start3A_62 = arith.constant 0 : i32
      %dma_start3A_63 = tpu.memref_slice %arg14[%mul3A_2, %dma_start3A_62] : memref<10240x128xf32, #tpu.memory_space<vmem_shared>> -> memref<640x128xf32, #tpu.memory_space<vmem_shared>>
      tpu.enqueue_dma source(%dma_start3A_63 : memref<640x128xf32, #tpu.memory_space<vmem_shared>>) target(%dma_start3A_61 : memref<640x128xf32, #tpu.memory_space<hbm>>) target_semaphore(%run_scoped3A : memref<!tpu.dma_semaphore, #tpu.memory_space<semaphore_mem>>)
      %dma_wait3A_64 = arith.constant 0 : i32
      %dma_wait3A_65 = tpu.memref_slice %arg5[%arg0, %mul3A_2, %dma_wait3A_64] : memref<2x10240x128xf32, #tpu.memory_space<hbm>> -> memref<1x640x128xf32, #tpu.memory_space<hbm>>
      %dma_wait3A_66 = tpu.memref_squeeze %dma_wait3A_65 : memref<1x640x128xf32, #tpu.memory_space<hbm>> -> memref<640x128xf32, #tpu.memory_space<hbm>>
      %dma_wait3A_67 = arith.constant 0 : i32
      %dma_wait3A_68 = tpu.memref_slice %arg14[%mul3A_2, %dma_wait3A_67] : memref<10240x128xf32, #tpu.memory_space<vmem_shared>> -> memref<640x128xf32, #tpu.memory_space<vmem_shared>>
      tpu.wait_dma2 semaphore(%run_scoped3A : memref<!tpu.dma_semaphore, #tpu.memory_space<semaphore_mem>>) src(%dma_wait3A_68 : memref<640x128xf32, #tpu.memory_space<vmem_shared>>) dst(%dma_wait3A_66 : memref<640x128xf32, #tpu.memory_space<hbm>>)
      tpu.yield
    }) : () -> ()
    return
  }
}

module attributes {stable_mosaic.version = 14 : i64} {
  func.func @_proj_kernel(%arg0: i32, %arg1: memref<400x128xf32, #tpu.memory_space<vmem>>, %arg2: memref<128x128xf32, #tpu.memory_space<vmem>>, %arg3: memref<128x128xf32, #tpu.memory_space<vmem>>, %arg4: memref<1x128xf32, #tpu.memory_space<vmem>>, %arg5: memref<400x128xf32, #tpu.memory_space<vmem>>, %arg6: memref<400x128xf32, #tpu.memory_space<vmem>>) attributes {dimension_semantics = [#tpu.dimension_semantics<arbitrary>], iteration_bounds = array<i64: 25>, scalar_prefetch = 0 : i64, scratch_operands = 0 : i64, tpu.core_type = #tpu.core_type<tc>, window_params = [{transform_indices = @transform_0, window_bounds = array<i64: 400, 128>}, {pipeline_mode = #tpu.pipeline_mode<synchronous>, transform_indices = @transform_1, window_bounds = array<i64: 128, 128>}, {pipeline_mode = #tpu.pipeline_mode<synchronous>, transform_indices = @transform_2, window_bounds = array<i64: 128, 128>}, {pipeline_mode = #tpu.pipeline_mode<synchronous>, transform_indices = @transform_3, window_bounds = array<i64: 1, 128>}, {transform_indices = @transform_4, window_bounds = array<i64: 400, 128>}, {transform_indices = @transform_5, window_bounds = array<i64: 400, 128>}]} {
    %get3A = arith.constant 0 : index
    %get3A_0 = arith.constant 0 : index
    %get3A_1 = vector.load %arg1[%get3A, %get3A_0] : memref<400x128xf32, #tpu.memory_space<vmem>>, vector<400x128xf32>
    %get3A_2 = arith.constant 0 : index
    %get3A_3 = arith.constant 0 : index
    %get3A_4 = vector.load %arg2[%get3A_2, %get3A_3] : memref<128x128xf32, #tpu.memory_space<vmem>>, vector<128x128xf32>
    %dot_general3A = arith.constant dense<0.000000e+00> : vector<400x128xf32>
    %dot_general3A_5 = tpu.matmul %get3A_1, %get3A_4, %dot_general3A {dimension_numbers = #tpu.dot_dimension_numbers<[1], [0], [0], [1], [0, 0, 1, 1], [], []>, transpose_lhs_hint = false} : vector<400x128xf32>, vector<128x128xf32>, vector<400x128xf32> -> vector<400x128xf32>
    %swap3A = arith.constant 0 : index
    %swap3A_6 = arith.constant 0 : index
    %swap3A_7 = vector.load %arg5[%swap3A, %swap3A_6] : memref<400x128xf32, #tpu.memory_space<vmem>>, vector<400x128xf32>
    tpu.vector_store %arg5[%swap3A, %swap3A_6], %dot_general3A_5 {strides = array<i32>} : memref<400x128xf32, #tpu.memory_space<vmem>>, vector<400x128xf32>,
    %get3A_8 = arith.constant 0 : index
    %get3A_9 = arith.constant 0 : index
    %get3A_10 = vector.load %arg3[%get3A_8, %get3A_9] : memref<128x128xf32, #tpu.memory_space<vmem>>, vector<128x128xf32>
    %dot_general3A_11 = arith.constant dense<0.000000e+00> : vector<400x128xf32>
    %dot_general3A_12 = tpu.matmul %get3A_1, %get3A_10, %dot_general3A_11 {dimension_numbers = #tpu.dot_dimension_numbers<[1], [0], [0], [1], [0, 0, 1, 1], [], []>, transpose_lhs_hint = false} : vector<400x128xf32>, vector<128x128xf32>, vector<400x128xf32> -> vector<400x128xf32>
    %get3A_13 = arith.constant 0 : index
    %get3A_14 = arith.constant 0 : index
    %get3A_15 = vector.load %arg4[%get3A_13, %get3A_14] : memref<1x128xf32, #tpu.memory_space<vmem>>, vector<1x128xf32>
    %add3A = vector.broadcast %get3A_15 : vector<1x128xf32> to vector<400x128xf32>
    %add3A_16 = arith.addf %dot_general3A_12, %add3A : vector<400x128xf32>
    %swap3A_17 = arith.constant 0 : index
    %swap3A_18 = arith.constant 0 : index
    %swap3A_19 = vector.load %arg6[%swap3A_17, %swap3A_18] : memref<400x128xf32, #tpu.memory_space<vmem>>, vector<400x128xf32>
    tpu.vector_store %arg6[%swap3A_17, %swap3A_18], %add3A_16 {strides = array<i32>} : memref<400x128xf32, #tpu.memory_space<vmem>>, vector<400x128xf32>,
    return
  }
  func.func @transform_0(%arg0: i32) -> (i32, i32) {
    %c0_i32 = arith.constant 0 : i32
    %c0_i32_0 = arith.constant 0 : i32
    return %arg0, %c0_i32 : i32, i32
  }
  func.func @transform_1(%arg0: i32) -> (i32, i32) {
    %c0_i32 = arith.constant 0 : i32
    %c0_i32_0 = arith.constant 0 : i32
    %c0_i32_1 = arith.constant 0 : i32
    return %c0_i32, %c0_i32_0 : i32, i32
  }
  func.func @transform_2(%arg0: i32) -> (i32, i32) {
    %c0_i32 = arith.constant 0 : i32
    %c0_i32_0 = arith.constant 0 : i32
    %c0_i32_1 = arith.constant 0 : i32
    return %c0_i32, %c0_i32_0 : i32, i32
  }
  func.func @transform_3(%arg0: i32) -> (i32, i32) {
    %c0_i32 = arith.constant 0 : i32
    %c0_i32_0 = arith.constant 0 : i32
    %c0_i32_1 = arith.constant 0 : i32
    return %c0_i32, %c0_i32_0 : i32, i32
  }
  func.func @transform_4(%arg0: i32) -> (i32, i32) {
    %c0_i32 = arith.constant 0 : i32
    %c0_i32_0 = arith.constant 0 : i32
    return %arg0, %c0_i32 : i32, i32
  }
  func.func @transform_5(%arg0: i32) -> (i32, i32) {
    %c0_i32 = arith.constant 0 : i32
    %c0_i32_0 = arith.constant 0 : i32
    return %arg0, %c0_i32 : i32, i32
  }
}

module attributes {stable_mosaic.version = 14 : i64} {
  func.func @_fused_kernel(%arg0: i32, %arg1: memref<400x128xf32, #tpu.memory_space<vmem>>, %arg2: memref<400x128xf32, #tpu.memory_space<vmem>>, %arg3: memref<400x128xf32, #tpu.memory_space<vmem>>, %arg4: memref<400x16xf32, #tpu.memory_space<vmem>>, %arg5: memref<400x16xf32, #tpu.memory_space<vmem>>, %arg6: memref<128x128xf32, #tpu.memory_space<vmem>>, %arg7: memref<128x128xf32, #tpu.memory_space<vmem>>, %arg8: memref<1x128xf32, #tpu.memory_space<vmem>>, %arg9: memref<400x128xf32, #tpu.memory_space<vmem>>, %arg10: memref<400x128xf32, #tpu.memory_space<vmem>>) attributes {dimension_semantics = [#tpu.dimension_semantics<arbitrary>], iteration_bounds = array<i64: 25>, scalar_prefetch = 0 : i64, scratch_operands = 0 : i64, tpu.core_type = #tpu.core_type<tc>, window_params = [{transform_indices = @transform_0, window_bounds = array<i64: 400, 128>}, {transform_indices = @transform_1, window_bounds = array<i64: 400, 128>}, {transform_indices = @transform_2, window_bounds = array<i64: 400, 128>}, {transform_indices = @transform_3, window_bounds = array<i64: 400, 16>}, {transform_indices = @transform_4, window_bounds = array<i64: 400, 16>}, {pipeline_mode = #tpu.pipeline_mode<synchronous>, transform_indices = @transform_5, window_bounds = array<i64: 128, 128>}, {pipeline_mode = #tpu.pipeline_mode<synchronous>, transform_indices = @transform_6, window_bounds = array<i64: 128, 128>}, {pipeline_mode = #tpu.pipeline_mode<synchronous>, transform_indices = @transform_7, window_bounds = array<i64: 1, 128>}, {transform_indices = @transform_8, window_bounds = array<i64: 400, 128>}, {transform_indices = @transform_9, window_bounds = array<i64: 400, 128>}]} {
    %get3A = arith.constant 0 : index
    %get3A_0 = arith.constant 0 : index
    %get3A_1 = vector.load %arg4[%get3A, %get3A_0] : memref<400x16xf32, #tpu.memory_space<vmem>>, vector<400x1xf32>
    %get3A_2 = arith.constant 0 : index
    %get3A_3 = arith.constant 0 : index
    %get3A_4 = vector.load %arg5[%get3A_2, %get3A_3] : memref<400x16xf32, #tpu.memory_space<vmem>>, vector<400x1xf32>
    %add3A = arith.addf %get3A_1, %get3A_4 : vector<400x1xf32>
    %max3A = arith.constant 1.000000e+00 : f32
    %max3A_5 = vector.broadcast %max3A : f32 to vector<400x1xf32>
    %max3A_6 = arith.maximumf %add3A, %max3A_5 : vector<400x1xf32>
    %div3A = arith.constant 1.000000e+00 : f32
    %div3A_7 = vector.broadcast %div3A : f32 to vector<400x1xf32>
    %div3A_8 = arith.divf %div3A_7, %max3A_6 : vector<400x1xf32>
    %get3A_9 = arith.constant 0 : index
    %get3A_10 = arith.constant 0 : index
    %get3A_11 = vector.load %arg1[%get3A_9, %get3A_10] : memref<400x128xf32, #tpu.memory_space<vmem>>, vector<400x128xf32>
    %get3A_12 = arith.constant 0 : index
    %get3A_13 = arith.constant 0 : index
    %get3A_14 = vector.load %arg2[%get3A_12, %get3A_13] : memref<400x128xf32, #tpu.memory_space<vmem>>, vector<400x128xf32>
    %get3A_15 = arith.constant 0 : index
    %get3A_16 = arith.constant 0 : index
    %get3A_17 = vector.load %arg3[%get3A_15, %get3A_16] : memref<400x128xf32, #tpu.memory_space<vmem>>, vector<400x128xf32>
    %add3A_18 = arith.addf %get3A_14, %get3A_17 : vector<400x128xf32>
    %mul3A = vector.broadcast %div3A_8 : vector<400x1xf32> to vector<400x128xf32>
    %mul3A_19 = arith.mulf %add3A_18, %mul3A : vector<400x128xf32>
    %add3A_20 = arith.addf %get3A_11, %mul3A_19 : vector<400x128xf32>
    %max3A_21 = arith.constant 0.000000e+00 : f32
    %max3A_22 = vector.broadcast %max3A_21 : f32 to vector<400x128xf32>
    %max3A_23 = arith.maximumf %add3A_20, %max3A_22 : vector<400x128xf32>
    %get3A_24 = arith.constant 0 : index
    %get3A_25 = arith.constant 0 : index
    %get3A_26 = vector.load %arg6[%get3A_24, %get3A_25] : memref<128x128xf32, #tpu.memory_space<vmem>>, vector<128x128xf32>
    %dot_general3A = arith.constant dense<0.000000e+00> : vector<400x128xf32>
    %dot_general3A_27 = tpu.matmul %max3A_23, %get3A_26, %dot_general3A {dimension_numbers = #tpu.dot_dimension_numbers<[1], [0], [0], [1], [0, 0, 1, 1], [], []>, transpose_lhs_hint = false} : vector<400x128xf32>, vector<128x128xf32>, vector<400x128xf32> -> vector<400x128xf32>
    %swap3A = arith.constant 0 : index
    %swap3A_28 = arith.constant 0 : index
    %swap3A_29 = vector.load %arg9[%swap3A, %swap3A_28] : memref<400x128xf32, #tpu.memory_space<vmem>>, vector<400x128xf32>
    tpu.vector_store %arg9[%swap3A, %swap3A_28], %dot_general3A_27 {strides = array<i32>} : memref<400x128xf32, #tpu.memory_space<vmem>>, vector<400x128xf32>,
    %get3A_30 = arith.constant 0 : index
    %get3A_31 = arith.constant 0 : index
    %get3A_32 = vector.load %arg7[%get3A_30, %get3A_31] : memref<128x128xf32, #tpu.memory_space<vmem>>, vector<128x128xf32>
    %dot_general3A_33 = arith.constant dense<0.000000e+00> : vector<400x128xf32>
    %dot_general3A_34 = tpu.matmul %max3A_23, %get3A_32, %dot_general3A_33 {dimension_numbers = #tpu.dot_dimension_numbers<[1], [0], [0], [1], [0, 0, 1, 1], [], []>, transpose_lhs_hint = false} : vector<400x128xf32>, vector<128x128xf32>, vector<400x128xf32> -> vector<400x128xf32>
    %get3A_35 = arith.constant 0 : index
    %get3A_36 = arith.constant 0 : index
    %get3A_37 = vector.load %arg8[%get3A_35, %get3A_36] : memref<1x128xf32, #tpu.memory_space<vmem>>, vector<1x128xf32>
    %add3A_38 = vector.broadcast %get3A_37 : vector<1x128xf32> to vector<400x128xf32>
    %add3A_39 = arith.addf %dot_general3A_34, %add3A_38 : vector<400x128xf32>
    %swap3A_40 = arith.constant 0 : index
    %swap3A_41 = arith.constant 0 : index
    %swap3A_42 = vector.load %arg10[%swap3A_40, %swap3A_41] : memref<400x128xf32, #tpu.memory_space<vmem>>, vector<400x128xf32>
    tpu.vector_store %arg10[%swap3A_40, %swap3A_41], %add3A_39 {strides = array<i32>} : memref<400x128xf32, #tpu.memory_space<vmem>>, vector<400x128xf32>,
    return
  }
  func.func @transform_0(%arg0: i32) -> (i32, i32) {
    %c0_i32 = arith.constant 0 : i32
    %c0_i32_0 = arith.constant 0 : i32
    return %arg0, %c0_i32 : i32, i32
  }
  func.func @transform_1(%arg0: i32) -> (i32, i32) {
    %c0_i32 = arith.constant 0 : i32
    %c0_i32_0 = arith.constant 0 : i32
    return %arg0, %c0_i32 : i32, i32
  }
  func.func @transform_2(%arg0: i32) -> (i32, i32) {
    %c0_i32 = arith.constant 0 : i32
    %c0_i32_0 = arith.constant 0 : i32
    return %arg0, %c0_i32 : i32, i32
  }
  func.func @transform_3(%arg0: i32) -> (i32, i32) {
    %c0_i32 = arith.constant 0 : i32
    %c0_i32_0 = arith.constant 0 : i32
    return %arg0, %c0_i32 : i32, i32
  }
  func.func @transform_4(%arg0: i32) -> (i32, i32) {
    %c0_i32 = arith.constant 0 : i32
    %c0_i32_0 = arith.constant 0 : i32
    return %arg0, %c0_i32 : i32, i32
  }
  func.func @transform_5(%arg0: i32) -> (i32, i32) {
    %c0_i32 = arith.constant 0 : i32
    %c0_i32_0 = arith.constant 0 : i32
    %c0_i32_1 = arith.constant 0 : i32
    return %c0_i32, %c0_i32_0 : i32, i32
  }
  func.func @transform_6(%arg0: i32) -> (i32, i32) {
    %c0_i32 = arith.constant 0 : i32
    %c0_i32_0 = arith.constant 0 : i32
    %c0_i32_1 = arith.constant 0 : i32
    return %c0_i32, %c0_i32_0 : i32, i32
  }
  func.func @transform_7(%arg0: i32) -> (i32, i32) {
    %c0_i32 = arith.constant 0 : i32
    %c0_i32_0 = arith.constant 0 : i32
    %c0_i32_1 = arith.constant 0 : i32
    return %c0_i32, %c0_i32_0 : i32, i32
  }
  func.func @transform_8(%arg0: i32) -> (i32, i32) {
    %c0_i32 = arith.constant 0 : i32
    %c0_i32_0 = arith.constant 0 : i32
    return %arg0, %c0_i32 : i32, i32
  }
  func.func @transform_9(%arg0: i32) -> (i32, i32) {
    %c0_i32 = arith.constant 0 : i32
    %c0_i32_0 = arith.constant 0 : i32
    return %arg0, %c0_i32 : i32, i32
  }
}

module attributes {stable_mosaic.version = 14 : i64} {
  func.func @_combine_kernel(%arg0: i32, %arg1: memref<400x128xf32, #tpu.memory_space<vmem>>, %arg2: memref<400x128xf32, #tpu.memory_space<vmem>>, %arg3: memref<400x128xf32, #tpu.memory_space<vmem>>, %arg4: memref<400x16xf32, #tpu.memory_space<vmem>>, %arg5: memref<400x16xf32, #tpu.memory_space<vmem>>, %arg6: memref<400x128xf32, #tpu.memory_space<vmem>>) attributes {dimension_semantics = [#tpu.dimension_semantics<arbitrary>], iteration_bounds = array<i64: 25>, scalar_prefetch = 0 : i64, scratch_operands = 0 : i64, tpu.core_type = #tpu.core_type<tc>, window_params = [{transform_indices = @transform_0, window_bounds = array<i64: 400, 128>}, {transform_indices = @transform_1, window_bounds = array<i64: 400, 128>}, {transform_indices = @transform_2, window_bounds = array<i64: 400, 128>}, {transform_indices = @transform_3, window_bounds = array<i64: 400, 16>}, {transform_indices = @transform_4, window_bounds = array<i64: 400, 16>}, {transform_indices = @transform_5, window_bounds = array<i64: 400, 128>}]} {
    %get3A = arith.constant 0 : index
    %get3A_0 = arith.constant 0 : index
    %get3A_1 = vector.load %arg4[%get3A, %get3A_0] : memref<400x16xf32, #tpu.memory_space<vmem>>, vector<400x1xf32>
    %get3A_2 = arith.constant 0 : index
    %get3A_3 = arith.constant 0 : index
    %get3A_4 = vector.load %arg5[%get3A_2, %get3A_3] : memref<400x16xf32, #tpu.memory_space<vmem>>, vector<400x1xf32>
    %add3A = arith.addf %get3A_1, %get3A_4 : vector<400x1xf32>
    %max3A = arith.constant 1.000000e+00 : f32
    %max3A_5 = vector.broadcast %max3A : f32 to vector<400x1xf32>
    %max3A_6 = arith.maximumf %add3A, %max3A_5 : vector<400x1xf32>
    %div3A = arith.constant 1.000000e+00 : f32
    %div3A_7 = vector.broadcast %div3A : f32 to vector<400x1xf32>
    %div3A_8 = arith.divf %div3A_7, %max3A_6 : vector<400x1xf32>
    %get3A_9 = arith.constant 0 : index
    %get3A_10 = arith.constant 0 : index
    %get3A_11 = vector.load %arg1[%get3A_9, %get3A_10] : memref<400x128xf32, #tpu.memory_space<vmem>>, vector<400x128xf32>
    %get3A_12 = arith.constant 0 : index
    %get3A_13 = arith.constant 0 : index
    %get3A_14 = vector.load %arg2[%get3A_12, %get3A_13] : memref<400x128xf32, #tpu.memory_space<vmem>>, vector<400x128xf32>
    %get3A_15 = arith.constant 0 : index
    %get3A_16 = arith.constant 0 : index
    %get3A_17 = vector.load %arg3[%get3A_15, %get3A_16] : memref<400x128xf32, #tpu.memory_space<vmem>>, vector<400x128xf32>
    %add3A_18 = arith.addf %get3A_14, %get3A_17 : vector<400x128xf32>
    %mul3A = vector.broadcast %div3A_8 : vector<400x1xf32> to vector<400x128xf32>
    %mul3A_19 = arith.mulf %add3A_18, %mul3A : vector<400x128xf32>
    %add3A_20 = arith.addf %get3A_11, %mul3A_19 : vector<400x128xf32>
    %swap3A = arith.constant 0 : index
    %swap3A_21 = arith.constant 0 : index
    %swap3A_22 = vector.load %arg6[%swap3A, %swap3A_21] : memref<400x128xf32, #tpu.memory_space<vmem>>, vector<400x128xf32>
    tpu.vector_store %arg6[%swap3A, %swap3A_21], %add3A_20 {strides = array<i32>} : memref<400x128xf32, #tpu.memory_space<vmem>>, vector<400x128xf32>,
    return
  }
  func.func @transform_0(%arg0: i32) -> (i32, i32) {
    %c0_i32 = arith.constant 0 : i32
    %c0_i32_0 = arith.constant 0 : i32
    return %arg0, %c0_i32 : i32, i32
  }
  func.func @transform_1(%arg0: i32) -> (i32, i32) {
    %c0_i32 = arith.constant 0 : i32
    %c0_i32_0 = arith.constant 0 : i32
    return %arg0, %c0_i32 : i32, i32
  }
  func.func @transform_2(%arg0: i32) -> (i32, i32) {
    %c0_i32 = arith.constant 0 : i32
    %c0_i32_0 = arith.constant 0 : i32
    return %arg0, %c0_i32 : i32, i32
  }
  func.func @transform_3(%arg0: i32) -> (i32, i32) {
    %c0_i32 = arith.constant 0 : i32
    %c0_i32_0 = arith.constant 0 : i32
    return %arg0, %c0_i32 : i32, i32
  }
  func.func @transform_4(%arg0: i32) -> (i32, i32) {
    %c0_i32 = arith.constant 0 : i32
    %c0_i32_0 = arith.constant 0 : i32
    return %arg0, %c0_i32 : i32, i32
  }
  func.func @transform_5(%arg0: i32) -> (i32, i32) {
    %c0_i32 = arith.constant 0 : i32
    %c0_i32_0 = arith.constant 0 : i32
    return %arg0, %c0_i32 : i32, i32
  }
}

</mosaic_0001>

<sc_bundles>
// kernel: kernel.12.cloned.1.call-start
scs
__scs_entry_jumppad:
0x0: {  	(pc) =	sbr.rel $0x88, $3  }
0x1: {  	(tag) =	ssettag $0x0;
	lr =	simm.s32 $0x1  }
0x2: {  	[smem:$0x3F93] =	sst lr;
	_ =	strace $0xD0000000  }
0x3: {  	_ = 	snop  }
0x4: {  	_ = 	snop  }
0x5: {  	_ = 	snop  }
0x6: {  	_ = 	snop  }
0x7: {  	_ = 	snop  }
__scs_overlays_trampoline_lowered:
0x8: {  	[smem:$0x3FA2] =	sst s0  }
0x9: {  	[smem:$0x3FA3] =	sst s1  }
0xa: {  	[smem:$0x3FA4] =	sst s2  }
0xb: {  	[smem:$0x3FA5] =	sst s3  }
0xc: {  	[smem:$0x3FA6] =	sst s4  }
0xd: {  	[smem:$0x3FA7] =	sst s5  }
0xe: {  	[smem:$0x3FA8] =	sst s6  }
0xf: {  	[smem:$0x3FA9] =	sst s7  }
0x10: {  	[smem:$0x3FAA] =	sst s8  }
0x11: {  	[smem:$0x3FAB] =	sst s9;
	s0 =	simm.s32 @!p0 $0x0  }
0x12: {  	s1 =	sld [smem:$0x3F91];
	s0 =	simm.s32 @p0 $0x1  }
0x13: {  	[smem:$0x3FAC] =	sst s0;
	s0 =	simm.s32 @!p1 $0x0  }
0x14: {  	s2 =	sld [smem:$0x3F90];
	s0 =	simm.s32 @p1 $0x1  }
0x15: {  	[smem:$0x3FAD] =	sst s0;
	s0 =	simm.s32 @!p2 $0x0  }
0x16: {  	s3 =	sld [smem:$0x3FDB];
	s0 =	simm.s32 @p2 $0x1  }
0x17: {  	s4 =	simm.s32 $0x1BF5;
	[smem:$0x3FAF] =	sst s0  }
0x18: {  	s0 =	sld [smem:$0x3F92];
	_ =	swait.ge [sflag:s4], $0x0  }
0x19: {  	s7 =	sld [smem:$0x3F93]  }
0x1a: {  	s8 =	sadd.s32 $0xFFFFE003, lr  }
0x1b: {  	s9 =	sadd.s32 $0xFFFFFEF7, lr;
	s5 =	simm.s32 $0xFFFFFFFF;
	p2 =	slt.u32 s8, $0xFFFFF086  }
0x1c: {  	p1 =	slt.u32 s9, $0xF7A;
	s5 =	simm.s32 @!p2 $0x0  }
0x1d: {  	s5 =	simm.s32 @p1 $0x1;
	p0 =	seq.s32 s7, s2  }
0x1e: {  	s7 =	smul.u32 @!p0 $0xF7A, s2;
	p2 =	seq.s32 @!p0 s5, $0x0  }
0x1f: {  	s9 =	smul.u32 $0xF7A, s1;
	s8 =	simm.s32 @!p0 $0x1BF5;
	p2 =	por !p2, p0  }
0x20: {  	[sflag:s8] =	ssyncset.s32 @!p0 $0xFFFFF086;
	s6 =	sadd.s32 @!p0 s3, s7;
	s7 =	simm.s32 @!p0 $0x108  }
0x21: {  	s3 =	sadd.s32 s3, s9;
	s6 =	sadd.s32 @!p0 $0x88, s6;
	s7 =	simm.s32 @p2 $0x1082  }
0x22: {  	[simem:s7], [sflag:s8] =	dma.local @!p0 [hbm:s6], $0xF7A  }
0x23: {  	s9 =	sor.u32 $0xD0000000, s2;
	s6 =	simm.s32 $0x108;
	_ =	swait.ge @!p0 [sflag:s8], $0x0  }
0x24: {  	s3 =	sadd.s32 $0x88, s3;
	s6 =	simm.s32 @!p1 $0x1082;
	[sflag:s4] =	ssyncset.s32 $0xFFFFF086  }
0x25: {  	[simem:s6], [sflag:s4] =	dma.local [hbm:s3], $0xF7A  }
0x26: {  	[smem:$0x3F93] =	sst s1;
	(tag) =	ssettag s2;
	_ =	strace s9  }
0x27: {  	s1 =	sld [smem:$0x3FA3]  }
0x28: {  	s2 =	sld [smem:$0x3FA4]  }
0x29: {  	s4 =	sld [smem:$0x3FA6]  }
0x2a: {  	p0 =	seq.s32 s5, $0x0;
	s5 =	sld [smem:$0x3FA7]  }
0x2b: {  	s6 =	sld [smem:$0x3FA8]  }
0x2c: {  	s7 =	sld [smem:$0x3FA9]  }
0x2d: {  	s3 =	simm.s32 $0x108;
	s8 =	sld [smem:$0x3FAA]  }
0x2e: {  	s3 =	simm.s32 @!p0 $0x1082;
	s9 =	sld [smem:$0x3FAB]  }
0x2f: {  	lr =	sadd.s32 s0, s3;
	s0 =	sld [smem:$0x3FA2]  }
0x30: {  	s3 =	sld [smem:$0x3FA5]  }
0x31: {  	[smem:$0x3FAE] =	sst s10  }
0x32: {  	s10 =	sld [smem:$0x3FAC];
	_ =	sdelay $0x3  }
0x33: {  	p0 =	seq.s32 s10, $0x1;
	s10 =	sld [smem:$0x3FAE];
	_ =	sdelay $0x3  }
0x34: {  	[smem:$0x3FAE] =	sst s10  }
0x35: {  	s10 =	sld [smem:$0x3FAD];
	_ =	sdelay $0x3  }
0x36: {  	p1 =	seq.s32 s10, $0x1;
	s10 =	sld [smem:$0x3FAE];
	_ =	sdelay $0x3  }
0x37: {  	[smem:$0x3FAE] =	sst s10  }
0x38: {  	s10 =	sld [smem:$0x3FAF]  }
0x39: {  	_ = 	snop;
	(pc) =	sbr.ind lr, $3  }
0x3a: {  	_ = 	snop  }
0x3b: {  	_ = 	snop  }
0x3c: {  	p2 =	seq.s32 s10, $0x1;
	s10 =	sld [smem:$0x3FAE]  }
0x3d: {  	_ =	shalt  }
0x3e: {  	_ =	shalt  }
0x3f: {  	_ =	shalt  }
0x40: {  	_ =	shalt  }
0x41: {  	_ =	shalt  }
0x42: {  	_ =	shalt  }
0x43: {  	_ =	shalt  }
0x44: {  	_ =	shalt  }
0x45: {  	_ =	shalt  }
0x46: {  	_ =	shalt  }
0x47: {  	_ =	shalt  }
0x48: {  	_ =	shalt  }
0x49: {  	_ =	shalt  }
0x4a: {  	_ =	shalt  }
0x4b: {  	_ =	shalt  }
0x4c: {  	_ =	shalt  }
0x4d: {  	_ =	shalt  }
0x4e: {  	_ =	shalt  }
0x4f: {  	_ =	shalt  }
0x50: {  	_ =	shalt  }
0x51: {  	_ =	shalt  }
0x52: {  	_ =	shalt  }
0x53: {  	_ =	shalt  }
0x54: {  	_ =	shalt  }
0x55: {  	_ =	shalt  }
0x56: {  	_ =	shalt  }
0x57: {  	_ =	shalt  }
0x58: {  	_ =	shalt  }
0x59: {  	_ =	shalt  }
0x5a: {  	_ =	shalt  }
0x5b: {  	_ =	shalt  }
0x5c: {  	_ =	shalt  }
0x5d: {  	_ =	shalt  }
0x5e: {  	_ =	shalt  }
0x5f: {  	_ =	shalt  }
0x60: {  	_ =	shalt  }
0x61: {  	_ =	shalt  }
0x62: {  	_ =	shalt  }
0x63: {  	_ =	shalt  }
0x64: {  	_ =	shalt  }
0x65: {  	_ =	shalt  }
0x66: {  	_ =	shalt  }
0x67: {  	_ =	shalt  }
0x68: {  	_ =	shalt  }
0x69: {  	_ =	shalt  }
0x6a: {  	_ =	shalt  }
0x6b: {  	_ =	shalt  }
0x6c: {  	_ =	shalt  }
0x6d: {  	_ =	shalt  }
0x6e: {  	_ =	shalt  }
0x6f: {  	_ =	shalt  }
0x70: {  	_ =	shalt  }
0x71: {  	_ =	shalt  }
0x72: {  	_ =	shalt  }
0x73: {  	_ =	shalt  }
0x74: {  	_ =	shalt  }
0x75: {  	_ =	shalt  }
0x76: {  	_ =	shalt  }
0x77: {  	_ =	shalt  }
0x78: {  	_ =	shalt  }
0x79: {  	_ =	shalt  }
0x7a: {  	_ =	shalt  }
0x7b: {  	_ =	shalt  }
0x7c: {  	_ =	shalt  }
0x7d: {  	_ =	shalt  }
0x7e: {  	_ =	shalt  }
0x7f: {  	_ =	shalt  }
0x80: {  	_ =	shalt  }
0x81: {  	_ =	shalt  }
0x82: {  	_ =	shalt  }
0x83: {  	_ =	shalt  }
0x84: {  	_ =	shalt  }
0x85: {  	_ =	shalt  }
0x86: {  	_ =	shalt  }
0x87: {  	_ =	shalt  }
.Lfunc_end0:
.L_simem_size_0:
called_computation_lowered:
.L_overlay_start_0:
0x88: {  	s2 =	sld [smem:$0x3FD9]  }
0x89: {  	s3 =	sld [smem:$0x3FFE];
	_ =	sdelay $0x1  }
0x8a: {  	s1 =	srdreg.scid  }
0x8b: {  	s0 =	sand.u32 $0x1, s1  }
0x8c: {  	s17 =	sshll.u32 s0, $0xA;
	s2 =	sadd.s32 s3, s2  }
0x8d: {  	s2 =	sadd.s32 s2, s17  }
0x8e: {  	[smem:$0x3FBA] =	sst s2  }
0x8f: {  	_ = 	snop  }
0x90: {  	s18 =	sld [smem:$0x3FD0];
	(tm) =	ssettm $0x1  }
0x91: {  	s19 =	sld [smem:$0x3FFB];
	_ =	sdelay $0x3  }
0x92: {  	_ =	strace s19  }
0x93: {  	s2 =	sld [smem:$0x3FFC];
	_ =	sdelay $0x3  }
0x94: {  	_ =	strace s2  }
0x95: {  	s2 =	sld [smem:$0x3FFD];
	_ =	sdelay $0x3  }
0x96: {  	_ =	strace s2  }
0x97: {  	_ =	strace $0x8FFFFFFF  }
0x98: {  	s20 =	sld [smem:$0x3FDB];
	_ =	sdelay $0x1  }
0x99: {  	s4 =	simm.s32 $_scs_section_size  }
0x9a: {  	s5 =	simm.s32 $_size__tile_overlayer_lowered;
	s6 =	simm.s32 $_tile_overlayer_lowered  }
0x9b: {  	s7 =	simm.s32 $0x1BFF;
	s21 =	sshll.u32 s6, $0x1;
	s4 =	sadd.s32 s4, s20  }
0x9c: {  	s22 =	simm.s32 $0x0;
	s5 =	sshll.u32 s5, $0x1;
	s6 =	sadd.s32 s21, s4  }
0x9d: {  	[timem:s22], [sflag:s7] =	dma.local [hbm:s6], s5  }
0x9e: {  	_ =	swait.ge [sflag:s7], s5  }
0x9f: {  	s5 =	ssub.s32 $0x0, s5;
	[sflag:s7] =	ssyncset.done $0x0  }
0xa0: {  	[sflag:s7] =	ssyncadd.s32 s5;
	_ =	sdelay $0x1  }
0xa1: {  	s23 =	simm.s32 $0x1B8B  }
0xa2: {  	_ =	swait.ge [sflag:s23], $0x1  }
0xa3: {  	[sflag:s23] =	ssyncset.done $0x0  }
0xa4: {  	[sflag:s23] =	ssyncadd.s32 $0xFFFFFFFF  }
0xa5: {  	s5 =	sld [smem:$0x0]  }
0xa6: {  	s6 =	sand.u32 $0xFFFFFFFE, s1  }
0xa7: {  	p0 =	sne.s32 s1, s6  }
0xa8: {  	s6 =	sshll.u32 @p0 s6, $0xE  }
0xa9: {  	s6 =	sadd.s32 @p0 $0x11B8D, s6;
	s7 =	sshll.u32 @p0 s5, $0x11  }
0xaa: {  	s6 =	sor.u32 @p0 s7, s6  }
0xab: {  	[sflag:s6] =	ssyncadd.remote.s32 @p0 $0x1;
	_ =	sdelay $0x1  }
0xac: {  	s6 =	simm.s32 @p0 $0x1B8D  }
0xad: {  	_ =	swait.eq @p0 [sflag:s6], $0x1  }
0xae: {  	[sflag:s6] =	ssyncadd.s32 @p0 $0xFFFFFFFF  }
0xaf: {  	s7 =	sshll.u32 @!p0 s1, $0xE  }
0xb0: {  	s7 =	sor.u32 @!p0 $0x4000, s7;
	s6 =	simm.s32 @!p0 $0x1B8D  }
0xb1: {  	s5 =	sshll.u32 @!p0 s5, $0x11;
	s7 =	sadd.s32 @!p0 $0x11B8D, s7;
	_ =	swait.eq @!p0 [sflag:s6], $0x1  }
0xb2: {  	s5 =	sor.u32 @!p0 s5, s7;
	[sflag:s6] =	ssyncadd.s32 @!p0 $0xFFFFFFFF  }
0xb3: {  	s25 =	simm.s32 $0x1B8E;
	s24 =	sld [smem:$0x3FFE];
	[sflag:s5] =	ssyncadd.remote.s32 @!p0 $0x1  }
0xb4: {  	s26 =	simm.s32 $execute0_lowered;
	[smem:$0x3FD2] =	sst s25  }
0xb5: {  	s6 =	sshll.u32 s26, $0x1;
	_ =	strace $0x80000049;
	[dreg:$0x1] =	wrdreg $0xFFFFFFFF  }
0xb6: {  	s28 =	simm.s32 $_size_execute0_lowered;
	s4 =	sadd.s32 s4, s6;
	[dreg:$0x0] =	wrdreg $0x0  }
0xb7: {  	s6 =	sshll.u32 s28, $0x1;
	[dreg:$0x2] =	wrdreg s4  }
0xb8: {  	[dreg:$0x3] =	wrdreg s6  }
0xb9: {  	[dreg:$0x4] =	wrdreg $0xC0  }
0xba: {  	_ =	task [dreg:s22], $0x5FFFF  }
0xbb: {  	[dreg:$0x1] =	wrdreg $0xFFFFFFFF  }
0xbc: {  	[dreg:$0x0] =	wrdreg $0x60  }
0xbd: {  	[dreg:$0x2] =	wrdreg s18  }
0xbe: {  	[dreg:$0x3] =	wrdreg s24  }
0xbf: {  	[dreg:$0x4] =	wrdreg $0x43800  }
0xc0: {  	[dreg:$0x5] =	wrdreg $0x9  }
0xc1: {  	_ =	task.clear_ibuf [dreg:s22], $0x6FFFF;
	_ =	strace $0x90000049  }
0xc2: {  	s29 =	simm.s32 $0x9;
	_ =	strace $0x8000004B  }
0xc3: {  	_ =	swait.ge [sflag:s29], $0x1  }
0xc4: {  	[sflag:s29] =	ssyncadd.s32 $0xFFFFFFFF  }
0xc5: {  	_ =	strace $0x9000004B  }
0xc6: {  	_ =	sfence  }
0xc7: {  	s30 =	sld [smem:$0x0];
	_ =	sdelay $0x2  }
0xc8: {  	s31 =	sshll.u32 s1, $0xD;
	s1 =	sshrl.u32 s1, $0x2  }
0xc9: {  	s4 =	sand.u32 $0x4000, s31;
	s1 =	sadd.s32 s1, s30  }
0xca: {  	s0 =	sor.u32 s4, s0;
	s1 =	sshll.u32 s1, $0x11  }
0xcb: {  	s0 =	sor.u32 s1, s0  }
0xcc: {  	s0 =	sadd.s32 $0x8F2B, s0  }
0xcd: {  	[sflag:s0] =	ssyncadd.remote.s32 $0x1  }
0xce: {  	_ =	sfence.sel $0xFFFF  }
0xcf: {  	[dreg:$0x0] =	wrdreg $0xFFFFFFFF;
	(pc) =	sbr.abs _section_cstart, $3  }
0xd0: {  	[dreg:$0x1] =	wrdreg $0xFFFFFFFF  }
0xd1: {  	_ =	task.clear_ibuf [dreg:s22], $0x2FFFF;
	_ =	strace $0x9FFFFFFF  }
0xd2: {  	(tm) =	ssettm $0x7FFFFFFF  }
0xd3: {  	_ =	shalt  }
tec
execute0_lowered:
.L_overlay_start_1:
0x0: {  	(tag) =	ssettag $0x1  }
0x1: {  	s0 =	rddreg [dreg:$0x0]  }
0x2: {  	s1 =	rddreg [dreg:$0x1];
	s3 =	srdreg.scid  }
0x3: {  	s2 =	rddreg [dreg:$0x2];
	s6 =	stileid.u32  }
0x4: {  	s7 =	simm.s32 $0x0;
	s3 =	sand.u32 $0x1, s3;
	s5 =	smul.u32 $0x14000, s6  }
0x5: {  	s4 =	smul.u32 $0x140000, s3;
	s24 =	sshll.u32 s3, $0x4;
	s3 =	ssub.s32 $0x2, s3  }
0x6: {  	[smem:$0x7FF] =	sst s7;
	s25 =	sshrl.u32 s3, $0x1  }
0x7: {  	s4 =	sadd.s32 s5, s4;
	s5 =	sor.u32 s6, s24;
	s6 =	smul.u32 $0x50000, s6  }
0x8: {  	s3 =	ssub.s32 s3, s25;
	s4 =	sshrl.u32 s4, $0x3;
	s5 =	smul.u32 $0x4E2, s5  }
0x9: {  	_ =	strace $0x8000004A;
	s7 =	smax.u32 s3, $0x1;
	s1 =	sadd.s32 s4, s1  }
0xa: {  	s26 =	sshrl.u32 s6, $0x2;
	[dreg:$0x6] =	wrdreg s7;
	s0 =	sadd.s32 s0, s5  }
0xb: {  	s5 =	sadd.s32 s26, s2;
	s6 =	sadd.s32 $0x84E00, s1;
	[dreg:$0x4] =	wrdreg s0  }
0xc: {  	[dreg:$0x5] =	wrdreg s6;
	s8 =	sadd.s32 $0x800, s5  }
0xd: {  	s9 =	sadd.s32 $0x1000, s5;
	[dreg:$0x7] =	wrdreg s8  }
0xe: {  	s10 =	sadd.s32 $0x1800, s5;
	[dreg:$0x8] =	wrdreg s9  }
0xf: {  	s11 =	sadd.s32 $0x2000, s5;
	[dreg:$0x9] =	wrdreg s10  }
0x10: {  	s12 =	sadd.s32 $0x2800, s5;
	[dreg:$0xa] =	wrdreg s11  }
0x11: {  	s13 =	sadd.s32 $0x3000, s5;
	[dreg:$0xb] =	wrdreg s12  }
0x12: {  	s14 =	sadd.s32 $0x3800, s5;
	[dreg:$0xc] =	wrdreg s13  }
0x13: {  	s15 =	sadd.s32 $0x4000, s5;
	[dreg:$0xd] =	wrdreg s14  }
0x14: {  	s16 =	sadd.s32 $0x4800, s5;
	[dreg:$0xe] =	wrdreg s15  }
0x15: {  	s17 =	sadd.s32 $0x5000, s5;
	[dreg:$0xf] =	wrdreg s16  }
0x16: {  	s18 =	sadd.s32 $0x5800, s5;
	s19 =	sadd.s32 $0x6000, s5;
	[dreg:$0x10] =	wrdreg s17  }
0x17: {  	s20 =	sadd.s32 $0x6800, s5;
	s21 =	sadd.s32 $0x7000, s5;
	[dreg:$0x11] =	wrdreg s18  }
0x18: {  	s22 =	sadd.s32 $0x7800, s5;
	s23 =	sadd.s32 $0x8000, s5;
	[dreg:$0x12] =	wrdreg s19  }
0x19: {  	s24 =	sadd.s32 $0x8800, s5;
	s25 =	sadd.s32 $0x9000, s5;
	[dreg:$0x13] =	wrdreg s20  }
0x1a: {  	s26 =	sadd.s32 $0x9800, s5;
	s28 =	sadd.s32 $0xA000, s5;
	[dreg:$0x14] =	wrdreg s21  }
0x1b: {  	s29 =	sadd.s32 $0xA800, s5;
	s30 =	sadd.s32 $0xB000, s5;
	[dreg:$0x15] =	wrdreg s22  }
0x1c: {  	s31 =	sadd.s32 $0xB800, s5;
	s0 =	sadd.s32 $0xC000, s5;
	[dreg:$0x16] =	wrdreg s23  }
0x1d: {  	s1 =	sadd.s32 $0xC800, s5;
	s3 =	sadd.s32 $0xD000, s5;
	[dreg:$0x17] =	wrdreg s24  }
0x1e: {  	s4 =	sadd.s32 $0xD800, s5;
	s6 =	sadd.s32 $0xE000, s5;
	[dreg:$0x18] =	wrdreg s25  }
0x1f: {  	s7 =	sadd.s32 $0xE800, s5;
	[dreg:$0x19] =	wrdreg s26;
	s8 =	sadd.s32 $0xF000, s5  }
0x20: {  	s9 =	sadd.s32 $0xF800, s5;
	s10 =	sadd.s32 $0x10000, s5;
	s11 =	sadd.s32 $0x10800, s5  }
0x21: {  	s12 =	sadd.s32 $0x11000, s5;
	s13 =	sadd.s32 $0x11800, s5;
	s14 =	sadd.s32 $0x12000, s5  }
0x22: {  	s15 =	sadd.s32 $0x12800, s5;
	s16 =	sadd.s32 $0x13000, s5;
	s17 =	sadd.s32 $0x13800, s5  }
0x23: {  	s18 =	simm.s32 $0x2;
	s19 =	simm.s32 $0x3B80;
	s20 =	simm.s32 $0x1  }
0x24: {  	v0 =	vimm.f32 $0.0e+00;
	v1 =	vimm.f32 $1.000000000e+00;
	s21 =	simm.s32 $0x28;
	s22 =	simm.s32 $0x2780;
	s23 =	simm.s32 $0x0  }
.LBB2_1:
0x25: {  	s24 =	simm.s32 $0x0;
	s25 =	rddreg [dreg:$0x4]  }
0x26: {  	[tilespmem:s24], [sflag:$0x2] =	stream.linear.gather [hbm4b:s25+s24], $0x2710, $0x38;
	[tilespmem:$0x18380] =	vst v63  }
0x27: {  	_ =	swait.ge [sflag:s18], $0x2710  }
0x28: {  	[sflag:s18] =	ssyncset.done $0x0  }
0x29: {  	s24 =	simm.s32 $0x0;
	s25 =	simm.s32 $0x200;
	[sflag:s18] =	ssyncadd.s32 $0xFFFFD8F0  }
.LBB2_2:
0x2a: {  	p0 =	sne.s32 s25, $0x1E00;
	[tilespmem:s24+$0x3BF0] =	vst v0  }
0x2b: {  	[tilespmem:s24+$0x3B80] =	vst v0  }
0x2c: {  	[tilespmem:s24+$0x3B90] =	vst v0  }
.Ltmp0:
0x2d: {  	[tilespmem:s24+$0x3BA0] =	vst v0;
	(pc) =	sbr.rel @p0 .LBB2_2-.Ltmp0, $4  }
0x2e: {  	[tilespmem:s24+$0x3BB0] =	vst v0  }
0x2f: {  	[tilespmem:s24+$0x3BC0] =	vst v0  }
0x30: {  	[tilespmem:s24+$0x3BD0] =	vst v0  }
0x31: {  	[tilespmem:s24+$0x3BE0] =	vst v0;
	s24 =	sshra.s32 s25, $0x2;
	s25 =	sadd.s32 $0x200, s25  }
0x32: {  	[tilespmem:s24+$0x3BF0] =	vst v0  }
0x33: {  	[tilespmem:s24+$0x3B80] =	vst v0  }
0x34: {  	[tilespmem:s24+$0x3B90] =	vst v0  }
0x35: {  	[tilespmem:s24+$0x3BA0] =	vst v0  }
0x36: {  	[tilespmem:s24+$0x3BB0] =	vst v0  }
0x37: {  	[tilespmem:s24+$0x3BC0] =	vst v0  }
0x38: {  	[tilespmem:s24+$0x3BD0] =	vst v0  }
0x39: {  	[tilespmem:s24+$0x3BE0] =	vst v0;
	s24 =	simm.s32 $0x0;
	s25 =	simm.s32 $0x200  }
.LBB2_4:
0x3a: {  	p0 =	sne.s32 s25, $0x4E00;
	[tilespmem:s24+$0x27F0] =	vst v1  }
0x3b: {  	[tilespmem:s24+$0x2780] =	vst v1  }
0x3c: {  	[tilespmem:s24+$0x2790] =	vst v1  }
.Ltmp1:
0x3d: {  	[tilespmem:s24+$0x27A0] =	vst v1;
	(pc) =	sbr.rel @p0 .LBB2_4-.Ltmp1, $4  }
0x3e: {  	[tilespmem:s24+$0x27B0] =	vst v1  }
0x3f: {  	[tilespmem:s24+$0x27C0] =	vst v1  }
0x40: {  	[tilespmem:s24+$0x27D0] =	vst v1  }
0x41: {  	[tilespmem:s24+$0x27E0] =	vst v1;
	s24 =	sshra.s32 s25, $0x2;
	s25 =	sadd.s32 $0x200, s25  }
0x42: {  	[tilespmem:s24+$0x27F0] =	vst v1  }
0x43: {  	[tilespmem:s24+$0x2780] =	vst v1  }
0x44: {  	[tilespmem:s24+$0x2790] =	vst v1  }
0x45: {  	[tilespmem:s24+$0x27A0] =	vst v1  }
0x46: {  	[tilespmem:s24+$0x27B0] =	vst v1  }
0x47: {  	[tilespmem:s24+$0x27C0] =	vst v1  }
0x48: {  	[tilespmem:s24+$0x27D0] =	vst v1  }
0x49: {  	[tilespmem:s24+$0x27E0] =	vst v1  }
0x4a: {  	[spmem:s5] =	stream.linear.scatter [tilespmem:s19], [sflag:$0x1], $0x800, $0x38;
	[tilespmem:$0x18380] =	vst v63  }
0x4b: {  	s26 =	rddreg [dreg:$0x7]  }
0x4c: {  	[spmem:s26] =	stream.linear.scatter [tilespmem:s19], [sflag:$0x1], $0x800, $0x38;
	[tilespmem:$0x18380] =	vst v63  }
0x4d: {  	s25 =	rddreg [dreg:$0x8]  }
0x4e: {  	[spmem:s25] =	stream.linear.scatter [tilespmem:s19], [sflag:$0x1], $0x800, $0x38;
	[tilespmem:$0x18380] =	vst v63  }
0x4f: {  	s26 =	rddreg [dreg:$0x9]  }
0x50: {  	[spmem:s26] =	stream.linear.scatter [tilespmem:s19], [sflag:$0x1], $0x800, $0x38;
	[tilespmem:$0x18380] =	vst v63  }
0x51: {  	s25 =	rddreg [dreg:$0xa]  }
0x52: {  	[spmem:s25] =	stream.linear.scatter [tilespmem:s19], [sflag:$0x1], $0x800, $0x38;
	[tilespmem:$0x18380] =	vst v63  }
0x53: {  	s26 =	rddreg [dreg:$0xb]  }
0x54: {  	[spmem:s26] =	stream.linear.scatter [tilespmem:s19], [sflag:$0x1], $0x800, $0x38;
	[tilespmem:$0x18380] =	vst v63  }
0x55: {  	s25 =	rddreg [dreg:$0xc]  }
0x56: {  	[spmem:s25] =	stream.linear.scatter [tilespmem:s19], [sflag:$0x1], $0x800, $0x38;
	[tilespmem:$0x18380] =	vst v63  }
0x57: {  	s26 =	rddreg [dreg:$0xd]  }
0x58: {  	[spmem:s26] =	stream.linear.scatter [tilespmem:s19], [sflag:$0x1], $0x800, $0x38;
	[tilespmem:$0x18380] =	vst v63  }
0x59: {  	s25 =	rddreg [dreg:$0xe]  }
0x5a: {  	[spmem:s25] =	stream.linear.scatter [tilespmem:s19], [sflag:$0x1], $0x800, $0x38;
	[tilespmem:$0x18380] =	vst v63  }
0x5b: {  	s26 =	rddreg [dreg:$0xf]  }
0x5c: {  	[spmem:s26] =	stream.linear.scatter [tilespmem:s19], [sflag:$0x1], $0x800, $0x38;
	[tilespmem:$0x18380] =	vst v63  }
0x5d: {  	s25 =	rddreg [dreg:$0x10]  }
0x5e: {  	[spmem:s25] =	stream.linear.scatter [tilespmem:s19], [sflag:$0x1], $0x800, $0x38;
	[tilespmem:$0x18380] =	vst v63  }
0x5f: {  	s26 =	rddreg [dreg:$0x11]  }
0x60: {  	[spmem:s26] =	stream.linear.scatter [tilespmem:s19], [sflag:$0x1], $0x800, $0x38;
	[tilespmem:$0x18380] =	vst v63  }
0x61: {  	s25 =	rddreg [dreg:$0x12]  }
0x62: {  	[spmem:s25] =	stream.linear.scatter [tilespmem:s19], [sflag:$0x1], $0x800, $0x38;
	[tilespmem:$0x18380] =	vst v63  }
0x63: {  	s26 =	rddreg [dreg:$0x13]  }
0x64: {  	[spmem:s26] =	stream.linear.scatter [tilespmem:s19], [sflag:$0x1], $0x800, $0x38;
	[tilespmem:$0x18380] =	vst v63  }
0x65: {  	s25 =	rddreg [dreg:$0x14]  }
0x66: {  	[spmem:s25] =	stream.linear.scatter [tilespmem:s19], [sflag:$0x1], $0x800, $0x38;
	[tilespmem:$0x18380] =	vst v63  }
0x67: {  	s26 =	rddreg [dreg:$0x15]  }
0x68: {  	[spmem:s26] =	stream.linear.scatter [tilespmem:s19], [sflag:$0x1], $0x800, $0x38;
	[tilespmem:$0x18380] =	vst v63  }
0x69: {  	s25 =	rddreg [dreg:$0x16]  }
0x6a: {  	[spmem:s25] =	stream.linear.scatter [tilespmem:s19], [sflag:$0x1], $0x800, $0x38;
	[tilespmem:$0x18380] =	vst v63  }
0x6b: {  	s26 =	rddreg [dreg:$0x17]  }
0x6c: {  	[spmem:s26] =	stream.linear.scatter [tilespmem:s19], [sflag:$0x1], $0x800, $0x38;
	[tilespmem:$0x18380] =	vst v63  }
0x6d: {  	s25 =	rddreg [dreg:$0x18]  }
0x6e: {  	[spmem:s25] =	stream.linear.scatter [tilespmem:s19], [sflag:$0x1], $0x800, $0x38;
	[tilespmem:$0x18380] =	vst v63  }
0x6f: {  	s26 =	rddreg [dreg:$0x19]  }
0x70: {  	[spmem:s26] =	stream.linear.scatter [tilespmem:s19], [sflag:$0x1], $0x800, $0x38;
	[tilespmem:$0x18380] =	vst v63  }
0x71: {  	_ = 	snop  }
0x72: {  	[spmem:s28] =	stream.linear.scatter [tilespmem:s19], [sflag:$0x1], $0x800, $0x38;
	[tilespmem:$0x18380] =	vst v63  }
0x73: {  	_ = 	snop  }
0x74: {  	[spmem:s29] =	stream.linear.scatter [tilespmem:s19], [sflag:$0x1], $0x800, $0x38;
	[tilespmem:$0x18380] =	vst v63  }
0x75: {  	_ = 	snop  }
0x76: {  	[spmem:s30] =	stream.linear.scatter [tilespmem:s19], [sflag:$0x1], $0x800, $0x38;
	[tilespmem:$0x18380] =	vst v63  }
0x77: {  	_ = 	snop  }
0x78: {  	[spmem:s31] =	stream.linear.scatter [tilespmem:s19], [sflag:$0x1], $0x800, $0x38;
	[tilespmem:$0x18380] =	vst v63  }
0x79: {  	_ = 	snop  }
0x7a: {  	[spmem:s0] =	stream.linear.scatter [tilespmem:s19], [sflag:$0x1], $0x800, $0x38;
	[tilespmem:$0x18380] =	vst v63  }
0x7b: {  	_ = 	snop  }
0x7c: {  	[spmem:s1] =	stream.linear.scatter [tilespmem:s19], [sflag:$0x1], $0x800, $0x38;
	[tilespmem:$0x18380] =	vst v63  }
0x7d: {  	_ = 	snop  }
0x7e: {  	[spmem:s3] =	stream.linear.scatter [tilespmem:s19], [sflag:$0x1], $0x800, $0x38;
	[tilespmem:$0x18380] =	vst v63  }
0x7f: {  	_ = 	snop  }
0x80: {  	[spmem:s4] =	stream.linear.scatter [tilespmem:s19], [sflag:$0x1], $0x800, $0x38;
	[tilespmem:$0x18380] =	vst v63  }
0x81: {  	_ = 	snop  }
0x82: {  	[spmem:s6] =	stream.linear.scatter [tilespmem:s19], [sflag:$0x1], $0x800, $0x38;
	[tilespmem:$0x18380] =	vst v63  }
0x83: {  	_ = 	snop  }
0x84: {  	[spmem:s7] =	stream.linear.scatter [tilespmem:s19], [sflag:$0x1], $0x800, $0x38;
	[tilespmem:$0x18380] =	vst v63  }
0x85: {  	_ = 	snop  }
0x86: {  	[spmem:s8] =	stream.linear.scatter [tilespmem:s19], [sflag:$0x1], $0x800, $0x38;
	[tilespmem:$0x18380] =	vst v63  }
0x87: {  	_ = 	snop  }
0x88: {  	[spmem:s9] =	stream.linear.scatter [tilespmem:s19], [sflag:$0x1], $0x800, $0x38;
	[tilespmem:$0x18380] =	vst v63  }
0x89: {  	_ = 	snop  }
0x8a: {  	[spmem:s10] =	stream.linear.scatter [tilespmem:s19], [sflag:$0x1], $0x800, $0x38;
	[tilespmem:$0x18380] =	vst v63  }
0x8b: {  	_ = 	snop  }
0x8c: {  	[spmem:s11] =	stream.linear.scatter [tilespmem:s19], [sflag:$0x1], $0x800, $0x38;
	[tilespmem:$0x18380] =	vst v63  }
0x8d: {  	_ = 	snop  }
0x8e: {  	[spmem:s12] =	stream.linear.scatter [tilespmem:s19], [sflag:$0x1], $0x800, $0x38;
	[tilespmem:$0x18380] =	vst v63  }
0x8f: {  	_ = 	snop  }
0x90: {  	[spmem:s13] =	stream.linear.scatter [tilespmem:s19], [sflag:$0x1], $0x800, $0x38;
	[tilespmem:$0x18380] =	vst v63  }
0x91: {  	_ = 	snop  }
0x92: {  	[spmem:s14] =	stream.linear.scatter [tilespmem:s19], [sflag:$0x1], $0x800, $0x38;
	[tilespmem:$0x18380] =	vst v63  }
0x93: {  	_ = 	snop  }
0x94: {  	[spmem:s15] =	stream.linear.scatter [tilespmem:s19], [sflag:$0x1], $0x800, $0x38;
	[tilespmem:$0x18380] =	vst v63  }
0x95: {  	_ = 	snop  }
0x96: {  	[spmem:s16] =	stream.linear.scatter [tilespmem:s19], [sflag:$0x1], $0x800, $0x38;
	[tilespmem:$0x18380] =	vst v63  }
0x97: {  	_ = 	snop  }
0x98: {  	[spmem:s17] =	stream.linear.scatter [tilespmem:s19], [sflag:$0x1], $0x800, $0x38;
	[tilespmem:$0x18380] =	vst v63  }
0x99: {  	_ =	swait.ge [sflag:s20], $0x800  }
0x9a: {  	s24 =	simm.s32 $0x27;
	[sflag:s20] =	ssyncset.done $0x0  }
.LBB2_6:
0x9b: {  	p0 =	sne.s32 s24, $0x1;
	s24 =	sadd.s32 $0xFFFFFFFF, s24;
	[sflag:s20] =	ssyncadd.s32 $0xFFFFF800  }
.Ltmp2:
0x9c: {  	(pc) =	sbr.rel @p0 .LBB2_6-.Ltmp2, $3  }
0x9d: {  	_ =	sdelay $0x1  }
0x9e: {  	_ =	swait.ge [sflag:s20], $0x800  }
0x9f: {  	[sflag:s20] =	ssyncset.done $0x0  }
0xa0: {  	[sflag:s20] =	ssyncadd.s32 $0xFFFFF800  }
0xa1: {  	s24 =	simm.s32 $0x0;
	[bflag:$0x0] =	sbarrier.arrive $0xFFFF  }
0xa2: {  	[spmem:s2] =	stream.indirect.scatter.add.f32 [tilespmem:s22], [sflag:$0x1], $0x80, s24, s21, $0xb8;
	[tilespmem:$0x18380] =	vst v63  }
0xa3: {  	_ = 	snop  }
0xa4: {  	[spmem:s2] =	stream.indirect.scatter.add.f32 [tilespmem:s22], [sflag:$0x1], $0x80, s21, s21, $0xb8;
	[tilespmem:$0x18380] =	vst v63  }
0xa5: {  	s25 =	simm.s32 $0x50  }
0xa6: {  	[spmem:s2] =	stream.indirect.scatter.add.f32 [tilespmem:s22], [sflag:$0x1], $0x80, s25, s21, $0xb8;
	[tilespmem:$0x18380] =	vst v63  }
0xa7: {  	s26 =	simm.s32 $0x78  }
0xa8: {  	[spmem:s2] =	stream.indirect.scatter.add.f32 [tilespmem:s22], [sflag:$0x1], $0x80, s26, s21, $0xb8;
	[tilespmem:$0x18380] =	vst v63  }
0xa9: {  	_ =	swait.ge [sflag:s20], $0x1400  }
0xaa: {  	[sflag:s20] =	ssyncset.done $0x0  }
0xab: {  	s24 =	simm.s32 $0x320;
	s25 =	simm.s32 $0xA0;
	[sflag:s20] =	ssyncadd.s32 $0xFFFFEC00  }
.LBB2_8:
0xac: {  	[spmem:s2] =	stream.indirect.scatter.add.f32 [tilespmem:s22], [sflag:$0x1], $0x80, s25, s21, $0xb8;
	[tilespmem:$0x18380] =	vst v63  }
0xad: {  	s25 =	smov.u32 s24;
	p0 =	sne.s32 s24, $0x9BA0  }
.Ltmp3:
0xae: {  	s24 =	sadd.s32 $0xA0, s24;
	(pc) =	sbr.rel @p0 .LBB2_8-.Ltmp3, $4  }
0xaf: {  	_ = 	snop  }
0xb0: {  	_ =	swait.ge [sflag:s20], $0x1400  }
0xb1: {  	[sflag:s20] =	ssyncset.done $0x0  }
0xb2: {  	s25 =	sshra.s32 s25, $0x2;
	[sflag:s20] =	ssyncadd.s32 $0xFFFFEC00  }
0xb3: {  	[spmem:s2] =	stream.indirect.scatter.add.f32 [tilespmem:s22], [sflag:$0x1], $0x80, s25, s21, $0xb8;
	[tilespmem:$0x18380] =	vst v63  }
0xb4: {  	_ =	swait.ge [sflag:s20], $0x1400  }
0xb5: {  	[sflag:s20] =	ssyncset.done $0x0  }
0xb6: {  	[sflag:s20] =	ssyncadd.s32 $0xFFFFEC00  }
0xb7: {  	_ =	swait.ge [sflag:s20], $0x1400  }
0xb8: {  	[sflag:s20] =	ssyncset.done $0x0  }
0xb9: {  	[sflag:s20] =	ssyncadd.s32 $0xFFFFEC00  }
0xba: {  	_ =	swait.ge [sflag:s20], $0x1400  }
0xbb: {  	[sflag:s20] =	ssyncset.done $0x0  }
0xbc: {  	[sflag:s20] =	ssyncadd.s32 $0xFFFFEC00  }
0xbd: {  	_ =	swait.ge [sflag:s20], $0x1400  }
0xbe: {  	[sflag:s20] =	ssyncset.done $0x0  }
0xbf: {  	s24 =	stileid.u32;
	[sflag:s20] =	ssyncadd.s32 $0xFFFFEC00  }
0xc0: {  	s24 =	sshll.u32 s24, $0x6;
	[bflag:$0x0] =	sbarrier.arrive $0xFFFF  }
0xc1: {  	s25 =	sshrl.u32 s5, $0x3;
	s24 =	sor.u32 $0x1C02, s24;
	s26 =	rddreg [dreg:$0x5]  }
0xc2: {  	[hbm:s26], [sflag:s24] =	dma.local [spmem:s25], $0x2800  }
0xc3: {  	_ =	swait.ge [sflag:s18], $0x2800  }
0xc4: {  	s23 =	sadd.s32 $0x1, s23;
	s26 =	rddreg [dreg:$0x6]  }
0xc5: {  	p0 =	sne.s32 s23, s26  }
.Ltmp4:
0xc6: {  	_ = 	snop;
	(pc) =	sbr.rel @p0 .LBB2_1-.Ltmp4, $3  }
0xc7: {  	_ =	sdelay $0x1  }
0xc8: {  	[sflag:s18] =	ssyncset.done $0x0  }
0xc9: {  	[sflag:s18] =	ssyncadd.s32 $0xFFFFD800  }
0xca: {  	_ =	sfence.sel $0x180000  }
0xcb: {  	[bflag:$0x0] =	sbarrier.arrive $0xFFFF  }
0xcc: {  	_ =	strace $0x9000004A  }
0xcd: {  	s0 =	stileid.u32;
	[bflag:$0x2] =	sbarrier.arrive $0xFFFF  }
0xce: {  	p0 =	sne.s32 s0, $0x0;
	s0 =	rddreg [dreg:$0x3]  }
0xcf: {  	s0 =	sadd.s32 @!p0 $0x100000, s0  }
0xd0: {  	[sflag:s0] =	ssyncadd.tile.s32 @!p0 $0x1;
	_ =	shalt  }
.Lfunc_end2:
_tile_overlayer_lowered:
.L_overlay_start_2:
0xd1: {  	(tag) =	ssettag $0x2  }
0xd2: {  	s0 =	rddreg [dreg:$0x0];
	s2 =	stileid.u32  }
0xd3: {  	s1 =	rddreg [dreg:$0x1];
	p0 =	sne.s32 s2, $0x0  }
0xd4: {  	s3 =	rddreg [dreg:$0x2];
	[bflag:$0x3] =	sbarrier.arrive $0xFFFF;
	s2 =	simm.s32 @!p0 $0x1C02  }
0xd5: {  	[timem:s3], [sflag:s2] =	dma.local @!p0 [hbm:s0], s1  }
0xd6: {  	s0 =	simm.s32 @!p0 $0x2  }
0xd7: {  	_ =	swait.ge @!p0 [sflag:s0], s1  }
0xd8: {  	s1 =	ssub.s32 @!p0 $0x0, s1;
	[sflag:s0] =	ssyncset.done @!p0 $0x0  }
0xd9: {  	[sflag:s0] =	ssyncadd.s32 @!p0 s1  }
0xda: {  	[bflag:$0x3] =	sbarrier.arrive $0xFFFF  }
0xdb: {  	_ =	shalt  }

// kernel: kernel.15.cloned.1.call-start
scs
__scs_entry_jumppad:
0x0: {  	(pc) =	sbr.rel $0x88, $3  }
0x1: {  	(tag) =	ssettag $0x0;
	lr =	simm.s32 $0x1  }
0x2: {  	[smem:$0x3F93] =	sst lr;
	_ =	strace $0xD0000000  }
0x3: {  	_ = 	snop  }
0x4: {  	_ = 	snop  }
0x5: {  	_ = 	snop  }
0x6: {  	_ = 	snop  }
0x7: {  	_ = 	snop  }
__scs_overlays_trampoline_lowered:
0x8: {  	[smem:$0x3FA2] =	sst s0  }
0x9: {  	[smem:$0x3FA3] =	sst s1  }
0xa: {  	[smem:$0x3FA4] =	sst s2  }
0xb: {  	[smem:$0x3FA5] =	sst s3  }
0xc: {  	[smem:$0x3FA6] =	sst s4  }
0xd: {  	[smem:$0x3FA7] =	sst s5  }
0xe: {  	[smem:$0x3FA8] =	sst s6  }
0xf: {  	[smem:$0x3FA9] =	sst s7  }
0x10: {  	[smem:$0x3FAA] =	sst s8  }
0x11: {  	[smem:$0x3FAB] =	sst s9;
	s0 =	simm.s32 @!p0 $0x0  }
0x12: {  	s1 =	sld [smem:$0x3F91];
	s0 =	simm.s32 @p0 $0x1  }
0x13: {  	[smem:$0x3FAC] =	sst s0;
	s0 =	simm.s32 @!p1 $0x0  }
0x14: {  	s2 =	sld [smem:$0x3F90];
	s0 =	simm.s32 @p1 $0x1  }
0x15: {  	[smem:$0x3FAD] =	sst s0;
	s0 =	simm.s32 @!p2 $0x0  }
0x16: {  	s3 =	sld [smem:$0x3FDB];
	s0 =	simm.s32 @p2 $0x1  }
0x17: {  	s4 =	simm.s32 $0x1BF5;
	[smem:$0x3FAF] =	sst s0  }
0x18: {  	s0 =	sld [smem:$0x3F92];
	_ =	swait.ge [sflag:s4], $0x0  }
0x19: {  	s7 =	sld [smem:$0x3F93]  }
0x1a: {  	s8 =	sadd.s32 $0xFFFFE003, lr  }
0x1b: {  	s9 =	sadd.s32 $0xFFFFFEF7, lr;
	s5 =	simm.s32 $0xFFFFFFFF;
	p2 =	slt.u32 s8, $0xFFFFF086  }
0x1c: {  	p1 =	slt.u32 s9, $0xF7A;
	s5 =	simm.s32 @!p2 $0x0  }
0x1d: {  	s5 =	simm.s32 @p1 $0x1;
	p0 =	seq.s32 s7, s2  }
0x1e: {  	s7 =	smul.u32 @!p0 $0xF7A, s2;
	p2 =	seq.s32 @!p0 s5, $0x0  }
0x1f: {  	s9 =	smul.u32 $0xF7A, s1;
	s8 =	simm.s32 @!p0 $0x1BF5;
	p2 =	por !p2, p0  }
0x20: {  	[sflag:s8] =	ssyncset.s32 @!p0 $0xFFFFF086;
	s6 =	sadd.s32 @!p0 s3, s7;
	s7 =	simm.s32 @!p0 $0x108  }
0x21: {  	s3 =	sadd.s32 s3, s9;
	s6 =	sadd.s32 @!p0 $0x88, s6;
	s7 =	simm.s32 @p2 $0x1082  }
0x22: {  	[simem:s7], [sflag:s8] =	dma.local @!p0 [hbm:s6], $0xF7A  }
0x23: {  	s9 =	sor.u32 $0xD0000000, s2;
	s6 =	simm.s32 $0x108;
	_ =	swait.ge @!p0 [sflag:s8], $0x0  }
0x24: {  	s3 =	sadd.s32 $0x88, s3;
	s6 =	simm.s32 @!p1 $0x1082;
	[sflag:s4] =	ssyncset.s32 $0xFFFFF086  }
0x25: {  	[simem:s6], [sflag:s4] =	dma.local [hbm:s3], $0xF7A  }
0x26: {  	[smem:$0x3F93] =	sst s1;
	(tag) =	ssettag s2;
	_ =	strace s9  }
0x27: {  	s1 =	sld [smem:$0x3FA3]  }
0x28: {  	s2 =	sld [smem:$0x3FA4]  }
0x29: {  	s4 =	sld [smem:$0x3FA6]  }
0x2a: {  	p0 =	seq.s32 s5, $0x0;
	s5 =	sld [smem:$0x3FA7]  }
0x2b: {  	s6 =	sld [smem:$0x3FA8]  }
0x2c: {  	s7 =	sld [smem:$0x3FA9]  }
0x2d: {  	s3 =	simm.s32 $0x108;
	s8 =	sld [smem:$0x3FAA]  }
0x2e: {  	s3 =	simm.s32 @!p0 $0x1082;
	s9 =	sld [smem:$0x3FAB]  }
0x2f: {  	lr =	sadd.s32 s0, s3;
	s0 =	sld [smem:$0x3FA2]  }
0x30: {  	s3 =	sld [smem:$0x3FA5]  }
0x31: {  	[smem:$0x3FAE] =	sst s10  }
0x32: {  	s10 =	sld [smem:$0x3FAC];
	_ =	sdelay $0x3  }
0x33: {  	p0 =	seq.s32 s10, $0x1;
	s10 =	sld [smem:$0x3FAE];
	_ =	sdelay $0x3  }
0x34: {  	[smem:$0x3FAE] =	sst s10  }
0x35: {  	s10 =	sld [smem:$0x3FAD];
	_ =	sdelay $0x3  }
0x36: {  	p1 =	seq.s32 s10, $0x1;
	s10 =	sld [smem:$0x3FAE];
	_ =	sdelay $0x3  }
0x37: {  	[smem:$0x3FAE] =	sst s10  }
0x38: {  	s10 =	sld [smem:$0x3FAF]  }
0x39: {  	_ = 	snop;
	(pc) =	sbr.ind lr, $3  }
0x3a: {  	_ = 	snop  }
0x3b: {  	_ = 	snop  }
0x3c: {  	p2 =	seq.s32 s10, $0x1;
	s10 =	sld [smem:$0x3FAE]  }
0x3d: {  	_ =	shalt  }
0x3e: {  	_ =	shalt  }
0x3f: {  	_ =	shalt  }
0x40: {  	_ =	shalt  }
0x41: {  	_ =	shalt  }
0x42: {  	_ =	shalt  }
0x43: {  	_ =	shalt  }
0x44: {  	_ =	shalt  }
0x45: {  	_ =	shalt  }
0x46: {  	_ =	shalt  }
0x47: {  	_ =	shalt  }
0x48: {  	_ =	shalt  }
0x49: {  	_ =	shalt  }
0x4a: {  	_ =	shalt  }
0x4b: {  	_ =	shalt  }
0x4c: {  	_ =	shalt  }
0x4d: {  	_ =	shalt  }
0x4e: {  	_ =	shalt  }
0x4f: {  	_ =	shalt  }
0x50: {  	_ =	shalt  }
0x51: {  	_ =	shalt  }
0x52: {  	_ =	shalt  }
0x53: {  	_ =	shalt  }
0x54: {  	_ =	shalt  }
0x55: {  	_ =	shalt  }
0x56: {  	_ =	shalt  }
0x57: {  	_ =	shalt  }
0x58: {  	_ =	shalt  }
0x59: {  	_ =	shalt  }
0x5a: {  	_ =	shalt  }
0x5b: {  	_ =	shalt  }
0x5c: {  	_ =	shalt  }
0x5d: {  	_ =	shalt  }
0x5e: {  	_ =	shalt  }
0x5f: {  	_ =	shalt  }
0x60: {  	_ =	shalt  }
0x61: {  	_ =	shalt  }
0x62: {  	_ =	shalt  }
0x63: {  	_ =	shalt  }
0x64: {  	_ =	shalt  }
0x65: {  	_ =	shalt  }
0x66: {  	_ =	shalt  }
0x67: {  	_ =	shalt  }
0x68: {  	_ =	shalt  }
0x69: {  	_ =	shalt  }
0x6a: {  	_ =	shalt  }
0x6b: {  	_ =	shalt  }
0x6c: {  	_ =	shalt  }
0x6d: {  	_ =	shalt  }
0x6e: {  	_ =	shalt  }
0x6f: {  	_ =	shalt  }
0x70: {  	_ =	shalt  }
0x71: {  	_ =	shalt  }
0x72: {  	_ =	shalt  }
0x73: {  	_ =	shalt  }
0x74: {  	_ =	shalt  }
0x75: {  	_ =	shalt  }
0x76: {  	_ =	shalt  }
0x77: {  	_ =	shalt  }
0x78: {  	_ =	shalt  }
0x79: {  	_ =	shalt  }
0x7a: {  	_ =	shalt  }
0x7b: {  	_ =	shalt  }
0x7c: {  	_ =	shalt  }
0x7d: {  	_ =	shalt  }
0x7e: {  	_ =	shalt  }
0x7f: {  	_ =	shalt  }
0x80: {  	_ =	shalt  }
0x81: {  	_ =	shalt  }
0x82: {  	_ =	shalt  }
0x83: {  	_ =	shalt  }
0x84: {  	_ =	shalt  }
0x85: {  	_ =	shalt  }
0x86: {  	_ =	shalt  }
0x87: {  	_ =	shalt  }
.Lfunc_end0:
.L_simem_size_0:
called_computation.1_lowered:
.L_overlay_start_0:
0x88: {  	s2 =	sld [smem:$0x3FD9]  }
0x89: {  	s3 =	sld [smem:$0x3FFE];
	_ =	sdelay $0x1  }
0x8a: {  	s1 =	srdreg.scid  }
0x8b: {  	s0 =	sand.u32 $0x1, s1  }
0x8c: {  	s17 =	sshll.u32 s0, $0xA;
	s2 =	sadd.s32 s3, s2  }
0x8d: {  	s2 =	sadd.s32 s2, s17  }
0x8e: {  	[smem:$0x3FBA] =	sst s2  }
0x8f: {  	_ = 	snop  }
0x90: {  	s2 =	sld [smem:$0x3FD0];
	(tm) =	ssettm $0x1  }
0x91: {  	s18 =	sld [smem:$0x3FFB];
	_ =	sdelay $0x3  }
0x92: {  	_ =	strace s18  }
0x93: {  	s3 =	sld [smem:$0x3FFC];
	_ =	sdelay $0x3  }
0x94: {  	_ =	strace s3  }
0x95: {  	s3 =	sld [smem:$0x3FFD];
	_ =	sdelay $0x3  }
0x96: {  	_ =	strace s3  }
0x97: {  	_ =	strace $0x8FFFFFFF  }
0x98: {  	s19 =	sld [smem:$0x3FDB];
	_ =	sdelay $0x1  }
0x99: {  	s4 =	simm.s32 $_scs_section_size  }
0x9a: {  	s5 =	simm.s32 $_size__tile_overlayer_lowered;
	s6 =	simm.s32 $_tile_overlayer_lowered  }
0x9b: {  	s22 =	simm.s32 $0x1BFF;
	s21 =	sshll.u32 s6, $0x1;
	s3 =	sadd.s32 s4, s19  }
0x9c: {  	s7 =	simm.s32 $0x0;
	s20 =	sshll.u32 s5, $0x1;
	s5 =	sadd.s32 s21, s3  }
0x9d: {  	[timem:s7], [sflag:s22] =	dma.local [hbm:s5], s20  }
0x9e: {  	_ =	swait.ge [sflag:s22], s20  }
0x9f: {  	s4 =	ssub.s32 $0x0, s20;
	[sflag:s22] =	ssyncset.done $0x0  }
0xa0: {  	[sflag:s22] =	ssyncadd.s32 s4;
	_ =	sdelay $0x1  }
0xa1: {  	s23 =	simm.s32 $0x1B8B  }
0xa2: {  	_ =	swait.ge [sflag:s23], $0x1  }
0xa3: {  	[sflag:s23] =	ssyncset.done $0x0  }
0xa4: {  	s25 =	simm.s32 $0x1B8E;
	s24 =	sld [smem:$0x3FFE];
	[sflag:s23] =	ssyncadd.s32 $0xFFFFFFFF  }
0xa5: {  	s26 =	simm.s32 $execute0_lowered;
	[smem:$0x3FD2] =	sst s25  }
0xa6: {  	s5 =	sshll.u32 s26, $0x1;
	_ =	strace $0x80000046;
	[dreg:$0x1] =	wrdreg $0xFFFFFFFF  }
0xa7: {  	s28 =	simm.s32 $_size_execute0_lowered;
	s3 =	sadd.s32 s3, s5;
	[dreg:$0x0] =	wrdreg $0x0  }
0xa8: {  	s5 =	sshll.u32 s28, $0x1;
	[dreg:$0x2] =	wrdreg s3  }
0xa9: {  	[dreg:$0x3] =	wrdreg s5  }
0xaa: {  	[dreg:$0x4] =	wrdreg $0xC0  }
0xab: {  	_ =	task [dreg:s7], $0x5FFFF  }
0xac: {  	[dreg:$0x1] =	wrdreg $0xFFFFFFFF  }
0xad: {  	[dreg:$0x0] =	wrdreg $0x60  }
0xae: {  	[dreg:$0x2] =	wrdreg s24  }
0xaf: {  	[dreg:$0x3] =	wrdreg s2  }
0xb0: {  	[dreg:$0x4] =	wrdreg $0xBB000  }
0xb1: {  	[dreg:$0x5] =	wrdreg $0xA  }
0xb2: {  	_ =	task.clear_ibuf [dreg:s7], $0x6FFFF;
	_ =	strace $0x90000046  }
0xb3: {  	s29 =	simm.s32 $0xA;
	_ =	strace $0x80000048  }
0xb4: {  	_ =	swait.ge [sflag:s29], $0x1  }
0xb5: {  	[sflag:s29] =	ssyncadd.s32 $0xFFFFFFFF  }
0xb6: {  	_ =	strace $0x90000048  }
0xb7: {  	_ =	sfence  }
0xb8: {  	s30 =	sld [smem:$0x0];
	_ =	sdelay $0x2  }
0xb9: {  	s31 =	sshll.u32 s1, $0xD;
	s1 =	sshrl.u32 s1, $0x2  }
0xba: {  	s3 =	sand.u32 $0x4000, s31;
	s1 =	sadd.s32 s1, s30  }
0xbb: {  	s0 =	sor.u32 s3, s0;
	s1 =	sshll.u32 s1, $0x11  }
0xbc: {  	s0 =	sor.u32 s1, s0  }
0xbd: {  	s0 =	sadd.s32 $0x8F2B, s0  }
0xbe: {  	[sflag:s0] =	ssyncadd.remote.s32 $0x1  }
0xbf: {  	_ =	sfence.sel $0xFFFF  }
0xc0: {  	[dreg:$0x0] =	wrdreg $0xFFFFFFFF;
	(pc) =	sbr.abs _section_cstart, $3  }
0xc1: {  	[dreg:$0x1] =	wrdreg $0xFFFFFFFF  }
0xc2: {  	_ =	task.clear_ibuf [dreg:s7], $0x2FFFF;
	_ =	strace $0x9FFFFFFF  }
0xc3: {  	(tm) =	ssettm $0x7FFFFFFF  }
tec
execute0_lowered:
.L_overlay_start_1:
0x0: {  	(tag) =	ssettag $0x1  }
0x1: {  	s0 =	rddreg [dreg:$0x0]  }
0x2: {  	s2 =	rddreg [dreg:$0x1]  }
0x3: {  	s1 =	rddreg [dreg:$0x2]  }
0x4: {  	s3 =	srdreg.scid;
	s8 =	stileid.u32  }
0x5: {  	s4 =	simm.s32 $0x0;
	s3 =	sand.u32 $0x1, s3;
	s7 =	smul.u32 $0x14000, s8  }
0x6: {  	[smem:$0x7FF] =	sst s4;
	s4 =	sadd.s32 $0xDC00, s0;
	s5 =	smul.u32 $0x140000, s3  }
0x7: {  	s6 =	sshll.u32 s3, $0x4;
	_ =	strace $0x80000047;
	s3 =	ssub.s32 $0x2, s3  }
0x8: {  	s6 =	sor.u32 s8, s6;
	s20 =	sshrl.u32 s3, $0x1;
	s8 =	smul.u32 $0x50000, s8  }
0x9: {  	s6 =	smul.u32 $0x4E2, s6;
	s5 =	sadd.s32 s7, s5;
	s3 =	ssub.s32 s3, s20  }
0xa: {  	s5 =	sshrl.u32 s5, $0x3;
	s22 =	sshrl.u32 s8, $0x2;
	s23 =	smax.u32 s3, $0x1  }
0xb: {  	s9 =	sadd.s32 s6, s0;
	s2 =	sadd.s32 s2, s6;
	[dreg:$0x7] =	wrdreg s23  }
0xc: {  	s0 =	sadd.s32 s5, s0;
	s21 =	sadd.s32 $0x3E00, s9;
	[dreg:$0x5] =	wrdreg s2  }
0xd: {  	s7 =	sadd.s32 s22, s1;
	s0 =	sadd.s32 $0x34E00, s0;
	[dreg:$0x4] =	wrdreg s21  }
0xe: {  	s24 =	sadd.s32 $0x800, s7;
	[dreg:$0x6] =	wrdreg s0  }
0xf: {  	s25 =	sadd.s32 $0x1000, s7;
	[dreg:$0x8] =	wrdreg s24  }
0x10: {  	s26 =	sadd.s32 $0x1800, s7;
	[dreg:$0x9] =	wrdreg s25  }
0x11: {  	s2 =	sadd.s32 $0x2000, s7;
	[dreg:$0xa] =	wrdreg s26  }
0x12: {  	s3 =	sadd.s32 $0x2800, s7;
	[dreg:$0xb] =	wrdreg s2  }
0x13: {  	s5 =	sadd.s32 $0x3000, s7;
	[dreg:$0xc] =	wrdreg s3  }
0x14: {  	s6 =	sadd.s32 $0x3800, s7;
	[dreg:$0xd] =	wrdreg s5  }
0x15: {  	s8 =	sadd.s32 $0x4000, s7;
	[dreg:$0xe] =	wrdreg s6  }
0x16: {  	s9 =	sadd.s32 $0x4800, s7;
	[dreg:$0xf] =	wrdreg s8  }
0x17: {  	s10 =	sadd.s32 $0x5000, s7;
	[dreg:$0x10] =	wrdreg s9  }
0x18: {  	s11 =	sadd.s32 $0x5800, s7;
	[dreg:$0x11] =	wrdreg s10  }
0x19: {  	s12 =	sadd.s32 $0x6000, s7;
	[dreg:$0x12] =	wrdreg s11  }
0x1a: {  	s13 =	sadd.s32 $0x6800, s7;
	[dreg:$0x13] =	wrdreg s12  }
0x1b: {  	s14 =	sadd.s32 $0x7000, s7;
	[dreg:$0x14] =	wrdreg s13  }
0x1c: {  	s15 =	sadd.s32 $0x7800, s7;
	[dreg:$0x15] =	wrdreg s14  }
0x1d: {  	s16 =	sadd.s32 $0x8000, s7;
	[dreg:$0x16] =	wrdreg s15  }
0x1e: {  	s17 =	sadd.s32 $0x8800, s7;
	[dreg:$0x17] =	wrdreg s16  }
0x1f: {  	s18 =	sadd.s32 $0x9000, s7;
	[dreg:$0x18] =	wrdreg s17  }
0x20: {  	s28 =	simm.s32 $0x6300;
	s19 =	sadd.s32 $0x9800, s7;
	[dreg:$0x19] =	wrdreg s18  }
0x21: {  	s29 =	simm.s32 $0x7700;
	s20 =	sadd.s32 $0xA000, s7;
	[dreg:$0x1a] =	wrdreg s19  }
0x22: {  	s30 =	simm.s32 $0x8B00;
	s22 =	sadd.s32 $0xB000, s7;
	[dreg:$0x1b] =	wrdreg s20  }
0x23: {  	s31 =	simm.s32 $0x9F00;
	s23 =	sadd.s32 $0xB800, s7;
	[dreg:$0x1d] =	wrdreg s22  }
0x24: {  	s21 =	sadd.s32 $0xA800, s7;
	[dreg:$0x1e] =	wrdreg s23;
	s24 =	sadd.s32 $0xC000, s7  }
0x25: {  	s25 =	sadd.s32 $0xC800, s7;
	s26 =	sadd.s32 $0xD000, s7;
	s8 =	sadd.s32 $0xD800, s7  }
0x26: {  	s9 =	sadd.s32 $0xE000, s7;
	s10 =	sadd.s32 $0xE800, s7;
	s11 =	sadd.s32 $0xF000, s7  }
0x27: {  	s12 =	sadd.s32 $0xF800, s7;
	s13 =	sadd.s32 $0x10000, s7;
	s14 =	sadd.s32 $0x10800, s7  }
0x28: {  	s15 =	sadd.s32 $0x11000, s7;
	s16 =	sadd.s32 $0x11800, s7;
	s17 =	sadd.s32 $0x12000, s7  }
0x29: {  	s18 =	sadd.s32 $0x12800, s7;
	s19 =	sadd.s32 $0x13000, s7;
	[dreg:$0x1c] =	wrdreg s21  }
0x2a: {  	s20 =	sadd.s32 $0x13800, s7;
	s22 =	simm.s32 $0x2780;
	[dreg:$0x1f] =	wrdreg s24  }
0x2b: {  	s23 =	simm.s32 $0xB300;
	s0 =	simm.s32 $0x2;
	[smem:$0x7FC] =	sst s25  }
0x2c: {  	s2 =	simm.s32 $0x0;
	[smem:$0x7FD] =	sst s26;
	s21 =	simm.s32 $0x3  }
0x2d: {  	v0 =	vimm.f32 $0.0e+00;
	s24 =	simm.s32 $0x1;
	s25 =	simm.s32 $0x28;
	s26 =	simm.s32 $0x4F00  }
.LBB2_1:
0x2e: {  	s3 =	simm.s32 $0x0;
	s5 =	rddreg [dreg:$0x4]  }
0x2f: {  	[tilespmem:s3], [sflag:$0x3] =	stream.linear.gather [hbm4b:s5+s3], $0x2710, $0x38;
	[tilespmem:$0x1FB00] =	vst v63  }
0x30: {  	_ =	swait.ge [sflag:s21], $0x2710  }
0x31: {  	[sflag:s21] =	ssyncset.done $0x0  }
0x32: {  	s6 =	rddreg [dreg:$0x5];
	[sflag:s21] =	ssyncadd.s32 $0xFFFFD8F0  }
0x33: {  	[tilespmem:s22], [sflag:$0x3] =	stream.linear.gather [hbm4b:s6+s3], $0x2710, $0x38;
	[tilespmem:$0x1FB00] =	vst v63  }
0x34: {  	_ =	swait.ge [sflag:s21], $0x2710  }
0x35: {  	[sflag:s21] =	ssyncset.done $0x0  }
0x36: {  	s5 =	simm.s32 $0x200;
	s3 =	simm.s32 $0x0;
	[sflag:s21] =	ssyncadd.s32 $0xFFFFD8F0  }
.LBB2_2:
0x37: {  	p0 =	sne.s32 s5, $0x1E00;
	[tilespmem:s3+$0xB370] =	vst v0  }
0x38: {  	[tilespmem:s3+$0xB300] =	vst v0  }
0x39: {  	[tilespmem:s3+$0xB310] =	vst v0  }
.Ltmp0:
0x3a: {  	[tilespmem:s3+$0xB320] =	vst v0;
	(pc) =	sbr.rel @p0 .LBB2_2-.Ltmp0, $4  }
0x3b: {  	[tilespmem:s3+$0xB330] =	vst v0  }
0x3c: {  	[tilespmem:s3+$0xB340] =	vst v0  }
0x3d: {  	[tilespmem:s3+$0xB350] =	vst v0  }
0x3e: {  	[tilespmem:s3+$0xB360] =	vst v0;
	s3 =	sshra.s32 s5, $0x2;
	s5 =	sadd.s32 $0x200, s5  }
0x3f: {  	[tilespmem:s3+$0xB370] =	vst v0  }
0x40: {  	[tilespmem:s3+$0xB300] =	vst v0  }
0x41: {  	[tilespmem:s3+$0xB310] =	vst v0  }
0x42: {  	[tilespmem:s3+$0xB320] =	vst v0  }
0x43: {  	[tilespmem:s3+$0xB330] =	vst v0  }
0x44: {  	[tilespmem:s3+$0xB340] =	vst v0  }
0x45: {  	[tilespmem:s3+$0xB350] =	vst v0  }
0x46: {  	[tilespmem:s3+$0xB360] =	vst v0;
	s5 =	rddreg [dreg:$0x8]  }
0x47: {  	[spmem:s7] =	stream.linear.scatter [tilespmem:s23], [sflag:$0x1], $0x800, $0x38;
	[tilespmem:$0x1FB00] =	vst v63  }
0x48: {  	s6 =	rddreg [dreg:$0x9]  }
0x49: {  	[spmem:s5] =	stream.linear.scatter [tilespmem:s23], [sflag:$0x1], $0x800, $0x38;
	[tilespmem:$0x1FB00] =	vst v63  }
0x4a: {  	s5 =	rddreg [dreg:$0xa]  }
0x4b: {  	[spmem:s6] =	stream.linear.scatter [tilespmem:s23], [sflag:$0x1], $0x800, $0x38;
	[tilespmem:$0x1FB00] =	vst v63  }
0x4c: {  	s6 =	rddreg [dreg:$0xb]  }
0x4d: {  	[spmem:s5] =	stream.linear.scatter [tilespmem:s23], [sflag:$0x1], $0x800, $0x38;
	[tilespmem:$0x1FB00] =	vst v63  }
0x4e: {  	s5 =	rddreg [dreg:$0xc]  }
0x4f: {  	[spmem:s6] =	stream.linear.scatter [tilespmem:s23], [sflag:$0x1], $0x800, $0x38;
	[tilespmem:$0x1FB00] =	vst v63  }
0x50: {  	s6 =	rddreg [dreg:$0xd]  }
0x51: {  	[spmem:s5] =	stream.linear.scatter [tilespmem:s23], [sflag:$0x1], $0x800, $0x38;
	[tilespmem:$0x1FB00] =	vst v63  }
0x52: {  	s5 =	rddreg [dreg:$0xe]  }
0x53: {  	[spmem:s6] =	stream.linear.scatter [tilespmem:s23], [sflag:$0x1], $0x800, $0x38;
	[tilespmem:$0x1FB00] =	vst v63  }
0x54: {  	s6 =	rddreg [dreg:$0xf]  }
0x55: {  	[spmem:s5] =	stream.linear.scatter [tilespmem:s23], [sflag:$0x1], $0x800, $0x38;
	[tilespmem:$0x1FB00] =	vst v63  }
0x56: {  	s5 =	rddreg [dreg:$0x10]  }
0x57: {  	[spmem:s6] =	stream.linear.scatter [tilespmem:s23], [sflag:$0x1], $0x800, $0x38;
	[tilespmem:$0x1FB00] =	vst v63  }
0x58: {  	s6 =	rddreg [dreg:$0x11]  }
0x59: {  	[spmem:s5] =	stream.linear.scatter [tilespmem:s23], [sflag:$0x1], $0x800, $0x38;
	[tilespmem:$0x1FB00] =	vst v63  }
0x5a: {  	s5 =	rddreg [dreg:$0x12]  }
0x5b: {  	[spmem:s6] =	stream.linear.scatter [tilespmem:s23], [sflag:$0x1], $0x800, $0x38;
	[tilespmem:$0x1FB00] =	vst v63  }
0x5c: {  	s6 =	rddreg [dreg:$0x13]  }
0x5d: {  	[spmem:s5] =	stream.linear.scatter [tilespmem:s23], [sflag:$0x1], $0x800, $0x38;
	[tilespmem:$0x1FB00] =	vst v63  }
0x5e: {  	s5 =	rddreg [dreg:$0x14]  }
0x5f: {  	[spmem:s6] =	stream.linear.scatter [tilespmem:s23], [sflag:$0x1], $0x800, $0x38;
	[tilespmem:$0x1FB00] =	vst v63  }
0x60: {  	s6 =	rddreg [dreg:$0x15]  }
0x61: {  	[spmem:s5] =	stream.linear.scatter [tilespmem:s23], [sflag:$0x1], $0x800, $0x38;
	[tilespmem:$0x1FB00] =	vst v63  }
0x62: {  	s5 =	rddreg [dreg:$0x16]  }
0x63: {  	[spmem:s6] =	stream.linear.scatter [tilespmem:s23], [sflag:$0x1], $0x800, $0x38;
	[tilespmem:$0x1FB00] =	vst v63  }
0x64: {  	s6 =	rddreg [dreg:$0x17]  }
0x65: {  	[spmem:s5] =	stream.linear.scatter [tilespmem:s23], [sflag:$0x1], $0x800, $0x38;
	[tilespmem:$0x1FB00] =	vst v63  }
0x66: {  	s5 =	rddreg [dreg:$0x18]  }
0x67: {  	[spmem:s6] =	stream.linear.scatter [tilespmem:s23], [sflag:$0x1], $0x800, $0x38;
	[tilespmem:$0x1FB00] =	vst v63  }
0x68: {  	s6 =	rddreg [dreg:$0x19]  }
0x69: {  	[spmem:s5] =	stream.linear.scatter [tilespmem:s23], [sflag:$0x1], $0x800, $0x38;
	[tilespmem:$0x1FB00] =	vst v63  }
0x6a: {  	s5 =	rddreg [dreg:$0x1a]  }
0x6b: {  	[spmem:s6] =	stream.linear.scatter [tilespmem:s23], [sflag:$0x1], $0x800, $0x38;
	[tilespmem:$0x1FB00] =	vst v63  }
0x6c: {  	s6 =	rddreg [dreg:$0x1b]  }
0x6d: {  	[spmem:s5] =	stream.linear.scatter [tilespmem:s23], [sflag:$0x1], $0x800, $0x38;
	[tilespmem:$0x1FB00] =	vst v63  }
0x6e: {  	s5 =	rddreg [dreg:$0x1c]  }
0x6f: {  	[spmem:s6] =	stream.linear.scatter [tilespmem:s23], [sflag:$0x1], $0x800, $0x38;
	[tilespmem:$0x1FB00] =	vst v63  }
0x70: {  	s6 =	rddreg [dreg:$0x1d]  }
0x71: {  	[spmem:s5] =	stream.linear.scatter [tilespmem:s23], [sflag:$0x1], $0x800, $0x38;
	[tilespmem:$0x1FB00] =	vst v63  }
0x72: {  	s5 =	rddreg [dreg:$0x1e]  }
0x73: {  	[spmem:s6] =	stream.linear.scatter [tilespmem:s23], [sflag:$0x1], $0x800, $0x38;
	[tilespmem:$0x1FB00] =	vst v63  }
0x74: {  	s6 =	rddreg [dreg:$0x1f]  }
0x75: {  	[spmem:s5] =	stream.linear.scatter [tilespmem:s23], [sflag:$0x1], $0x800, $0x38;
	[tilespmem:$0x1FB00] =	vst v63  }
0x76: {  	s5 =	sld [smem:$0x7FC]  }
0x77: {  	[spmem:s6] =	stream.linear.scatter [tilespmem:s23], [sflag:$0x1], $0x800, $0x38;
	[tilespmem:$0x1FB00] =	vst v63  }
0x78: {  	s6 =	sld [smem:$0x7FD]  }
0x79: {  	[spmem:s5] =	stream.linear.scatter [tilespmem:s23], [sflag:$0x1], $0x800, $0x38;
	[tilespmem:$0x1FB00] =	vst v63  }
0x7a: {  	_ = 	snop  }
0x7b: {  	[spmem:s6] =	stream.linear.scatter [tilespmem:s23], [sflag:$0x1], $0x800, $0x38;
	[tilespmem:$0x1FB00] =	vst v63  }
0x7c: {  	_ = 	snop  }
0x7d: {  	[spmem:s8] =	stream.linear.scatter [tilespmem:s23], [sflag:$0x1], $0x800, $0x38;
	[tilespmem:$0x1FB00] =	vst v63  }
0x7e: {  	_ = 	snop  }
0x7f: {  	[spmem:s9] =	stream.linear.scatter [tilespmem:s23], [sflag:$0x1], $0x800, $0x38;
	[tilespmem:$0x1FB00] =	vst v63  }
0x80: {  	_ = 	snop  }
0x81: {  	[spmem:s10] =	stream.linear.scatter [tilespmem:s23], [sflag:$0x1], $0x800, $0x38;
	[tilespmem:$0x1FB00] =	vst v63  }
0x82: {  	_ = 	snop  }
0x83: {  	[spmem:s11] =	stream.linear.scatter [tilespmem:s23], [sflag:$0x1], $0x800, $0x38;
	[tilespmem:$0x1FB00] =	vst v63  }
0x84: {  	_ = 	snop  }
0x85: {  	[spmem:s12] =	stream.linear.scatter [tilespmem:s23], [sflag:$0x1], $0x800, $0x38;
	[tilespmem:$0x1FB00] =	vst v63  }
0x86: {  	_ = 	snop  }
0x87: {  	[spmem:s13] =	stream.linear.scatter [tilespmem:s23], [sflag:$0x1], $0x800, $0x38;
	[tilespmem:$0x1FB00] =	vst v63  }
0x88: {  	_ = 	snop  }
0x89: {  	[spmem:s14] =	stream.linear.scatter [tilespmem:s23], [sflag:$0x1], $0x800, $0x38;
	[tilespmem:$0x1FB00] =	vst v63  }
0x8a: {  	_ = 	snop  }
0x8b: {  	[spmem:s15] =	stream.linear.scatter [tilespmem:s23], [sflag:$0x1], $0x800, $0x38;
	[tilespmem:$0x1FB00] =	vst v63  }
0x8c: {  	_ = 	snop  }
0x8d: {  	[spmem:s16] =	stream.linear.scatter [tilespmem:s23], [sflag:$0x1], $0x800, $0x38;
	[tilespmem:$0x1FB00] =	vst v63  }
0x8e: {  	_ = 	snop  }
0x8f: {  	[spmem:s17] =	stream.linear.scatter [tilespmem:s23], [sflag:$0x1], $0x800, $0x38;
	[tilespmem:$0x1FB00] =	vst v63  }
0x90: {  	_ = 	snop  }
0x91: {  	[spmem:s18] =	stream.linear.scatter [tilespmem:s23], [sflag:$0x1], $0x800, $0x38;
	[tilespmem:$0x1FB00] =	vst v63  }
0x92: {  	_ = 	snop  }
0x93: {  	[spmem:s19] =	stream.linear.scatter [tilespmem:s23], [sflag:$0x1], $0x800, $0x38;
	[tilespmem:$0x1FB00] =	vst v63  }
0x94: {  	_ = 	snop  }
0x95: {  	[spmem:s20] =	stream.linear.scatter [tilespmem:s23], [sflag:$0x1], $0x800, $0x38;
	[tilespmem:$0x1FB00] =	vst v63  }
0x96: {  	_ =	swait.ge [sflag:s24], $0x800  }
0x97: {  	s3 =	simm.s32 $0x27;
	[sflag:s24] =	ssyncset.done $0x0  }
.LBB2_4:
0x98: {  	p0 =	sne.s32 s3, $0x1;
	s3 =	sadd.s32 $0xFFFFFFFF, s3;
	[sflag:s24] =	ssyncadd.s32 $0xFFFFF800  }
.Ltmp1:
0x99: {  	(pc) =	sbr.rel @p0 .LBB2_4-.Ltmp1, $3  }
0x9a: {  	_ =	sdelay $0x1  }
0x9b: {  	_ =	swait.ge [sflag:s24], $0x800  }
0x9c: {  	[sflag:s24] =	ssyncset.done $0x0  }
0x9d: {  	[sflag:s24] =	ssyncadd.s32 $0xFFFFF800  }
0x9e: {  	s3 =	simm.s32 $0x0;
	[bflag:$0x0] =	sbarrier.arrive $0xFFFF  }
0x9f: {  	[tilespmem:s26], [sflag:$0x1] =	stream.indirect.gather [hbm4b:s4+s25], $0x80, s3, s25, $0xb8;
	[tilespmem:$0x1FB00] =	vst v63  }
0xa0: {  	_ = 	snop  }
0xa1: {  	[tilespmem:s28], [sflag:$0x1] =	stream.indirect.gather [hbm4b:s4+s25], $0x80, s25, s25, $0xb8;
	[tilespmem:$0x1FB00] =	vst v63  }
0xa2: {  	s6 =	simm.s32 $0x50  }
0xa3: {  	[tilespmem:s29], [sflag:$0x1] =	stream.indirect.gather [hbm4b:s4+s25], $0x80, s6, s25, $0xb8;
	[tilespmem:$0x1FB00] =	vst v63  }
0xa4: {  	s5 =	simm.s32 $0x78  }
0xa5: {  	[tilespmem:s30], [sflag:$0x1] =	stream.indirect.gather [hbm4b:s4+s25], $0x80, s5, s25, $0xb8;
	[tilespmem:$0x1FB00] =	vst v63  }
0xa6: {  	_ =	swait.ge [sflag:s24], $0x1400  }
0xa7: {  	[sflag:s24] =	ssyncset.done $0x0  }
0xa8: {  	[sflag:s24] =	ssyncadd.s32 $0xFFFFEC00  }
0xa9: {  	[spmem:s1] =	stream.indirect.scatter.add.f32 [tilespmem:s26], [sflag:$0x2], $0x80, s22, s25, $0xb8;
	[tilespmem:$0x1FB00] =	vst v63  }
0xaa: {  	s6 =	simm.s32 $0xA0  }
0xab: {  	[tilespmem:s31], [sflag:$0x1] =	stream.indirect.gather [hbm4b:s4+s25], $0x80, s6, s25, $0xb8;
	[tilespmem:$0x1FB00] =	vst v63  }
0xac: {  	_ =	swait.ge [sflag:s24], $0x1400  }
0xad: {  	[sflag:s24] =	ssyncset.done $0x0  }
0xae: {  	s5 =	simm.s32 $0x27A8;
	[sflag:s24] =	ssyncadd.s32 $0xFFFFEC00  }
0xaf: {  	[spmem:s1] =	stream.indirect.scatter.add.f32 [tilespmem:s28], [sflag:$0x2], $0x80, s5, s25, $0xb8;
	[tilespmem:$0x1FB00] =	vst v63  }
0xb0: {  	_ =	swait.ge [sflag:s0], $0x1400  }
0xb1: {  	[sflag:s0] =	ssyncset.done $0x0  }
0xb2: {  	s6 =	simm.s32 $0xC8;
	[sflag:s0] =	ssyncadd.s32 $0xFFFFEC00  }
0xb3: {  	[tilespmem:s26], [sflag:$0x1] =	stream.indirect.gather [hbm4b:s4+s25], $0x80, s6, s25, $0xb8;
	[tilespmem:$0x1FB00] =	vst v63  }
0xb4: {  	_ =	swait.ge [sflag:s24], $0x1400  }
0xb5: {  	[sflag:s24] =	ssyncset.done $0x0  }
0xb6: {  	s5 =	simm.s32 $0x27D0;
	[sflag:s24] =	ssyncadd.s32 $0xFFFFEC00  }
0xb7: {  	[spmem:s1] =	stream.indirect.scatter.add.f32 [tilespmem:s29], [sflag:$0x2], $0x80, s5, s25, $0xb8;
	[tilespmem:$0x1FB00] =	vst v63  }
0xb8: {  	_ =	swait.ge [sflag:s0], $0x1400  }
0xb9: {  	[sflag:s0] =	ssyncset.done $0x0  }
0xba: {  	s6 =	simm.s32 $0xF0;
	[sflag:s0] =	ssyncadd.s32 $0xFFFFEC00  }
0xbb: {  	[tilespmem:s28], [sflag:$0x1] =	stream.indirect.gather [hbm4b:s4+s25], $0x80, s6, s25, $0xb8;
	[tilespmem:$0x1FB00] =	vst v63  }
0xbc: {  	_ =	swait.ge [sflag:s24], $0x1400  }
0xbd: {  	[sflag:s24] =	ssyncset.done $0x0  }
0xbe: {  	s5 =	simm.s32 $0x27F8;
	[sflag:s24] =	ssyncadd.s32 $0xFFFFEC00  }
0xbf: {  	[spmem:s1] =	stream.indirect.scatter.add.f32 [tilespmem:s30], [sflag:$0x2], $0x80, s5, s25, $0xb8;
	[tilespmem:$0x1FB00] =	vst v63  }
0xc0: {  	_ =	swait.ge [sflag:s0], $0x1400  }
0xc1: {  	[sflag:s0] =	ssyncset.done $0x0  }
0xc2: {  	s6 =	simm.s32 $0x118;
	[sflag:s0] =	ssyncadd.s32 $0xFFFFEC00  }
0xc3: {  	[tilespmem:s29], [sflag:$0x1] =	stream.indirect.gather [hbm4b:s4+s25], $0x80, s6, s25, $0xb8;
	[tilespmem:$0x1FB00] =	vst v63  }
0xc4: {  	_ =	swait.ge [sflag:s24], $0x1400  }
0xc5: {  	[sflag:s24] =	ssyncset.done $0x0  }
0xc6: {  	s5 =	simm.s32 $0x2820;
	[sflag:s24] =	ssyncadd.s32 $0xFFFFEC00  }
0xc7: {  	[spmem:s1] =	stream.indirect.scatter.add.f32 [tilespmem:s31], [sflag:$0x2], $0x80, s5, s25, $0xb8;
	[tilespmem:$0x1FB00] =	vst v63  }
0xc8: {  	_ =	swait.ge [sflag:s0], $0x1400  }
0xc9: {  	[sflag:s0] =	ssyncset.done $0x0  }
0xca: {  	s6 =	simm.s32 $0x140;
	[sflag:s0] =	ssyncadd.s32 $0xFFFFEC00  }
0xcb: {  	[tilespmem:s30], [sflag:$0x1] =	stream.indirect.gather [hbm4b:s4+s25], $0x80, s6, s25, $0xb8;
	[tilespmem:$0x1FB00] =	vst v63  }
0xcc: {  	_ =	swait.ge [sflag:s24], $0x1400  }
0xcd: {  	[sflag:s24] =	ssyncset.done $0x0  }
0xce: {  	s5 =	simm.s32 $0x2848;
	[sflag:s24] =	ssyncadd.s32 $0xFFFFEC00  }
0xcf: {  	[spmem:s1] =	stream.indirect.scatter.add.f32 [tilespmem:s26], [sflag:$0x2], $0x80, s5, s25, $0xb8;
	[tilespmem:$0x1FB00] =	vst v63  }
0xd0: {  	_ =	swait.ge [sflag:s0], $0x1400  }
0xd1: {  	[sflag:s0] =	ssyncset.done $0x0  }
0xd2: {  	s6 =	simm.s32 $0x168;
	[sflag:s0] =	ssyncadd.s32 $0xFFFFEC00  }
0xd3: {  	[tilespmem:s31], [sflag:$0x1] =	stream.indirect.gather [hbm4b:s4+s25], $0x80, s6, s25, $0xb8;
	[tilespmem:$0x1FB00] =	vst v63  }
0xd4: {  	_ =	swait.ge [sflag:s24], $0x1400  }
0xd5: {  	[sflag:s24] =	ssyncset.done $0x0  }
0xd6: {  	s5 =	simm.s32 $0x2870;
	[sflag:s24] =	ssyncadd.s32 $0xFFFFEC00  }
0xd7: {  	[spmem:s1] =	stream.indirect.scatter.add.f32 [tilespmem:s28], [sflag:$0x2], $0x80, s5, s25, $0xb8;
	[tilespmem:$0x1FB00] =	vst v63  }
0xd8: {  	_ =	swait.ge [sflag:s0], $0x1400  }
0xd9: {  	[sflag:s0] =	ssyncset.done $0x0  }
0xda: {  	s6 =	simm.s32 $0x190;
	[sflag:s0] =	ssyncadd.s32 $0xFFFFEC00  }
0xdb: {  	[tilespmem:s26], [sflag:$0x1] =	stream.indirect.gather [hbm4b:s4+s25], $0x80, s6, s25, $0xb8;
	[tilespmem:$0x1FB00] =	vst v63  }
0xdc: {  	_ =	swait.ge [sflag:s24], $0x1400  }
0xdd: {  	[sflag:s24] =	ssyncset.done $0x0  }
0xde: {  	s5 =	simm.s32 $0x2898;
	[sflag:s24] =	ssyncadd.s32 $0xFFFFEC00  }
0xdf: {  	[spmem:s1] =	stream.indirect.scatter.add.f32 [tilespmem:s29], [sflag:$0x2], $0x80, s5, s25, $0xb8;
	[tilespmem:$0x1FB00] =	vst v63  }
0xe0: {  	_ =	swait.ge [sflag:s0], $0x1400  }
0xe1: {  	[sflag:s0] =	ssyncset.done $0x0  }
0xe2: {  	s6 =	simm.s32 $0x1B8;
	[sflag:s0] =	ssyncadd.s32 $0xFFFFEC00  }
0xe3: {  	[tilespmem:s28], [sflag:$0x1] =	stream.indirect.gather [hbm4b:s4+s25], $0x80, s6, s25, $0xb8;
	[tilespmem:$0x1FB00] =	vst v63  }
0xe4: {  	_ =	swait.ge [sflag:s24], $0x1400  }
0xe5: {  	[sflag:s24] =	ssyncset.done $0x0  }
0xe6: {  	s5 =	simm.s32 $0x28C0;
	[sflag:s24] =	ssyncadd.s32 $0xFFFFEC00  }
0xe7: {  	[spmem:s1] =	stream.indirect.scatter.add.f32 [tilespmem:s30], [sflag:$0x2], $0x80, s5, s25, $0xb8;
	[tilespmem:$0x1FB00] =	vst v63  }
0xe8: {  	_ =	swait.ge [sflag:s0], $0x1400  }
0xe9: {  	[sflag:s0] =	ssyncset.done $0x0  }
0xea: {  	s6 =	simm.s32 $0x1E0;
	[sflag:s0] =	ssyncadd.s32 $0xFFFFEC00  }
0xeb: {  	[tilespmem:s29], [sflag:$0x1] =	stream.indirect.gather [hbm4b:s4+s25], $0x80, s6, s25, $0xb8;
	[tilespmem:$0x1FB00] =	vst v63  }
0xec: {  	_ =	swait.ge [sflag:s24], $0x1400  }
0xed: {  	[sflag:s24] =	ssyncset.done $0x0  }
0xee: {  	s3 =	simm.s32 $0x320;
	s5 =	simm.s32 $0x28E8;
	[sflag:s24] =	ssyncadd.s32 $0xFFFFEC00  }
.LBB2_6:
0xef: {  	[spmem:s1] =	stream.indirect.scatter.add.f32 [tilespmem:s31], [sflag:$0x2], $0x80, s5, s25, $0xb8;
	[tilespmem:$0x1FB00] =	vst v63  }
0xf0: {  	s5 =	smov.u32 s3;
	s3 =	sadd.s32 $0x320, s3;
	_ =	swait.ge [sflag:s0], $0x1400  }
0xf1: {  	s5 =	sshra.s32 s5, $0x2;
	p0 =	sne.s32 s3, $0x9600;
	[sflag:s0] =	ssyncset.done $0x0  }
0xf2: {  	s6 =	sadd.s32 $0x140, s5;
	[sflag:s0] =	ssyncadd.s32 $0xFFFFEC00  }
0xf3: {  	[tilespmem:s30], [sflag:$0x1] =	stream.indirect.gather [hbm4b:s4+s25], $0x80, s6, s25, $0xb8;
	[tilespmem:$0x1FB00] =	vst v63  }
0xf4: {  	_ =	swait.ge [sflag:s24], $0x1400  }
0xf5: {  	[sflag:s24] =	ssyncset.done $0x0  }
0xf6: {  	s6 =	sadd.s32 $0x2848, s5;
	[sflag:s24] =	ssyncadd.s32 $0xFFFFEC00  }
0xf7: {  	[spmem:s1] =	stream.indirect.scatter.add.f32 [tilespmem:s26], [sflag:$0x2], $0x80, s6, s25, $0xb8;
	[tilespmem:$0x1FB00] =	vst v63  }
0xf8: {  	_ =	swait.ge [sflag:s0], $0x1400  }
0xf9: {  	[sflag:s0] =	ssyncset.done $0x0  }
0xfa: {  	s6 =	sadd.s32 $0x168, s5;
	[sflag:s0] =	ssyncadd.s32 $0xFFFFEC00  }
0xfb: {  	[tilespmem:s31], [sflag:$0x1] =	stream.indirect.gather [hbm4b:s4+s25], $0x80, s6, s25, $0xb8;
	[tilespmem:$0x1FB00] =	vst v63  }
0xfc: {  	_ =	swait.ge [sflag:s24], $0x1400  }
0xfd: {  	[sflag:s24] =	ssyncset.done $0x0  }
0xfe: {  	s6 =	sadd.s32 $0x2870, s5;
	[sflag:s24] =	ssyncadd.s32 $0xFFFFEC00  }
0xff: {  	[spmem:s1] =	stream.indirect.scatter.add.f32 [tilespmem:s28], [sflag:$0x2], $0x80, s6, s25, $0xb8;
	[tilespmem:$0x1FB00] =	vst v63  }
0x100: {  	_ =	swait.ge [sflag:s0], $0x1400  }
0x101: {  	[sflag:s0] =	ssyncset.done $0x0  }
0x102: {  	s6 =	sadd.s32 $0x190, s5;
	[sflag:s0] =	ssyncadd.s32 $0xFFFFEC00  }
0x103: {  	[tilespmem:s26], [sflag:$0x1] =	stream.indirect.gather [hbm4b:s4+s25], $0x80, s6, s25, $0xb8;
	[tilespmem:$0x1FB00] =	vst v63  }
0x104: {  	_ =	swait.ge [sflag:s24], $0x1400  }
0x105: {  	[sflag:s24] =	ssyncset.done $0x0  }
0x106: {  	s6 =	sadd.s32 $0x2898, s5;
	[sflag:s24] =	ssyncadd.s32 $0xFFFFEC00  }
0x107: {  	[spmem:s1] =	stream.indirect.scatter.add.f32 [tilespmem:s29], [sflag:$0x2], $0x80, s6, s25, $0xb8;
	[tilespmem:$0x1FB00] =	vst v63  }
0x108: {  	_ =	swait.ge [sflag:s0], $0x1400  }
0x109: {  	[sflag:s0] =	ssyncset.done $0x0  }
0x10a: {  	s6 =	sadd.s32 $0x1B8, s5;
	[sflag:s0] =	ssyncadd.s32 $0xFFFFEC00  }
0x10b: {  	[tilespmem:s28], [sflag:$0x1] =	stream.indirect.gather [hbm4b:s4+s25], $0x80, s6, s25, $0xb8;
	[tilespmem:$0x1FB00] =	vst v63  }
0x10c: {  	_ =	swait.ge [sflag:s24], $0x1400  }
0x10d: {  	[sflag:s24] =	ssyncset.done $0x0  }
0x10e: {  	s6 =	sadd.s32 $0x28C0, s5;
	[sflag:s24] =	ssyncadd.s32 $0xFFFFEC00  }
0x10f: {  	[spmem:s1] =	stream.indirect.scatter.add.f32 [tilespmem:s30], [sflag:$0x2], $0x80, s6, s25, $0xb8;
	[tilespmem:$0x1FB00] =	vst v63  }
0x110: {  	_ =	swait.ge [sflag:s0], $0x1400  }
0x111: {  	[sflag:s0] =	ssyncset.done $0x0  }
.Ltmp2:
0x112: {  	s6 =	sadd.s32 $0x1E0, s5;
	[sflag:s0] =	ssyncadd.s32 $0xFFFFEC00;
	(pc) =	sbr.rel @p0 .LBB2_6-.Ltmp2, $4  }
0x113: {  	[tilespmem:s29], [sflag:$0x1] =	stream.indirect.gather [hbm4b:s4+s25], $0x80, s6, s25, $0xb8;
	[tilespmem:$0x1FB00] =	vst v63  }
0x114: {  	_ =	swait.ge [sflag:s24], $0x1400  }
0x115: {  	[sflag:s24] =	ssyncset.done $0x0  }
0x116: {  	s5 =	sadd.s32 $0x28E8, s5;
	[sflag:s24] =	ssyncadd.s32 $0xFFFFEC00  }
0x117: {  	[spmem:s1] =	stream.indirect.scatter.add.f32 [tilespmem:s31], [sflag:$0x2], $0x80, s5, s25, $0xb8;
	[tilespmem:$0x1FB00] =	vst v63  }
0x118: {  	_ =	swait.ge [sflag:s0], $0x1400  }
0x119: {  	s3 =	sshra.s32 s3, $0x2;
	[sflag:s0] =	ssyncset.done $0x0  }
0x11a: {  	s6 =	sadd.s32 $0x140, s3;
	[sflag:s0] =	ssyncadd.s32 $0xFFFFEC00  }
0x11b: {  	[tilespmem:s30], [sflag:$0x1] =	stream.indirect.gather [hbm4b:s4+s25], $0x80, s6, s25, $0xb8;
	[tilespmem:$0x1FB00] =	vst v63  }
0x11c: {  	_ =	swait.ge [sflag:s24], $0x1400  }
0x11d: {  	[sflag:s24] =	ssyncset.done $0x0  }
0x11e: {  	s6 =	sadd.s32 $0x2848, s3;
	[sflag:s24] =	ssyncadd.s32 $0xFFFFEC00  }
0x11f: {  	[spmem:s1] =	stream.indirect.scatter.add.f32 [tilespmem:s26], [sflag:$0x2], $0x80, s6, s25, $0xb8;
	[tilespmem:$0x1FB00] =	vst v63  }
0x120: {  	_ =	swait.ge [sflag:s0], $0x1400  }
0x121: {  	[sflag:s0] =	ssyncset.done $0x0  }
0x122: {  	s6 =	simm.s32 $0x26E8;
	[sflag:s0] =	ssyncadd.s32 $0xFFFFEC00  }
0x123: {  	[tilespmem:s31], [sflag:$0x1] =	stream.indirect.gather [hbm4b:s4+s25], $0x80, s6, s25, $0xb8;
	[tilespmem:$0x1FB00] =	vst v63  }
0x124: {  	_ =	swait.ge [sflag:s24], $0x1400  }
0x125: {  	[sflag:s24] =	ssyncset.done $0x0  }
0x126: {  	s6 =	sadd.s32 $0x2870, s3;
	[sflag:s24] =	ssyncadd.s32 $0xFFFFEC00  }
0x127: {  	[spmem:s1] =	stream.indirect.scatter.add.f32 [tilespmem:s28], [sflag:$0x2], $0x80, s6, s25, $0xb8;
	[tilespmem:$0x1FB00] =	vst v63  }
0x128: {  	_ =	swait.ge [sflag:s0], $0x1400  }
0x129: {  	[sflag:s0] =	ssyncset.done $0x0  }
0x12a: {  	[sflag:s0] =	ssyncadd.s32 $0xFFFFEC00  }
0x12b: {  	_ =	swait.ge [sflag:s24], $0x1400  }
0x12c: {  	[sflag:s24] =	ssyncset.done $0x0  }
0x12d: {  	s6 =	sadd.s32 $0x2898, s3;
	[sflag:s24] =	ssyncadd.s32 $0xFFFFEC00  }
0x12e: {  	[spmem:s1] =	stream.indirect.scatter.add.f32 [tilespmem:s29], [sflag:$0x2], $0x80, s6, s25, $0xb8;
	[tilespmem:$0x1FB00] =	vst v63  }
0x12f: {  	_ =	swait.ge [sflag:s0], $0x1400  }
0x130: {  	[sflag:s0] =	ssyncset.done $0x0  }
0x131: {  	[sflag:s0] =	ssyncadd.s32 $0xFFFFEC00  }
0x132: {  	_ =	swait.ge [sflag:s24], $0x1400  }
0x133: {  	[sflag:s24] =	ssyncset.done $0x0  }
0x134: {  	s3 =	sadd.s32 $0x28C0, s3;
	[sflag:s24] =	ssyncadd.s32 $0xFFFFEC00  }
0x135: {  	[spmem:s1] =	stream.indirect.scatter.add.f32 [tilespmem:s30], [sflag:$0x2], $0x80, s3, s25, $0xb8;
	[tilespmem:$0x1FB00] =	vst v63  }
0x136: {  	_ =	swait.ge [sflag:s0], $0x1400  }
0x137: {  	[sflag:s0] =	ssyncset.done $0x0  }
0x138: {  	[sflag:s0] =	ssyncadd.s32 $0xFFFFEC00  }
0x139: {  	_ =	swait.ge [sflag:s24], $0x1400  }
0x13a: {  	[sflag:s24] =	ssyncset.done $0x0  }
0x13b: {  	s6 =	simm.s32 $0x4E68;
	[sflag:s24] =	ssyncadd.s32 $0xFFFFEC00  }
0x13c: {  	[spmem:s1] =	stream.indirect.scatter.add.f32 [tilespmem:s31], [sflag:$0x2], $0x80, s6, s25, $0xb8;
	[tilespmem:$0x1FB00] =	vst v63  }
0x13d: {  	_ =	swait.ge [sflag:s0], $0x1400  }
0x13e: {  	[sflag:s0] =	ssyncset.done $0x0  }
0x13f: {  	[sflag:s0] =	ssyncadd.s32 $0xFFFFEC00  }
0x140: {  	_ =	swait.ge [sflag:s0], $0x1400  }
0x141: {  	[sflag:s0] =	ssyncset.done $0x0  }
0x142: {  	s5 =	stileid.u32;
	[sflag:s0] =	ssyncadd.s32 $0xFFFFEC00  }
0x143: {  	s3 =	sshll.u32 s5, $0x6;
	[bflag:$0x0] =	sbarrier.arrive $0xFFFF  }
0x144: {  	s5 =	sshrl.u32 s7, $0x3;
	s3 =	sor.u32 $0x1C03, s3;
	s6 =	rddreg [dreg:$0x6]  }
0x145: {  	[hbm:s6], [sflag:s3] =	dma.local [spmem:s5], $0x2800  }
0x146: {  	_ =	swait.ge [sflag:s21], $0x2800  }
0x147: {  	s2 =	sadd.s32 $0x1, s2;
	s6 =	rddreg [dreg:$0x7]  }
0x148: {  	p0 =	sne.s32 s2, s6  }
.Ltmp3:
0x149: {  	_ = 	snop;
	(pc) =	sbr.rel @p0 .LBB2_1-.Ltmp3, $3  }
0x14a: {  	_ =	sdelay $0x1  }
0x14b: {  	[sflag:s21] =	ssyncset.done $0x0  }
0x14c: {  	[sflag:s21] =	ssyncadd.s32 $0xFFFFD800  }
0x14d: {  	_ =	sfence.sel $0x180000  }
0x14e: {  	[bflag:$0x0] =	sbarrier.arrive $0xFFFF  }
0x14f: {  	_ =	strace $0x90000047  }
0x150: {  	s0 =	stileid.u32;
	[bflag:$0x2] =	sbarrier.arrive $0xFFFF  }
0x151: {  	p0 =	sne.s32 s0, $0x0;
	s0 =	rddreg [dreg:$0x3]  }
0x152: {  	s0 =	sadd.s32 @!p0 $0x100000, s0  }
0x153: {  	[sflag:s0] =	ssyncadd.tile.s32 @!p0 $0x1;
	_ =	shalt  }
.Lfunc_end2:
_tile_overlayer_lowered:
.L_overlay_start_2:
0x154: {  	(tag) =	ssettag $0x2  }
0x155: {  	s0 =	rddreg [dreg:$0x0];
	s2 =	stileid.u32  }
0x156: {  	s1 =	rddreg [dreg:$0x1];
	p0 =	sne.s32 s2, $0x0  }
0x157: {  	s3 =	rddreg [dreg:$0x2];
	[bflag:$0x3] =	sbarrier.arrive $0xFFFF;
	s2 =	simm.s32 @!p0 $0x1C03  }
0x158: {  	[timem:s3], [sflag:s2] =	dma.local @!p0 [hbm:s0], s1  }
0x159: {  	s0 =	simm.s32 @!p0 $0x3  }
0x15a: {  	_ =	swait.ge @!p0 [sflag:s0], s1  }
0x15b: {  	s1 =	ssub.s32 @!p0 $0x0, s1;
	[sflag:s0] =	ssyncset.done @!p0 $0x0  }
0x15c: {  	[sflag:s0] =	ssyncadd.s32 @!p0 s1  }
0x15d: {  	[bflag:$0x3] =	sbarrier.arrive $0xFFFF  }
0x15e: {  	_ =	shalt  }

// kernel: kernel.18.cloned.1.call-start
scs
__scs_entry_jumppad:
0x0: {  	(pc) =	sbr.rel $0x88, $3  }
0x1: {  	(tag) =	ssettag $0x0;
	lr =	simm.s32 $0x1  }
0x2: {  	[smem:$0x3F93] =	sst lr;
	_ =	strace $0xD0000000  }
0x3: {  	_ = 	snop  }
0x4: {  	_ = 	snop  }
0x5: {  	_ = 	snop  }
0x6: {  	_ = 	snop  }
0x7: {  	_ = 	snop  }
__scs_overlays_trampoline_lowered:
0x8: {  	[smem:$0x3FA2] =	sst s0  }
0x9: {  	[smem:$0x3FA3] =	sst s1  }
0xa: {  	[smem:$0x3FA4] =	sst s2  }
0xb: {  	[smem:$0x3FA5] =	sst s3  }
0xc: {  	[smem:$0x3FA6] =	sst s4  }
0xd: {  	[smem:$0x3FA7] =	sst s5  }
0xe: {  	[smem:$0x3FA8] =	sst s6  }
0xf: {  	[smem:$0x3FA9] =	sst s7  }
0x10: {  	[smem:$0x3FAA] =	sst s8  }
0x11: {  	[smem:$0x3FAB] =	sst s9;
	s0 =	simm.s32 @!p0 $0x0  }
0x12: {  	s1 =	sld [smem:$0x3F91];
	s0 =	simm.s32 @p0 $0x1  }
0x13: {  	[smem:$0x3FAC] =	sst s0;
	s0 =	simm.s32 @!p1 $0x0  }
0x14: {  	s2 =	sld [smem:$0x3F90];
	s0 =	simm.s32 @p1 $0x1  }
0x15: {  	[smem:$0x3FAD] =	sst s0;
	s0 =	simm.s32 @!p2 $0x0  }
0x16: {  	s3 =	sld [smem:$0x3FDB];
	s0 =	simm.s32 @p2 $0x1  }
0x17: {  	s4 =	simm.s32 $0x1BF5;
	[smem:$0x3FAF] =	sst s0  }
0x18: {  	s0 =	sld [smem:$0x3F92];
	_ =	swait.ge [sflag:s4], $0x0  }
0x19: {  	s7 =	sld [smem:$0x3F93]  }
0x1a: {  	s8 =	sadd.s32 $0xFFFFE003, lr  }
0x1b: {  	s9 =	sadd.s32 $0xFFFFFEF7, lr;
	s5 =	simm.s32 $0xFFFFFFFF;
	p2 =	slt.u32 s8, $0xFFFFF086  }
0x1c: {  	p1 =	slt.u32 s9, $0xF7A;
	s5 =	simm.s32 @!p2 $0x0  }
0x1d: {  	s5 =	simm.s32 @p1 $0x1;
	p0 =	seq.s32 s7, s2  }
0x1e: {  	s7 =	smul.u32 @!p0 $0xF7A, s2;
	p2 =	seq.s32 @!p0 s5, $0x0  }
0x1f: {  	s9 =	smul.u32 $0xF7A, s1;
	s8 =	simm.s32 @!p0 $0x1BF5;
	p2 =	por !p2, p0  }
0x20: {  	[sflag:s8] =	ssyncset.s32 @!p0 $0xFFFFF086;
	s6 =	sadd.s32 @!p0 s3, s7;
	s7 =	simm.s32 @!p0 $0x108  }
0x21: {  	s3 =	sadd.s32 s3, s9;
	s6 =	sadd.s32 @!p0 $0x88, s6;
	s7 =	simm.s32 @p2 $0x1082  }
0x22: {  	[simem:s7], [sflag:s8] =	dma.local @!p0 [hbm:s6], $0xF7A  }
0x23: {  	s9 =	sor.u32 $0xD0000000, s2;
	s6 =	simm.s32 $0x108;
	_ =	swait.ge @!p0 [sflag:s8], $0x0  }
0x24: {  	s3 =	sadd.s32 $0x88, s3;
	s6 =	simm.s32 @!p1 $0x1082;
	[sflag:s4] =	ssyncset.s32 $0xFFFFF086  }
0x25: {  	[simem:s6], [sflag:s4] =	dma.local [hbm:s3], $0xF7A  }
0x26: {  	[smem:$0x3F93] =	sst s1;
	(tag) =	ssettag s2;
	_ =	strace s9  }
0x27: {  	s1 =	sld [smem:$0x3FA3]  }
0x28: {  	s2 =	sld [smem:$0x3FA4]  }
0x29: {  	s4 =	sld [smem:$0x3FA6]  }
0x2a: {  	p0 =	seq.s32 s5, $0x0;
	s5 =	sld [smem:$0x3FA7]  }
0x2b: {  	s6 =	sld [smem:$0x3FA8]  }
0x2c: {  	s7 =	sld [smem:$0x3FA9]  }
0x2d: {  	s3 =	simm.s32 $0x108;
	s8 =	sld [smem:$0x3FAA]  }
0x2e: {  	s3 =	simm.s32 @!p0 $0x1082;
	s9 =	sld [smem:$0x3FAB]  }
0x2f: {  	lr =	sadd.s32 s0, s3;
	s0 =	sld [smem:$0x3FA2]  }
0x30: {  	s3 =	sld [smem:$0x3FA5]  }
0x31: {  	[smem:$0x3FAE] =	sst s10  }
0x32: {  	s10 =	sld [smem:$0x3FAC];
	_ =	sdelay $0x3  }
0x33: {  	p0 =	seq.s32 s10, $0x1;
	s10 =	sld [smem:$0x3FAE];
	_ =	sdelay $0x3  }
0x34: {  	[smem:$0x3FAE] =	sst s10  }
0x35: {  	s10 =	sld [smem:$0x3FAD];
	_ =	sdelay $0x3  }
0x36: {  	p1 =	seq.s32 s10, $0x1;
	s10 =	sld [smem:$0x3FAE];
	_ =	sdelay $0x3  }
0x37: {  	[smem:$0x3FAE] =	sst s10  }
0x38: {  	s10 =	sld [smem:$0x3FAF]  }
0x39: {  	_ = 	snop;
	(pc) =	sbr.ind lr, $3  }
0x3a: {  	_ = 	snop  }
0x3b: {  	_ = 	snop  }
0x3c: {  	p2 =	seq.s32 s10, $0x1;
	s10 =	sld [smem:$0x3FAE]  }
0x3d: {  	_ =	shalt  }
0x3e: {  	_ =	shalt  }
0x3f: {  	_ =	shalt  }
0x40: {  	_ =	shalt  }
0x41: {  	_ =	shalt  }
0x42: {  	_ =	shalt  }
0x43: {  	_ =	shalt  }
0x44: {  	_ =	shalt  }
0x45: {  	_ =	shalt  }
0x46: {  	_ =	shalt  }
0x47: {  	_ =	shalt  }
0x48: {  	_ =	shalt  }
0x49: {  	_ =	shalt  }
0x4a: {  	_ =	shalt  }
0x4b: {  	_ =	shalt  }
0x4c: {  	_ =	shalt  }
0x4d: {  	_ =	shalt  }
0x4e: {  	_ =	shalt  }
0x4f: {  	_ =	shalt  }
0x50: {  	_ =	shalt  }
0x51: {  	_ =	shalt  }
0x52: {  	_ =	shalt  }
0x53: {  	_ =	shalt  }
0x54: {  	_ =	shalt  }
0x55: {  	_ =	shalt  }
0x56: {  	_ =	shalt  }
0x57: {  	_ =	shalt  }
0x58: {  	_ =	shalt  }
0x59: {  	_ =	shalt  }
0x5a: {  	_ =	shalt  }
0x5b: {  	_ =	shalt  }
0x5c: {  	_ =	shalt  }
0x5d: {  	_ =	shalt  }
0x5e: {  	_ =	shalt  }
0x5f: {  	_ =	shalt  }
0x60: {  	_ =	shalt  }
0x61: {  	_ =	shalt  }
0x62: {  	_ =	shalt  }
0x63: {  	_ =	shalt  }
0x64: {  	_ =	shalt  }
0x65: {  	_ =	shalt  }
0x66: {  	_ =	shalt  }
0x67: {  	_ =	shalt  }
0x68: {  	_ =	shalt  }
0x69: {  	_ =	shalt  }
0x6a: {  	_ =	shalt  }
0x6b: {  	_ =	shalt  }
0x6c: {  	_ =	shalt  }
0x6d: {  	_ =	shalt  }
0x6e: {  	_ =	shalt  }
0x6f: {  	_ =	shalt  }
0x70: {  	_ =	shalt  }
0x71: {  	_ =	shalt  }
0x72: {  	_ =	shalt  }
0x73: {  	_ =	shalt  }
0x74: {  	_ =	shalt  }
0x75: {  	_ =	shalt  }
0x76: {  	_ =	shalt  }
0x77: {  	_ =	shalt  }
0x78: {  	_ =	shalt  }
0x79: {  	_ =	shalt  }
0x7a: {  	_ =	shalt  }
0x7b: {  	_ =	shalt  }
0x7c: {  	_ =	shalt  }
0x7d: {  	_ =	shalt  }
0x7e: {  	_ =	shalt  }
0x7f: {  	_ =	shalt  }
0x80: {  	_ =	shalt  }
0x81: {  	_ =	shalt  }
0x82: {  	_ =	shalt  }
0x83: {  	_ =	shalt  }
0x84: {  	_ =	shalt  }
0x85: {  	_ =	shalt  }
0x86: {  	_ =	shalt  }
0x87: {  	_ =	shalt  }
.Lfunc_end0:
.L_simem_size_0:
called_computation.2_lowered:
.L_overlay_start_0:
0x88: {  	s2 =	sld [smem:$0x3FD9]  }
0x89: {  	s3 =	sld [smem:$0x3FFE];
	_ =	sdelay $0x1  }
0x8a: {  	s1 =	srdreg.scid  }
0x8b: {  	s0 =	sand.u32 $0x1, s1  }
0x8c: {  	s17 =	sshll.u32 s0, $0xA;
	s2 =	sadd.s32 s3, s2  }
0x8d: {  	s2 =	sadd.s32 s2, s17  }
0x8e: {  	[smem:$0x3FBA] =	sst s2  }
0x8f: {  	_ = 	snop  }
0x90: {  	s2 =	sld [smem:$0x3FD0];
	(tm) =	ssettm $0x1  }
0x91: {  	s18 =	sld [smem:$0x3FFB];
	_ =	sdelay $0x3  }
0x92: {  	_ =	strace s18  }
0x93: {  	s3 =	sld [smem:$0x3FFC];
	_ =	sdelay $0x3  }
0x94: {  	_ =	strace s3  }
0x95: {  	s3 =	sld [smem:$0x3FFD];
	_ =	sdelay $0x3  }
0x96: {  	_ =	strace s3  }
0x97: {  	_ =	strace $0x8FFFFFFF  }
0x98: {  	s19 =	sld [smem:$0x3FDB];
	_ =	sdelay $0x1  }
0x99: {  	s4 =	simm.s32 $_scs_section_size  }
0x9a: {  	s5 =	simm.s32 $_size__tile_overlayer_lowered;
	s6 =	simm.s32 $_tile_overlayer_lowered  }
0x9b: {  	s22 =	simm.s32 $0x1BFF;
	s21 =	sshll.u32 s6, $0x1;
	s3 =	sadd.s32 s4, s19  }
0x9c: {  	s7 =	simm.s32 $0x0;
	s20 =	sshll.u32 s5, $0x1;
	s5 =	sadd.s32 s21, s3  }
0x9d: {  	[timem:s7], [sflag:s22] =	dma.local [hbm:s5], s20  }
0x9e: {  	_ =	swait.ge [sflag:s22], s20  }
0x9f: {  	s4 =	ssub.s32 $0x0, s20;
	[sflag:s22] =	ssyncset.done $0x0  }
0xa0: {  	[sflag:s22] =	ssyncadd.s32 s4;
	_ =	sdelay $0x1  }
0xa1: {  	s23 =	simm.s32 $0x1B8B  }
0xa2: {  	_ =	swait.ge [sflag:s23], $0x1  }
0xa3: {  	[sflag:s23] =	ssyncset.done $0x0  }
0xa4: {  	s25 =	simm.s32 $0x1B8E;
	s24 =	sld [smem:$0x3FFE];
	[sflag:s23] =	ssyncadd.s32 $0xFFFFFFFF  }
0xa5: {  	s26 =	simm.s32 $execute0_lowered;
	[smem:$0x3FD2] =	sst s25  }
0xa6: {  	s5 =	sshll.u32 s26, $0x1;
	_ =	strace $0x8000004C;
	[dreg:$0x1] =	wrdreg $0xFFFFFFFF  }
0xa7: {  	s28 =	simm.s32 $_size_execute0_lowered;
	s3 =	sadd.s32 s3, s5;
	[dreg:$0x0] =	wrdreg $0x0  }
0xa8: {  	s5 =	sshll.u32 s28, $0x1;
	[dreg:$0x2] =	wrdreg s3  }
0xa9: {  	[dreg:$0x3] =	wrdreg s5  }
0xaa: {  	[dreg:$0x4] =	wrdreg $0xC0  }
0xab: {  	_ =	task [dreg:s7], $0x5FFFF  }
0xac: {  	[dreg:$0x1] =	wrdreg $0xFFFFFFFF  }
0xad: {  	[dreg:$0x0] =	wrdreg $0x60  }
0xae: {  	[dreg:$0x2] =	wrdreg s24  }
0xaf: {  	[dreg:$0x3] =	wrdreg s2  }
0xb0: {  	[dreg:$0x4] =	wrdreg $0xBB000  }
0xb1: {  	[dreg:$0x5] =	wrdreg $0x9  }
0xb2: {  	_ =	task.clear_ibuf [dreg:s7], $0x6FFFF;
	_ =	strace $0x9000004C  }
0xb3: {  	s29 =	simm.s32 $0x9;
	_ =	strace $0x8000004E  }
0xb4: {  	_ =	swait.ge [sflag:s29], $0x1  }
0xb5: {  	[sflag:s29] =	ssyncadd.s32 $0xFFFFFFFF  }
0xb6: {  	_ =	strace $0x9000004E  }
0xb7: {  	_ =	sfence  }
0xb8: {  	s30 =	sld [smem:$0x0];
	_ =	sdelay $0x2  }
0xb9: {  	s31 =	sshll.u32 s1, $0xD;
	s1 =	sshrl.u32 s1, $0x2  }
0xba: {  	s3 =	sand.u32 $0x4000, s31;
	s1 =	sadd.s32 s1, s30  }
0xbb: {  	s0 =	sor.u32 s3, s0;
	s1 =	sshll.u32 s1, $0x11  }
0xbc: {  	s0 =	sor.u32 s1, s0  }
0xbd: {  	s0 =	sadd.s32 $0x8F2B, s0  }
0xbe: {  	[sflag:s0] =	ssyncadd.remote.s32 $0x1  }
0xbf: {  	_ =	sfence.sel $0xFFFF  }
0xc0: {  	[dreg:$0x0] =	wrdreg $0xFFFFFFFF;
	(pc) =	sbr.abs _section_cstart, $3  }
0xc1: {  	[dreg:$0x1] =	wrdreg $0xFFFFFFFF  }
0xc2: {  	_ =	task.clear_ibuf [dreg:s7], $0x2FFFF;
	_ =	strace $0x9FFFFFFF  }
0xc3: {  	(tm) =	ssettm $0x7FFFFFFF  }
tec
execute0_lowered:
.L_overlay_start_1:
0x0: {  	(tag) =	ssettag $0x1  }
0x1: {  	s0 =	rddreg [dreg:$0x0]  }
0x2: {  	s2 =	rddreg [dreg:$0x1]  }
0x3: {  	s1 =	rddreg [dreg:$0x2]  }
0x4: {  	s3 =	srdreg.scid;
	s8 =	stileid.u32  }
0x5: {  	s4 =	simm.s32 $0x0;
	s3 =	sand.u32 $0x1, s3;
	s7 =	smul.u32 $0x14000, s8  }
0x6: {  	[smem:$0x7FF] =	sst s4;
	s4 =	sadd.s32 $0xDC00, s0;
	s5 =	smul.u32 $0x140000, s3  }
0x7: {  	s6 =	sshll.u32 s3, $0x4;
	_ =	strace $0x8000004D;
	s3 =	ssub.s32 $0x2, s3  }
0x8: {  	s6 =	sor.u32 s8, s6;
	s20 =	sshrl.u32 s3, $0x1;
	s8 =	smul.u32 $0x50000, s8  }
0x9: {  	s6 =	smul.u32 $0x4E2, s6;
	s5 =	sadd.s32 s7, s5;
	s3 =	ssub.s32 s3, s20  }
0xa: {  	s5 =	sshrl.u32 s5, $0x3;
	s22 =	sshrl.u32 s8, $0x2;
	s23 =	smax.u32 s3, $0x1  }
0xb: {  	s9 =	sadd.s32 s6, s0;
	s2 =	sadd.s32 s2, s6;
	[dreg:$0x7] =	wrdreg s23  }
0xc: {  	s0 =	sadd.s32 s5, s0;
	s21 =	sadd.s32 $0x3E00, s9;
	[dreg:$0x5] =	wrdreg s2  }
0xd: {  	s7 =	sadd.s32 s22, s1;
	s0 =	sadd.s32 $0x83200, s0;
	[dreg:$0x4] =	wrdreg s21  }
0xe: {  	s24 =	sadd.s32 $0x800, s7;
	[dreg:$0x6] =	wrdreg s0  }
0xf: {  	s25 =	sadd.s32 $0x1000, s7;
	[dreg:$0x8] =	wrdreg s24  }
0x10: {  	s26 =	sadd.s32 $0x1800, s7;
	[dreg:$0x9] =	wrdreg s25  }
0x11: {  	s2 =	sadd.s32 $0x2000, s7;
	[dreg:$0xa] =	wrdreg s26  }
0x12: {  	s3 =	sadd.s32 $0x2800, s7;
	[dreg:$0xb] =	wrdreg s2  }
0x13: {  	s5 =	sadd.s32 $0x3000, s7;
	[dreg:$0xc] =	wrdreg s3  }
0x14: {  	s6 =	sadd.s32 $0x3800, s7;
	[dreg:$0xd] =	wrdreg s5  }
0x15: {  	s8 =	sadd.s32 $0x4000, s7;
	[dreg:$0xe] =	wrdreg s6  }
0x16: {  	s9 =	sadd.s32 $0x4800, s7;
	[dreg:$0xf] =	wrdreg s8  }
0x17: {  	s10 =	sadd.s32 $0x5000, s7;
	[dreg:$0x10] =	wrdreg s9  }
0x18: {  	s11 =	sadd.s32 $0x5800, s7;
	[dreg:$0x11] =	wrdreg s10  }
0x19: {  	s12 =	sadd.s32 $0x6000, s7;
	[dreg:$0x12] =	wrdreg s11  }
0x1a: {  	s13 =	sadd.s32 $0x6800, s7;
	[dreg:$0x13] =	wrdreg s12  }
0x1b: {  	s14 =	sadd.s32 $0x7000, s7;
	[dreg:$0x14] =	wrdreg s13  }
0x1c: {  	s15 =	sadd.s32 $0x7800, s7;
	[dreg:$0x15] =	wrdreg s14  }
0x1d: {  	s16 =	sadd.s32 $0x8000, s7;
	[dreg:$0x16] =	wrdreg s15  }
0x1e: {  	s17 =	sadd.s32 $0x8800, s7;
	[dreg:$0x17] =	wrdreg s16  }
0x1f: {  	s18 =	sadd.s32 $0x9000, s7;
	[dreg:$0x18] =	wrdreg s17  }
0x20: {  	s28 =	simm.s32 $0x6300;
	s19 =	sadd.s32 $0x9800, s7;
	[dreg:$0x19] =	wrdreg s18  }
0x21: {  	s29 =	simm.s32 $0x7700;
	s20 =	sadd.s32 $0xA000, s7;
	[dreg:$0x1a] =	wrdreg s19  }
0x22: {  	s30 =	simm.s32 $0x8B00;
	s22 =	sadd.s32 $0xB000, s7;
	[dreg:$0x1b] =	wrdreg s20  }
0x23: {  	s31 =	simm.s32 $0x9F00;
	s23 =	sadd.s32 $0xB800, s7;
	[dreg:$0x1d] =	wrdreg s22  }
0x24: {  	s21 =	sadd.s32 $0xA800, s7;
	[dreg:$0x1e] =	wrdreg s23;
	s24 =	sadd.s32 $0xC000, s7  }
0x25: {  	s25 =	sadd.s32 $0xC800, s7;
	s26 =	sadd.s32 $0xD000, s7;
	s8 =	sadd.s32 $0xD800, s7  }
0x26: {  	s9 =	sadd.s32 $0xE000, s7;
	s10 =	sadd.s32 $0xE800, s7;
	s11 =	sadd.s32 $0xF000, s7  }
0x27: {  	s12 =	sadd.s32 $0xF800, s7;
	s13 =	sadd.s32 $0x10000, s7;
	s14 =	sadd.s32 $0x10800, s7  }
0x28: {  	s15 =	sadd.s32 $0x11000, s7;
	s16 =	sadd.s32 $0x11800, s7;
	s17 =	sadd.s32 $0x12000, s7  }
0x29: {  	s18 =	sadd.s32 $0x12800, s7;
	s19 =	sadd.s32 $0x13000, s7;
	[dreg:$0x1c] =	wrdreg s21  }
0x2a: {  	s20 =	sadd.s32 $0x13800, s7;
	s22 =	simm.s32 $0x2780;
	[dreg:$0x1f] =	wrdreg s24  }
0x2b: {  	s23 =	simm.s32 $0xB300;
	s0 =	simm.s32 $0x2;
	[smem:$0x7FC] =	sst s25  }
0x2c: {  	s2 =	simm.s32 $0x0;
	[smem:$0x7FD] =	sst s26;
	s21 =	simm.s32 $0x3  }
0x2d: {  	v0 =	vimm.f32 $0.0e+00;
	s24 =	simm.s32 $0x1;
	s25 =	simm.s32 $0x28;
	s26 =	simm.s32 $0x4F00  }
.LBB2_1:
0x2e: {  	s3 =	simm.s32 $0x0;
	s5 =	rddreg [dreg:$0x4]  }
0x2f: {  	[tilespmem:s3], [sflag:$0x3] =	stream.linear.gather [hbm4b:s5+s3], $0x2710, $0x38;
	[tilespmem:$0x1FB00] =	vst v63  }
0x30: {  	_ =	swait.ge [sflag:s21], $0x2710  }
0x31: {  	[sflag:s21] =	ssyncset.done $0x0  }
0x32: {  	s6 =	rddreg [dreg:$0x5];
	[sflag:s21] =	ssyncadd.s32 $0xFFFFD8F0  }
0x33: {  	[tilespmem:s22], [sflag:$0x3] =	stream.linear.gather [hbm4b:s6+s3], $0x2710, $0x38;
	[tilespmem:$0x1FB00] =	vst v63  }
0x34: {  	_ =	swait.ge [sflag:s21], $0x2710  }
0x35: {  	[sflag:s21] =	ssyncset.done $0x0  }
0x36: {  	s5 =	simm.s32 $0x200;
	s3 =	simm.s32 $0x0;
	[sflag:s21] =	ssyncadd.s32 $0xFFFFD8F0  }
.LBB2_2:
0x37: {  	p0 =	sne.s32 s5, $0x1E00;
	[tilespmem:s3+$0xB370] =	vst v0  }
0x38: {  	[tilespmem:s3+$0xB300] =	vst v0  }
0x39: {  	[tilespmem:s3+$0xB310] =	vst v0  }
.Ltmp0:
0x3a: {  	[tilespmem:s3+$0xB320] =	vst v0;
	(pc) =	sbr.rel @p0 .LBB2_2-.Ltmp0, $4  }
0x3b: {  	[tilespmem:s3+$0xB330] =	vst v0  }
0x3c: {  	[tilespmem:s3+$0xB340] =	vst v0  }
0x3d: {  	[tilespmem:s3+$0xB350] =	vst v0  }
0x3e: {  	[tilespmem:s3+$0xB360] =	vst v0;
	s3 =	sshra.s32 s5, $0x2;
	s5 =	sadd.s32 $0x200, s5  }
0x3f: {  	[tilespmem:s3+$0xB370] =	vst v0  }
0x40: {  	[tilespmem:s3+$0xB300] =	vst v0  }
0x41: {  	[tilespmem:s3+$0xB310] =	vst v0  }
0x42: {  	[tilespmem:s3+$0xB320] =	vst v0  }
0x43: {  	[tilespmem:s3+$0xB330] =	vst v0  }
0x44: {  	[tilespmem:s3+$0xB340] =	vst v0  }
0x45: {  	[tilespmem:s3+$0xB350] =	vst v0  }
0x46: {  	[tilespmem:s3+$0xB360] =	vst v0;
	s5 =	rddreg [dreg:$0x8]  }
0x47: {  	[spmem:s7] =	stream.linear.scatter [tilespmem:s23], [sflag:$0x1], $0x800, $0x38;
	[tilespmem:$0x1FB00] =	vst v63  }
0x48: {  	s6 =	rddreg [dreg:$0x9]  }
0x49: {  	[spmem:s5] =	stream.linear.scatter [tilespmem:s23], [sflag:$0x1], $0x800, $0x38;
	[tilespmem:$0x1FB00] =	vst v63  }
0x4a: {  	s5 =	rddreg [dreg:$0xa]  }
0x4b: {  	[spmem:s6] =	stream.linear.scatter [tilespmem:s23], [sflag:$0x1], $0x800, $0x38;
	[tilespmem:$0x1FB00] =	vst v63  }
0x4c: {  	s6 =	rddreg [dreg:$0xb]  }
0x4d: {  	[spmem:s5] =	stream.linear.scatter [tilespmem:s23], [sflag:$0x1], $0x800, $0x38;
	[tilespmem:$0x1FB00] =	vst v63  }
0x4e: {  	s5 =	rddreg [dreg:$0xc]  }
0x4f: {  	[spmem:s6] =	stream.linear.scatter [tilespmem:s23], [sflag:$0x1], $0x800, $0x38;
	[tilespmem:$0x1FB00] =	vst v63  }
0x50: {  	s6 =	rddreg [dreg:$0xd]  }
0x51: {  	[spmem:s5] =	stream.linear.scatter [tilespmem:s23], [sflag:$0x1], $0x800, $0x38;
	[tilespmem:$0x1FB00] =	vst v63  }
0x52: {  	s5 =	rddreg [dreg:$0xe]  }
0x53: {  	[spmem:s6] =	stream.linear.scatter [tilespmem:s23], [sflag:$0x1], $0x800, $0x38;
	[tilespmem:$0x1FB00] =	vst v63  }
0x54: {  	s6 =	rddreg [dreg:$0xf]  }
0x55: {  	[spmem:s5] =	stream.linear.scatter [tilespmem:s23], [sflag:$0x1], $0x800, $0x38;
	[tilespmem:$0x1FB00] =	vst v63  }
0x56: {  	s5 =	rddreg [dreg:$0x10]  }
0x57: {  	[spmem:s6] =	stream.linear.scatter [tilespmem:s23], [sflag:$0x1], $0x800, $0x38;
	[tilespmem:$0x1FB00] =	vst v63  }
0x58: {  	s6 =	rddreg [dreg:$0x11]  }
0x59: {  	[spmem:s5] =	stream.linear.scatter [tilespmem:s23], [sflag:$0x1], $0x800, $0x38;
	[tilespmem:$0x1FB00] =	vst v63  }
0x5a: {  	s5 =	rddreg [dreg:$0x12]  }
0x5b: {  	[spmem:s6] =	stream.linear.scatter [tilespmem:s23], [sflag:$0x1], $0x800, $0x38;
	[tilespmem:$0x1FB00] =	vst v63  }
0x5c: {  	s6 =	rddreg [dreg:$0x13]  }
0x5d: {  	[spmem:s5] =	stream.linear.scatter [tilespmem:s23], [sflag:$0x1], $0x800, $0x38;
	[tilespmem:$0x1FB00] =	vst v63  }
0x5e: {  	s5 =	rddreg [dreg:$0x14]  }
0x5f: {  	[spmem:s6] =	stream.linear.scatter [tilespmem:s23], [sflag:$0x1], $0x800, $0x38;
	[tilespmem:$0x1FB00] =	vst v63  }
0x60: {  	s6 =	rddreg [dreg:$0x15]  }
0x61: {  	[spmem:s5] =	stream.linear.scatter [tilespmem:s23], [sflag:$0x1], $0x800, $0x38;
	[tilespmem:$0x1FB00] =	vst v63  }
0x62: {  	s5 =	rddreg [dreg:$0x16]  }
0x63: {  	[spmem:s6] =	stream.linear.scatter [tilespmem:s23], [sflag:$0x1], $0x800, $0x38;
	[tilespmem:$0x1FB00] =	vst v63  }
0x64: {  	s6 =	rddreg [dreg:$0x17]  }
0x65: {  	[spmem:s5] =	stream.linear.scatter [tilespmem:s23], [sflag:$0x1], $0x800, $0x38;
	[tilespmem:$0x1FB00] =	vst v63  }
0x66: {  	s5 =	rddreg [dreg:$0x18]  }
0x67: {  	[spmem:s6] =	stream.linear.scatter [tilespmem:s23], [sflag:$0x1], $0x800, $0x38;
	[tilespmem:$0x1FB00] =	vst v63  }
0x68: {  	s6 =	rddreg [dreg:$0x19]  }
0x69: {  	[spmem:s5] =	stream.linear.scatter [tilespmem:s23], [sflag:$0x1], $0x800, $0x38;
	[tilespmem:$0x1FB00] =	vst v63  }
0x6a: {  	s5 =	rddreg [dreg:$0x1a]  }
0x6b: {  	[spmem:s6] =	stream.linear.scatter [tilespmem:s23], [sflag:$0x1], $0x800, $0x38;
	[tilespmem:$0x1FB00] =	vst v63  }
0x6c: {  	s6 =	rddreg [dreg:$0x1b]  }
0x6d: {  	[spmem:s5] =	stream.linear.scatter [tilespmem:s23], [sflag:$0x1], $0x800, $0x38;
	[tilespmem:$0x1FB00] =	vst v63  }
0x6e: {  	s5 =	rddreg [dreg:$0x1c]  }
0x6f: {  	[spmem:s6] =	stream.linear.scatter [tilespmem:s23], [sflag:$0x1], $0x800, $0x38;
	[tilespmem:$0x1FB00] =	vst v63  }
0x70: {  	s6 =	rddreg [dreg:$0x1d]  }
0x71: {  	[spmem:s5] =	stream.linear.scatter [tilespmem:s23], [sflag:$0x1], $0x800, $0x38;
	[tilespmem:$0x1FB00] =	vst v63  }
0x72: {  	s5 =	rddreg [dreg:$0x1e]  }
0x73: {  	[spmem:s6] =	stream.linear.scatter [tilespmem:s23], [sflag:$0x1], $0x800, $0x38;
	[tilespmem:$0x1FB00] =	vst v63  }
0x74: {  	s6 =	rddreg [dreg:$0x1f]  }
0x75: {  	[spmem:s5] =	stream.linear.scatter [tilespmem:s23], [sflag:$0x1], $0x800, $0x38;
	[tilespmem:$0x1FB00] =	vst v63  }
0x76: {  	s5 =	sld [smem:$0x7FC]  }
0x77: {  	[spmem:s6] =	stream.linear.scatter [tilespmem:s23], [sflag:$0x1], $0x800, $0x38;
	[tilespmem:$0x1FB00] =	vst v63  }
0x78: {  	s6 =	sld [smem:$0x7FD]  }
0x79: {  	[spmem:s5] =	stream.linear.scatter [tilespmem:s23], [sflag:$0x1], $0x800, $0x38;
	[tilespmem:$0x1FB00] =	vst v63  }
0x7a: {  	_ = 	snop  }
0x7b: {  	[spmem:s6] =	stream.linear.scatter [tilespmem:s23], [sflag:$0x1], $0x800, $0x38;
	[tilespmem:$0x1FB00] =	vst v63  }
0x7c: {  	_ = 	snop  }
0x7d: {  	[spmem:s8] =	stream.linear.scatter [tilespmem:s23], [sflag:$0x1], $0x800, $0x38;
	[tilespmem:$0x1FB00] =	vst v63  }
0x7e: {  	_ = 	snop  }
0x7f: {  	[spmem:s9] =	stream.linear.scatter [tilespmem:s23], [sflag:$0x1], $0x800, $0x38;
	[tilespmem:$0x1FB00] =	vst v63  }
0x80: {  	_ = 	snop  }
0x81: {  	[spmem:s10] =	stream.linear.scatter [tilespmem:s23], [sflag:$0x1], $0x800, $0x38;
	[tilespmem:$0x1FB00] =	vst v63  }
0x82: {  	_ = 	snop  }
0x83: {  	[spmem:s11] =	stream.linear.scatter [tilespmem:s23], [sflag:$0x1], $0x800, $0x38;
	[tilespmem:$0x1FB00] =	vst v63  }
0x84: {  	_ = 	snop  }
0x85: {  	[spmem:s12] =	stream.linear.scatter [tilespmem:s23], [sflag:$0x1], $0x800, $0x38;
	[tilespmem:$0x1FB00] =	vst v63  }
0x86: {  	_ = 	snop  }
0x87: {  	[spmem:s13] =	stream.linear.scatter [tilespmem:s23], [sflag:$0x1], $0x800, $0x38;
	[tilespmem:$0x1FB00] =	vst v63  }
0x88: {  	_ = 	snop  }
0x89: {  	[spmem:s14] =	stream.linear.scatter [tilespmem:s23], [sflag:$0x1], $0x800, $0x38;
	[tilespmem:$0x1FB00] =	vst v63  }
0x8a: {  	_ = 	snop  }
0x8b: {  	[spmem:s15] =	stream.linear.scatter [tilespmem:s23], [sflag:$0x1], $0x800, $0x38;
	[tilespmem:$0x1FB00] =	vst v63  }
0x8c: {  	_ = 	snop  }
0x8d: {  	[spmem:s16] =	stream.linear.scatter [tilespmem:s23], [sflag:$0x1], $0x800, $0x38;
	[tilespmem:$0x1FB00] =	vst v63  }
0x8e: {  	_ = 	snop  }
0x8f: {  	[spmem:s17] =	stream.linear.scatter [tilespmem:s23], [sflag:$0x1], $0x800, $0x38;
	[tilespmem:$0x1FB00] =	vst v63  }
0x90: {  	_ = 	snop  }
0x91: {  	[spmem:s18] =	stream.linear.scatter [tilespmem:s23], [sflag:$0x1], $0x800, $0x38;
	[tilespmem:$0x1FB00] =	vst v63  }
0x92: {  	_ = 	snop  }
0x93: {  	[spmem:s19] =	stream.linear.scatter [tilespmem:s23], [sflag:$0x1], $0x800, $0x38;
	[tilespmem:$0x1FB00] =	vst v63  }
0x94: {  	_ = 	snop  }
0x95: {  	[spmem:s20] =	stream.linear.scatter [tilespmem:s23], [sflag:$0x1], $0x800, $0x38;
	[tilespmem:$0x1FB00] =	vst v63  }
0x96: {  	_ =	swait.ge [sflag:s24], $0x800  }
0x97: {  	s3 =	simm.s32 $0x27;
	[sflag:s24] =	ssyncset.done $0x0  }
.LBB2_4:
0x98: {  	p0 =	sne.s32 s3, $0x1;
	s3 =	sadd.s32 $0xFFFFFFFF, s3;
	[sflag:s24] =	ssyncadd.s32 $0xFFFFF800  }
.Ltmp1:
0x99: {  	(pc) =	sbr.rel @p0 .LBB2_4-.Ltmp1, $3  }
0x9a: {  	_ =	sdelay $0x1  }
0x9b: {  	_ =	swait.ge [sflag:s24], $0x800  }
0x9c: {  	[sflag:s24] =	ssyncset.done $0x0  }
0x9d: {  	[sflag:s24] =	ssyncadd.s32 $0xFFFFF800  }
0x9e: {  	s3 =	simm.s32 $0x0;
	[bflag:$0x0] =	sbarrier.arrive $0xFFFF  }
0x9f: {  	[tilespmem:s26], [sflag:$0x1] =	stream.indirect.gather [hbm4b:s4+s25], $0x80, s3, s25, $0xb8;
	[tilespmem:$0x1FB00] =	vst v63  }
0xa0: {  	_ = 	snop  }
0xa1: {  	[tilespmem:s28], [sflag:$0x1] =	stream.indirect.gather [hbm4b:s4+s25], $0x80, s25, s25, $0xb8;
	[tilespmem:$0x1FB00] =	vst v63  }
0xa2: {  	s6 =	simm.s32 $0x50  }
0xa3: {  	[tilespmem:s29], [sflag:$0x1] =	stream.indirect.gather [hbm4b:s4+s25], $0x80, s6, s25, $0xb8;
	[tilespmem:$0x1FB00] =	vst v63  }
0xa4: {  	s5 =	simm.s32 $0x78  }
0xa5: {  	[tilespmem:s30], [sflag:$0x1] =	stream.indirect.gather [hbm4b:s4+s25], $0x80, s5, s25, $0xb8;
	[tilespmem:$0x1FB00] =	vst v63  }
0xa6: {  	_ =	swait.ge [sflag:s24], $0x1400  }
0xa7: {  	[sflag:s24] =	ssyncset.done $0x0  }
0xa8: {  	[sflag:s24] =	ssyncadd.s32 $0xFFFFEC00  }
0xa9: {  	[spmem:s1] =	stream.indirect.scatter.add.f32 [tilespmem:s26], [sflag:$0x2], $0x80, s22, s25, $0xb8;
	[tilespmem:$0x1FB00] =	vst v63  }
0xaa: {  	s6 =	simm.s32 $0xA0  }
0xab: {  	[tilespmem:s31], [sflag:$0x1] =	stream.indirect.gather [hbm4b:s4+s25], $0x80, s6, s25, $0xb8;
	[tilespmem:$0x1FB00] =	vst v63  }
0xac: {  	_ =	swait.ge [sflag:s24], $0x1400  }
0xad: {  	[sflag:s24] =	ssyncset.done $0x0  }
0xae: {  	s5 =	simm.s32 $0x27A8;
	[sflag:s24] =	ssyncadd.s32 $0xFFFFEC00  }
0xaf: {  	[spmem:s1] =	stream.indirect.scatter.add.f32 [tilespmem:s28], [sflag:$0x2], $0x80, s5, s25, $0xb8;
	[tilespmem:$0x1FB00] =	vst v63  }
0xb0: {  	_ =	swait.ge [sflag:s0], $0x1400  }
0xb1: {  	[sflag:s0] =	ssyncset.done $0x0  }
0xb2: {  	s6 =	simm.s32 $0xC8;
	[sflag:s0] =	ssyncadd.s32 $0xFFFFEC00  }
0xb3: {  	[tilespmem:s26], [sflag:$0x1] =	stream.indirect.gather [hbm4b:s4+s25], $0x80, s6, s25, $0xb8;
	[tilespmem:$0x1FB00] =	vst v63  }
0xb4: {  	_ =	swait.ge [sflag:s24], $0x1400  }
0xb5: {  	[sflag:s24] =	ssyncset.done $0x0  }
0xb6: {  	s5 =	simm.s32 $0x27D0;
	[sflag:s24] =	ssyncadd.s32 $0xFFFFEC00  }
0xb7: {  	[spmem:s1] =	stream.indirect.scatter.add.f32 [tilespmem:s29], [sflag:$0x2], $0x80, s5, s25, $0xb8;
	[tilespmem:$0x1FB00] =	vst v63  }
0xb8: {  	_ =	swait.ge [sflag:s0], $0x1400  }
0xb9: {  	[sflag:s0] =	ssyncset.done $0x0  }
0xba: {  	s6 =	simm.s32 $0xF0;
	[sflag:s0] =	ssyncadd.s32 $0xFFFFEC00  }
0xbb: {  	[tilespmem:s28], [sflag:$0x1] =	stream.indirect.gather [hbm4b:s4+s25], $0x80, s6, s25, $0xb8;
	[tilespmem:$0x1FB00] =	vst v63  }
0xbc: {  	_ =	swait.ge [sflag:s24], $0x1400  }
0xbd: {  	[sflag:s24] =	ssyncset.done $0x0  }
0xbe: {  	s5 =	simm.s32 $0x27F8;
	[sflag:s24] =	ssyncadd.s32 $0xFFFFEC00  }
0xbf: {  	[spmem:s1] =	stream.indirect.scatter.add.f32 [tilespmem:s30], [sflag:$0x2], $0x80, s5, s25, $0xb8;
	[tilespmem:$0x1FB00] =	vst v63  }
0xc0: {  	_ =	swait.ge [sflag:s0], $0x1400  }
0xc1: {  	[sflag:s0] =	ssyncset.done $0x0  }
0xc2: {  	s6 =	simm.s32 $0x118;
	[sflag:s0] =	ssyncadd.s32 $0xFFFFEC00  }
0xc3: {  	[tilespmem:s29], [sflag:$0x1] =	stream.indirect.gather [hbm4b:s4+s25], $0x80, s6, s25, $0xb8;
	[tilespmem:$0x1FB00] =	vst v63  }
0xc4: {  	_ =	swait.ge [sflag:s24], $0x1400  }
0xc5: {  	[sflag:s24] =	ssyncset.done $0x0  }
0xc6: {  	s5 =	simm.s32 $0x2820;
	[sflag:s24] =	ssyncadd.s32 $0xFFFFEC00  }
0xc7: {  	[spmem:s1] =	stream.indirect.scatter.add.f32 [tilespmem:s31], [sflag:$0x2], $0x80, s5, s25, $0xb8;
	[tilespmem:$0x1FB00] =	vst v63  }
0xc8: {  	_ =	swait.ge [sflag:s0], $0x1400  }
0xc9: {  	[sflag:s0] =	ssyncset.done $0x0  }
0xca: {  	s6 =	simm.s32 $0x140;
	[sflag:s0] =	ssyncadd.s32 $0xFFFFEC00  }
0xcb: {  	[tilespmem:s30], [sflag:$0x1] =	stream.indirect.gather [hbm4b:s4+s25], $0x80, s6, s25, $0xb8;
	[tilespmem:$0x1FB00] =	vst v63  }
0xcc: {  	_ =	swait.ge [sflag:s24], $0x1400  }
0xcd: {  	[sflag:s24] =	ssyncset.done $0x0  }
0xce: {  	s5 =	simm.s32 $0x2848;
	[sflag:s24] =	ssyncadd.s32 $0xFFFFEC00  }
0xcf: {  	[spmem:s1] =	stream.indirect.scatter.add.f32 [tilespmem:s26], [sflag:$0x2], $0x80, s5, s25, $0xb8;
	[tilespmem:$0x1FB00] =	vst v63  }
0xd0: {  	_ =	swait.ge [sflag:s0], $0x1400  }
0xd1: {  	[sflag:s0] =	ssyncset.done $0x0  }
0xd2: {  	s6 =	simm.s32 $0x168;
	[sflag:s0] =	ssyncadd.s32 $0xFFFFEC00  }
0xd3: {  	[tilespmem:s31], [sflag:$0x1] =	stream.indirect.gather [hbm4b:s4+s25], $0x80, s6, s25, $0xb8;
	[tilespmem:$0x1FB00] =	vst v63  }
0xd4: {  	_ =	swait.ge [sflag:s24], $0x1400  }
0xd5: {  	[sflag:s24] =	ssyncset.done $0x0  }
0xd6: {  	s5 =	simm.s32 $0x2870;
	[sflag:s24] =	ssyncadd.s32 $0xFFFFEC00  }
0xd7: {  	[spmem:s1] =	stream.indirect.scatter.add.f32 [tilespmem:s28], [sflag:$0x2], $0x80, s5, s25, $0xb8;
	[tilespmem:$0x1FB00] =	vst v63  }
0xd8: {  	_ =	swait.ge [sflag:s0], $0x1400  }
0xd9: {  	[sflag:s0] =	ssyncset.done $0x0  }
0xda: {  	s6 =	simm.s32 $0x190;
	[sflag:s0] =	ssyncadd.s32 $0xFFFFEC00  }
0xdb: {  	[tilespmem:s26], [sflag:$0x1] =	stream.indirect.gather [hbm4b:s4+s25], $0x80, s6, s25, $0xb8;
	[tilespmem:$0x1FB00] =	vst v63  }
0xdc: {  	_ =	swait.ge [sflag:s24], $0x1400  }
0xdd: {  	[sflag:s24] =	ssyncset.done $0x0  }
0xde: {  	s5 =	simm.s32 $0x2898;
	[sflag:s24] =	ssyncadd.s32 $0xFFFFEC00  }
0xdf: {  	[spmem:s1] =	stream.indirect.scatter.add.f32 [tilespmem:s29], [sflag:$0x2], $0x80, s5, s25, $0xb8;
	[tilespmem:$0x1FB00] =	vst v63  }
0xe0: {  	_ =	swait.ge [sflag:s0], $0x1400  }
0xe1: {  	[sflag:s0] =	ssyncset.done $0x0  }
0xe2: {  	s6 =	simm.s32 $0x1B8;
	[sflag:s0] =	ssyncadd.s32 $0xFFFFEC00  }
0xe3: {  	[tilespmem:s28], [sflag:$0x1] =	stream.indirect.gather [hbm4b:s4+s25], $0x80, s6, s25, $0xb8;
	[tilespmem:$0x1FB00] =	vst v63  }
0xe4: {  	_ =	swait.ge [sflag:s24], $0x1400  }
0xe5: {  	[sflag:s24] =	ssyncset.done $0x0  }
0xe6: {  	s5 =	simm.s32 $0x28C0;
	[sflag:s24] =	ssyncadd.s32 $0xFFFFEC00  }
0xe7: {  	[spmem:s1] =	stream.indirect.scatter.add.f32 [tilespmem:s30], [sflag:$0x2], $0x80, s5, s25, $0xb8;
	[tilespmem:$0x1FB00] =	vst v63  }
0xe8: {  	_ =	swait.ge [sflag:s0], $0x1400  }
0xe9: {  	[sflag:s0] =	ssyncset.done $0x0  }
0xea: {  	s6 =	simm.s32 $0x1E0;
	[sflag:s0] =	ssyncadd.s32 $0xFFFFEC00  }
0xeb: {  	[tilespmem:s29], [sflag:$0x1] =	stream.indirect.gather [hbm4b:s4+s25], $0x80, s6, s25, $0xb8;
	[tilespmem:$0x1FB00] =	vst v63  }
0xec: {  	_ =	swait.ge [sflag:s24], $0x1400  }
0xed: {  	[sflag:s24] =	ssyncset.done $0x0  }
0xee: {  	s3 =	simm.s32 $0x320;
	s5 =	simm.s32 $0x28E8;
	[sflag:s24] =	ssyncadd.s32 $0xFFFFEC00  }
.LBB2_6:
0xef: {  	[spmem:s1] =	stream.indirect.scatter.add.f32 [tilespmem:s31], [sflag:$0x2], $0x80, s5, s25, $0xb8;
	[tilespmem:$0x1FB00] =	vst v63  }
0xf0: {  	s5 =	smov.u32 s3;
	s3 =	sadd.s32 $0x320, s3;
	_ =	swait.ge [sflag:s0], $0x1400  }
0xf1: {  	s5 =	sshra.s32 s5, $0x2;
	p0 =	sne.s32 s3, $0x9600;
	[sflag:s0] =	ssyncset.done $0x0  }
0xf2: {  	s6 =	sadd.s32 $0x140, s5;
	[sflag:s0] =	ssyncadd.s32 $0xFFFFEC00  }
0xf3: {  	[tilespmem:s30], [sflag:$0x1] =	stream.indirect.gather [hbm4b:s4+s25], $0x80, s6, s25, $0xb8;
	[tilespmem:$0x1FB00] =	vst v63  }
0xf4: {  	_ =	swait.ge [sflag:s24], $0x1400  }
0xf5: {  	[sflag:s24] =	ssyncset.done $0x0  }
0xf6: {  	s6 =	sadd.s32 $0x2848, s5;
	[sflag:s24] =	ssyncadd.s32 $0xFFFFEC00  }
0xf7: {  	[spmem:s1] =	stream.indirect.scatter.add.f32 [tilespmem:s26], [sflag:$0x2], $0x80, s6, s25, $0xb8;
	[tilespmem:$0x1FB00] =	vst v63  }
0xf8: {  	_ =	swait.ge [sflag:s0], $0x1400  }
0xf9: {  	[sflag:s0] =	ssyncset.done $0x0  }
0xfa: {  	s6 =	sadd.s32 $0x168, s5;
	[sflag:s0] =	ssyncadd.s32 $0xFFFFEC00  }
0xfb: {  	[tilespmem:s31], [sflag:$0x1] =	stream.indirect.gather [hbm4b:s4+s25], $0x80, s6, s25, $0xb8;
	[tilespmem:$0x1FB00] =	vst v63  }
0xfc: {  	_ =	swait.ge [sflag:s24], $0x1400  }
0xfd: {  	[sflag:s24] =	ssyncset.done $0x0  }
0xfe: {  	s6 =	sadd.s32 $0x2870, s5;
	[sflag:s24] =	ssyncadd.s32 $0xFFFFEC00  }
0xff: {  	[spmem:s1] =	stream.indirect.scatter.add.f32 [tilespmem:s28], [sflag:$0x2], $0x80, s6, s25, $0xb8;
	[tilespmem:$0x1FB00] =	vst v63  }
0x100: {  	_ =	swait.ge [sflag:s0], $0x1400  }
0x101: {  	[sflag:s0] =	ssyncset.done $0x0  }
0x102: {  	s6 =	sadd.s32 $0x190, s5;
	[sflag:s0] =	ssyncadd.s32 $0xFFFFEC00  }
0x103: {  	[tilespmem:s26], [sflag:$0x1] =	stream.indirect.gather [hbm4b:s4+s25], $0x80, s6, s25, $0xb8;
	[tilespmem:$0x1FB00] =	vst v63  }
0x104: {  	_ =	swait.ge [sflag:s24], $0x1400  }
0x105: {  	[sflag:s24] =	ssyncset.done $0x0  }
0x106: {  	s6 =	sadd.s32 $0x2898, s5;
	[sflag:s24] =	ssyncadd.s32 $0xFFFFEC00  }
0x107: {  	[spmem:s1] =	stream.indirect.scatter.add.f32 [tilespmem:s29], [sflag:$0x2], $0x80, s6, s25, $0xb8;
	[tilespmem:$0x1FB00] =	vst v63  }
0x108: {  	_ =	swait.ge [sflag:s0], $0x1400  }
0x109: {  	[sflag:s0] =	ssyncset.done $0x0  }
0x10a: {  	s6 =	sadd.s32 $0x1B8, s5;
	[sflag:s0] =	ssyncadd.s32 $0xFFFFEC00  }
0x10b: {  	[tilespmem:s28], [sflag:$0x1] =	stream.indirect.gather [hbm4b:s4+s25], $0x80, s6, s25, $0xb8;
	[tilespmem:$0x1FB00] =	vst v63  }
0x10c: {  	_ =	swait.ge [sflag:s24], $0x1400  }
0x10d: {  	[sflag:s24] =	ssyncset.done $0x0  }
0x10e: {  	s6 =	sadd.s32 $0x28C0, s5;
	[sflag:s24] =	ssyncadd.s32 $0xFFFFEC00  }
0x10f: {  	[spmem:s1] =	stream.indirect.scatter.add.f32 [tilespmem:s30], [sflag:$0x2], $0x80, s6, s25, $0xb8;
	[tilespmem:$0x1FB00] =	vst v63  }
0x110: {  	_ =	swait.ge [sflag:s0], $0x1400  }
0x111: {  	[sflag:s0] =	ssyncset.done $0x0  }
.Ltmp2:
0x112: {  	s6 =	sadd.s32 $0x1E0, s5;
	[sflag:s0] =	ssyncadd.s32 $0xFFFFEC00;
	(pc) =	sbr.rel @p0 .LBB2_6-.Ltmp2, $4  }
0x113: {  	[tilespmem:s29], [sflag:$0x1] =	stream.indirect.gather [hbm4b:s4+s25], $0x80, s6, s25, $0xb8;
	[tilespmem:$0x1FB00] =	vst v63  }
0x114: {  	_ =	swait.ge [sflag:s24], $0x1400  }
0x115: {  	[sflag:s24] =	ssyncset.done $0x0  }
0x116: {  	s5 =	sadd.s32 $0x28E8, s5;
	[sflag:s24] =	ssyncadd.s32 $0xFFFFEC00  }
0x117: {  	[spmem:s1] =	stream.indirect.scatter.add.f32 [tilespmem:s31], [sflag:$0x2], $0x80, s5, s25, $0xb8;
	[tilespmem:$0x1FB00] =	vst v63  }
0x118: {  	_ =	swait.ge [sflag:s0], $0x1400  }
0x119: {  	s3 =	sshra.s32 s3, $0x2;
	[sflag:s0] =	ssyncset.done $0x0  }
0x11a: {  	s6 =	sadd.s32 $0x140, s3;
	[sflag:s0] =	ssyncadd.s32 $0xFFFFEC00  }
0x11b: {  	[tilespmem:s30], [sflag:$0x1] =	stream.indirect.gather [hbm4b:s4+s25], $0x80, s6, s25, $0xb8;
	[tilespmem:$0x1FB00] =	vst v63  }
0x11c: {  	_ =	swait.ge [sflag:s24], $0x1400  }
0x11d: {  	[sflag:s24] =	ssyncset.done $0x0  }
0x11e: {  	s6 =	sadd.s32 $0x2848, s3;
	[sflag:s24] =	ssyncadd.s32 $0xFFFFEC00  }
0x11f: {  	[spmem:s1] =	stream.indirect.scatter.add.f32 [tilespmem:s26], [sflag:$0x2], $0x80, s6, s25, $0xb8;
	[tilespmem:$0x1FB00] =	vst v63  }
0x120: {  	_ =	swait.ge [sflag:s0], $0x1400  }
0x121: {  	[sflag:s0] =	ssyncset.done $0x0  }
0x122: {  	s6 =	simm.s32 $0x26E8;
	[sflag:s0] =	ssyncadd.s32 $0xFFFFEC00  }
0x123: {  	[tilespmem:s31], [sflag:$0x1] =	stream.indirect.gather [hbm4b:s4+s25], $0x80, s6, s25, $0xb8;
	[tilespmem:$0x1FB00] =	vst v63  }
0x124: {  	_ =	swait.ge [sflag:s24], $0x1400  }
0x125: {  	[sflag:s24] =	ssyncset.done $0x0  }
0x126: {  	s6 =	sadd.s32 $0x2870, s3;
	[sflag:s24] =	ssyncadd.s32 $0xFFFFEC00  }
0x127: {  	[spmem:s1] =	stream.indirect.scatter.add.f32 [tilespmem:s28], [sflag:$0x2], $0x80, s6, s25, $0xb8;
	[tilespmem:$0x1FB00] =	vst v63  }
0x128: {  	_ =	swait.ge [sflag:s0], $0x1400  }
0x129: {  	[sflag:s0] =	ssyncset.done $0x0  }
0x12a: {  	[sflag:s0] =	ssyncadd.s32 $0xFFFFEC00  }
0x12b: {  	_ =	swait.ge [sflag:s24], $0x1400  }
0x12c: {  	[sflag:s24] =	ssyncset.done $0x0  }
0x12d: {  	s6 =	sadd.s32 $0x2898, s3;
	[sflag:s24] =	ssyncadd.s32 $0xFFFFEC00  }
0x12e: {  	[spmem:s1] =	stream.indirect.scatter.add.f32 [tilespmem:s29], [sflag:$0x2], $0x80, s6, s25, $0xb8;
	[tilespmem:$0x1FB00] =	vst v63  }
0x12f: {  	_ =	swait.ge [sflag:s0], $0x1400  }
0x130: {  	[sflag:s0] =	ssyncset.done $0x0  }
0x131: {  	[sflag:s0] =	ssyncadd.s32 $0xFFFFEC00  }
0x132: {  	_ =	swait.ge [sflag:s24], $0x1400  }
0x133: {  	[sflag:s24] =	ssyncset.done $0x0  }
0x134: {  	s3 =	sadd.s32 $0x28C0, s3;
	[sflag:s24] =	ssyncadd.s32 $0xFFFFEC00  }
0x135: {  	[spmem:s1] =	stream.indirect.scatter.add.f32 [tilespmem:s30], [sflag:$0x2], $0x80, s3, s25, $0xb8;
	[tilespmem:$0x1FB00] =	vst v63  }
0x136: {  	_ =	swait.ge [sflag:s0], $0x1400  }
0x137: {  	[sflag:s0] =	ssyncset.done $0x0  }
0x138: {  	[sflag:s0] =	ssyncadd.s32 $0xFFFFEC00  }
0x139: {  	_ =	swait.ge [sflag:s24], $0x1400  }
0x13a: {  	[sflag:s24] =	ssyncset.done $0x0  }
0x13b: {  	s6 =	simm.s32 $0x4E68;
	[sflag:s24] =	ssyncadd.s32 $0xFFFFEC00  }
0x13c: {  	[spmem:s1] =	stream.indirect.scatter.add.f32 [tilespmem:s31], [sflag:$0x2], $0x80, s6, s25, $0xb8;
	[tilespmem:$0x1FB00] =	vst v63  }
0x13d: {  	_ =	swait.ge [sflag:s0], $0x1400  }
0x13e: {  	[sflag:s0] =	ssyncset.done $0x0  }
0x13f: {  	[sflag:s0] =	ssyncadd.s32 $0xFFFFEC00  }
0x140: {  	_ =	swait.ge [sflag:s0], $0x1400  }
0x141: {  	[sflag:s0] =	ssyncset.done $0x0  }
0x142: {  	s5 =	stileid.u32;
	[sflag:s0] =	ssyncadd.s32 $0xFFFFEC00  }
0x143: {  	s3 =	sshll.u32 s5, $0x6;
	[bflag:$0x0] =	sbarrier.arrive $0xFFFF  }
0x144: {  	s5 =	sshrl.u32 s7, $0x3;
	s3 =	sor.u32 $0x1C03, s3;
	s6 =	rddreg [dreg:$0x6]  }
0x145: {  	[hbm:s6], [sflag:s3] =	dma.local [spmem:s5], $0x2800  }
0x146: {  	_ =	swait.ge [sflag:s21], $0x2800  }
0x147: {  	s2 =	sadd.s32 $0x1, s2;
	s6 =	rddreg [dreg:$0x7]  }
0x148: {  	p0 =	sne.s32 s2, s6  }
.Ltmp3:
0x149: {  	_ = 	snop;
	(pc) =	sbr.rel @p0 .LBB2_1-.Ltmp3, $3  }
0x14a: {  	_ =	sdelay $0x1  }
0x14b: {  	[sflag:s21] =	ssyncset.done $0x0  }
0x14c: {  	[sflag:s21] =	ssyncadd.s32 $0xFFFFD800  }
0x14d: {  	_ =	sfence.sel $0x180000  }
0x14e: {  	[bflag:$0x0] =	sbarrier.arrive $0xFFFF  }
0x14f: {  	_ =	strace $0x9000004D  }
0x150: {  	s0 =	stileid.u32;
	[bflag:$0x2] =	sbarrier.arrive $0xFFFF  }
0x151: {  	p0 =	sne.s32 s0, $0x0;
	s0 =	rddreg [dreg:$0x3]  }
0x152: {  	s0 =	sadd.s32 @!p0 $0x100000, s0  }
0x153: {  	[sflag:s0] =	ssyncadd.tile.s32 @!p0 $0x1;
	_ =	shalt  }
.Lfunc_end2:
_tile_overlayer_lowered:
.L_overlay_start_2:
0x154: {  	(tag) =	ssettag $0x2  }
0x155: {  	s0 =	rddreg [dreg:$0x0];
	s2 =	stileid.u32  }
0x156: {  	s1 =	rddreg [dreg:$0x1];
	p0 =	sne.s32 s2, $0x0  }
0x157: {  	s3 =	rddreg [dreg:$0x2];
	[bflag:$0x3] =	sbarrier.arrive $0xFFFF;
	s2 =	simm.s32 @!p0 $0x1C03  }
0x158: {  	[timem:s3], [sflag:s2] =	dma.local @!p0 [hbm:s0], s1  }
0x159: {  	s0 =	simm.s32 @!p0 $0x3  }
0x15a: {  	_ =	swait.ge @!p0 [sflag:s0], s1  }
0x15b: {  	s1 =	ssub.s32 @!p0 $0x0, s1;
	[sflag:s0] =	ssyncset.done @!p0 $0x0  }
0x15c: {  	[sflag:s0] =	ssyncadd.s32 @!p0 s1  }
0x15d: {  	[bflag:$0x3] =	sbarrier.arrive $0xFFFF  }
0x15e: {  	_ =	shalt  }

// kernel: kernel.21.cloned.1.call-start
scs
__scs_entry_jumppad:
0x0: {  	(pc) =	sbr.rel $0x88, $3  }
0x1: {  	(tag) =	ssettag $0x0;
	lr =	simm.s32 $0x1  }
0x2: {  	[smem:$0x3F93] =	sst lr;
	_ =	strace $0xD0000000  }
0x3: {  	_ = 	snop  }
0x4: {  	_ = 	snop  }
0x5: {  	_ = 	snop  }
0x6: {  	_ = 	snop  }
0x7: {  	_ = 	snop  }
__scs_overlays_trampoline_lowered:
0x8: {  	[smem:$0x3FA2] =	sst s0  }
0x9: {  	[smem:$0x3FA3] =	sst s1  }
0xa: {  	[smem:$0x3FA4] =	sst s2  }
0xb: {  	[smem:$0x3FA5] =	sst s3  }
0xc: {  	[smem:$0x3FA6] =	sst s4  }
0xd: {  	[smem:$0x3FA7] =	sst s5  }
0xe: {  	[smem:$0x3FA8] =	sst s6  }
0xf: {  	[smem:$0x3FA9] =	sst s7  }
0x10: {  	[smem:$0x3FAA] =	sst s8  }
0x11: {  	[smem:$0x3FAB] =	sst s9;
	s0 =	simm.s32 @!p0 $0x0  }
0x12: {  	s1 =	sld [smem:$0x3F91];
	s0 =	simm.s32 @p0 $0x1  }
0x13: {  	[smem:$0x3FAC] =	sst s0;
	s0 =	simm.s32 @!p1 $0x0  }
0x14: {  	s2 =	sld [smem:$0x3F90];
	s0 =	simm.s32 @p1 $0x1  }
0x15: {  	[smem:$0x3FAD] =	sst s0;
	s0 =	simm.s32 @!p2 $0x0  }
0x16: {  	s3 =	sld [smem:$0x3FDB];
	s0 =	simm.s32 @p2 $0x1  }
0x17: {  	s4 =	simm.s32 $0x1BF5;
	[smem:$0x3FAF] =	sst s0  }
0x18: {  	s0 =	sld [smem:$0x3F92];
	_ =	swait.ge [sflag:s4], $0x0  }
0x19: {  	s7 =	sld [smem:$0x3F93]  }
0x1a: {  	s8 =	sadd.s32 $0xFFFFE003, lr  }
0x1b: {  	s9 =	sadd.s32 $0xFFFFFEF7, lr;
	s5 =	simm.s32 $0xFFFFFFFF;
	p2 =	slt.u32 s8, $0xFFFFF086  }
0x1c: {  	p1 =	slt.u32 s9, $0xF7A;
	s5 =	simm.s32 @!p2 $0x0  }
0x1d: {  	s5 =	simm.s32 @p1 $0x1;
	p0 =	seq.s32 s7, s2  }
0x1e: {  	s7 =	smul.u32 @!p0 $0xF7A, s2;
	p2 =	seq.s32 @!p0 s5, $0x0  }
0x1f: {  	s9 =	smul.u32 $0xF7A, s1;
	s8 =	simm.s32 @!p0 $0x1BF5;
	p2 =	por !p2, p0  }
0x20: {  	[sflag:s8] =	ssyncset.s32 @!p0 $0xFFFFF086;
	s6 =	sadd.s32 @!p0 s3, s7;
	s7 =	simm.s32 @!p0 $0x108  }
0x21: {  	s3 =	sadd.s32 s3, s9;
	s6 =	sadd.s32 @!p0 $0x88, s6;
	s7 =	simm.s32 @p2 $0x1082  }
0x22: {  	[simem:s7], [sflag:s8] =	dma.local @!p0 [hbm:s6], $0xF7A  }
0x23: {  	s9 =	sor.u32 $0xD0000000, s2;
	s6 =	simm.s32 $0x108;
	_ =	swait.ge @!p0 [sflag:s8], $0x0  }
0x24: {  	s3 =	sadd.s32 $0x88, s3;
	s6 =	simm.s32 @!p1 $0x1082;
	[sflag:s4] =	ssyncset.s32 $0xFFFFF086  }
0x25: {  	[simem:s6], [sflag:s4] =	dma.local [hbm:s3], $0xF7A  }
0x26: {  	[smem:$0x3F93] =	sst s1;
	(tag) =	ssettag s2;
	_ =	strace s9  }
0x27: {  	s1 =	sld [smem:$0x3FA3]  }
0x28: {  	s2 =	sld [smem:$0x3FA4]  }
0x29: {  	s4 =	sld [smem:$0x3FA6]  }
0x2a: {  	p0 =	seq.s32 s5, $0x0;
	s5 =	sld [smem:$0x3FA7]  }
0x2b: {  	s6 =	sld [smem:$0x3FA8]  }
0x2c: {  	s7 =	sld [smem:$0x3FA9]  }
0x2d: {  	s3 =	simm.s32 $0x108;
	s8 =	sld [smem:$0x3FAA]  }
0x2e: {  	s3 =	simm.s32 @!p0 $0x1082;
	s9 =	sld [smem:$0x3FAB]  }
0x2f: {  	lr =	sadd.s32 s0, s3;
	s0 =	sld [smem:$0x3FA2]  }
0x30: {  	s3 =	sld [smem:$0x3FA5]  }
0x31: {  	[smem:$0x3FAE] =	sst s10  }
0x32: {  	s10 =	sld [smem:$0x3FAC];
	_ =	sdelay $0x3  }
0x33: {  	p0 =	seq.s32 s10, $0x1;
	s10 =	sld [smem:$0x3FAE];
	_ =	sdelay $0x3  }
0x34: {  	[smem:$0x3FAE] =	sst s10  }
0x35: {  	s10 =	sld [smem:$0x3FAD];
	_ =	sdelay $0x3  }
0x36: {  	p1 =	seq.s32 s10, $0x1;
	s10 =	sld [smem:$0x3FAE];
	_ =	sdelay $0x3  }
0x37: {  	[smem:$0x3FAE] =	sst s10  }
0x38: {  	s10 =	sld [smem:$0x3FAF]  }
0x39: {  	_ = 	snop;
	(pc) =	sbr.ind lr, $3  }
0x3a: {  	_ = 	snop  }
0x3b: {  	_ = 	snop  }
0x3c: {  	p2 =	seq.s32 s10, $0x1;
	s10 =	sld [smem:$0x3FAE]  }
0x3d: {  	_ =	shalt  }
0x3e: {  	_ =	shalt  }
0x3f: {  	_ =	shalt  }
0x40: {  	_ =	shalt  }
0x41: {  	_ =	shalt  }
0x42: {  	_ =	shalt  }
0x43: {  	_ =	shalt  }
0x44: {  	_ =	shalt  }
0x45: {  	_ =	shalt  }
0x46: {  	_ =	shalt  }
0x47: {  	_ =	shalt  }
0x48: {  	_ =	shalt  }
0x49: {  	_ =	shalt  }
0x4a: {  	_ =	shalt  }
0x4b: {  	_ =	shalt  }
0x4c: {  	_ =	shalt  }
0x4d: {  	_ =	shalt  }
0x4e: {  	_ =	shalt  }
0x4f: {  	_ =	shalt  }
0x50: {  	_ =	shalt  }
0x51: {  	_ =	shalt  }
0x52: {  	_ =	shalt  }
0x53: {  	_ =	shalt  }
0x54: {  	_ =	shalt  }
0x55: {  	_ =	shalt  }
0x56: {  	_ =	shalt  }
0x57: {  	_ =	shalt  }
0x58: {  	_ =	shalt  }
0x59: {  	_ =	shalt  }
0x5a: {  	_ =	shalt  }
0x5b: {  	_ =	shalt  }
0x5c: {  	_ =	shalt  }
0x5d: {  	_ =	shalt  }
0x5e: {  	_ =	shalt  }
0x5f: {  	_ =	shalt  }
0x60: {  	_ =	shalt  }
0x61: {  	_ =	shalt  }
0x62: {  	_ =	shalt  }
0x63: {  	_ =	shalt  }
0x64: {  	_ =	shalt  }
0x65: {  	_ =	shalt  }
0x66: {  	_ =	shalt  }
0x67: {  	_ =	shalt  }
0x68: {  	_ =	shalt  }
0x69: {  	_ =	shalt  }
0x6a: {  	_ =	shalt  }
0x6b: {  	_ =	shalt  }
0x6c: {  	_ =	shalt  }
0x6d: {  	_ =	shalt  }
0x6e: {  	_ =	shalt  }
0x6f: {  	_ =	shalt  }
0x70: {  	_ =	shalt  }
0x71: {  	_ =	shalt  }
0x72: {  	_ =	shalt  }
0x73: {  	_ =	shalt  }
0x74: {  	_ =	shalt  }
0x75: {  	_ =	shalt  }
0x76: {  	_ =	shalt  }
0x77: {  	_ =	shalt  }
0x78: {  	_ =	shalt  }
0x79: {  	_ =	shalt  }
0x7a: {  	_ =	shalt  }
0x7b: {  	_ =	shalt  }
0x7c: {  	_ =	shalt  }
0x7d: {  	_ =	shalt  }
0x7e: {  	_ =	shalt  }
0x7f: {  	_ =	shalt  }
0x80: {  	_ =	shalt  }
0x81: {  	_ =	shalt  }
0x82: {  	_ =	shalt  }
0x83: {  	_ =	shalt  }
0x84: {  	_ =	shalt  }
0x85: {  	_ =	shalt  }
0x86: {  	_ =	shalt  }
0x87: {  	_ =	shalt  }
.Lfunc_end0:
.L_simem_size_0:
called_computation.3_lowered:
.L_overlay_start_0:
0x88: {  	s2 =	sld [smem:$0x3FD9]  }
0x89: {  	s3 =	sld [smem:$0x3FFE];
	_ =	sdelay $0x1  }
0x8a: {  	s1 =	srdreg.scid  }
0x8b: {  	s0 =	sand.u32 $0x1, s1  }
0x8c: {  	s17 =	sshll.u32 s0, $0xA;
	s2 =	sadd.s32 s3, s2  }
0x8d: {  	s2 =	sadd.s32 s2, s17  }
0x8e: {  	[smem:$0x3FBA] =	sst s2  }
0x8f: {  	_ = 	snop  }
0x90: {  	s2 =	sld [smem:$0x3FD0];
	(tm) =	ssettm $0x1  }
0x91: {  	s18 =	sld [smem:$0x3FFB];
	_ =	sdelay $0x3  }
0x92: {  	_ =	strace s18  }
0x93: {  	s3 =	sld [smem:$0x3FFC];
	_ =	sdelay $0x3  }
0x94: {  	_ =	strace s3  }
0x95: {  	s3 =	sld [smem:$0x3FFD];
	_ =	sdelay $0x3  }
0x96: {  	_ =	strace s3  }
0x97: {  	_ =	strace $0x8FFFFFFF  }
0x98: {  	s19 =	sld [smem:$0x3FDB];
	_ =	sdelay $0x1  }
0x99: {  	s4 =	simm.s32 $_scs_section_size  }
0x9a: {  	s5 =	simm.s32 $_size__tile_overlayer_lowered;
	s6 =	simm.s32 $_tile_overlayer_lowered  }
0x9b: {  	s22 =	simm.s32 $0x1BFF;
	s21 =	sshll.u32 s6, $0x1;
	s3 =	sadd.s32 s4, s19  }
0x9c: {  	s7 =	simm.s32 $0x0;
	s20 =	sshll.u32 s5, $0x1;
	s5 =	sadd.s32 s21, s3  }
0x9d: {  	[timem:s7], [sflag:s22] =	dma.local [hbm:s5], s20  }
0x9e: {  	_ =	swait.ge [sflag:s22], s20  }
0x9f: {  	s4 =	ssub.s32 $0x0, s20;
	[sflag:s22] =	ssyncset.done $0x0  }
0xa0: {  	[sflag:s22] =	ssyncadd.s32 s4;
	_ =	sdelay $0x1  }
0xa1: {  	s23 =	simm.s32 $0x1B8B  }
0xa2: {  	_ =	swait.ge [sflag:s23], $0x1  }
0xa3: {  	[sflag:s23] =	ssyncset.done $0x0  }
0xa4: {  	s25 =	simm.s32 $0x1B8E;
	s24 =	sld [smem:$0x3FFE];
	[sflag:s23] =	ssyncadd.s32 $0xFFFFFFFF  }
0xa5: {  	s26 =	simm.s32 $execute0_lowered;
	[smem:$0x3FD2] =	sst s25  }
0xa6: {  	s5 =	sshll.u32 s26, $0x1;
	_ =	strace $0x8000004F;
	[dreg:$0x1] =	wrdreg $0xFFFFFFFF  }
0xa7: {  	s28 =	simm.s32 $_size_execute0_lowered;
	s3 =	sadd.s32 s3, s5;
	[dreg:$0x0] =	wrdreg $0x0  }
0xa8: {  	s5 =	sshll.u32 s28, $0x1;
	[dreg:$0x2] =	wrdreg s3  }
0xa9: {  	[dreg:$0x3] =	wrdreg s5  }
0xaa: {  	[dreg:$0x4] =	wrdreg $0xC0  }
0xab: {  	_ =	task [dreg:s7], $0x5FFFF  }
0xac: {  	[dreg:$0x1] =	wrdreg $0xFFFFFFFF  }
0xad: {  	[dreg:$0x0] =	wrdreg $0x60  }
0xae: {  	[dreg:$0x2] =	wrdreg s24  }
0xaf: {  	[dreg:$0x3] =	wrdreg s2  }
0xb0: {  	[dreg:$0x4] =	wrdreg $0xBB000  }
0xb1: {  	[dreg:$0x5] =	wrdreg $0x9  }
0xb2: {  	_ =	task.clear_ibuf [dreg:s7], $0x6FFFF;
	_ =	strace $0x9000004F  }
0xb3: {  	s29 =	simm.s32 $0x9;
	_ =	strace $0x80000051  }
0xb4: {  	_ =	swait.ge [sflag:s29], $0x1  }
0xb5: {  	[sflag:s29] =	ssyncadd.s32 $0xFFFFFFFF  }
0xb6: {  	_ =	strace $0x90000051  }
0xb7: {  	_ =	sfence  }
0xb8: {  	s30 =	sld [smem:$0x0];
	_ =	sdelay $0x2  }
0xb9: {  	s31 =	sshll.u32 s1, $0xD;
	s1 =	sshrl.u32 s1, $0x2  }
0xba: {  	s3 =	sand.u32 $0x4000, s31;
	s1 =	sadd.s32 s1, s30  }
0xbb: {  	s0 =	sor.u32 s3, s0;
	s1 =	sshll.u32 s1, $0x11  }
0xbc: {  	s0 =	sor.u32 s1, s0  }
0xbd: {  	s0 =	sadd.s32 $0x8F2B, s0  }
0xbe: {  	[sflag:s0] =	ssyncadd.remote.s32 $0x1  }
0xbf: {  	_ =	sfence.sel $0xFFFF  }
0xc0: {  	[dreg:$0x0] =	wrdreg $0xFFFFFFFF;
	(pc) =	sbr.abs _section_cstart, $3  }
0xc1: {  	[dreg:$0x1] =	wrdreg $0xFFFFFFFF  }
0xc2: {  	_ =	task.clear_ibuf [dreg:s7], $0x2FFFF;
	_ =	strace $0x9FFFFFFF  }
0xc3: {  	(tm) =	ssettm $0x7FFFFFFF  }
tec
execute0_lowered:
.L_overlay_start_1:
0x0: {  	(tag) =	ssettag $0x1  }
0x1: {  	s0 =	rddreg [dreg:$0x0]  }
0x2: {  	s2 =	rddreg [dreg:$0x1]  }
0x3: {  	s1 =	rddreg [dreg:$0x2]  }
0x4: {  	s3 =	srdreg.scid;
	s8 =	stileid.u32  }
0x5: {  	s4 =	simm.s32 $0x0;
	s3 =	sand.u32 $0x1, s3;
	s7 =	smul.u32 $0x14000, s8  }
0x6: {  	[smem:$0x7FF] =	sst s4;
	s4 =	sadd.s32 $0xDC00, s0;
	s5 =	smul.u32 $0x140000, s3  }
0x7: {  	s6 =	sshll.u32 s3, $0x4;
	_ =	strace $0x80000050;
	s3 =	ssub.s32 $0x2, s3  }
0x8: {  	s6 =	sor.u32 s8, s6;
	s20 =	sshrl.u32 s3, $0x1;
	s8 =	smul.u32 $0x50000, s8  }
0x9: {  	s6 =	smul.u32 $0x4E2, s6;
	s5 =	sadd.s32 s7, s5;
	s3 =	ssub.s32 s3, s20  }
0xa: {  	s5 =	sshrl.u32 s5, $0x3;
	s22 =	sshrl.u32 s8, $0x2;
	s23 =	smax.u32 s3, $0x1  }
0xb: {  	s9 =	sadd.s32 s6, s0;
	s2 =	sadd.s32 s2, s6;
	[dreg:$0x7] =	wrdreg s23  }
0xc: {  	s0 =	sadd.s32 s5, s0;
	s21 =	sadd.s32 $0x3E00, s9;
	[dreg:$0x5] =	wrdreg s2  }
0xd: {  	s7 =	sadd.s32 s22, s1;
	s0 =	sadd.s32 $0x83200, s0;
	[dreg:$0x4] =	wrdreg s21  }
0xe: {  	s24 =	sadd.s32 $0x800, s7;
	[dreg:$0x6] =	wrdreg s0  }
0xf: {  	s25 =	sadd.s32 $0x1000, s7;
	[dreg:$0x8] =	wrdreg s24  }
0x10: {  	s26 =	sadd.s32 $0x1800, s7;
	[dreg:$0x9] =	wrdreg s25  }
0x11: {  	s2 =	sadd.s32 $0x2000, s7;
	[dreg:$0xa] =	wrdreg s26  }
0x12: {  	s3 =	sadd.s32 $0x2800, s7;
	[dreg:$0xb] =	wrdreg s2  }
0x13: {  	s5 =	sadd.s32 $0x3000, s7;
	[dreg:$0xc] =	wrdreg s3  }
0x14: {  	s6 =	sadd.s32 $0x3800, s7;
	[dreg:$0xd] =	wrdreg s5  }
0x15: {  	s8 =	sadd.s32 $0x4000, s7;
	[dreg:$0xe] =	wrdreg s6  }
0x16: {  	s9 =	sadd.s32 $0x4800, s7;
	[dreg:$0xf] =	wrdreg s8  }
0x17: {  	s10 =	sadd.s32 $0x5000, s7;
	[dreg:$0x10] =	wrdreg s9  }
0x18: {  	s11 =	sadd.s32 $0x5800, s7;
	[dreg:$0x11] =	wrdreg s10  }
0x19: {  	s12 =	sadd.s32 $0x6000, s7;
	[dreg:$0x12] =	wrdreg s11  }
0x1a: {  	s13 =	sadd.s32 $0x6800, s7;
	[dreg:$0x13] =	wrdreg s12  }
0x1b: {  	s14 =	sadd.s32 $0x7000, s7;
	[dreg:$0x14] =	wrdreg s13  }
0x1c: {  	s15 =	sadd.s32 $0x7800, s7;
	[dreg:$0x15] =	wrdreg s14  }
0x1d: {  	s16 =	sadd.s32 $0x8000, s7;
	[dreg:$0x16] =	wrdreg s15  }
0x1e: {  	s17 =	sadd.s32 $0x8800, s7;
	[dreg:$0x17] =	wrdreg s16  }
0x1f: {  	s18 =	sadd.s32 $0x9000, s7;
	[dreg:$0x18] =	wrdreg s17  }
0x20: {  	s28 =	simm.s32 $0x6300;
	s19 =	sadd.s32 $0x9800, s7;
	[dreg:$0x19] =	wrdreg s18  }
0x21: {  	s29 =	simm.s32 $0x7700;
	s20 =	sadd.s32 $0xA000, s7;
	[dreg:$0x1a] =	wrdreg s19  }
0x22: {  	s30 =	simm.s32 $0x8B00;
	s22 =	sadd.s32 $0xB000, s7;
	[dreg:$0x1b] =	wrdreg s20  }
0x23: {  	s31 =	simm.s32 $0x9F00;
	s23 =	sadd.s32 $0xB800, s7;
	[dreg:$0x1d] =	wrdreg s22  }
0x24: {  	s21 =	sadd.s32 $0xA800, s7;
	[dreg:$0x1e] =	wrdreg s23;
	s24 =	sadd.s32 $0xC000, s7  }
0x25: {  	s25 =	sadd.s32 $0xC800, s7;
	s26 =	sadd.s32 $0xD000, s7;
	s8 =	sadd.s32 $0xD800, s7  }
0x26: {  	s9 =	sadd.s32 $0xE000, s7;
	s10 =	sadd.s32 $0xE800, s7;
	s11 =	sadd.s32 $0xF000, s7  }
0x27: {  	s12 =	sadd.s32 $0xF800, s7;
	s13 =	sadd.s32 $0x10000, s7;
	s14 =	sadd.s32 $0x10800, s7  }
0x28: {  	s15 =	sadd.s32 $0x11000, s7;
	s16 =	sadd.s32 $0x11800, s7;
	s17 =	sadd.s32 $0x12000, s7  }
0x29: {  	s18 =	sadd.s32 $0x12800, s7;
	s19 =	sadd.s32 $0x13000, s7;
	[dreg:$0x1c] =	wrdreg s21  }
0x2a: {  	s20 =	sadd.s32 $0x13800, s7;
	s22 =	simm.s32 $0x2780;
	[dreg:$0x1f] =	wrdreg s24  }
0x2b: {  	s23 =	simm.s32 $0xB300;
	s0 =	simm.s32 $0x2;
	[smem:$0x7FC] =	sst s25  }
0x2c: {  	s2 =	simm.s32 $0x0;
	[smem:$0x7FD] =	sst s26;
	s21 =	simm.s32 $0x3  }
0x2d: {  	v0 =	vimm.f32 $0.0e+00;
	s24 =	simm.s32 $0x1;
	s25 =	simm.s32 $0x28;
	s26 =	simm.s32 $0x4F00  }
.LBB2_1:
0x2e: {  	s3 =	simm.s32 $0x0;
	s5 =	rddreg [dreg:$0x4]  }
0x2f: {  	[tilespmem:s3], [sflag:$0x3] =	stream.linear.gather [hbm4b:s5+s3], $0x2710, $0x38;
	[tilespmem:$0x1FB00] =	vst v63  }
0x30: {  	_ =	swait.ge [sflag:s21], $0x2710  }
0x31: {  	[sflag:s21] =	ssyncset.done $0x0  }
0x32: {  	s6 =	rddreg [dreg:$0x5];
	[sflag:s21] =	ssyncadd.s32 $0xFFFFD8F0  }
0x33: {  	[tilespmem:s22], [sflag:$0x3] =	stream.linear.gather [hbm4b:s6+s3], $0x2710, $0x38;
	[tilespmem:$0x1FB00] =	vst v63  }
0x34: {  	_ =	swait.ge [sflag:s21], $0x2710  }
0x35: {  	[sflag:s21] =	ssyncset.done $0x0  }
0x36: {  	s5 =	simm.s32 $0x200;
	s3 =	simm.s32 $0x0;
	[sflag:s21] =	ssyncadd.s32 $0xFFFFD8F0  }
.LBB2_2:
0x37: {  	p0 =	sne.s32 s5, $0x1E00;
	[tilespmem:s3+$0xB370] =	vst v0  }
0x38: {  	[tilespmem:s3+$0xB300] =	vst v0  }
0x39: {  	[tilespmem:s3+$0xB310] =	vst v0  }
.Ltmp0:
0x3a: {  	[tilespmem:s3+$0xB320] =	vst v0;
	(pc) =	sbr.rel @p0 .LBB2_2-.Ltmp0, $4  }
0x3b: {  	[tilespmem:s3+$0xB330] =	vst v0  }
0x3c: {  	[tilespmem:s3+$0xB340] =	vst v0  }
0x3d: {  	[tilespmem:s3+$0xB350] =	vst v0  }
0x3e: {  	[tilespmem:s3+$0xB360] =	vst v0;
	s3 =	sshra.s32 s5, $0x2;
	s5 =	sadd.s32 $0x200, s5  }
0x3f: {  	[tilespmem:s3+$0xB370] =	vst v0  }
0x40: {  	[tilespmem:s3+$0xB300] =	vst v0  }
0x41: {  	[tilespmem:s3+$0xB310] =	vst v0  }
0x42: {  	[tilespmem:s3+$0xB320] =	vst v0  }
0x43: {  	[tilespmem:s3+$0xB330] =	vst v0  }
0x44: {  	[tilespmem:s3+$0xB340] =	vst v0  }
0x45: {  	[tilespmem:s3+$0xB350] =	vst v0  }
0x46: {  	[tilespmem:s3+$0xB360] =	vst v0;
	s5 =	rddreg [dreg:$0x8]  }
0x47: {  	[spmem:s7] =	stream.linear.scatter [tilespmem:s23], [sflag:$0x1], $0x800, $0x38;
	[tilespmem:$0x1FB00] =	vst v63  }
0x48: {  	s6 =	rddreg [dreg:$0x9]  }
0x49: {  	[spmem:s5] =	stream.linear.scatter [tilespmem:s23], [sflag:$0x1], $0x800, $0x38;
	[tilespmem:$0x1FB00] =	vst v63  }
0x4a: {  	s5 =	rddreg [dreg:$0xa]  }
0x4b: {  	[spmem:s6] =	stream.linear.scatter [tilespmem:s23], [sflag:$0x1], $0x800, $0x38;
	[tilespmem:$0x1FB00] =	vst v63  }
0x4c: {  	s6 =	rddreg [dreg:$0xb]  }
0x4d: {  	[spmem:s5] =	stream.linear.scatter [tilespmem:s23], [sflag:$0x1], $0x800, $0x38;
	[tilespmem:$0x1FB00] =	vst v63  }
0x4e: {  	s5 =	rddreg [dreg:$0xc]  }
0x4f: {  	[spmem:s6] =	stream.linear.scatter [tilespmem:s23], [sflag:$0x1], $0x800, $0x38;
	[tilespmem:$0x1FB00] =	vst v63  }
0x50: {  	s6 =	rddreg [dreg:$0xd]  }
0x51: {  	[spmem:s5] =	stream.linear.scatter [tilespmem:s23], [sflag:$0x1], $0x800, $0x38;
	[tilespmem:$0x1FB00] =	vst v63  }
0x52: {  	s5 =	rddreg [dreg:$0xe]  }
0x53: {  	[spmem:s6] =	stream.linear.scatter [tilespmem:s23], [sflag:$0x1], $0x800, $0x38;
	[tilespmem:$0x1FB00] =	vst v63  }
0x54: {  	s6 =	rddreg [dreg:$0xf]  }
0x55: {  	[spmem:s5] =	stream.linear.scatter [tilespmem:s23], [sflag:$0x1], $0x800, $0x38;
	[tilespmem:$0x1FB00] =	vst v63  }
0x56: {  	s5 =	rddreg [dreg:$0x10]  }
0x57: {  	[spmem:s6] =	stream.linear.scatter [tilespmem:s23], [sflag:$0x1], $0x800, $0x38;
	[tilespmem:$0x1FB00] =	vst v63  }
0x58: {  	s6 =	rddreg [dreg:$0x11]  }
0x59: {  	[spmem:s5] =	stream.linear.scatter [tilespmem:s23], [sflag:$0x1], $0x800, $0x38;
	[tilespmem:$0x1FB00] =	vst v63  }
0x5a: {  	s5 =	rddreg [dreg:$0x12]  }
0x5b: {  	[spmem:s6] =	stream.linear.scatter [tilespmem:s23], [sflag:$0x1], $0x800, $0x38;
	[tilespmem:$0x1FB00] =	vst v63  }
0x5c: {  	s6 =	rddreg [dreg:$0x13]  }
0x5d: {  	[spmem:s5] =	stream.linear.scatter [tilespmem:s23], [sflag:$0x1], $0x800, $0x38;
	[tilespmem:$0x1FB00] =	vst v63  }
0x5e: {  	s5 =	rddreg [dreg:$0x14]  }
0x5f: {  	[spmem:s6] =	stream.linear.scatter [tilespmem:s23], [sflag:$0x1], $0x800, $0x38;
	[tilespmem:$0x1FB00] =	vst v63  }
0x60: {  	s6 =	rddreg [dreg:$0x15]  }
0x61: {  	[spmem:s5] =	stream.linear.scatter [tilespmem:s23], [sflag:$0x1], $0x800, $0x38;
	[tilespmem:$0x1FB00] =	vst v63  }
0x62: {  	s5 =	rddreg [dreg:$0x16]  }
0x63: {  	[spmem:s6] =	stream.linear.scatter [tilespmem:s23], [sflag:$0x1], $0x800, $0x38;
	[tilespmem:$0x1FB00] =	vst v63  }
0x64: {  	s6 =	rddreg [dreg:$0x17]  }
0x65: {  	[spmem:s5] =	stream.linear.scatter [tilespmem:s23], [sflag:$0x1], $0x800, $0x38;
	[tilespmem:$0x1FB00] =	vst v63  }
0x66: {  	s5 =	rddreg [dreg:$0x18]  }
0x67: {  	[spmem:s6] =	stream.linear.scatter [tilespmem:s23], [sflag:$0x1], $0x800, $0x38;
	[tilespmem:$0x1FB00] =	vst v63  }
0x68: {  	s6 =	rddreg [dreg:$0x19]  }
0x69: {  	[spmem:s5] =	stream.linear.scatter [tilespmem:s23], [sflag:$0x1], $0x800, $0x38;
	[tilespmem:$0x1FB00] =	vst v63  }
0x6a: {  	s5 =	rddreg [dreg:$0x1a]  }
0x6b: {  	[spmem:s6] =	stream.linear.scatter [tilespmem:s23], [sflag:$0x1], $0x800, $0x38;
	[tilespmem:$0x1FB00] =	vst v63  }
0x6c: {  	s6 =	rddreg [dreg:$0x1b]  }
0x6d: {  	[spmem:s5] =	stream.linear.scatter [tilespmem:s23], [sflag:$0x1], $0x800, $0x38;
	[tilespmem:$0x1FB00] =	vst v63  }
0x6e: {  	s5 =	rddreg [dreg:$0x1c]  }
0x6f: {  	[spmem:s6] =	stream.linear.scatter [tilespmem:s23], [sflag:$0x1], $0x800, $0x38;
	[tilespmem:$0x1FB00] =	vst v63  }
0x70: {  	s6 =	rddreg [dreg:$0x1d]  }
0x71: {  	[spmem:s5] =	stream.linear.scatter [tilespmem:s23], [sflag:$0x1], $0x800, $0x38;
	[tilespmem:$0x1FB00] =	vst v63  }
0x72: {  	s5 =	rddreg [dreg:$0x1e]  }
0x73: {  	[spmem:s6] =	stream.linear.scatter [tilespmem:s23], [sflag:$0x1], $0x800, $0x38;
	[tilespmem:$0x1FB00] =	vst v63  }
0x74: {  	s6 =	rddreg [dreg:$0x1f]  }
0x75: {  	[spmem:s5] =	stream.linear.scatter [tilespmem:s23], [sflag:$0x1], $0x800, $0x38;
	[tilespmem:$0x1FB00] =	vst v63  }
0x76: {  	s5 =	sld [smem:$0x7FC]  }
0x77: {  	[spmem:s6] =	stream.linear.scatter [tilespmem:s23], [sflag:$0x1], $0x800, $0x38;
	[tilespmem:$0x1FB00] =	vst v63  }
0x78: {  	s6 =	sld [smem:$0x7FD]  }
0x79: {  	[spmem:s5] =	stream.linear.scatter [tilespmem:s23], [sflag:$0x1], $0x800, $0x38;
	[tilespmem:$0x1FB00] =	vst v63  }
0x7a: {  	_ = 	snop  }
0x7b: {  	[spmem:s6] =	stream.linear.scatter [tilespmem:s23], [sflag:$0x1], $0x800, $0x38;
	[tilespmem:$0x1FB00] =	vst v63  }
0x7c: {  	_ = 	snop  }
0x7d: {  	[spmem:s8] =	stream.linear.scatter [tilespmem:s23], [sflag:$0x1], $0x800, $0x38;
	[tilespmem:$0x1FB00] =	vst v63  }
0x7e: {  	_ = 	snop  }
0x7f: {  	[spmem:s9] =	stream.linear.scatter [tilespmem:s23], [sflag:$0x1], $0x800, $0x38;
	[tilespmem:$0x1FB00] =	vst v63  }
0x80: {  	_ = 	snop  }
0x81: {  	[spmem:s10] =	stream.linear.scatter [tilespmem:s23], [sflag:$0x1], $0x800, $0x38;
	[tilespmem:$0x1FB00] =	vst v63  }
0x82: {  	_ = 	snop  }
0x83: {  	[spmem:s11] =	stream.linear.scatter [tilespmem:s23], [sflag:$0x1], $0x800, $0x38;
	[tilespmem:$0x1FB00] =	vst v63  }
0x84: {  	_ = 	snop  }
0x85: {  	[spmem:s12] =	stream.linear.scatter [tilespmem:s23], [sflag:$0x1], $0x800, $0x38;
	[tilespmem:$0x1FB00] =	vst v63  }
0x86: {  	_ = 	snop  }
0x87: {  	[spmem:s13] =	stream.linear.scatter [tilespmem:s23], [sflag:$0x1], $0x800, $0x38;
	[tilespmem:$0x1FB00] =	vst v63  }
0x88: {  	_ = 	snop  }
0x89: {  	[spmem:s14] =	stream.linear.scatter [tilespmem:s23], [sflag:$0x1], $0x800, $0x38;
	[tilespmem:$0x1FB00] =	vst v63  }
0x8a: {  	_ = 	snop  }
0x8b: {  	[spmem:s15] =	stream.linear.scatter [tilespmem:s23], [sflag:$0x1], $0x800, $0x38;
	[tilespmem:$0x1FB00] =	vst v63  }
0x8c: {  	_ = 	snop  }
0x8d: {  	[spmem:s16] =	stream.linear.scatter [tilespmem:s23], [sflag:$0x1], $0x800, $0x38;
	[tilespmem:$0x1FB00] =	vst v63  }
0x8e: {  	_ = 	snop  }
0x8f: {  	[spmem:s17] =	stream.linear.scatter [tilespmem:s23], [sflag:$0x1], $0x800, $0x38;
	[tilespmem:$0x1FB00] =	vst v63  }
0x90: {  	_ = 	snop  }
0x91: {  	[spmem:s18] =	stream.linear.scatter [tilespmem:s23], [sflag:$0x1], $0x800, $0x38;
	[tilespmem:$0x1FB00] =	vst v63  }
0x92: {  	_ = 	snop  }
0x93: {  	[spmem:s19] =	stream.linear.scatter [tilespmem:s23], [sflag:$0x1], $0x800, $0x38;
	[tilespmem:$0x1FB00] =	vst v63  }
0x94: {  	_ = 	snop  }
0x95: {  	[spmem:s20] =	stream.linear.scatter [tilespmem:s23], [sflag:$0x1], $0x800, $0x38;
	[tilespmem:$0x1FB00] =	vst v63  }
0x96: {  	_ =	swait.ge [sflag:s24], $0x800  }
0x97: {  	s3 =	simm.s32 $0x27;
	[sflag:s24] =	ssyncset.done $0x0  }
.LBB2_4:
0x98: {  	p0 =	sne.s32 s3, $0x1;
	s3 =	sadd.s32 $0xFFFFFFFF, s3;
	[sflag:s24] =	ssyncadd.s32 $0xFFFFF800  }
.Ltmp1:
0x99: {  	(pc) =	sbr.rel @p0 .LBB2_4-.Ltmp1, $3  }
0x9a: {  	_ =	sdelay $0x1  }
0x9b: {  	_ =	swait.ge [sflag:s24], $0x800  }
0x9c: {  	[sflag:s24] =	ssyncset.done $0x0  }
0x9d: {  	[sflag:s24] =	ssyncadd.s32 $0xFFFFF800  }
0x9e: {  	s3 =	simm.s32 $0x0;
	[bflag:$0x0] =	sbarrier.arrive $0xFFFF  }
0x9f: {  	[tilespmem:s26], [sflag:$0x1] =	stream.indirect.gather [hbm4b:s4+s25], $0x80, s3, s25, $0xb8;
	[tilespmem:$0x1FB00] =	vst v63  }
0xa0: {  	_ = 	snop  }
0xa1: {  	[tilespmem:s28], [sflag:$0x1] =	stream.indirect.gather [hbm4b:s4+s25], $0x80, s25, s25, $0xb8;
	[tilespmem:$0x1FB00] =	vst v63  }
0xa2: {  	s6 =	simm.s32 $0x50  }
0xa3: {  	[tilespmem:s29], [sflag:$0x1] =	stream.indirect.gather [hbm4b:s4+s25], $0x80, s6, s25, $0xb8;
	[tilespmem:$0x1FB00] =	vst v63  }
0xa4: {  	s5 =	simm.s32 $0x78  }
0xa5: {  	[tilespmem:s30], [sflag:$0x1] =	stream.indirect.gather [hbm4b:s4+s25], $0x80, s5, s25, $0xb8;
	[tilespmem:$0x1FB00] =	vst v63  }
0xa6: {  	_ =	swait.ge [sflag:s24], $0x1400  }
0xa7: {  	[sflag:s24] =	ssyncset.done $0x0  }
0xa8: {  	[sflag:s24] =	ssyncadd.s32 $0xFFFFEC00  }
0xa9: {  	[spmem:s1] =	stream.indirect.scatter.add.f32 [tilespmem:s26], [sflag:$0x2], $0x80, s22, s25, $0xb8;
	[tilespmem:$0x1FB00] =	vst v63  }
0xaa: {  	s6 =	simm.s32 $0xA0  }
0xab: {  	[tilespmem:s31], [sflag:$0x1] =	stream.indirect.gather [hbm4b:s4+s25], $0x80, s6, s25, $0xb8;
	[tilespmem:$0x1FB00] =	vst v63  }
0xac: {  	_ =	swait.ge [sflag:s24], $0x1400  }
0xad: {  	[sflag:s24] =	ssyncset.done $0x0  }
0xae: {  	s5 =	simm.s32 $0x27A8;
	[sflag:s24] =	ssyncadd.s32 $0xFFFFEC00  }
0xaf: {  	[spmem:s1] =	stream.indirect.scatter.add.f32 [tilespmem:s28], [sflag:$0x2], $0x80, s5, s25, $0xb8;
	[tilespmem:$0x1FB00] =	vst v63  }
0xb0: {  	_ =	swait.ge [sflag:s0], $0x1400  }
0xb1: {  	[sflag:s0] =	ssyncset.done $0x0  }
0xb2: {  	s6 =	simm.s32 $0xC8;
	[sflag:s0] =	ssyncadd.s32 $0xFFFFEC00  }
0xb3: {  	[tilespmem:s26], [sflag:$0x1] =	stream.indirect.gather [hbm4b:s4+s25], $0x80, s6, s25, $0xb8;
	[tilespmem:$0x1FB00] =	vst v63  }
0xb4: {  	_ =	swait.ge [sflag:s24], $0x1400  }
0xb5: {  	[sflag:s24] =	ssyncset.done $0x0  }
0xb6: {  	s5 =	simm.s32 $0x27D0;
	[sflag:s24] =	ssyncadd.s32 $0xFFFFEC00  }
0xb7: {  	[spmem:s1] =	stream.indirect.scatter.add.f32 [tilespmem:s29], [sflag:$0x2], $0x80, s5, s25, $0xb8;
	[tilespmem:$0x1FB00] =	vst v63  }
0xb8: {  	_ =	swait.ge [sflag:s0], $0x1400  }
0xb9: {  	[sflag:s0] =	ssyncset.done $0x0  }
0xba: {  	s6 =	simm.s32 $0xF0;
	[sflag:s0] =	ssyncadd.s32 $0xFFFFEC00  }
0xbb: {  	[tilespmem:s28], [sflag:$0x1] =	stream.indirect.gather [hbm4b:s4+s25], $0x80, s6, s25, $0xb8;
	[tilespmem:$0x1FB00] =	vst v63  }
0xbc: {  	_ =	swait.ge [sflag:s24], $0x1400  }
0xbd: {  	[sflag:s24] =	ssyncset.done $0x0  }
0xbe: {  	s5 =	simm.s32 $0x27F8;
	[sflag:s24] =	ssyncadd.s32 $0xFFFFEC00  }
0xbf: {  	[spmem:s1] =	stream.indirect.scatter.add.f32 [tilespmem:s30], [sflag:$0x2], $0x80, s5, s25, $0xb8;
	[tilespmem:$0x1FB00] =	vst v63  }
0xc0: {  	_ =	swait.ge [sflag:s0], $0x1400  }
0xc1: {  	[sflag:s0] =	ssyncset.done $0x0  }
0xc2: {  	s6 =	simm.s32 $0x118;
	[sflag:s0] =	ssyncadd.s32 $0xFFFFEC00  }
0xc3: {  	[tilespmem:s29], [sflag:$0x1] =	stream.indirect.gather [hbm4b:s4+s25], $0x80, s6, s25, $0xb8;
	[tilespmem:$0x1FB00] =	vst v63  }
0xc4: {  	_ =	swait.ge [sflag:s24], $0x1400  }
0xc5: {  	[sflag:s24] =	ssyncset.done $0x0  }
0xc6: {  	s5 =	simm.s32 $0x2820;
	[sflag:s24] =	ssyncadd.s32 $0xFFFFEC00  }
0xc7: {  	[spmem:s1] =	stream.indirect.scatter.add.f32 [tilespmem:s31], [sflag:$0x2], $0x80, s5, s25, $0xb8;
	[tilespmem:$0x1FB00] =	vst v63  }
0xc8: {  	_ =	swait.ge [sflag:s0], $0x1400  }
0xc9: {  	[sflag:s0] =	ssyncset.done $0x0  }
0xca: {  	s6 =	simm.s32 $0x140;
	[sflag:s0] =	ssyncadd.s32 $0xFFFFEC00  }
0xcb: {  	[tilespmem:s30], [sflag:$0x1] =	stream.indirect.gather [hbm4b:s4+s25], $0x80, s6, s25, $0xb8;
	[tilespmem:$0x1FB00] =	vst v63  }
0xcc: {  	_ =	swait.ge [sflag:s24], $0x1400  }
0xcd: {  	[sflag:s24] =	ssyncset.done $0x0  }
0xce: {  	s5 =	simm.s32 $0x2848;
	[sflag:s24] =	ssyncadd.s32 $0xFFFFEC00  }
0xcf: {  	[spmem:s1] =	stream.indirect.scatter.add.f32 [tilespmem:s26], [sflag:$0x2], $0x80, s5, s25, $0xb8;
	[tilespmem:$0x1FB00] =	vst v63  }
0xd0: {  	_ =	swait.ge [sflag:s0], $0x1400  }
0xd1: {  	[sflag:s0] =	ssyncset.done $0x0  }
0xd2: {  	s6 =	simm.s32 $0x168;
	[sflag:s0] =	ssyncadd.s32 $0xFFFFEC00  }
0xd3: {  	[tilespmem:s31], [sflag:$0x1] =	stream.indirect.gather [hbm4b:s4+s25], $0x80, s6, s25, $0xb8;
	[tilespmem:$0x1FB00] =	vst v63  }
0xd4: {  	_ =	swait.ge [sflag:s24], $0x1400  }
0xd5: {  	[sflag:s24] =	ssyncset.done $0x0  }
0xd6: {  	s5 =	simm.s32 $0x2870;
	[sflag:s24] =	ssyncadd.s32 $0xFFFFEC00  }
0xd7: {  	[spmem:s1] =	stream.indirect.scatter.add.f32 [tilespmem:s28], [sflag:$0x2], $0x80, s5, s25, $0xb8;
	[tilespmem:$0x1FB00] =	vst v63  }
0xd8: {  	_ =	swait.ge [sflag:s0], $0x1400  }
0xd9: {  	[sflag:s0] =	ssyncset.done $0x0  }
0xda: {  	s6 =	simm.s32 $0x190;
	[sflag:s0] =	ssyncadd.s32 $0xFFFFEC00  }
0xdb: {  	[tilespmem:s26], [sflag:$0x1] =	stream.indirect.gather [hbm4b:s4+s25], $0x80, s6, s25, $0xb8;
	[tilespmem:$0x1FB00] =	vst v63  }
0xdc: {  	_ =	swait.ge [sflag:s24], $0x1400  }
0xdd: {  	[sflag:s24] =	ssyncset.done $0x0  }
0xde: {  	s5 =	simm.s32 $0x2898;
	[sflag:s24] =	ssyncadd.s32 $0xFFFFEC00  }
0xdf: {  	[spmem:s1] =	stream.indirect.scatter.add.f32 [tilespmem:s29], [sflag:$0x2], $0x80, s5, s25, $0xb8;
	[tilespmem:$0x1FB00] =	vst v63  }
0xe0: {  	_ =	swait.ge [sflag:s0], $0x1400  }
0xe1: {  	[sflag:s0] =	ssyncset.done $0x0  }
0xe2: {  	s6 =	simm.s32 $0x1B8;
	[sflag:s0] =	ssyncadd.s32 $0xFFFFEC00  }
0xe3: {  	[tilespmem:s28], [sflag:$0x1] =	stream.indirect.gather [hbm4b:s4+s25], $0x80, s6, s25, $0xb8;
	[tilespmem:$0x1FB00] =	vst v63  }
0xe4: {  	_ =	swait.ge [sflag:s24], $0x1400  }
0xe5: {  	[sflag:s24] =	ssyncset.done $0x0  }
0xe6: {  	s5 =	simm.s32 $0x28C0;
	[sflag:s24] =	ssyncadd.s32 $0xFFFFEC00  }
0xe7: {  	[spmem:s1] =	stream.indirect.scatter.add.f32 [tilespmem:s30], [sflag:$0x2], $0x80, s5, s25, $0xb8;
	[tilespmem:$0x1FB00] =	vst v63  }
0xe8: {  	_ =	swait.ge [sflag:s0], $0x1400  }
0xe9: {  	[sflag:s0] =	ssyncset.done $0x0  }
0xea: {  	s6 =	simm.s32 $0x1E0;
	[sflag:s0] =	ssyncadd.s32 $0xFFFFEC00  }
0xeb: {  	[tilespmem:s29], [sflag:$0x1] =	stream.indirect.gather [hbm4b:s4+s25], $0x80, s6, s25, $0xb8;
	[tilespmem:$0x1FB00] =	vst v63  }
0xec: {  	_ =	swait.ge [sflag:s24], $0x1400  }
0xed: {  	[sflag:s24] =	ssyncset.done $0x0  }
0xee: {  	s3 =	simm.s32 $0x320;
	s5 =	simm.s32 $0x28E8;
	[sflag:s24] =	ssyncadd.s32 $0xFFFFEC00  }
.LBB2_6:
0xef: {  	[spmem:s1] =	stream.indirect.scatter.add.f32 [tilespmem:s31], [sflag:$0x2], $0x80, s5, s25, $0xb8;
	[tilespmem:$0x1FB00] =	vst v63  }
0xf0: {  	s5 =	smov.u32 s3;
	s3 =	sadd.s32 $0x320, s3;
	_ =	swait.ge [sflag:s0], $0x1400  }
0xf1: {  	s5 =	sshra.s32 s5, $0x2;
	p0 =	sne.s32 s3, $0x9600;
	[sflag:s0] =	ssyncset.done $0x0  }
0xf2: {  	s6 =	sadd.s32 $0x140, s5;
	[sflag:s0] =	ssyncadd.s32 $0xFFFFEC00  }
0xf3: {  	[tilespmem:s30], [sflag:$0x1] =	stream.indirect.gather [hbm4b:s4+s25], $0x80, s6, s25, $0xb8;
	[tilespmem:$0x1FB00] =	vst v63  }
0xf4: {  	_ =	swait.ge [sflag:s24], $0x1400  }
0xf5: {  	[sflag:s24] =	ssyncset.done $0x0  }
0xf6: {  	s6 =	sadd.s32 $0x2848, s5;
	[sflag:s24] =	ssyncadd.s32 $0xFFFFEC00  }
0xf7: {  	[spmem:s1] =	stream.indirect.scatter.add.f32 [tilespmem:s26], [sflag:$0x2], $0x80, s6, s25, $0xb8;
	[tilespmem:$0x1FB00] =	vst v63  }
0xf8: {  	_ =	swait.ge [sflag:s0], $0x1400  }
0xf9: {  	[sflag:s0] =	ssyncset.done $0x0  }
0xfa: {  	s6 =	sadd.s32 $0x168, s5;
	[sflag:s0] =	ssyncadd.s32 $0xFFFFEC00  }
0xfb: {  	[tilespmem:s31], [sflag:$0x1] =	stream.indirect.gather [hbm4b:s4+s25], $0x80, s6, s25, $0xb8;
	[tilespmem:$0x1FB00] =	vst v63  }
0xfc: {  	_ =	swait.ge [sflag:s24], $0x1400  }
0xfd: {  	[sflag:s24] =	ssyncset.done $0x0  }
0xfe: {  	s6 =	sadd.s32 $0x2870, s5;
	[sflag:s24] =	ssyncadd.s32 $0xFFFFEC00  }
0xff: {  	[spmem:s1] =	stream.indirect.scatter.add.f32 [tilespmem:s28], [sflag:$0x2], $0x80, s6, s25, $0xb8;
	[tilespmem:$0x1FB00] =	vst v63  }
0x100: {  	_ =	swait.ge [sflag:s0], $0x1400  }
0x101: {  	[sflag:s0] =	ssyncset.done $0x0  }
0x102: {  	s6 =	sadd.s32 $0x190, s5;
	[sflag:s0] =	ssyncadd.s32 $0xFFFFEC00  }
0x103: {  	[tilespmem:s26], [sflag:$0x1] =	stream.indirect.gather [hbm4b:s4+s25], $0x80, s6, s25, $0xb8;
	[tilespmem:$0x1FB00] =	vst v63  }
0x104: {  	_ =	swait.ge [sflag:s24], $0x1400  }
0x105: {  	[sflag:s24] =	ssyncset.done $0x0  }
0x106: {  	s6 =	sadd.s32 $0x2898, s5;
	[sflag:s24] =	ssyncadd.s32 $0xFFFFEC00  }
0x107: {  	[spmem:s1] =	stream.indirect.scatter.add.f32 [tilespmem:s29], [sflag:$0x2], $0x80, s6, s25, $0xb8;
	[tilespmem:$0x1FB00] =	vst v63  }
0x108: {  	_ =	swait.ge [sflag:s0], $0x1400  }
0x109: {  	[sflag:s0] =	ssyncset.done $0x0  }
0x10a: {  	s6 =	sadd.s32 $0x1B8, s5;
	[sflag:s0] =	ssyncadd.s32 $0xFFFFEC00  }
0x10b: {  	[tilespmem:s28], [sflag:$0x1] =	stream.indirect.gather [hbm4b:s4+s25], $0x80, s6, s25, $0xb8;
	[tilespmem:$0x1FB00] =	vst v63  }
0x10c: {  	_ =	swait.ge [sflag:s24], $0x1400  }
0x10d: {  	[sflag:s24] =	ssyncset.done $0x0  }
0x10e: {  	s6 =	sadd.s32 $0x28C0, s5;
	[sflag:s24] =	ssyncadd.s32 $0xFFFFEC00  }
0x10f: {  	[spmem:s1] =	stream.indirect.scatter.add.f32 [tilespmem:s30], [sflag:$0x2], $0x80, s6, s25, $0xb8;
	[tilespmem:$0x1FB00] =	vst v63  }
0x110: {  	_ =	swait.ge [sflag:s0], $0x1400  }
0x111: {  	[sflag:s0] =	ssyncset.done $0x0  }
.Ltmp2:
0x112: {  	s6 =	sadd.s32 $0x1E0, s5;
	[sflag:s0] =	ssyncadd.s32 $0xFFFFEC00;
	(pc) =	sbr.rel @p0 .LBB2_6-.Ltmp2, $4  }
0x113: {  	[tilespmem:s29], [sflag:$0x1] =	stream.indirect.gather [hbm4b:s4+s25], $0x80, s6, s25, $0xb8;
	[tilespmem:$0x1FB00] =	vst v63  }
0x114: {  	_ =	swait.ge [sflag:s24], $0x1400  }
0x115: {  	[sflag:s24] =	ssyncset.done $0x0  }
0x116: {  	s5 =	sadd.s32 $0x28E8, s5;
	[sflag:s24] =	ssyncadd.s32 $0xFFFFEC00  }
0x117: {  	[spmem:s1] =	stream.indirect.scatter.add.f32 [tilespmem:s31], [sflag:$0x2], $0x80, s5, s25, $0xb8;
	[tilespmem:$0x1FB00] =	vst v63  }
0x118: {  	_ =	swait.ge [sflag:s0], $0x1400  }
0x119: {  	s3 =	sshra.s32 s3, $0x2;
	[sflag:s0] =	ssyncset.done $0x0  }
0x11a: {  	s6 =	sadd.s32 $0x140, s3;
	[sflag:s0] =	ssyncadd.s32 $0xFFFFEC00  }
0x11b: {  	[tilespmem:s30], [sflag:$0x1] =	stream.indirect.gather [hbm4b:s4+s25], $0x80, s6, s25, $0xb8;
	[tilespmem:$0x1FB00] =	vst v63  }
0x11c: {  	_ =	swait.ge [sflag:s24], $0x1400  }
0x11d: {  	[sflag:s24] =	ssyncset.done $0x0  }
0x11e: {  	s6 =	sadd.s32 $0x2848, s3;
	[sflag:s24] =	ssyncadd.s32 $0xFFFFEC00  }
0x11f: {  	[spmem:s1] =	stream.indirect.scatter.add.f32 [tilespmem:s26], [sflag:$0x2], $0x80, s6, s25, $0xb8;
	[tilespmem:$0x1FB00] =	vst v63  }
0x120: {  	_ =	swait.ge [sflag:s0], $0x1400  }
0x121: {  	[sflag:s0] =	ssyncset.done $0x0  }
0x122: {  	s6 =	simm.s32 $0x26E8;
	[sflag:s0] =	ssyncadd.s32 $0xFFFFEC00  }
0x123: {  	[tilespmem:s31], [sflag:$0x1] =	stream.indirect.gather [hbm4b:s4+s25], $0x80, s6, s25, $0xb8;
	[tilespmem:$0x1FB00] =	vst v63  }
0x124: {  	_ =	swait.ge [sflag:s24], $0x1400  }
0x125: {  	[sflag:s24] =	ssyncset.done $0x0  }
0x126: {  	s6 =	sadd.s32 $0x2870, s3;
	[sflag:s24] =	ssyncadd.s32 $0xFFFFEC00  }
0x127: {  	[spmem:s1] =	stream.indirect.scatter.add.f32 [tilespmem:s28], [sflag:$0x2], $0x80, s6, s25, $0xb8;
	[tilespmem:$0x1FB00] =	vst v63  }
0x128: {  	_ =	swait.ge [sflag:s0], $0x1400  }
0x129: {  	[sflag:s0] =	ssyncset.done $0x0  }
0x12a: {  	[sflag:s0] =	ssyncadd.s32 $0xFFFFEC00  }
0x12b: {  	_ =	swait.ge [sflag:s24], $0x1400  }
0x12c: {  	[sflag:s24] =	ssyncset.done $0x0  }
0x12d: {  	s6 =	sadd.s32 $0x2898, s3;
	[sflag:s24] =	ssyncadd.s32 $0xFFFFEC00  }
0x12e: {  	[spmem:s1] =	stream.indirect.scatter.add.f32 [tilespmem:s29], [sflag:$0x2], $0x80, s6, s25, $0xb8;
	[tilespmem:$0x1FB00] =	vst v63  }
0x12f: {  	_ =	swait.ge [sflag:s0], $0x1400  }
0x130: {  	[sflag:s0] =	ssyncset.done $0x0  }
0x131: {  	[sflag:s0] =	ssyncadd.s32 $0xFFFFEC00  }
0x132: {  	_ =	swait.ge [sflag:s24], $0x1400  }
0x133: {  	[sflag:s24] =	ssyncset.done $0x0  }
0x134: {  	s3 =	sadd.s32 $0x28C0, s3;
	[sflag:s24] =	ssyncadd.s32 $0xFFFFEC00  }
0x135: {  	[spmem:s1] =	stream.indirect.scatter.add.f32 [tilespmem:s30], [sflag:$0x2], $0x80, s3, s25, $0xb8;
	[tilespmem:$0x1FB00] =	vst v63  }
0x136: {  	_ =	swait.ge [sflag:s0], $0x1400  }
0x137: {  	[sflag:s0] =	ssyncset.done $0x0  }
0x138: {  	[sflag:s0] =	ssyncadd.s32 $0xFFFFEC00  }
0x139: {  	_ =	swait.ge [sflag:s24], $0x1400  }
0x13a: {  	[sflag:s24] =	ssyncset.done $0x0  }
0x13b: {  	s6 =	simm.s32 $0x4E68;
	[sflag:s24] =	ssyncadd.s32 $0xFFFFEC00  }
0x13c: {  	[spmem:s1] =	stream.indirect.scatter.add.f32 [tilespmem:s31], [sflag:$0x2], $0x80, s6, s25, $0xb8;
	[tilespmem:$0x1FB00] =	vst v63  }
0x13d: {  	_ =	swait.ge [sflag:s0], $0x1400  }
0x13e: {  	[sflag:s0] =	ssyncset.done $0x0  }
0x13f: {  	[sflag:s0] =	ssyncadd.s32 $0xFFFFEC00  }
0x140: {  	_ =	swait.ge [sflag:s0], $0x1400  }
0x141: {  	[sflag:s0] =	ssyncset.done $0x0  }
0x142: {  	s5 =	stileid.u32;
	[sflag:s0] =	ssyncadd.s32 $0xFFFFEC00  }
0x143: {  	s3 =	sshll.u32 s5, $0x6;
	[bflag:$0x0] =	sbarrier.arrive $0xFFFF  }
0x144: {  	s5 =	sshrl.u32 s7, $0x3;
	s3 =	sor.u32 $0x1C03, s3;
	s6 =	rddreg [dreg:$0x6]  }
0x145: {  	[hbm:s6], [sflag:s3] =	dma.local [spmem:s5], $0x2800  }
0x146: {  	_ =	swait.ge [sflag:s21], $0x2800  }
0x147: {  	s2 =	sadd.s32 $0x1, s2;
	s6 =	rddreg [dreg:$0x7]  }
0x148: {  	p0 =	sne.s32 s2, s6  }
.Ltmp3:
0x149: {  	_ = 	snop;
	(pc) =	sbr.rel @p0 .LBB2_1-.Ltmp3, $3  }
0x14a: {  	_ =	sdelay $0x1  }
0x14b: {  	[sflag:s21] =	ssyncset.done $0x0  }
0x14c: {  	[sflag:s21] =	ssyncadd.s32 $0xFFFFD800  }
0x14d: {  	_ =	sfence.sel $0x180000  }
0x14e: {  	[bflag:$0x0] =	sbarrier.arrive $0xFFFF  }
0x14f: {  	_ =	strace $0x90000050  }
0x150: {  	s0 =	stileid.u32;
	[bflag:$0x2] =	sbarrier.arrive $0xFFFF  }
0x151: {  	p0 =	sne.s32 s0, $0x0;
	s0 =	rddreg [dreg:$0x3]  }
0x152: {  	s0 =	sadd.s32 @!p0 $0x100000, s0  }
0x153: {  	[sflag:s0] =	ssyncadd.tile.s32 @!p0 $0x1;
	_ =	shalt  }
.Lfunc_end2:
_tile_overlayer_lowered:
.L_overlay_start_2:
0x154: {  	(tag) =	ssettag $0x2  }
0x155: {  	s0 =	rddreg [dreg:$0x0];
	s2 =	stileid.u32  }
0x156: {  	s1 =	rddreg [dreg:$0x1];
	p0 =	sne.s32 s2, $0x0  }
0x157: {  	s3 =	rddreg [dreg:$0x2];
	[bflag:$0x3] =	sbarrier.arrive $0xFFFF;
	s2 =	simm.s32 @!p0 $0x1C03  }
0x158: {  	[timem:s3], [sflag:s2] =	dma.local @!p0 [hbm:s0], s1  }
0x159: {  	s0 =	simm.s32 @!p0 $0x3  }
0x15a: {  	_ =	swait.ge @!p0 [sflag:s0], s1  }
0x15b: {  	s1 =	ssub.s32 @!p0 $0x0, s1;
	[sflag:s0] =	ssyncset.done @!p0 $0x0  }
0x15c: {  	[sflag:s0] =	ssyncadd.s32 @!p0 s1  }
0x15d: {  	[bflag:$0x3] =	sbarrier.arrive $0xFFFF  }
0x15e: {  	_ =	shalt  }

// kernel: kernel.24.cloned.1.call-start
scs
__scs_entry_jumppad:
0x0: {  	(pc) =	sbr.rel $0x88, $3  }
0x1: {  	(tag) =	ssettag $0x0;
	lr =	simm.s32 $0x1  }
0x2: {  	[smem:$0x3F93] =	sst lr;
	_ =	strace $0xD0000000  }
0x3: {  	_ = 	snop  }
0x4: {  	_ = 	snop  }
0x5: {  	_ = 	snop  }
0x6: {  	_ = 	snop  }
0x7: {  	_ = 	snop  }
__scs_overlays_trampoline_lowered:
0x8: {  	[smem:$0x3FA2] =	sst s0  }
0x9: {  	[smem:$0x3FA3] =	sst s1  }
0xa: {  	[smem:$0x3FA4] =	sst s2  }
0xb: {  	[smem:$0x3FA5] =	sst s3  }
0xc: {  	[smem:$0x3FA6] =	sst s4  }
0xd: {  	[smem:$0x3FA7] =	sst s5  }
0xe: {  	[smem:$0x3FA8] =	sst s6  }
0xf: {  	[smem:$0x3FA9] =	sst s7  }
0x10: {  	[smem:$0x3FAA] =	sst s8  }
0x11: {  	[smem:$0x3FAB] =	sst s9;
	s0 =	simm.s32 @!p0 $0x0  }
0x12: {  	s1 =	sld [smem:$0x3F91];
	s0 =	simm.s32 @p0 $0x1  }
0x13: {  	[smem:$0x3FAC] =	sst s0;
	s0 =	simm.s32 @!p1 $0x0  }
0x14: {  	s2 =	sld [smem:$0x3F90];
	s0 =	simm.s32 @p1 $0x1  }
0x15: {  	[smem:$0x3FAD] =	sst s0;
	s0 =	simm.s32 @!p2 $0x0  }
0x16: {  	s3 =	sld [smem:$0x3FDB];
	s0 =	simm.s32 @p2 $0x1  }
0x17: {  	s4 =	simm.s32 $0x1BF5;
	[smem:$0x3FAF] =	sst s0  }
0x18: {  	s0 =	sld [smem:$0x3F92];
	_ =	swait.ge [sflag:s4], $0x0  }
0x19: {  	s7 =	sld [smem:$0x3F93]  }
0x1a: {  	s8 =	sadd.s32 $0xFFFFE003, lr  }
0x1b: {  	s9 =	sadd.s32 $0xFFFFFEF7, lr;
	s5 =	simm.s32 $0xFFFFFFFF;
	p2 =	slt.u32 s8, $0xFFFFF086  }
0x1c: {  	p1 =	slt.u32 s9, $0xF7A;
	s5 =	simm.s32 @!p2 $0x0  }
0x1d: {  	s5 =	simm.s32 @p1 $0x1;
	p0 =	seq.s32 s7, s2  }
0x1e: {  	s7 =	smul.u32 @!p0 $0xF7A, s2;
	p2 =	seq.s32 @!p0 s5, $0x0  }
0x1f: {  	s9 =	smul.u32 $0xF7A, s1;
	s8 =	simm.s32 @!p0 $0x1BF5;
	p2 =	por !p2, p0  }
0x20: {  	[sflag:s8] =	ssyncset.s32 @!p0 $0xFFFFF086;
	s6 =	sadd.s32 @!p0 s3, s7;
	s7 =	simm.s32 @!p0 $0x108  }
0x21: {  	s3 =	sadd.s32 s3, s9;
	s6 =	sadd.s32 @!p0 $0x88, s6;
	s7 =	simm.s32 @p2 $0x1082  }
0x22: {  	[simem:s7], [sflag:s8] =	dma.local @!p0 [hbm:s6], $0xF7A  }
0x23: {  	s9 =	sor.u32 $0xD0000000, s2;
	s6 =	simm.s32 $0x108;
	_ =	swait.ge @!p0 [sflag:s8], $0x0  }
0x24: {  	s3 =	sadd.s32 $0x88, s3;
	s6 =	simm.s32 @!p1 $0x1082;
	[sflag:s4] =	ssyncset.s32 $0xFFFFF086  }
0x25: {  	[simem:s6], [sflag:s4] =	dma.local [hbm:s3], $0xF7A  }
0x26: {  	[smem:$0x3F93] =	sst s1;
	(tag) =	ssettag s2;
	_ =	strace s9  }
0x27: {  	s1 =	sld [smem:$0x3FA3]  }
0x28: {  	s2 =	sld [smem:$0x3FA4]  }
0x29: {  	s4 =	sld [smem:$0x3FA6]  }
0x2a: {  	p0 =	seq.s32 s5, $0x0;
	s5 =	sld [smem:$0x3FA7]  }
0x2b: {  	s6 =	sld [smem:$0x3FA8]  }
0x2c: {  	s7 =	sld [smem:$0x3FA9]  }
0x2d: {  	s3 =	simm.s32 $0x108;
	s8 =	sld [smem:$0x3FAA]  }
0x2e: {  	s3 =	simm.s32 @!p0 $0x1082;
	s9 =	sld [smem:$0x3FAB]  }
0x2f: {  	lr =	sadd.s32 s0, s3;
	s0 =	sld [smem:$0x3FA2]  }
0x30: {  	s3 =	sld [smem:$0x3FA5]  }
0x31: {  	[smem:$0x3FAE] =	sst s10  }
0x32: {  	s10 =	sld [smem:$0x3FAC];
	_ =	sdelay $0x3  }
0x33: {  	p0 =	seq.s32 s10, $0x1;
	s10 =	sld [smem:$0x3FAE];
	_ =	sdelay $0x3  }
0x34: {  	[smem:$0x3FAE] =	sst s10  }
0x35: {  	s10 =	sld [smem:$0x3FAD];
	_ =	sdelay $0x3  }
0x36: {  	p1 =	seq.s32 s10, $0x1;
	s10 =	sld [smem:$0x3FAE];
	_ =	sdelay $0x3  }
0x37: {  	[smem:$0x3FAE] =	sst s10  }
0x38: {  	s10 =	sld [smem:$0x3FAF]  }
0x39: {  	_ = 	snop;
	(pc) =	sbr.ind lr, $3  }
0x3a: {  	_ = 	snop  }
0x3b: {  	_ = 	snop  }
0x3c: {  	p2 =	seq.s32 s10, $0x1;
	s10 =	sld [smem:$0x3FAE]  }
0x3d: {  	_ =	shalt  }
0x3e: {  	_ =	shalt  }
0x3f: {  	_ =	shalt  }
0x40: {  	_ =	shalt  }
0x41: {  	_ =	shalt  }
0x42: {  	_ =	shalt  }
0x43: {  	_ =	shalt  }
0x44: {  	_ =	shalt  }
0x45: {  	_ =	shalt  }
0x46: {  	_ =	shalt  }
0x47: {  	_ =	shalt  }
0x48: {  	_ =	shalt  }
0x49: {  	_ =	shalt  }
0x4a: {  	_ =	shalt  }
0x4b: {  	_ =	shalt  }
0x4c: {  	_ =	shalt  }
0x4d: {  	_ =	shalt  }
0x4e: {  	_ =	shalt  }
0x4f: {  	_ =	shalt  }
0x50: {  	_ =	shalt  }
0x51: {  	_ =	shalt  }
0x52: {  	_ =	shalt  }
0x53: {  	_ =	shalt  }
0x54: {  	_ =	shalt  }
0x55: {  	_ =	shalt  }
0x56: {  	_ =	shalt  }
0x57: {  	_ =	shalt  }
0x58: {  	_ =	shalt  }
0x59: {  	_ =	shalt  }
0x5a: {  	_ =	shalt  }
0x5b: {  	_ =	shalt  }
0x5c: {  	_ =	shalt  }
0x5d: {  	_ =	shalt  }
0x5e: {  	_ =	shalt  }
0x5f: {  	_ =	shalt  }
0x60: {  	_ =	shalt  }
0x61: {  	_ =	shalt  }
0x62: {  	_ =	shalt  }
0x63: {  	_ =	shalt  }
0x64: {  	_ =	shalt  }
0x65: {  	_ =	shalt  }
0x66: {  	_ =	shalt  }
0x67: {  	_ =	shalt  }
0x68: {  	_ =	shalt  }
0x69: {  	_ =	shalt  }
0x6a: {  	_ =	shalt  }
0x6b: {  	_ =	shalt  }
0x6c: {  	_ =	shalt  }
0x6d: {  	_ =	shalt  }
0x6e: {  	_ =	shalt  }
0x6f: {  	_ =	shalt  }
0x70: {  	_ =	shalt  }
0x71: {  	_ =	shalt  }
0x72: {  	_ =	shalt  }
0x73: {  	_ =	shalt  }
0x74: {  	_ =	shalt  }
0x75: {  	_ =	shalt  }
0x76: {  	_ =	shalt  }
0x77: {  	_ =	shalt  }
0x78: {  	_ =	shalt  }
0x79: {  	_ =	shalt  }
0x7a: {  	_ =	shalt  }
0x7b: {  	_ =	shalt  }
0x7c: {  	_ =	shalt  }
0x7d: {  	_ =	shalt  }
0x7e: {  	_ =	shalt  }
0x7f: {  	_ =	shalt  }
0x80: {  	_ =	shalt  }
0x81: {  	_ =	shalt  }
0x82: {  	_ =	shalt  }
0x83: {  	_ =	shalt  }
0x84: {  	_ =	shalt  }
0x85: {  	_ =	shalt  }
0x86: {  	_ =	shalt  }
0x87: {  	_ =	shalt  }
.Lfunc_end0:
.L_simem_size_0:
called_computation.4_lowered:
.L_overlay_start_0:
0x88: {  	s2 =	sld [smem:$0x3FD9]  }
0x89: {  	s3 =	sld [smem:$0x3FFE];
	_ =	sdelay $0x1  }
0x8a: {  	s1 =	srdreg.scid  }
0x8b: {  	s0 =	sand.u32 $0x1, s1  }
0x8c: {  	s17 =	sshll.u32 s0, $0xA;
	s2 =	sadd.s32 s3, s2  }
0x8d: {  	s2 =	sadd.s32 s2, s17  }
0x8e: {  	[smem:$0x3FBA] =	sst s2  }
0x8f: {  	_ = 	snop  }
0x90: {  	s2 =	sld [smem:$0x3FD0];
	(tm) =	ssettm $0x1  }
0x91: {  	s18 =	sld [smem:$0x3FFB];
	_ =	sdelay $0x3  }
0x92: {  	_ =	strace s18  }
0x93: {  	s3 =	sld [smem:$0x3FFC];
	_ =	sdelay $0x3  }
0x94: {  	_ =	strace s3  }
0x95: {  	s3 =	sld [smem:$0x3FFD];
	_ =	sdelay $0x3  }
0x96: {  	_ =	strace s3  }
0x97: {  	_ =	strace $0x8FFFFFFF  }
0x98: {  	s19 =	sld [smem:$0x3FDB];
	_ =	sdelay $0x1  }
0x99: {  	s4 =	simm.s32 $_scs_section_size  }
0x9a: {  	s5 =	simm.s32 $_size__tile_overlayer_lowered;
	s6 =	simm.s32 $_tile_overlayer_lowered  }
0x9b: {  	s22 =	simm.s32 $0x1BFF;
	s21 =	sshll.u32 s6, $0x1;
	s3 =	sadd.s32 s4, s19  }
0x9c: {  	s7 =	simm.s32 $0x0;
	s20 =	sshll.u32 s5, $0x1;
	s5 =	sadd.s32 s21, s3  }
0x9d: {  	[timem:s7], [sflag:s22] =	dma.local [hbm:s5], s20  }
0x9e: {  	_ =	swait.ge [sflag:s22], s20  }
0x9f: {  	s4 =	ssub.s32 $0x0, s20;
	[sflag:s22] =	ssyncset.done $0x0  }
0xa0: {  	[sflag:s22] =	ssyncadd.s32 s4;
	_ =	sdelay $0x1  }
0xa1: {  	s23 =	simm.s32 $0x1B8B  }
0xa2: {  	_ =	swait.ge [sflag:s23], $0x1  }
0xa3: {  	[sflag:s23] =	ssyncset.done $0x0  }
0xa4: {  	s25 =	simm.s32 $0x1B8E;
	s24 =	sld [smem:$0x3FFE];
	[sflag:s23] =	ssyncadd.s32 $0xFFFFFFFF  }
0xa5: {  	s26 =	simm.s32 $execute0_lowered;
	[smem:$0x3FD2] =	sst s25  }
0xa6: {  	s5 =	sshll.u32 s26, $0x1;
	_ =	strace $0x80000052;
	[dreg:$0x1] =	wrdreg $0xFFFFFFFF  }
0xa7: {  	s28 =	simm.s32 $_size_execute0_lowered;
	s3 =	sadd.s32 s3, s5;
	[dreg:$0x0] =	wrdreg $0x0  }
0xa8: {  	s5 =	sshll.u32 s28, $0x1;
	[dreg:$0x2] =	wrdreg s3  }
0xa9: {  	[dreg:$0x3] =	wrdreg s5  }
0xaa: {  	[dreg:$0x4] =	wrdreg $0xC0  }
0xab: {  	_ =	task [dreg:s7], $0x5FFFF  }
0xac: {  	[dreg:$0x1] =	wrdreg $0xFFFFFFFF  }
0xad: {  	[dreg:$0x0] =	wrdreg $0x60  }
0xae: {  	[dreg:$0x2] =	wrdreg s24  }
0xaf: {  	[dreg:$0x3] =	wrdreg s2  }
0xb0: {  	[dreg:$0x4] =	wrdreg $0xBB000  }
0xb1: {  	[dreg:$0x5] =	wrdreg $0x9  }
0xb2: {  	_ =	task.clear_ibuf [dreg:s7], $0x6FFFF;
	_ =	strace $0x90000052  }
0xb3: {  	s29 =	simm.s32 $0x9;
	_ =	strace $0x80000054  }
0xb4: {  	_ =	swait.ge [sflag:s29], $0x1  }
0xb5: {  	[sflag:s29] =	ssyncadd.s32 $0xFFFFFFFF  }
0xb6: {  	_ =	strace $0x90000054  }
0xb7: {  	_ =	sfence  }
0xb8: {  	s30 =	sld [smem:$0x0];
	_ =	sdelay $0x2  }
0xb9: {  	s31 =	sshll.u32 s1, $0xD;
	s1 =	sshrl.u32 s1, $0x2  }
0xba: {  	s3 =	sand.u32 $0x4000, s31;
	s1 =	sadd.s32 s1, s30  }
0xbb: {  	s0 =	sor.u32 s3, s0;
	s1 =	sshll.u32 s1, $0x11  }
0xbc: {  	s0 =	sor.u32 s1, s0  }
0xbd: {  	s0 =	sadd.s32 $0x8F2B, s0  }
0xbe: {  	[sflag:s0] =	ssyncadd.remote.s32 $0x1  }
0xbf: {  	_ =	sfence.sel $0xFFFF  }
0xc0: {  	[dreg:$0x0] =	wrdreg $0xFFFFFFFF;
	(pc) =	sbr.abs _section_cstart, $3  }
0xc1: {  	[dreg:$0x1] =	wrdreg $0xFFFFFFFF  }
0xc2: {  	_ =	task.clear_ibuf [dreg:s7], $0x2FFFF;
	_ =	strace $0x9FFFFFFF  }
0xc3: {  	(tm) =	ssettm $0x7FFFFFFF  }
tec
execute0_lowered:
.L_overlay_start_1:
0x0: {  	(tag) =	ssettag $0x1  }
0x1: {  	s0 =	rddreg [dreg:$0x0]  }
0x2: {  	s2 =	rddreg [dreg:$0x1]  }
0x3: {  	s1 =	rddreg [dreg:$0x2]  }
0x4: {  	s3 =	srdreg.scid;
	s8 =	stileid.u32  }
0x5: {  	s4 =	simm.s32 $0x0;
	s3 =	sand.u32 $0x1, s3;
	s7 =	smul.u32 $0x14000, s8  }
0x6: {  	[smem:$0x7FF] =	sst s4;
	s4 =	sadd.s32 $0xDC00, s0;
	s5 =	smul.u32 $0x140000, s3  }
0x7: {  	s6 =	sshll.u32 s3, $0x4;
	_ =	strace $0x80000053;
	s3 =	ssub.s32 $0x2, s3  }
0x8: {  	s6 =	sor.u32 s8, s6;
	s20 =	sshrl.u32 s3, $0x1;
	s8 =	smul.u32 $0x50000, s8  }
0x9: {  	s6 =	smul.u32 $0x4E2, s6;
	s5 =	sadd.s32 s7, s5;
	s3 =	ssub.s32 s3, s20  }
0xa: {  	s5 =	sshrl.u32 s5, $0x3;
	s22 =	sshrl.u32 s8, $0x2;
	s23 =	smax.u32 s3, $0x1  }
0xb: {  	s9 =	sadd.s32 s6, s0;
	s2 =	sadd.s32 s2, s6;
	[dreg:$0x7] =	wrdreg s23  }
0xc: {  	s0 =	sadd.s32 s5, s0;
	s21 =	sadd.s32 $0x3E00, s9;
	[dreg:$0x5] =	wrdreg s2  }
0xd: {  	s7 =	sadd.s32 s22, s1;
	s0 =	sadd.s32 $0x83200, s0;
	[dreg:$0x4] =	wrdreg s21  }
0xe: {  	s24 =	sadd.s32 $0x800, s7;
	[dreg:$0x6] =	wrdreg s0  }
0xf: {  	s25 =	sadd.s32 $0x1000, s7;
	[dreg:$0x8] =	wrdreg s24  }
0x10: {  	s26 =	sadd.s32 $0x1800, s7;
	[dreg:$0x9] =	wrdreg s25  }
0x11: {  	s2 =	sadd.s32 $0x2000, s7;
	[dreg:$0xa] =	wrdreg s26  }
0x12: {  	s3 =	sadd.s32 $0x2800, s7;
	[dreg:$0xb] =	wrdreg s2  }
0x13: {  	s5 =	sadd.s32 $0x3000, s7;
	[dreg:$0xc] =	wrdreg s3  }
0x14: {  	s6 =	sadd.s32 $0x3800, s7;
	[dreg:$0xd] =	wrdreg s5  }
0x15: {  	s8 =	sadd.s32 $0x4000, s7;
	[dreg:$0xe] =	wrdreg s6  }
0x16: {  	s9 =	sadd.s32 $0x4800, s7;
	[dreg:$0xf] =	wrdreg s8  }
0x17: {  	s10 =	sadd.s32 $0x5000, s7;
	[dreg:$0x10] =	wrdreg s9  }
0x18: {  	s11 =	sadd.s32 $0x5800, s7;
	[dreg:$0x11] =	wrdreg s10  }
0x19: {  	s12 =	sadd.s32 $0x6000, s7;
	[dreg:$0x12] =	wrdreg s11  }
0x1a: {  	s13 =	sadd.s32 $0x6800, s7;
	[dreg:$0x13] =	wrdreg s12  }
0x1b: {  	s14 =	sadd.s32 $0x7000, s7;
	[dreg:$0x14] =	wrdreg s13  }
0x1c: {  	s15 =	sadd.s32 $0x7800, s7;
	[dreg:$0x15] =	wrdreg s14  }
0x1d: {  	s16 =	sadd.s32 $0x8000, s7;
	[dreg:$0x16] =	wrdreg s15  }
0x1e: {  	s17 =	sadd.s32 $0x8800, s7;
	[dreg:$0x17] =	wrdreg s16  }
0x1f: {  	s18 =	sadd.s32 $0x9000, s7;
	[dreg:$0x18] =	wrdreg s17  }
0x20: {  	s28 =	simm.s32 $0x6300;
	s19 =	sadd.s32 $0x9800, s7;
	[dreg:$0x19] =	wrdreg s18  }
0x21: {  	s29 =	simm.s32 $0x7700;
	s20 =	sadd.s32 $0xA000, s7;
	[dreg:$0x1a] =	wrdreg s19  }
0x22: {  	s30 =	simm.s32 $0x8B00;
	s22 =	sadd.s32 $0xB000, s7;
	[dreg:$0x1b] =	wrdreg s20  }
0x23: {  	s31 =	simm.s32 $0x9F00;
	s23 =	sadd.s32 $0xB800, s7;
	[dreg:$0x1d] =	wrdreg s22  }
0x24: {  	s21 =	sadd.s32 $0xA800, s7;
	[dreg:$0x1e] =	wrdreg s23;
	s24 =	sadd.s32 $0xC000, s7  }
0x25: {  	s25 =	sadd.s32 $0xC800, s7;
	s26 =	sadd.s32 $0xD000, s7;
	s8 =	sadd.s32 $0xD800, s7  }
0x26: {  	s9 =	sadd.s32 $0xE000, s7;
	s10 =	sadd.s32 $0xE800, s7;
	s11 =	sadd.s32 $0xF000, s7  }
0x27: {  	s12 =	sadd.s32 $0xF800, s7;
	s13 =	sadd.s32 $0x10000, s7;
	s14 =	sadd.s32 $0x10800, s7  }
0x28: {  	s15 =	sadd.s32 $0x11000, s7;
	s16 =	sadd.s32 $0x11800, s7;
	s17 =	sadd.s32 $0x12000, s7  }
0x29: {  	s18 =	sadd.s32 $0x12800, s7;
	s19 =	sadd.s32 $0x13000, s7;
	[dreg:$0x1c] =	wrdreg s21  }
0x2a: {  	s20 =	sadd.s32 $0x13800, s7;
	s22 =	simm.s32 $0x2780;
	[dreg:$0x1f] =	wrdreg s24  }
0x2b: {  	s23 =	simm.s32 $0xB300;
	s0 =	simm.s32 $0x2;
	[smem:$0x7FC] =	sst s25  }
0x2c: {  	s2 =	simm.s32 $0x0;
	[smem:$0x7FD] =	sst s26;
	s21 =	simm.s32 $0x3  }
0x2d: {  	v0 =	vimm.f32 $0.0e+00;
	s24 =	simm.s32 $0x1;
	s25 =	simm.s32 $0x28;
	s26 =	simm.s32 $0x4F00  }
.LBB2_1:
0x2e: {  	s3 =	simm.s32 $0x0;
	s5 =	rddreg [dreg:$0x4]  }
0x2f: {  	[tilespmem:s3], [sflag:$0x3] =	stream.linear.gather [hbm4b:s5+s3], $0x2710, $0x38;
	[tilespmem:$0x1FB00] =	vst v63  }
0x30: {  	_ =	swait.ge [sflag:s21], $0x2710  }
0x31: {  	[sflag:s21] =	ssyncset.done $0x0  }
0x32: {  	s6 =	rddreg [dreg:$0x5];
	[sflag:s21] =	ssyncadd.s32 $0xFFFFD8F0  }
0x33: {  	[tilespmem:s22], [sflag:$0x3] =	stream.linear.gather [hbm4b:s6+s3], $0x2710, $0x38;
	[tilespmem:$0x1FB00] =	vst v63  }
0x34: {  	_ =	swait.ge [sflag:s21], $0x2710  }
0x35: {  	[sflag:s21] =	ssyncset.done $0x0  }
0x36: {  	s5 =	simm.s32 $0x200;
	s3 =	simm.s32 $0x0;
	[sflag:s21] =	ssyncadd.s32 $0xFFFFD8F0  }
.LBB2_2:
0x37: {  	p0 =	sne.s32 s5, $0x1E00;
	[tilespmem:s3+$0xB370] =	vst v0  }
0x38: {  	[tilespmem:s3+$0xB300] =	vst v0  }
0x39: {  	[tilespmem:s3+$0xB310] =	vst v0  }
.Ltmp0:
0x3a: {  	[tilespmem:s3+$0xB320] =	vst v0;
	(pc) =	sbr.rel @p0 .LBB2_2-.Ltmp0, $4  }
0x3b: {  	[tilespmem:s3+$0xB330] =	vst v0  }
0x3c: {  	[tilespmem:s3+$0xB340] =	vst v0  }
0x3d: {  	[tilespmem:s3+$0xB350] =	vst v0  }
0x3e: {  	[tilespmem:s3+$0xB360] =	vst v0;
	s3 =	sshra.s32 s5, $0x2;
	s5 =	sadd.s32 $0x200, s5  }
0x3f: {  	[tilespmem:s3+$0xB370] =	vst v0  }
0x40: {  	[tilespmem:s3+$0xB300] =	vst v0  }
0x41: {  	[tilespmem:s3+$0xB310] =	vst v0  }
0x42: {  	[tilespmem:s3+$0xB320] =	vst v0  }
0x43: {  	[tilespmem:s3+$0xB330] =	vst v0  }
0x44: {  	[tilespmem:s3+$0xB340] =	vst v0  }
0x45: {  	[tilespmem:s3+$0xB350] =	vst v0  }
0x46: {  	[tilespmem:s3+$0xB360] =	vst v0;
	s5 =	rddreg [dreg:$0x8]  }
0x47: {  	[spmem:s7] =	stream.linear.scatter [tilespmem:s23], [sflag:$0x1], $0x800, $0x38;
	[tilespmem:$0x1FB00] =	vst v63  }
0x48: {  	s6 =	rddreg [dreg:$0x9]  }
0x49: {  	[spmem:s5] =	stream.linear.scatter [tilespmem:s23], [sflag:$0x1], $0x800, $0x38;
	[tilespmem:$0x1FB00] =	vst v63  }
0x4a: {  	s5 =	rddreg [dreg:$0xa]  }
0x4b: {  	[spmem:s6] =	stream.linear.scatter [tilespmem:s23], [sflag:$0x1], $0x800, $0x38;
	[tilespmem:$0x1FB00] =	vst v63  }
0x4c: {  	s6 =	rddreg [dreg:$0xb]  }
0x4d: {  	[spmem:s5] =	stream.linear.scatter [tilespmem:s23], [sflag:$0x1], $0x800, $0x38;
	[tilespmem:$0x1FB00] =	vst v63  }
0x4e: {  	s5 =	rddreg [dreg:$0xc]  }
0x4f: {  	[spmem:s6] =	stream.linear.scatter [tilespmem:s23], [sflag:$0x1], $0x800, $0x38;
	[tilespmem:$0x1FB00] =	vst v63  }
0x50: {  	s6 =	rddreg [dreg:$0xd]  }
0x51: {  	[spmem:s5] =	stream.linear.scatter [tilespmem:s23], [sflag:$0x1], $0x800, $0x38;
	[tilespmem:$0x1FB00] =	vst v63  }
0x52: {  	s5 =	rddreg [dreg:$0xe]  }
0x53: {  	[spmem:s6] =	stream.linear.scatter [tilespmem:s23], [sflag:$0x1], $0x800, $0x38;
	[tilespmem:$0x1FB00] =	vst v63  }
0x54: {  	s6 =	rddreg [dreg:$0xf]  }
0x55: {  	[spmem:s5] =	stream.linear.scatter [tilespmem:s23], [sflag:$0x1], $0x800, $0x38;
	[tilespmem:$0x1FB00] =	vst v63  }
0x56: {  	s5 =	rddreg [dreg:$0x10]  }
0x57: {  	[spmem:s6] =	stream.linear.scatter [tilespmem:s23], [sflag:$0x1], $0x800, $0x38;
	[tilespmem:$0x1FB00] =	vst v63  }
0x58: {  	s6 =	rddreg [dreg:$0x11]  }
0x59: {  	[spmem:s5] =	stream.linear.scatter [tilespmem:s23], [sflag:$0x1], $0x800, $0x38;
	[tilespmem:$0x1FB00] =	vst v63  }
0x5a: {  	s5 =	rddreg [dreg:$0x12]  }
0x5b: {  	[spmem:s6] =	stream.linear.scatter [tilespmem:s23], [sflag:$0x1], $0x800, $0x38;
	[tilespmem:$0x1FB00] =	vst v63  }
0x5c: {  	s6 =	rddreg [dreg:$0x13]  }
0x5d: {  	[spmem:s5] =	stream.linear.scatter [tilespmem:s23], [sflag:$0x1], $0x800, $0x38;
	[tilespmem:$0x1FB00] =	vst v63  }
0x5e: {  	s5 =	rddreg [dreg:$0x14]  }
0x5f: {  	[spmem:s6] =	stream.linear.scatter [tilespmem:s23], [sflag:$0x1], $0x800, $0x38;
	[tilespmem:$0x1FB00] =	vst v63  }
0x60: {  	s6 =	rddreg [dreg:$0x15]  }
0x61: {  	[spmem:s5] =	stream.linear.scatter [tilespmem:s23], [sflag:$0x1], $0x800, $0x38;
	[tilespmem:$0x1FB00] =	vst v63  }
0x62: {  	s5 =	rddreg [dreg:$0x16]  }
0x63: {  	[spmem:s6] =	stream.linear.scatter [tilespmem:s23], [sflag:$0x1], $0x800, $0x38;
	[tilespmem:$0x1FB00] =	vst v63  }
0x64: {  	s6 =	rddreg [dreg:$0x17]  }
0x65: {  	[spmem:s5] =	stream.linear.scatter [tilespmem:s23], [sflag:$0x1], $0x800, $0x38;
	[tilespmem:$0x1FB00] =	vst v63  }
0x66: {  	s5 =	rddreg [dreg:$0x18]  }
0x67: {  	[spmem:s6] =	stream.linear.scatter [tilespmem:s23], [sflag:$0x1], $0x800, $0x38;
	[tilespmem:$0x1FB00] =	vst v63  }
0x68: {  	s6 =	rddreg [dreg:$0x19]  }
0x69: {  	[spmem:s5] =	stream.linear.scatter [tilespmem:s23], [sflag:$0x1], $0x800, $0x38;
	[tilespmem:$0x1FB00] =	vst v63  }
0x6a: {  	s5 =	rddreg [dreg:$0x1a]  }
0x6b: {  	[spmem:s6] =	stream.linear.scatter [tilespmem:s23], [sflag:$0x1], $0x800, $0x38;
	[tilespmem:$0x1FB00] =	vst v63  }
0x6c: {  	s6 =	rddreg [dreg:$0x1b]  }
0x6d: {  	[spmem:s5] =	stream.linear.scatter [tilespmem:s23], [sflag:$0x1], $0x800, $0x38;
	[tilespmem:$0x1FB00] =	vst v63  }
0x6e: {  	s5 =	rddreg [dreg:$0x1c]  }
0x6f: {  	[spmem:s6] =	stream.linear.scatter [tilespmem:s23], [sflag:$0x1], $0x800, $0x38;
	[tilespmem:$0x1FB00] =	vst v63  }
0x70: {  	s6 =	rddreg [dreg:$0x1d]  }
0x71: {  	[spmem:s5] =	stream.linear.scatter [tilespmem:s23], [sflag:$0x1], $0x800, $0x38;
	[tilespmem:$0x1FB00] =	vst v63  }
0x72: {  	s5 =	rddreg [dreg:$0x1e]  }
0x73: {  	[spmem:s6] =	stream.linear.scatter [tilespmem:s23], [sflag:$0x1], $0x800, $0x38;
	[tilespmem:$0x1FB00] =	vst v63  }
0x74: {  	s6 =	rddreg [dreg:$0x1f]  }
0x75: {  	[spmem:s5] =	stream.linear.scatter [tilespmem:s23], [sflag:$0x1], $0x800, $0x38;
	[tilespmem:$0x1FB00] =	vst v63  }
0x76: {  	s5 =	sld [smem:$0x7FC]  }
0x77: {  	[spmem:s6] =	stream.linear.scatter [tilespmem:s23], [sflag:$0x1], $0x800, $0x38;
	[tilespmem:$0x1FB00] =	vst v63  }
0x78: {  	s6 =	sld [smem:$0x7FD]  }
0x79: {  	[spmem:s5] =	stream.linear.scatter [tilespmem:s23], [sflag:$0x1], $0x800, $0x38;
	[tilespmem:$0x1FB00] =	vst v63  }
0x7a: {  	_ = 	snop  }
0x7b: {  	[spmem:s6] =	stream.linear.scatter [tilespmem:s23], [sflag:$0x1], $0x800, $0x38;
	[tilespmem:$0x1FB00] =	vst v63  }
0x7c: {  	_ = 	snop  }
0x7d: {  	[spmem:s8] =	stream.linear.scatter [tilespmem:s23], [sflag:$0x1], $0x800, $0x38;
	[tilespmem:$0x1FB00] =	vst v63  }
0x7e: {  	_ = 	snop  }
0x7f: {  	[spmem:s9] =	stream.linear.scatter [tilespmem:s23], [sflag:$0x1], $0x800, $0x38;
	[tilespmem:$0x1FB00] =	vst v63  }
0x80: {  	_ = 	snop  }
0x81: {  	[spmem:s10] =	stream.linear.scatter [tilespmem:s23], [sflag:$0x1], $0x800, $0x38;
	[tilespmem:$0x1FB00] =	vst v63  }
0x82: {  	_ = 	snop  }
0x83: {  	[spmem:s11] =	stream.linear.scatter [tilespmem:s23], [sflag:$0x1], $0x800, $0x38;
	[tilespmem:$0x1FB00] =	vst v63  }
0x84: {  	_ = 	snop  }
0x85: {  	[spmem:s12] =	stream.linear.scatter [tilespmem:s23], [sflag:$0x1], $0x800, $0x38;
	[tilespmem:$0x1FB00] =	vst v63  }
0x86: {  	_ = 	snop  }
0x87: {  	[spmem:s13] =	stream.linear.scatter [tilespmem:s23], [sflag:$0x1], $0x800, $0x38;
	[tilespmem:$0x1FB00] =	vst v63  }
0x88: {  	_ = 	snop  }
0x89: {  	[spmem:s14] =	stream.linear.scatter [tilespmem:s23], [sflag:$0x1], $0x800, $0x38;
	[tilespmem:$0x1FB00] =	vst v63  }
0x8a: {  	_ = 	snop  }
0x8b: {  	[spmem:s15] =	stream.linear.scatter [tilespmem:s23], [sflag:$0x1], $0x800, $0x38;
	[tilespmem:$0x1FB00] =	vst v63  }
0x8c: {  	_ = 	snop  }
0x8d: {  	[spmem:s16] =	stream.linear.scatter [tilespmem:s23], [sflag:$0x1], $0x800, $0x38;
	[tilespmem:$0x1FB00] =	vst v63  }
0x8e: {  	_ = 	snop  }
0x8f: {  	[spmem:s17] =	stream.linear.scatter [tilespmem:s23], [sflag:$0x1], $0x800, $0x38;
	[tilespmem:$0x1FB00] =	vst v63  }
0x90: {  	_ = 	snop  }
0x91: {  	[spmem:s18] =	stream.linear.scatter [tilespmem:s23], [sflag:$0x1], $0x800, $0x38;
	[tilespmem:$0x1FB00] =	vst v63  }
0x92: {  	_ = 	snop  }
0x93: {  	[spmem:s19] =	stream.linear.scatter [tilespmem:s23], [sflag:$0x1], $0x800, $0x38;
	[tilespmem:$0x1FB00] =	vst v63  }
0x94: {  	_ = 	snop  }
0x95: {  	[spmem:s20] =	stream.linear.scatter [tilespmem:s23], [sflag:$0x1], $0x800, $0x38;
	[tilespmem:$0x1FB00] =	vst v63  }
0x96: {  	_ =	swait.ge [sflag:s24], $0x800  }
0x97: {  	s3 =	simm.s32 $0x27;
	[sflag:s24] =	ssyncset.done $0x0  }
.LBB2_4:
0x98: {  	p0 =	sne.s32 s3, $0x1;
	s3 =	sadd.s32 $0xFFFFFFFF, s3;
	[sflag:s24] =	ssyncadd.s32 $0xFFFFF800  }
.Ltmp1:
0x99: {  	(pc) =	sbr.rel @p0 .LBB2_4-.Ltmp1, $3  }
0x9a: {  	_ =	sdelay $0x1  }
0x9b: {  	_ =	swait.ge [sflag:s24], $0x800  }
0x9c: {  	[sflag:s24] =	ssyncset.done $0x0  }
0x9d: {  	[sflag:s24] =	ssyncadd.s32 $0xFFFFF800  }
0x9e: {  	s3 =	simm.s32 $0x0;
	[bflag:$0x0] =	sbarrier.arrive $0xFFFF  }
0x9f: {  	[tilespmem:s26], [sflag:$0x1] =	stream.indirect.gather [hbm4b:s4+s25], $0x80, s3, s25, $0xb8;
	[tilespmem:$0x1FB00] =	vst v63  }
0xa0: {  	_ = 	snop  }
0xa1: {  	[tilespmem:s28], [sflag:$0x1] =	stream.indirect.gather [hbm4b:s4+s25], $0x80, s25, s25, $0xb8;
	[tilespmem:$0x1FB00] =	vst v63  }
0xa2: {  	s6 =	simm.s32 $0x50  }
0xa3: {  	[tilespmem:s29], [sflag:$0x1] =	stream.indirect.gather [hbm4b:s4+s25], $0x80, s6, s25, $0xb8;
	[tilespmem:$0x1FB00] =	vst v63  }
0xa4: {  	s5 =	simm.s32 $0x78  }
0xa5: {  	[tilespmem:s30], [sflag:$0x1] =	stream.indirect.gather [hbm4b:s4+s25], $0x80, s5, s25, $0xb8;
	[tilespmem:$0x1FB00] =	vst v63  }
0xa6: {  	_ =	swait.ge [sflag:s24], $0x1400  }
0xa7: {  	[sflag:s24] =	ssyncset.done $0x0  }
0xa8: {  	[sflag:s24] =	ssyncadd.s32 $0xFFFFEC00  }
0xa9: {  	[spmem:s1] =	stream.indirect.scatter.add.f32 [tilespmem:s26], [sflag:$0x2], $0x80, s22, s25, $0xb8;
	[tilespmem:$0x1FB00] =	vst v63  }
0xaa: {  	s6 =	simm.s32 $0xA0  }
0xab: {  	[tilespmem:s31], [sflag:$0x1] =	stream.indirect.gather [hbm4b:s4+s25], $0x80, s6, s25, $0xb8;
	[tilespmem:$0x1FB00] =	vst v63  }
0xac: {  	_ =	swait.ge [sflag:s24], $0x1400  }
0xad: {  	[sflag:s24] =	ssyncset.done $0x0  }
0xae: {  	s5 =	simm.s32 $0x27A8;
	[sflag:s24] =	ssyncadd.s32 $0xFFFFEC00  }
0xaf: {  	[spmem:s1] =	stream.indirect.scatter.add.f32 [tilespmem:s28], [sflag:$0x2], $0x80, s5, s25, $0xb8;
	[tilespmem:$0x1FB00] =	vst v63  }
0xb0: {  	_ =	swait.ge [sflag:s0], $0x1400  }
0xb1: {  	[sflag:s0] =	ssyncset.done $0x0  }
0xb2: {  	s6 =	simm.s32 $0xC8;
	[sflag:s0] =	ssyncadd.s32 $0xFFFFEC00  }
0xb3: {  	[tilespmem:s26], [sflag:$0x1] =	stream.indirect.gather [hbm4b:s4+s25], $0x80, s6, s25, $0xb8;
	[tilespmem:$0x1FB00] =	vst v63  }
0xb4: {  	_ =	swait.ge [sflag:s24], $0x1400  }
0xb5: {  	[sflag:s24] =	ssyncset.done $0x0  }
0xb6: {  	s5 =	simm.s32 $0x27D0;
	[sflag:s24] =	ssyncadd.s32 $0xFFFFEC00  }
0xb7: {  	[spmem:s1] =	stream.indirect.scatter.add.f32 [tilespmem:s29], [sflag:$0x2], $0x80, s5, s25, $0xb8;
	[tilespmem:$0x1FB00] =	vst v63  }
0xb8: {  	_ =	swait.ge [sflag:s0], $0x1400  }
0xb9: {  	[sflag:s0] =	ssyncset.done $0x0  }
0xba: {  	s6 =	simm.s32 $0xF0;
	[sflag:s0] =	ssyncadd.s32 $0xFFFFEC00  }
0xbb: {  	[tilespmem:s28], [sflag:$0x1] =	stream.indirect.gather [hbm4b:s4+s25], $0x80, s6, s25, $0xb8;
	[tilespmem:$0x1FB00] =	vst v63  }
0xbc: {  	_ =	swait.ge [sflag:s24], $0x1400  }
0xbd: {  	[sflag:s24] =	ssyncset.done $0x0  }
0xbe: {  	s5 =	simm.s32 $0x27F8;
	[sflag:s24] =	ssyncadd.s32 $0xFFFFEC00  }
0xbf: {  	[spmem:s1] =	stream.indirect.scatter.add.f32 [tilespmem:s30], [sflag:$0x2], $0x80, s5, s25, $0xb8;
	[tilespmem:$0x1FB00] =	vst v63  }
0xc0: {  	_ =	swait.ge [sflag:s0], $0x1400  }
0xc1: {  	[sflag:s0] =	ssyncset.done $0x0  }
0xc2: {  	s6 =	simm.s32 $0x118;
	[sflag:s0] =	ssyncadd.s32 $0xFFFFEC00  }
0xc3: {  	[tilespmem:s29], [sflag:$0x1] =	stream.indirect.gather [hbm4b:s4+s25], $0x80, s6, s25, $0xb8;
	[tilespmem:$0x1FB00] =	vst v63  }
0xc4: {  	_ =	swait.ge [sflag:s24], $0x1400  }
0xc5: {  	[sflag:s24] =	ssyncset.done $0x0  }
0xc6: {  	s5 =	simm.s32 $0x2820;
	[sflag:s24] =	ssyncadd.s32 $0xFFFFEC00  }
0xc7: {  	[spmem:s1] =	stream.indirect.scatter.add.f32 [tilespmem:s31], [sflag:$0x2], $0x80, s5, s25, $0xb8;
	[tilespmem:$0x1FB00] =	vst v63  }
0xc8: {  	_ =	swait.ge [sflag:s0], $0x1400  }
0xc9: {  	[sflag:s0] =	ssyncset.done $0x0  }
0xca: {  	s6 =	simm.s32 $0x140;
	[sflag:s0] =	ssyncadd.s32 $0xFFFFEC00  }
0xcb: {  	[tilespmem:s30], [sflag:$0x1] =	stream.indirect.gather [hbm4b:s4+s25], $0x80, s6, s25, $0xb8;
	[tilespmem:$0x1FB00] =	vst v63  }
0xcc: {  	_ =	swait.ge [sflag:s24], $0x1400  }
0xcd: {  	[sflag:s24] =	ssyncset.done $0x0  }
0xce: {  	s5 =	simm.s32 $0x2848;
	[sflag:s24] =	ssyncadd.s32 $0xFFFFEC00  }
0xcf: {  	[spmem:s1] =	stream.indirect.scatter.add.f32 [tilespmem:s26], [sflag:$0x2], $0x80, s5, s25, $0xb8;
	[tilespmem:$0x1FB00] =	vst v63  }
0xd0: {  	_ =	swait.ge [sflag:s0], $0x1400  }
0xd1: {  	[sflag:s0] =	ssyncset.done $0x0  }
0xd2: {  	s6 =	simm.s32 $0x168;
	[sflag:s0] =	ssyncadd.s32 $0xFFFFEC00  }
0xd3: {  	[tilespmem:s31], [sflag:$0x1] =	stream.indirect.gather [hbm4b:s4+s25], $0x80, s6, s25, $0xb8;
	[tilespmem:$0x1FB00] =	vst v63  }
0xd4: {  	_ =	swait.ge [sflag:s24], $0x1400  }
0xd5: {  	[sflag:s24] =	ssyncset.done $0x0  }
0xd6: {  	s5 =	simm.s32 $0x2870;
	[sflag:s24] =	ssyncadd.s32 $0xFFFFEC00  }
0xd7: {  	[spmem:s1] =	stream.indirect.scatter.add.f32 [tilespmem:s28], [sflag:$0x2], $0x80, s5, s25, $0xb8;
	[tilespmem:$0x1FB00] =	vst v63  }
0xd8: {  	_ =	swait.ge [sflag:s0], $0x1400  }
0xd9: {  	[sflag:s0] =	ssyncset.done $0x0  }
0xda: {  	s6 =	simm.s32 $0x190;
	[sflag:s0] =	ssyncadd.s32 $0xFFFFEC00  }
0xdb: {  	[tilespmem:s26], [sflag:$0x1] =	stream.indirect.gather [hbm4b:s4+s25], $0x80, s6, s25, $0xb8;
	[tilespmem:$0x1FB00] =	vst v63  }
0xdc: {  	_ =	swait.ge [sflag:s24], $0x1400  }
0xdd: {  	[sflag:s24] =	ssyncset.done $0x0  }
0xde: {  	s5 =	simm.s32 $0x2898;
	[sflag:s24] =	ssyncadd.s32 $0xFFFFEC00  }
0xdf: {  	[spmem:s1] =	stream.indirect.scatter.add.f32 [tilespmem:s29], [sflag:$0x2], $0x80, s5, s25, $0xb8;
	[tilespmem:$0x1FB00] =	vst v63  }
0xe0: {  	_ =	swait.ge [sflag:s0], $0x1400  }
0xe1: {  	[sflag:s0] =	ssyncset.done $0x0  }
0xe2: {  	s6 =	simm.s32 $0x1B8;
	[sflag:s0] =	ssyncadd.s32 $0xFFFFEC00  }
0xe3: {  	[tilespmem:s28], [sflag:$0x1] =	stream.indirect.gather [hbm4b:s4+s25], $0x80, s6, s25, $0xb8;
	[tilespmem:$0x1FB00] =	vst v63  }
0xe4: {  	_ =	swait.ge [sflag:s24], $0x1400  }
0xe5: {  	[sflag:s24] =	ssyncset.done $0x0  }
0xe6: {  	s5 =	simm.s32 $0x28C0;
	[sflag:s24] =	ssyncadd.s32 $0xFFFFEC00  }
0xe7: {  	[spmem:s1] =	stream.indirect.scatter.add.f32 [tilespmem:s30], [sflag:$0x2], $0x80, s5, s25, $0xb8;
	[tilespmem:$0x1FB00] =	vst v63  }
0xe8: {  	_ =	swait.ge [sflag:s0], $0x1400  }
0xe9: {  	[sflag:s0] =	ssyncset.done $0x0  }
0xea: {  	s6 =	simm.s32 $0x1E0;
	[sflag:s0] =	ssyncadd.s32 $0xFFFFEC00  }
0xeb: {  	[tilespmem:s29], [sflag:$0x1] =	stream.indirect.gather [hbm4b:s4+s25], $0x80, s6, s25, $0xb8;
	[tilespmem:$0x1FB00] =	vst v63  }
0xec: {  	_ =	swait.ge [sflag:s24], $0x1400  }
0xed: {  	[sflag:s24] =	ssyncset.done $0x0  }
0xee: {  	s3 =	simm.s32 $0x320;
	s5 =	simm.s32 $0x28E8;
	[sflag:s24] =	ssyncadd.s32 $0xFFFFEC00  }
.LBB2_6:
0xef: {  	[spmem:s1] =	stream.indirect.scatter.add.f32 [tilespmem:s31], [sflag:$0x2], $0x80, s5, s25, $0xb8;
	[tilespmem:$0x1FB00] =	vst v63  }
0xf0: {  	s5 =	smov.u32 s3;
	s3 =	sadd.s32 $0x320, s3;
	_ =	swait.ge [sflag:s0], $0x1400  }
0xf1: {  	s5 =	sshra.s32 s5, $0x2;
	p0 =	sne.s32 s3, $0x9600;
	[sflag:s0] =	ssyncset.done $0x0  }
0xf2: {  	s6 =	sadd.s32 $0x140, s5;
	[sflag:s0] =	ssyncadd.s32 $0xFFFFEC00  }
0xf3: {  	[tilespmem:s30], [sflag:$0x1] =	stream.indirect.gather [hbm4b:s4+s25], $0x80, s6, s25, $0xb8;
	[tilespmem:$0x1FB00] =	vst v63  }
0xf4: {  	_ =	swait.ge [sflag:s24], $0x1400  }
0xf5: {  	[sflag:s24] =	ssyncset.done $0x0  }
0xf6: {  	s6 =	sadd.s32 $0x2848, s5;
	[sflag:s24] =	ssyncadd.s32 $0xFFFFEC00  }
0xf7: {  	[spmem:s1] =	stream.indirect.scatter.add.f32 [tilespmem:s26], [sflag:$0x2], $0x80, s6, s25, $0xb8;
	[tilespmem:$0x1FB00] =	vst v63  }
0xf8: {  	_ =	swait.ge [sflag:s0], $0x1400  }
0xf9: {  	[sflag:s0] =	ssyncset.done $0x0  }
0xfa: {  	s6 =	sadd.s32 $0x168, s5;
	[sflag:s0] =	ssyncadd.s32 $0xFFFFEC00  }
0xfb: {  	[tilespmem:s31], [sflag:$0x1] =	stream.indirect.gather [hbm4b:s4+s25], $0x80, s6, s25, $0xb8;
	[tilespmem:$0x1FB00] =	vst v63  }
0xfc: {  	_ =	swait.ge [sflag:s24], $0x1400  }
0xfd: {  	[sflag:s24] =	ssyncset.done $0x0  }
0xfe: {  	s6 =	sadd.s32 $0x2870, s5;
	[sflag:s24] =	ssyncadd.s32 $0xFFFFEC00  }
0xff: {  	[spmem:s1] =	stream.indirect.scatter.add.f32 [tilespmem:s28], [sflag:$0x2], $0x80, s6, s25, $0xb8;
	[tilespmem:$0x1FB00] =	vst v63  }
0x100: {  	_ =	swait.ge [sflag:s0], $0x1400  }
0x101: {  	[sflag:s0] =	ssyncset.done $0x0  }
0x102: {  	s6 =	sadd.s32 $0x190, s5;
	[sflag:s0] =	ssyncadd.s32 $0xFFFFEC00  }
0x103: {  	[tilespmem:s26], [sflag:$0x1] =	stream.indirect.gather [hbm4b:s4+s25], $0x80, s6, s25, $0xb8;
	[tilespmem:$0x1FB00] =	vst v63  }
0x104: {  	_ =	swait.ge [sflag:s24], $0x1400  }
0x105: {  	[sflag:s24] =	ssyncset.done $0x0  }
0x106: {  	s6 =	sadd.s32 $0x2898, s5;
	[sflag:s24] =	ssyncadd.s32 $0xFFFFEC00  }
0x107: {  	[spmem:s1] =	stream.indirect.scatter.add.f32 [tilespmem:s29], [sflag:$0x2], $0x80, s6, s25, $0xb8;
	[tilespmem:$0x1FB00] =	vst v63  }
0x108: {  	_ =	swait.ge [sflag:s0], $0x1400  }
0x109: {  	[sflag:s0] =	ssyncset.done $0x0  }
0x10a: {  	s6 =	sadd.s32 $0x1B8, s5;
	[sflag:s0] =	ssyncadd.s32 $0xFFFFEC00  }
0x10b: {  	[tilespmem:s28], [sflag:$0x1] =	stream.indirect.gather [hbm4b:s4+s25], $0x80, s6, s25, $0xb8;
	[tilespmem:$0x1FB00] =	vst v63  }
0x10c: {  	_ =	swait.ge [sflag:s24], $0x1400  }
0x10d: {  	[sflag:s24] =	ssyncset.done $0x0  }
0x10e: {  	s6 =	sadd.s32 $0x28C0, s5;
	[sflag:s24] =	ssyncadd.s32 $0xFFFFEC00  }
0x10f: {  	[spmem:s1] =	stream.indirect.scatter.add.f32 [tilespmem:s30], [sflag:$0x2], $0x80, s6, s25, $0xb8;
	[tilespmem:$0x1FB00] =	vst v63  }
0x110: {  	_ =	swait.ge [sflag:s0], $0x1400  }
0x111: {  	[sflag:s0] =	ssyncset.done $0x0  }
.Ltmp2:
0x112: {  	s6 =	sadd.s32 $0x1E0, s5;
	[sflag:s0] =	ssyncadd.s32 $0xFFFFEC00;
	(pc) =	sbr.rel @p0 .LBB2_6-.Ltmp2, $4  }
0x113: {  	[tilespmem:s29], [sflag:$0x1] =	stream.indirect.gather [hbm4b:s4+s25], $0x80, s6, s25, $0xb8;
	[tilespmem:$0x1FB00] =	vst v63  }
0x114: {  	_ =	swait.ge [sflag:s24], $0x1400  }
0x115: {  	[sflag:s24] =	ssyncset.done $0x0  }
0x116: {  	s5 =	sadd.s32 $0x28E8, s5;
	[sflag:s24] =	ssyncadd.s32 $0xFFFFEC00  }
0x117: {  	[spmem:s1] =	stream.indirect.scatter.add.f32 [tilespmem:s31], [sflag:$0x2], $0x80, s5, s25, $0xb8;
	[tilespmem:$0x1FB00] =	vst v63  }
0x118: {  	_ =	swait.ge [sflag:s0], $0x1400  }
0x119: {  	s3 =	sshra.s32 s3, $0x2;
	[sflag:s0] =	ssyncset.done $0x0  }
0x11a: {  	s6 =	sadd.s32 $0x140, s3;
	[sflag:s0] =	ssyncadd.s32 $0xFFFFEC00  }
0x11b: {  	[tilespmem:s30], [sflag:$0x1] =	stream.indirect.gather [hbm4b:s4+s25], $0x80, s6, s25, $0xb8;
	[tilespmem:$0x1FB00] =	vst v63  }
0x11c: {  	_ =	swait.ge [sflag:s24], $0x1400  }
0x11d: {  	[sflag:s24] =	ssyncset.done $0x0  }
0x11e: {  	s6 =	sadd.s32 $0x2848, s3;
	[sflag:s24] =	ssyncadd.s32 $0xFFFFEC00  }
0x11f: {  	[spmem:s1] =	stream.indirect.scatter.add.f32 [tilespmem:s26], [sflag:$0x2], $0x80, s6, s25, $0xb8;
	[tilespmem:$0x1FB00] =	vst v63  }
0x120: {  	_ =	swait.ge [sflag:s0], $0x1400  }
0x121: {  	[sflag:s0] =	ssyncset.done $0x0  }
0x122: {  	s6 =	simm.s32 $0x26E8;
	[sflag:s0] =	ssyncadd.s32 $0xFFFFEC00  }
0x123: {  	[tilespmem:s31], [sflag:$0x1] =	stream.indirect.gather [hbm4b:s4+s25], $0x80, s6, s25, $0xb8;
	[tilespmem:$0x1FB00] =	vst v63  }
0x124: {  	_ =	swait.ge [sflag:s24], $0x1400  }
0x125: {  	[sflag:s24] =	ssyncset.done $0x0  }
0x126: {  	s6 =	sadd.s32 $0x2870, s3;
	[sflag:s24] =	ssyncadd.s32 $0xFFFFEC00  }
0x127: {  	[spmem:s1] =	stream.indirect.scatter.add.f32 [tilespmem:s28], [sflag:$0x2], $0x80, s6, s25, $0xb8;
	[tilespmem:$0x1FB00] =	vst v63  }
0x128: {  	_ =	swait.ge [sflag:s0], $0x1400  }
0x129: {  	[sflag:s0] =	ssyncset.done $0x0  }
0x12a: {  	[sflag:s0] =	ssyncadd.s32 $0xFFFFEC00  }
0x12b: {  	_ =	swait.ge [sflag:s24], $0x1400  }
0x12c: {  	[sflag:s24] =	ssyncset.done $0x0  }
0x12d: {  	s6 =	sadd.s32 $0x2898, s3;
	[sflag:s24] =	ssyncadd.s32 $0xFFFFEC00  }
0x12e: {  	[spmem:s1] =	stream.indirect.scatter.add.f32 [tilespmem:s29], [sflag:$0x2], $0x80, s6, s25, $0xb8;
	[tilespmem:$0x1FB00] =	vst v63  }
0x12f: {  	_ =	swait.ge [sflag:s0], $0x1400  }
0x130: {  	[sflag:s0] =	ssyncset.done $0x0  }
0x131: {  	[sflag:s0] =	ssyncadd.s32 $0xFFFFEC00  }
0x132: {  	_ =	swait.ge [sflag:s24], $0x1400  }
0x133: {  	[sflag:s24] =	ssyncset.done $0x0  }
0x134: {  	s3 =	sadd.s32 $0x28C0, s3;
	[sflag:s24] =	ssyncadd.s32 $0xFFFFEC00  }
0x135: {  	[spmem:s1] =	stream.indirect.scatter.add.f32 [tilespmem:s30], [sflag:$0x2], $0x80, s3, s25, $0xb8;
	[tilespmem:$0x1FB00] =	vst v63  }
0x136: {  	_ =	swait.ge [sflag:s0], $0x1400  }
0x137: {  	[sflag:s0] =	ssyncset.done $0x0  }
0x138: {  	[sflag:s0] =	ssyncadd.s32 $0xFFFFEC00  }
0x139: {  	_ =	swait.ge [sflag:s24], $0x1400  }
0x13a: {  	[sflag:s24] =	ssyncset.done $0x0  }
0x13b: {  	s6 =	simm.s32 $0x4E68;
	[sflag:s24] =	ssyncadd.s32 $0xFFFFEC00  }
0x13c: {  	[spmem:s1] =	stream.indirect.scatter.add.f32 [tilespmem:s31], [sflag:$0x2], $0x80, s6, s25, $0xb8;
	[tilespmem:$0x1FB00] =	vst v63  }
0x13d: {  	_ =	swait.ge [sflag:s0], $0x1400  }
0x13e: {  	[sflag:s0] =	ssyncset.done $0x0  }
0x13f: {  	[sflag:s0] =	ssyncadd.s32 $0xFFFFEC00  }
0x140: {  	_ =	swait.ge [sflag:s0], $0x1400  }
0x141: {  	[sflag:s0] =	ssyncset.done $0x0  }
0x142: {  	s5 =	stileid.u32;
	[sflag:s0] =	ssyncadd.s32 $0xFFFFEC00  }
0x143: {  	s3 =	sshll.u32 s5, $0x6;
	[bflag:$0x0] =	sbarrier.arrive $0xFFFF  }
0x144: {  	s5 =	sshrl.u32 s7, $0x3;
	s3 =	sor.u32 $0x1C03, s3;
	s6 =	rddreg [dreg:$0x6]  }
0x145: {  	[hbm:s6], [sflag:s3] =	dma.local [spmem:s5], $0x2800  }
0x146: {  	_ =	swait.ge [sflag:s21], $0x2800  }
0x147: {  	s2 =	sadd.s32 $0x1, s2;
	s6 =	rddreg [dreg:$0x7]  }
0x148: {  	p0 =	sne.s32 s2, s6  }
.Ltmp3:
0x149: {  	_ = 	snop;
	(pc) =	sbr.rel @p0 .LBB2_1-.Ltmp3, $3  }
0x14a: {  	_ =	sdelay $0x1  }
0x14b: {  	[sflag:s21] =	ssyncset.done $0x0  }
0x14c: {  	[sflag:s21] =	ssyncadd.s32 $0xFFFFD800  }
0x14d: {  	_ =	sfence.sel $0x180000  }
0x14e: {  	[bflag:$0x0] =	sbarrier.arrive $0xFFFF  }
0x14f: {  	_ =	strace $0x90000053  }
0x150: {  	s0 =	stileid.u32;
	[bflag:$0x2] =	sbarrier.arrive $0xFFFF  }
0x151: {  	p0 =	sne.s32 s0, $0x0;
	s0 =	rddreg [dreg:$0x3]  }
0x152: {  	s0 =	sadd.s32 @!p0 $0x100000, s0  }
0x153: {  	[sflag:s0] =	ssyncadd.tile.s32 @!p0 $0x1;
	_ =	shalt  }
.Lfunc_end2:
_tile_overlayer_lowered:
.L_overlay_start_2:
0x154: {  	(tag) =	ssettag $0x2  }
0x155: {  	s0 =	rddreg [dreg:$0x0];
	s2 =	stileid.u32  }
0x156: {  	s1 =	rddreg [dreg:$0x1];
	p0 =	sne.s32 s2, $0x0  }
0x157: {  	s3 =	rddreg [dreg:$0x2];
	[bflag:$0x3] =	sbarrier.arrive $0xFFFF;
	s2 =	simm.s32 @!p0 $0x1C03  }
0x158: {  	[timem:s3], [sflag:s2] =	dma.local @!p0 [hbm:s0], s1  }
0x159: {  	s0 =	simm.s32 @!p0 $0x3  }
0x15a: {  	_ =	swait.ge @!p0 [sflag:s0], s1  }
0x15b: {  	s1 =	ssub.s32 @!p0 $0x0, s1;
	[sflag:s0] =	ssyncset.done @!p0 $0x0  }
0x15c: {  	[sflag:s0] =	ssyncadd.s32 @!p0 s1  }
0x15d: {  	[bflag:$0x3] =	sbarrier.arrive $0xFFFF  }
0x15e: {  	_ =	shalt  }

</sc_bundles>
